<compile_context>
chip_gen: v7x
topology: tpu7x:2x2x1
jax: 0.10.2.dev20260603
libtpu: 0.0.44.dev20260713+nightly
codegen_flags: <defaults>
</compile_context>

<pallas_src>
import functools

import jax
import jax.numpy as jnp
from jax import lax
from jax.experimental import pallas as pl
from jax.experimental.pallas import tpu as pltpu
from jax.experimental.pallas import tpu_sc as plsc

N = 10000
D = 256
HALF = 128
E = 160000
NC = 2
NS = 16
CHUNK = 128
MSG_CHUNKS = 80
E_PAD = MSG_CHUNKS * NS * CHUNK
DEG_CHUNKS = E_PAD // (NC * NS * CHUNK)
RPT = 632
RPT_LAST = N - 15 * RPT
ACC_ROWS = N + NS
HCH = MSG_CHUNKS // 2

_f32 = jnp.float32
_mesh = functools.partial(
    plsc.VectorSubcoreMesh, core_axis_name="c", subcore_axis_name="s")


def _deg_body(dst_hbm, zeros_hbm, ones_hbm, deg_out, sh_deg, ones_v, idx_v,
              dsem):
    cid = lax.axis_index("c")
    sid = lax.axis_index("s")
    row0 = sid * RPT

    def _split_copy(fn15, fn):
        pl.when(sid < 15)(fn)
        pl.when(sid == 15)(fn15)

    _split_copy(
        lambda: pltpu.sync_copy(zeros_hbm.at[pl.ds(15 * RPT, RPT_LAST + NS)],
                                sh_deg.at[pl.ds(15 * RPT, RPT_LAST + NS)]),
        lambda: pltpu.sync_copy(zeros_hbm.at[pl.ds(row0, RPT)],
                                sh_deg.at[pl.ds(row0, RPT)]))
    pltpu.sync_copy(ones_hbm, ones_v)
    pltpu.sync_copy(dst_hbm.at[cid * NS + sid], idx_v)
    plsc.subcore_barrier()

    def fire(k, carry):
        pltpu.async_copy(ones_v, sh_deg.at[idx_v.at[k]], dsem, add=True)
        return carry

    def drain(k, carry):
        pltpu.make_async_copy(ones_v, sh_deg.at[idx_v.at[k]], dsem).wait()
        return carry

    lax.fori_loop(0, DEG_CHUNKS, fire, 0)
    lax.fori_loop(0, DEG_CHUNKS, drain, 0)
    plsc.subcore_barrier()
    _split_copy(
        lambda: pltpu.sync_copy(sh_deg.at[pl.ds(15 * RPT, RPT_LAST)],
                                deg_out.at[cid, pl.ds(15 * RPT, RPT_LAST)]),
        lambda: pltpu.sync_copy(sh_deg.at[pl.ds(row0, RPT)],
                                deg_out.at[cid, pl.ds(row0, RPT)]))


def _deg_kernel(dst_pad, zeros128, ones128):
    return pl.kernel(
        _deg_body,
        out_type=jax.ShapeDtypeStruct((NC, ACC_ROWS, HALF), _f32),
        mesh=_mesh(),
        scratch_types=[
            pltpu.VMEM_SHARED((ACC_ROWS, HALF), _f32),
            pltpu.VMEM((CHUNK, HALF), _f32),
            pltpu.VMEM((DEG_CHUNKS, CHUNK), jnp.int32),
            pltpu.SemaphoreType.DMA,
        ],
    )(dst_pad, zeros128, ones128)


def _msg_body(za, zb, src_hbm, dst_hbm, ua, ub,
              sh_u, rows_v, sidx_v, didx_v, gsem0, gsem1):
    cid = lax.axis_index("c")
    sid = lax.axis_index("s")

    def run(z_hbm, u_hbm):
        row0 = sid * RPT
        pl.when(sid < 15)(lambda: pltpu.sync_copy(
            z_hbm.at[pl.ds(row0, RPT)], sh_u.at[pl.ds(row0, RPT)]))
        pl.when(sid == 15)(lambda: pltpu.sync_copy(
            z_hbm.at[pl.ds(15 * RPT, RPT_LAST)],
            sh_u.at[pl.ds(15 * RPT, RPT_LAST)]))
        plsc.subcore_barrier()

        def gather_start(k, buf, sem):
            pltpu.async_copy(z_hbm.at[sidx_v.at[k]], rows_v.at[buf], sem)

        def gather_wait(k, buf, sem):
            pltpu.make_async_copy(
                z_hbm.at[sidx_v.at[k]], rows_v.at[buf], sem).wait()

        for p in range(2):
            pltpu.sync_copy(src_hbm.at[sid, pl.ds(p * HCH, HCH)], sidx_v)
            pltpu.sync_copy(dst_hbm.at[sid, pl.ds(p * HCH, HCH)], didx_v)
            gather_start(0, 0, gsem0)
            gather_start(1, 1, gsem1)

            def step(j, carry):
                k0 = 2 * j
                gather_wait(k0, 0, gsem0)
                pltpu.sync_copy(rows_v.at[0], sh_u.at[didx_v.at[k0]],
                                add=True)
                pl.when(j < HCH // 2 - 1)(
                    lambda: gather_start(k0 + 2, 0, gsem0))
                gather_wait(k0 + 1, 1, gsem1)
                pltpu.sync_copy(rows_v.at[1], sh_u.at[didx_v.at[k0 + 1]],
                                add=True)
                pl.when(j < HCH // 2 - 1)(
                    lambda: gather_start(k0 + 3, 1, gsem1))
                return carry

            lax.fori_loop(0, HCH // 2, step, 0)
        plsc.subcore_barrier()
        pl.when(sid < 15)(lambda: pltpu.sync_copy(
            sh_u.at[pl.ds(row0, RPT)], u_hbm.at[pl.ds(row0, RPT)]))
        pl.when(sid == 15)(lambda: pltpu.sync_copy(
            sh_u.at[pl.ds(15 * RPT, RPT_LAST)],
            u_hbm.at[pl.ds(15 * RPT, RPT_LAST)]))

    pl.when(cid == 0)(lambda: run(za, ua))
    pl.when(cid == 1)(lambda: run(zb, ub))


def _msg_kernel(za, zb, src3, dst3):
    return pl.kernel(
        _msg_body,
        out_type=(jax.ShapeDtypeStruct((N, HALF), _f32),
                  jax.ShapeDtypeStruct((N, HALF), _f32)),
        mesh=_mesh(),
        scratch_types=[
            pltpu.VMEM_SHARED((ACC_ROWS, HALF), _f32),
            pltpu.VMEM((2, CHUNK, HALF), _f32),
            pltpu.VMEM((HCH, CHUNK), jnp.int32),
            pltpu.VMEM((HCH, CHUNK), jnp.int32),
            pltpu.SemaphoreType.DMA,
            pltpu.SemaphoreType.DMA,
        ],
    )(za, zb, src3, dst3)


_R = 2000


def _dinv(dega_ref, degb_ref):
    deg = dega_ref[0, :, 0:1] + degb_ref[0, :, 0:1] + 1.0
    return lax.rsqrt(deg)


def _lin1_body(x_ref, w_ref, dega_ref, degb_ref, za_ref, zb_ref):
    z = jnp.dot(x_ref[...], w_ref[...], preferred_element_type=_f32)
    z = z * _dinv(dega_ref, degb_ref)
    za_ref[...] = z[:, :HALF]
    zb_ref[...] = z[:, HALF:]


def _lin2_body(ua_ref, ub_ref, dega_ref, degb_ref, b_ref, w_ref,
               za_ref, zb_ref):
    dinv = _dinv(dega_ref, degb_ref)
    u = jnp.concatenate([ua_ref[...], ub_ref[...]], axis=1)
    h = jnp.maximum(u * dinv + b_ref[...], 0.0)
    z = jnp.dot(h, w_ref[...], preferred_element_type=_f32) * dinv
    za_ref[...] = z[:, :HALF]
    zb_ref[...] = z[:, HALF:]


def _out_body(ua_ref, ub_ref, dega_ref, degb_ref, b_ref, o_ref):
    dinv = _dinv(dega_ref, degb_ref)
    u = jnp.concatenate([ua_ref[...], ub_ref[...]], axis=1)
    o_ref[...] = u * dinv + b_ref[...]


def _deg_specs():
    return [
        pl.BlockSpec((1, _R, HALF), lambda i: (0, i, 0)),
        pl.BlockSpec((1, _R, HALF), lambda i: (1, i, 0)),
    ]


def _lin1(x, w1, deg):
    return pl.pallas_call(
        _lin1_body,
        grid=(N // _R,),
        in_specs=[
            pl.BlockSpec((_R, D), lambda i: (i, 0)),
            pl.BlockSpec((D, D), lambda i: (0, 0)),
            *_deg_specs(),
        ],
        out_specs=(pl.BlockSpec((_R, HALF), lambda i: (i, 0)),
                   pl.BlockSpec((_R, HALF), lambda i: (i, 0))),
        out_shape=(jax.ShapeDtypeStruct((N, HALF), _f32),
                   jax.ShapeDtypeStruct((N, HALF), _f32)),
    )(x, w1, deg, deg)


def _lin2(ua, ub, deg, b1, w2):
    return pl.pallas_call(
        _lin2_body,
        grid=(N // _R,),
        in_specs=[
            pl.BlockSpec((_R, HALF), lambda i: (i, 0)),
            pl.BlockSpec((_R, HALF), lambda i: (i, 0)),
            *_deg_specs(),
            pl.BlockSpec((1, D), lambda i: (0, 0)),
            pl.BlockSpec((D, D), lambda i: (0, 0)),
        ],
        out_specs=(pl.BlockSpec((_R, HALF), lambda i: (i, 0)),
                   pl.BlockSpec((_R, HALF), lambda i: (i, 0))),
        out_shape=(jax.ShapeDtypeStruct((N, HALF), _f32),
                   jax.ShapeDtypeStruct((N, HALF), _f32)),
    )(ua, ub, deg, deg, b1.reshape(1, D), w2)


def _finish(ua, ub, deg, b2):
    return pl.pallas_call(
        _out_body,
        grid=(N // _R,),
        in_specs=[
            pl.BlockSpec((_R, HALF), lambda i: (i, 0)),
            pl.BlockSpec((_R, HALF), lambda i: (i, 0)),
            *_deg_specs(),
            pl.BlockSpec((1, D), lambda i: (0, 0)),
        ],
        out_specs=pl.BlockSpec((_R, D), lambda i: (i, 0)),
        out_shape=jax.ShapeDtypeStruct((N, D), _f32),
    )(ua, ub, deg, deg, b2.reshape(1, D))


def kernel(features, graph, W1, b1, W2, b2):
    src = graph[0].astype(jnp.int32)
    dst = graph[1].astype(jnp.int32)
    pad = E_PAD - E
    ar = jnp.arange(pad, dtype=jnp.int32)
    src_pad = jnp.concatenate([src, (ar * 37) % N])
    dst_pad = jnp.concatenate([dst, N + (ar % NS)])

    zeros128 = jnp.zeros((ACC_ROWS, HALF), _f32)
    ones128 = jnp.ones((CHUNK, HALF), _f32)

    dst_deg = dst_pad.reshape(NC * NS, DEG_CHUNKS, CHUNK)
    src3 = src_pad.reshape(NS, MSG_CHUNKS, CHUNK)
    dst3 = dst_pad.reshape(NS, MSG_CHUNKS, CHUNK)

    deg = _deg_kernel(dst_deg, zeros128, ones128)
    za, zb = _lin1(features, W1, deg)
    ua, ub = _msg_kernel(za, zb, src3, dst3)
    za2, zb2 = _lin2(ua, ub, deg, b1, W2)
    ua2, ub2 = _msg_kernel(za2, zb2, src3, dst3)
    return _finish(ua2, ub2, deg, b2)

# --- scband reference (transcript-rebuilt; emitter-appended) ---
"""Pipeline reference for scband-gcnconv-query-embedding-model-14834817040767 (READ-ONLY COPY).

The authoritative reference and input builder live on the scoring server;
editing this copy changes nothing except your own understanding.
"""

import jax, jax.numpy as jnp
import numpy as np

N_NODES = 10000
D_FEAT = 256
D_HIDDEN = 256
N_EDGES = 160000


def gcn_conv(x, edge_index, W, b, n_nodes):
    # GCNConv: out = D^{-1/2} (A + I) D^{-1/2} X W + b  (symmetric normalization, self-loops)
    src = edge_index[0]
    dst = edge_index[1]
    loop = jnp.arange(n_nodes, dtype=edge_index.dtype)
    src = jnp.concatenate([src, loop])
    dst = jnp.concatenate([dst, loop])
    deg = jnp.zeros((n_nodes,), dtype=x.dtype).at[dst].add(1.0)
    deg_inv_sqrt = jnp.where(deg > 0, jax.lax.rsqrt(jnp.maximum(deg, 1e-12)), 0.0)
    norm = deg_inv_sqrt[src] * deg_inv_sqrt[dst]
    xw = x @ W
    msg = jnp.take(xw, src, axis=0) * norm[:, None]
    out = jnp.zeros((n_nodes, W.shape[1]), dtype=x.dtype).at[dst].add(msg)
    return out + b


def setup_inputs(seed: int = 0) -> dict:
    key = jax.random.key(seed)
    k1, k2, k3, k4 = jax.random.split(key, 4)
    features = jax.random.normal(k1, (N_NODES, D_FEAT), dtype=jnp.float32)
    graph = jax.random.randint(k2, (2, N_EDGES), 0, N_NODES, dtype=jnp.int64) if jax.config.jax_enable_x64 else jax.random.randint(k2, (2, N_EDGES), 0, N_NODES, dtype=jnp.int32)
    s1 = 1.0 / np.sqrt(D_FEAT)
    s2 = 1.0 / np.sqrt(D_HIDDEN)
    W1 = jax.random.uniform(k3, (D_FEAT, D_HIDDEN), dtype=jnp.float32, minval=-s1, maxval=s1)
    b1 = jnp.zeros((D_HIDDEN,), dtype=jnp.float32)
    W2 = jax.random.uniform(k4, (D_HIDDEN, D_FEAT), dtype=jnp.float32, minval=-s2, maxval=s2)
    b2 = jnp.zeros((D_FEAT,), dtype=jnp.float32)
    return {"features": features, "graph": graph, "W1": W1, "b1": b1, "W2": W2, "b2": b2}


def reference(features, graph, W1, b1, W2, b2):
    # layers config: [gcn_conv(256->256), ReLU, gcn_conv(256->256)]
    hs = gcn_conv(features, graph, W1, b1, N_NODES)
    hs = jax.nn.relu(hs)
    hs = gcn_conv(hs, graph, W2, b2, N_NODES)
    return hs

if __name__ == "__main__":
    import jax
    _d = setup_inputs()
    print(jax.jit(kernel)(*tuple(_d.values())))

</pallas_src>

<mosaic_0001>
#map = affine_map<(d0, d1) -> (0, 0)>
#map1 = affine_map<(d0, d1) -> (0, 0, 0)>
module attributes {stable_mosaic.version = 14 : i64} {
  func.func @_msg_body(%arg0: i32, %arg1: i32, %arg2: memref<10000x128xf32, #tpu.memory_space<hbm>>, %arg3: memref<10000x128xf32, #tpu.memory_space<hbm>>, %arg4: memref<16x80x128xi32, #tpu.memory_space<hbm>>, %arg5: memref<16x80x128xi32, #tpu.memory_space<hbm>>, %arg6: memref<10000x128xf32, #tpu.memory_space<hbm>>, %arg7: memref<10000x128xf32, #tpu.memory_space<hbm>>, %arg8: memref<10016x128xf32, #tpu.memory_space<vmem_shared>>, %arg9: memref<2x128x128xf32, #tpu.memory_space<vmem>>, %arg10: memref<40x128xi32, #tpu.memory_space<vmem>>, %arg11: memref<40x128xi32, #tpu.memory_space<vmem>>, %arg12: memref<!tpu.dma_semaphore, #tpu.memory_space<semaphore_mem>>, %arg13: memref<!tpu.dma_semaphore, #tpu.memory_space<semaphore_mem>>) attributes {dimension_semantics = [#tpu.dimension_semantics<core_parallel>, #tpu.dimension_semantics<subcore_parallel>], iteration_bounds = array<i64: 2, 16>, scalar_prefetch = 0 : i64, scratch_operands = 6 : i64, tpu.core_type = #tpu.core_type<sc_vector_subcore>, window_params = [{transform_indices = #map}, {transform_indices = #map}, {transform_indices = #map1}, {transform_indices = #map1}, {transform_indices = #map}, {transform_indices = #map}]} {
    %eq3A = arith.constant 0 : i32
    %eq3A_0 = arith.cmpi eq, %arg0, %eq3A : i32
    %convert_element_type3A = arith.extui %eq3A_0 : i1 to i32
    %cond3A = arith.constant 0 : i32
    %cond3A_1 = arith.cmpi ne, %convert_element_type3A, %cond3A : i32
    scf.if %cond3A_1 {
      %mul3A = arith.constant 632 : i32
      %mul3A_7 = arith.muli %arg1, %mul3A : i32
      %lt3A = arith.constant 15 : i32
      %lt3A_8 = arith.cmpi slt, %arg1, %lt3A : i32
      %convert_element_type3A_9 = arith.extui %lt3A_8 : i1 to i32
      %cond3A_10 = arith.constant 0 : i32
      %cond3A_11 = arith.cmpi ne, %convert_element_type3A_9, %cond3A_10 : i32
      scf.if %cond3A_11 {
        "tpu.region"() ({
          %run_scoped3A = tpu.sem_alloc : memref<!tpu.dma_semaphore, #tpu.memory_space<semaphore_mem>>
          %dma_start3A_86 = arith.constant 0 : i32
          %dma_start3A_87 = tpu.memref_slice %arg8[%mul3A_7, %dma_start3A_86] : memref<10016x128xf32, #tpu.memory_space<vmem_shared>> -> memref<632x128xf32, #tpu.memory_space<vmem_shared>>
          %dma_start3A_88 = arith.constant 0 : i32
          %dma_start3A_89 = tpu.memref_slice %arg2[%mul3A_7, %dma_start3A_88] : memref<10000x128xf32, #tpu.memory_space<hbm>> -> memref<632x128xf32, #tpu.memory_space<hbm>>
          tpu.enqueue_dma source(%dma_start3A_89 : memref<632x128xf32, #tpu.memory_space<hbm>>) target(%dma_start3A_87 : memref<632x128xf32, #tpu.memory_space<vmem_shared>>) target_semaphore(%run_scoped3A : memref<!tpu.dma_semaphore, #tpu.memory_space<semaphore_mem>>)
          %dma_wait3A = arith.constant 0 : i32
          %dma_wait3A_90 = tpu.memref_slice %arg8[%mul3A_7, %dma_wait3A] : memref<10016x128xf32, #tpu.memory_space<vmem_shared>> -> memref<632x128xf32, #tpu.memory_space<vmem_shared>>
          %dma_wait3A_91 = arith.constant 0 : i32
          %dma_wait3A_92 = tpu.memref_slice %arg2[%mul3A_7, %dma_wait3A_91] : memref<10000x128xf32, #tpu.memory_space<hbm>> -> memref<632x128xf32, #tpu.memory_space<hbm>>
          tpu.wait_dma2 semaphore(%run_scoped3A : memref<!tpu.dma_semaphore, #tpu.memory_space<semaphore_mem>>) src(%dma_wait3A_92 : memref<632x128xf32, #tpu.memory_space<hbm>>) dst(%dma_wait3A_90 : memref<632x128xf32, #tpu.memory_space<vmem_shared>>)
          tpu.yield
        }) : () -> ()
      } else {
      }
      %eq3A_12 = arith.constant 15 : i32
      %eq3A_13 = arith.cmpi eq, %arg1, %eq3A_12 : i32
      %convert_element_type3A_14 = arith.extui %eq3A_13 : i1 to i32
      %cond3A_15 = arith.constant 0 : i32
      %cond3A_16 = arith.cmpi ne, %convert_element_type3A_14, %cond3A_15 : i32
      scf.if %cond3A_16 {
        "tpu.region"() ({
          %run_scoped3A = tpu.sem_alloc : memref<!tpu.dma_semaphore, #tpu.memory_space<semaphore_mem>>
          %dma_start3A_86 = arith.constant 9480 : i32
          %dma_start3A_87 = arith.constant 0 : i32
          %dma_start3A_88 = tpu.memref_slice %arg8[%dma_start3A_86, %dma_start3A_87] : memref<10016x128xf32, #tpu.memory_space<vmem_shared>> -> memref<520x128xf32, #tpu.memory_space<vmem_shared>>
          %dma_start3A_89 = arith.constant 9480 : i32
          %dma_start3A_90 = arith.constant 0 : i32
          %dma_start3A_91 = tpu.memref_slice %arg2[%dma_start3A_89, %dma_start3A_90] : memref<10000x128xf32, #tpu.memory_space<hbm>> -> memref<520x128xf32, #tpu.memory_space<hbm>>
          tpu.enqueue_dma source(%dma_start3A_91 : memref<520x128xf32, #tpu.memory_space<hbm>>) target(%dma_start3A_88 : memref<520x128xf32, #tpu.memory_space<vmem_shared>>) target_semaphore(%run_scoped3A : memref<!tpu.dma_semaphore, #tpu.memory_space<semaphore_mem>>)
          %dma_wait3A = arith.constant 9480 : i32
          %dma_wait3A_92 = arith.constant 0 : i32
          %dma_wait3A_93 = tpu.memref_slice %arg8[%dma_wait3A, %dma_wait3A_92] : memref<10016x128xf32, #tpu.memory_space<vmem_shared>> -> memref<520x128xf32, #tpu.memory_space<vmem_shared>>
          %dma_wait3A_94 = arith.constant 9480 : i32
          %dma_wait3A_95 = arith.constant 0 : i32
          %dma_wait3A_96 = tpu.memref_slice %arg2[%dma_wait3A_94, %dma_wait3A_95] : memref<10000x128xf32, #tpu.memory_space<hbm>> -> memref<520x128xf32, #tpu.memory_space<hbm>>
          tpu.wait_dma2 semaphore(%run_scoped3A : memref<!tpu.dma_semaphore, #tpu.memory_space<semaphore_mem>>) src(%dma_wait3A_96 : memref<520x128xf32, #tpu.memory_space<hbm>>) dst(%dma_wait3A_93 : memref<520x128xf32, #tpu.memory_space<vmem_shared>>)
          tpu.yield
        }) : () -> ()
      } else {
      }
      %barrier3A = arith.constant 0 : index
      tpu.barrier barrier_id(%barrier3A)
      "tpu.region"() ({
        %run_scoped3A = tpu.sem_alloc : memref<!tpu.dma_semaphore, #tpu.memory_space<semaphore_mem>>
        %dma_start3A_86 = arith.constant 0 : i32
        %dma_start3A_87 = arith.constant 0 : i32
        %dma_start3A_88 = tpu.memref_slice %arg4[%arg1, %dma_start3A_86, %dma_start3A_87] : memref<16x80x128xi32, #tpu.memory_space<hbm>> -> memref<1x40x128xi32, #tpu.memory_space<hbm>>
        %dma_start3A_89 = tpu.memref_squeeze %dma_start3A_88 : memref<1x40x128xi32, #tpu.memory_space<hbm>> -> memref<40x128xi32, #tpu.memory_space<hbm>>
        %dma_start3A_90 = arith.constant 0 : i32
        %dma_start3A_91 = arith.constant 0 : i32
        %dma_start3A_92 = tpu.memref_slice %arg4[%arg1, %dma_start3A_90, %dma_start3A_91] : memref<16x80x128xi32, #tpu.memory_space<hbm>> -> memref<1x40x128xi32, #tpu.memory_space<hbm>>
        %dma_start3A_93 = tpu.memref_squeeze %dma_start3A_92 : memref<1x40x128xi32, #tpu.memory_space<hbm>> -> memref<40x128xi32, #tpu.memory_space<hbm>>
        tpu.enqueue_dma source(%dma_start3A_93 : memref<40x128xi32, #tpu.memory_space<hbm>>) target(%arg10 : memref<40x128xi32, #tpu.memory_space<vmem>>) target_semaphore(%run_scoped3A : memref<!tpu.dma_semaphore, #tpu.memory_space<semaphore_mem>>)
        %dma_wait3A = arith.constant 0 : i32
        %dma_wait3A_94 = arith.constant 0 : i32
        %dma_wait3A_95 = tpu.memref_slice %arg4[%arg1, %dma_wait3A, %dma_wait3A_94] : memref<16x80x128xi32, #tpu.memory_space<hbm>> -> memref<1x40x128xi32, #tpu.memory_space<hbm>>
        %dma_wait3A_96 = tpu.memref_squeeze %dma_wait3A_95 : memref<1x40x128xi32, #tpu.memory_space<hbm>> -> memref<40x128xi32, #tpu.memory_space<hbm>>
        %dma_wait3A_97 = arith.constant 0 : i32
        %dma_wait3A_98 = arith.constant 0 : i32
        %dma_wait3A_99 = tpu.memref_slice %arg4[%arg1, %dma_wait3A_97, %dma_wait3A_98] : memref<16x80x128xi32, #tpu.memory_space<hbm>> -> memref<1x40x128xi32, #tpu.memory_space<hbm>>
        %dma_wait3A_100 = tpu.memref_squeeze %dma_wait3A_99 : memref<1x40x128xi32, #tpu.memory_space<hbm>> -> memref<40x128xi32, #tpu.memory_space<hbm>>
        tpu.wait_dma2 semaphore(%run_scoped3A : memref<!tpu.dma_semaphore, #tpu.memory_space<semaphore_mem>>) src(%dma_wait3A_100 : memref<40x128xi32, #tpu.memory_space<hbm>>) dst(%arg10 : memref<40x128xi32, #tpu.memory_space<vmem>>)
        tpu.yield
      }) : () -> ()
      "tpu.region"() ({
        %run_scoped3A = tpu.sem_alloc : memref<!tpu.dma_semaphore, #tpu.memory_space<semaphore_mem>>
        %dma_start3A_86 = arith.constant 0 : i32
        %dma_start3A_87 = arith.constant 0 : i32
        %dma_start3A_88 = tpu.memref_slice %arg5[%arg1, %dma_start3A_86, %dma_start3A_87] : memref<16x80x128xi32, #tpu.memory_space<hbm>> -> memref<1x40x128xi32, #tpu.memory_space<hbm>>
        %dma_start3A_89 = tpu.memref_squeeze %dma_start3A_88 : memref<1x40x128xi32, #tpu.memory_space<hbm>> -> memref<40x128xi32, #tpu.memory_space<hbm>>
        %dma_start3A_90 = arith.constant 0 : i32
        %dma_start3A_91 = arith.constant 0 : i32
        %dma_start3A_92 = tpu.memref_slice %arg5[%arg1, %dma_start3A_90, %dma_start3A_91] : memref<16x80x128xi32, #tpu.memory_space<hbm>> -> memref<1x40x128xi32, #tpu.memory_space<hbm>>
        %dma_start3A_93 = tpu.memref_squeeze %dma_start3A_92 : memref<1x40x128xi32, #tpu.memory_space<hbm>> -> memref<40x128xi32, #tpu.memory_space<hbm>>
        tpu.enqueue_dma source(%dma_start3A_93 : memref<40x128xi32, #tpu.memory_space<hbm>>) target(%arg11 : memref<40x128xi32, #tpu.memory_space<vmem>>) target_semaphore(%run_scoped3A : memref<!tpu.dma_semaphore, #tpu.memory_space<semaphore_mem>>)
        %dma_wait3A = arith.constant 0 : i32
        %dma_wait3A_94 = arith.constant 0 : i32
        %dma_wait3A_95 = tpu.memref_slice %arg5[%arg1, %dma_wait3A, %dma_wait3A_94] : memref<16x80x128xi32, #tpu.memory_space<hbm>> -> memref<1x40x128xi32, #tpu.memory_space<hbm>>
        %dma_wait3A_96 = tpu.memref_squeeze %dma_wait3A_95 : memref<1x40x128xi32, #tpu.memory_space<hbm>> -> memref<40x128xi32, #tpu.memory_space<hbm>>
        %dma_wait3A_97 = arith.constant 0 : i32
        %dma_wait3A_98 = arith.constant 0 : i32
        %dma_wait3A_99 = tpu.memref_slice %arg5[%arg1, %dma_wait3A_97, %dma_wait3A_98] : memref<16x80x128xi32, #tpu.memory_space<hbm>> -> memref<1x40x128xi32, #tpu.memory_space<hbm>>
        %dma_wait3A_100 = tpu.memref_squeeze %dma_wait3A_99 : memref<1x40x128xi32, #tpu.memory_space<hbm>> -> memref<40x128xi32, #tpu.memory_space<hbm>>
        tpu.wait_dma2 semaphore(%run_scoped3A : memref<!tpu.dma_semaphore, #tpu.memory_space<semaphore_mem>>) src(%dma_wait3A_100 : memref<40x128xi32, #tpu.memory_space<hbm>>) dst(%arg11 : memref<40x128xi32, #tpu.memory_space<vmem>>)
        tpu.yield
      }) : () -> ()
      %dma_start3A = arith.constant 0 : i32
      %dma_start3A_17 = arith.constant 0 : i32
      %dma_start3A_18 = arith.constant 0 : i32
      %dma_start3A_19 = arith.constant 0 : i32
      %dma_start3A_20 = tpu.memref_slice %arg9[%dma_start3A_17, %dma_start3A_18, %dma_start3A_19] : memref<2x128x128xf32, #tpu.memory_space<vmem>> -> memref<1x128x128xf32, #tpu.memory_space<vmem>>
      %dma_start3A_21 = tpu.memref_squeeze %dma_start3A_20 : memref<1x128x128xf32, #tpu.memory_space<vmem>> -> memref<128x128xf32, #tpu.memory_space<vmem>>
      %dma_start3A_22 = arith.constant 0 : i32
      %dma_start3A_23 = tpu.memref_slice %arg10[%dma_start3A, %dma_start3A_22] : memref<40x128xi32, #tpu.memory_space<vmem>> -> memref<1x128xi32, #tpu.memory_space<vmem>>
      %dma_start3A_24 = tpu.memref_squeeze %dma_start3A_23 : memref<1x128xi32, #tpu.memory_space<vmem>> -> memref<128xi32, #tpu.memory_space<vmem>>
      %dma_start3A_25 = arith.constant 0 : i32
      %dma_start3A_26 = arith.constant 0 : i32
      %dma_start3A_27 = tpu.memref_slice %arg2[%dma_start3A_25, %dma_start3A_26] : memref<10000x128xf32, #tpu.memory_space<hbm>> -> memref<10000x128xf32, #tpu.memory_space<hbm>>
      tpu.enqueue_indirect_dma source(%dma_start3A_27 : memref<10000x128xf32, #tpu.memory_space<hbm>>) target(%dma_start3A_21 : memref<128x128xf32, #tpu.memory_space<vmem>>) offsets(%dma_start3A_24 : memref<128xi32, #tpu.memory_space<vmem>>) semaphore(%arg12 : memref<!tpu.dma_semaphore, #tpu.memory_space<semaphore_mem>>)
      %dma_start3A_28 = arith.constant 1 : i32
      %dma_start3A_29 = arith.constant 1 : i32
      %dma_start3A_30 = arith.constant 0 : i32
      %dma_start3A_31 = arith.constant 0 : i32
      %dma_start3A_32 = tpu.memref_slice %arg9[%dma_start3A_29, %dma_start3A_30, %dma_start3A_31] : memref<2x128x128xf32, #tpu.memory_space<vmem>> -> memref<1x128x128xf32, #tpu.memory_space<vmem>>
      %dma_start3A_33 = tpu.memref_squeeze %dma_start3A_32 : memref<1x128x128xf32, #tpu.memory_space<vmem>> -> memref<128x128xf32, #tpu.memory_space<vmem>>
      %dma_start3A_34 = arith.constant 0 : i32
      %dma_start3A_35 = tpu.memref_slice %arg10[%dma_start3A_28, %dma_start3A_34] : memref<40x128xi32, #tpu.memory_space<vmem>> -> memref<1x128xi32, #tpu.memory_space<vmem>>
      %dma_start3A_36 = tpu.memref_squeeze %dma_start3A_35 : memref<1x128xi32, #tpu.memory_space<vmem>> -> memref<128xi32, #tpu.memory_space<vmem>>
      %dma_start3A_37 = arith.constant 0 : i32
      %dma_start3A_38 = arith.constant 0 : i32
      %dma_start3A_39 = tpu.memref_slice %arg2[%dma_start3A_37, %dma_start3A_38] : memref<10000x128xf32, #tpu.memory_space<hbm>> -> memref<10000x128xf32, #tpu.memory_space<hbm>>
      tpu.enqueue_indirect_dma source(%dma_start3A_39 : memref<10000x128xf32, #tpu.memory_space<hbm>>) target(%dma_start3A_33 : memref<128x128xf32, #tpu.memory_space<vmem>>) offsets(%dma_start3A_36 : memref<128xi32, #tpu.memory_space<vmem>>) semaphore(%arg13 : memref<!tpu.dma_semaphore, #tpu.memory_space<semaphore_mem>>)
      %scan3A = arith.constant 0 : i32
      %scan3A_40 = arith.constant 0 : i32
      %scan3A_41 = arith.constant 20 : i32
      %scan3A_42 = arith.addi %scan3A_40, %scan3A_41 : i32
      %scan3A_43 = arith.constant 1 : i32
      scf.for %scan3A_86 = %scan3A_40 to %scan3A_42 step %scan3A_43  : i32 {
        %mul3A_87 = arith.constant 2 : i32
        %mul3A_88 = arith.muli %mul3A_87, %scan3A_86 : i32
        %dma_wait3A = arith.constant 0 : i32
        %dma_wait3A_89 = arith.constant 0 : i32
        %dma_wait3A_90 = arith.constant 0 : i32
        %dma_wait3A_91 = tpu.memref_slice %arg9[%dma_wait3A, %dma_wait3A_89, %dma_wait3A_90] : memref<2x128x128xf32, #tpu.memory_space<vmem>> -> memref<1x128x128xf32, #tpu.memory_space<vmem>>
        %dma_wait3A_92 = tpu.memref_squeeze %dma_wait3A_91 : memref<1x128x128xf32, #tpu.memory_space<vmem>> -> memref<128x128xf32, #tpu.memory_space<vmem>>
        %dma_wait3A_93 = arith.constant 0 : i32
        %dma_wait3A_94 = tpu.memref_slice %arg10[%mul3A_88, %dma_wait3A_93] : memref<40x128xi32, #tpu.memory_space<vmem>> -> memref<1x128xi32, #tpu.memory_space<vmem>>
        %dma_wait3A_95 = tpu.memref_squeeze %dma_wait3A_94 : memref<1x128xi32, #tpu.memory_space<vmem>> -> memref<128xi32, #tpu.memory_space<vmem>>
        %dma_wait3A_96 = arith.constant 0 : i32
        %dma_wait3A_97 = arith.constant 0 : i32
        %dma_wait3A_98 = tpu.memref_slice %arg2[%dma_wait3A_96, %dma_wait3A_97] : memref<10000x128xf32, #tpu.memory_space<hbm>> -> memref<10000x128xf32, #tpu.memory_space<hbm>>
        tpu.wait_indirect_dma semaphore(%arg12 : memref<!tpu.dma_semaphore, #tpu.memory_space<semaphore_mem>>) src(%dma_wait3A_98 : memref<10000x128xf32, #tpu.memory_space<hbm>>) dst(%dma_wait3A_92 : memref<128x128xf32, #tpu.memory_space<vmem>>)
        %run_scoped3A = arith.constant 0 : i32
        "tpu.region"() ({
          %run_scoped3A_124 = tpu.sem_alloc : memref<!tpu.dma_semaphore, #tpu.memory_space<semaphore_mem>>
          %dma_start3A_125 = arith.constant 0 : i32
          %dma_start3A_126 = arith.constant 0 : i32
          %dma_start3A_127 = tpu.memref_slice %arg9[%run_scoped3A, %dma_start3A_125, %dma_start3A_126] : memref<2x128x128xf32, #tpu.memory_space<vmem>> -> memref<1x128x128xf32, #tpu.memory_space<vmem>>
          %dma_start3A_128 = tpu.memref_squeeze %dma_start3A_127 : memref<1x128x128xf32, #tpu.memory_space<vmem>> -> memref<128x128xf32, #tpu.memory_space<vmem>>
          %dma_start3A_129 = arith.constant 0 : i32
          %dma_start3A_130 = tpu.memref_slice %arg11[%mul3A_88, %dma_start3A_129] : memref<40x128xi32, #tpu.memory_space<vmem>> -> memref<1x128xi32, #tpu.memory_space<vmem>>
          %dma_start3A_131 = tpu.memref_squeeze %dma_start3A_130 : memref<1x128xi32, #tpu.memory_space<vmem>> -> memref<128xi32, #tpu.memory_space<vmem>>
          %dma_start3A_132 = arith.constant 0 : i32
          %dma_start3A_133 = arith.constant 0 : i32
          %dma_start3A_134 = tpu.memref_slice %arg8[%dma_start3A_132, %dma_start3A_133] : memref<10016x128xf32, #tpu.memory_space<vmem_shared>> -> memref<10016x128xf32, #tpu.memory_space<vmem_shared>>
          tpu.enqueue_indirect_dma source(%dma_start3A_128 : memref<128x128xf32, #tpu.memory_space<vmem>>) target(%dma_start3A_134 : memref<10016x128xf32, #tpu.memory_space<vmem_shared>>) offsets(%dma_start3A_131 : memref<128xi32, #tpu.memory_space<vmem>>) semaphore(%run_scoped3A_124 : memref<!tpu.dma_semaphore, #tpu.memory_space<semaphore_mem>>) {add = true}
          %dma_wait3A_135 = arith.constant 0 : i32
          %dma_wait3A_136 = arith.constant 0 : i32
          %dma_wait3A_137 = tpu.memref_slice %arg9[%run_scoped3A, %dma_wait3A_135, %dma_wait3A_136] : memref<2x128x128xf32, #tpu.memory_space<vmem>> -> memref<1x128x128xf32, #tpu.memory_space<vmem>>
          %dma_wait3A_138 = tpu.memref_squeeze %dma_wait3A_137 : memref<1x128x128xf32, #tpu.memory_space<vmem>> -> memref<128x128xf32, #tpu.memory_space<vmem>>
          %dma_wait3A_139 = arith.constant 0 : i32
          %dma_wait3A_140 = tpu.memref_slice %arg11[%mul3A_88, %dma_wait3A_139] : memref<40x128xi32, #tpu.memory_space<vmem>> -> memref<1x128xi32, #tpu.memory_space<vmem>>
          %dma_wait3A_141 = tpu.memref_squeeze %dma_wait3A_140 : memref<1x128xi32, #tpu.memory_space<vmem>> -> memref<128xi32, #tpu.memory_space<vmem>>
          %dma_wait3A_142 = arith.constant 0 : i32
          %dma_wait3A_143 = arith.constant 0 : i32
          %dma_wait3A_144 = tpu.memref_slice %arg8[%dma_wait3A_142, %dma_wait3A_143] : memref<10016x128xf32, #tpu.memory_space<vmem_shared>> -> memref<10016x128xf32, #tpu.memory_space<vmem_shared>>
          tpu.wait_indirect_dma semaphore(%run_scoped3A_124 : memref<!tpu.dma_semaphore, #tpu.memory_space<semaphore_mem>>) src(%dma_wait3A_138 : memref<128x128xf32, #tpu.memory_space<vmem>>) dst(%dma_wait3A_144 : memref<10016x128xf32, #tpu.memory_space<vmem_shared>>)
          tpu.yield
        }) : () -> ()
        %lt3A_99 = arith.constant 19 : i32
        %lt3A_100 = arith.cmpi slt, %scan3A_86, %lt3A_99 : i32
        %convert_element_type3A_101 = arith.extui %lt3A_100 : i1 to i32
        %cond3A_102 = arith.constant 0 : i32
        %cond3A_103 = arith.cmpi ne, %convert_element_type3A_101, %cond3A_102 : i32
        scf.if %cond3A_103 {
          %add3A_124 = arith.constant 2 : i32
          %add3A_125 = arith.addi %mul3A_88, %add3A_124 : i32
          %dma_start3A_126 = arith.constant 0 : i32
          %dma_start3A_127 = arith.constant 0 : i32
          %dma_start3A_128 = arith.constant 0 : i32
          %dma_start3A_129 = tpu.memref_slice %arg9[%dma_start3A_126, %dma_start3A_127, %dma_start3A_128] : memref<2x128x128xf32, #tpu.memory_space<vmem>> -> memref<1x128x128xf32, #tpu.memory_space<vmem>>
          %dma_start3A_130 = tpu.memref_squeeze %dma_start3A_129 : memref<1x128x128xf32, #tpu.memory_space<vmem>> -> memref<128x128xf32, #tpu.memory_space<vmem>>
          %dma_start3A_131 = arith.constant 0 : i32
          %dma_start3A_132 = tpu.memref_slice %arg10[%add3A_125, %dma_start3A_131] : memref<40x128xi32, #tpu.memory_space<vmem>> -> memref<1x128xi32, #tpu.memory_space<vmem>>
          %dma_start3A_133 = tpu.memref_squeeze %dma_start3A_132 : memref<1x128xi32, #tpu.memory_space<vmem>> -> memref<128xi32, #tpu.memory_space<vmem>>
          %dma_start3A_134 = arith.constant 0 : i32
          %dma_start3A_135 = arith.constant 0 : i32
          %dma_start3A_136 = tpu.memref_slice %arg2[%dma_start3A_134, %dma_start3A_135] : memref<10000x128xf32, #tpu.memory_space<hbm>> -> memref<10000x128xf32, #tpu.memory_space<hbm>>
          tpu.enqueue_indirect_dma source(%dma_start3A_136 : memref<10000x128xf32, #tpu.memory_space<hbm>>) target(%dma_start3A_130 : memref<128x128xf32, #tpu.memory_space<vmem>>) offsets(%dma_start3A_133 : memref<128xi32, #tpu.memory_space<vmem>>) semaphore(%arg12 : memref<!tpu.dma_semaphore, #tpu.memory_space<semaphore_mem>>)
        } else {
        }
        %add3A = arith.constant 1 : i32
        %add3A_104 = arith.addi %mul3A_88, %add3A : i32
        %dma_wait3A_105 = arith.constant 1 : i32
        %dma_wait3A_106 = arith.constant 0 : i32
        %dma_wait3A_107 = arith.constant 0 : i32
        %dma_wait3A_108 = tpu.memref_slice %arg9[%dma_wait3A_105, %dma_wait3A_106, %dma_wait3A_107] : memref<2x128x128xf32, #tpu.memory_space<vmem>> -> memref<1x128x128xf32, #tpu.memory_space<vmem>>
        %dma_wait3A_109 = tpu.memref_squeeze %dma_wait3A_108 : memref<1x128x128xf32, #tpu.memory_space<vmem>> -> memref<128x128xf32, #tpu.memory_space<vmem>>
        %dma_wait3A_110 = arith.constant 0 : i32
        %dma_wait3A_111 = tpu.memref_slice %arg10[%add3A_104, %dma_wait3A_110] : memref<40x128xi32, #tpu.memory_space<vmem>> -> memref<1x128xi32, #tpu.memory_space<vmem>>
        %dma_wait3A_112 = tpu.memref_squeeze %dma_wait3A_111 : memref<1x128xi32, #tpu.memory_space<vmem>> -> memref<128xi32, #tpu.memory_space<vmem>>
        %dma_wait3A_113 = arith.constant 0 : i32
        %dma_wait3A_114 = arith.constant 0 : i32
        %dma_wait3A_115 = tpu.memref_slice %arg2[%dma_wait3A_113, %dma_wait3A_114] : memref<10000x128xf32, #tpu.memory_space<hbm>> -> memref<10000x128xf32, #tpu.memory_space<hbm>>
        tpu.wait_indirect_dma semaphore(%arg13 : memref<!tpu.dma_semaphore, #tpu.memory_space<semaphore_mem>>) src(%dma_wait3A_115 : memref<10000x128xf32, #tpu.memory_space<hbm>>) dst(%dma_wait3A_109 : memref<128x128xf32, #tpu.memory_space<vmem>>)
        %add3A_116 = arith.constant 1 : i32
        %add3A_117 = arith.addi %mul3A_88, %add3A_116 : i32
        %run_scoped3A_118 = arith.constant 1 : i32
        "tpu.region"() ({
          %run_scoped3A_124 = tpu.sem_alloc : memref<!tpu.dma_semaphore, #tpu.memory_space<semaphore_mem>>
          %dma_start3A_125 = arith.constant 0 : i32
          %dma_start3A_126 = arith.constant 0 : i32
          %dma_start3A_127 = tpu.memref_slice %arg9[%run_scoped3A_118, %dma_start3A_125, %dma_start3A_126] : memref<2x128x128xf32, #tpu.memory_space<vmem>> -> memref<1x128x128xf32, #tpu.memory_space<vmem>>
          %dma_start3A_128 = tpu.memref_squeeze %dma_start3A_127 : memref<1x128x128xf32, #tpu.memory_space<vmem>> -> memref<128x128xf32, #tpu.memory_space<vmem>>
          %dma_start3A_129 = arith.constant 0 : i32
          %dma_start3A_130 = tpu.memref_slice %arg11[%add3A_117, %dma_start3A_129] : memref<40x128xi32, #tpu.memory_space<vmem>> -> memref<1x128xi32, #tpu.memory_space<vmem>>
          %dma_start3A_131 = tpu.memref_squeeze %dma_start3A_130 : memref<1x128xi32, #tpu.memory_space<vmem>> -> memref<128xi32, #tpu.memory_space<vmem>>
          %dma_start3A_132 = arith.constant 0 : i32
          %dma_start3A_133 = arith.constant 0 : i32
          %dma_start3A_134 = tpu.memref_slice %arg8[%dma_start3A_132, %dma_start3A_133] : memref<10016x128xf32, #tpu.memory_space<vmem_shared>> -> memref<10016x128xf32, #tpu.memory_space<vmem_shared>>
          tpu.enqueue_indirect_dma source(%dma_start3A_128 : memref<128x128xf32, #tpu.memory_space<vmem>>) target(%dma_start3A_134 : memref<10016x128xf32, #tpu.memory_space<vmem_shared>>) offsets(%dma_start3A_131 : memref<128xi32, #tpu.memory_space<vmem>>) semaphore(%run_scoped3A_124 : memref<!tpu.dma_semaphore, #tpu.memory_space<semaphore_mem>>) {add = true}
          %dma_wait3A_135 = arith.constant 0 : i32
          %dma_wait3A_136 = arith.constant 0 : i32
          %dma_wait3A_137 = tpu.memref_slice %arg9[%run_scoped3A_118, %dma_wait3A_135, %dma_wait3A_136] : memref<2x128x128xf32, #tpu.memory_space<vmem>> -> memref<1x128x128xf32, #tpu.memory_space<vmem>>
          %dma_wait3A_138 = tpu.memref_squeeze %dma_wait3A_137 : memref<1x128x128xf32, #tpu.memory_space<vmem>> -> memref<128x128xf32, #tpu.memory_space<vmem>>
          %dma_wait3A_139 = arith.constant 0 : i32
          %dma_wait3A_140 = tpu.memref_slice %arg11[%add3A_117, %dma_wait3A_139] : memref<40x128xi32, #tpu.memory_space<vmem>> -> memref<1x128xi32, #tpu.memory_space<vmem>>
          %dma_wait3A_141 = tpu.memref_squeeze %dma_wait3A_140 : memref<1x128xi32, #tpu.memory_space<vmem>> -> memref<128xi32, #tpu.memory_space<vmem>>
          %dma_wait3A_142 = arith.constant 0 : i32
          %dma_wait3A_143 = arith.constant 0 : i32
          %dma_wait3A_144 = tpu.memref_slice %arg8[%dma_wait3A_142, %dma_wait3A_143] : memref<10016x128xf32, #tpu.memory_space<vmem_shared>> -> memref<10016x128xf32, #tpu.memory_space<vmem_shared>>
          tpu.wait_indirect_dma semaphore(%run_scoped3A_124 : memref<!tpu.dma_semaphore, #tpu.memory_space<semaphore_mem>>) src(%dma_wait3A_138 : memref<128x128xf32, #tpu.memory_space<vmem>>) dst(%dma_wait3A_144 : memref<10016x128xf32, #tpu.memory_space<vmem_shared>>)
          tpu.yield
        }) : () -> ()
        %lt3A_119 = arith.constant 19 : i32
        %lt3A_120 = arith.cmpi slt, %scan3A_86, %lt3A_119 : i32
        %convert_element_type3A_121 = arith.extui %lt3A_120 : i1 to i32
        %cond3A_122 = arith.constant 0 : i32
        %cond3A_123 = arith.cmpi ne, %convert_element_type3A_121, %cond3A_122 : i32
        scf.if %cond3A_123 {
          %add3A_124 = arith.constant 3 : i32
          %add3A_125 = arith.addi %mul3A_88, %add3A_124 : i32
          %dma_start3A_126 = arith.constant 1 : i32
          %dma_start3A_127 = arith.constant 0 : i32
          %dma_start3A_128 = arith.constant 0 : i32
          %dma_start3A_129 = tpu.memref_slice %arg9[%dma_start3A_126, %dma_start3A_127, %dma_start3A_128] : memref<2x128x128xf32, #tpu.memory_space<vmem>> -> memref<1x128x128xf32, #tpu.memory_space<vmem>>
          %dma_start3A_130 = tpu.memref_squeeze %dma_start3A_129 : memref<1x128x128xf32, #tpu.memory_space<vmem>> -> memref<128x128xf32, #tpu.memory_space<vmem>>
          %dma_start3A_131 = arith.constant 0 : i32
          %dma_start3A_132 = tpu.memref_slice %arg10[%add3A_125, %dma_start3A_131] : memref<40x128xi32, #tpu.memory_space<vmem>> -> memref<1x128xi32, #tpu.memory_space<vmem>>
          %dma_start3A_133 = tpu.memref_squeeze %dma_start3A_132 : memref<1x128xi32, #tpu.memory_space<vmem>> -> memref<128xi32, #tpu.memory_space<vmem>>
          %dma_start3A_134 = arith.constant 0 : i32
          %dma_start3A_135 = arith.constant 0 : i32
          %dma_start3A_136 = tpu.memref_slice %arg2[%dma_start3A_134, %dma_start3A_135] : memref<10000x128xf32, #tpu.memory_space<hbm>> -> memref<10000x128xf32, #tpu.memory_space<hbm>>
          tpu.enqueue_indirect_dma source(%dma_start3A_136 : memref<10000x128xf32, #tpu.memory_space<hbm>>) target(%dma_start3A_130 : memref<128x128xf32, #tpu.memory_space<vmem>>) offsets(%dma_start3A_133 : memref<128xi32, #tpu.memory_space<vmem>>) semaphore(%arg13 : memref<!tpu.dma_semaphore, #tpu.memory_space<semaphore_mem>>)
        } else {
        }
      }
      %scan3A_44 = arith.constant 20 : i32
      "tpu.region"() ({
        %run_scoped3A = tpu.sem_alloc : memref<!tpu.dma_semaphore, #tpu.memory_space<semaphore_mem>>
        %dma_start3A_86 = arith.constant 40 : i32
        %dma_start3A_87 = arith.constant 0 : i32
        %dma_start3A_88 = tpu.memref_slice %arg4[%arg1, %dma_start3A_86, %dma_start3A_87] : memref<16x80x128xi32, #tpu.memory_space<hbm>> -> memref<1x40x128xi32, #tpu.memory_space<hbm>>
        %dma_start3A_89 = tpu.memref_squeeze %dma_start3A_88 : memref<1x40x128xi32, #tpu.memory_space<hbm>> -> memref<40x128xi32, #tpu.memory_space<hbm>>
        %dma_start3A_90 = arith.constant 40 : i32
        %dma_start3A_91 = arith.constant 0 : i32
        %dma_start3A_92 = tpu.memref_slice %arg4[%arg1, %dma_start3A_90, %dma_start3A_91] : memref<16x80x128xi32, #tpu.memory_space<hbm>> -> memref<1x40x128xi32, #tpu.memory_space<hbm>>
        %dma_start3A_93 = tpu.memref_squeeze %dma_start3A_92 : memref<1x40x128xi32, #tpu.memory_space<hbm>> -> memref<40x128xi32, #tpu.memory_space<hbm>>
        tpu.enqueue_dma source(%dma_start3A_93 : memref<40x128xi32, #tpu.memory_space<hbm>>) target(%arg10 : memref<40x128xi32, #tpu.memory_space<vmem>>) target_semaphore(%run_scoped3A : memref<!tpu.dma_semaphore, #tpu.memory_space<semaphore_mem>>)
        %dma_wait3A = arith.constant 40 : i32
        %dma_wait3A_94 = arith.constant 0 : i32
        %dma_wait3A_95 = tpu.memref_slice %arg4[%arg1, %dma_wait3A, %dma_wait3A_94] : memref<16x80x128xi32, #tpu.memory_space<hbm>> -> memref<1x40x128xi32, #tpu.memory_space<hbm>>
        %dma_wait3A_96 = tpu.memref_squeeze %dma_wait3A_95 : memref<1x40x128xi32, #tpu.memory_space<hbm>> -> memref<40x128xi32, #tpu.memory_space<hbm>>
        %dma_wait3A_97 = arith.constant 40 : i32
        %dma_wait3A_98 = arith.constant 0 : i32
        %dma_wait3A_99 = tpu.memref_slice %arg4[%arg1, %dma_wait3A_97, %dma_wait3A_98] : memref<16x80x128xi32, #tpu.memory_space<hbm>> -> memref<1x40x128xi32, #tpu.memory_space<hbm>>
        %dma_wait3A_100 = tpu.memref_squeeze %dma_wait3A_99 : memref<1x40x128xi32, #tpu.memory_space<hbm>> -> memref<40x128xi32, #tpu.memory_space<hbm>>
        tpu.wait_dma2 semaphore(%run_scoped3A : memref<!tpu.dma_semaphore, #tpu.memory_space<semaphore_mem>>) src(%dma_wait3A_100 : memref<40x128xi32, #tpu.memory_space<hbm>>) dst(%arg10 : memref<40x128xi32, #tpu.memory_space<vmem>>)
        tpu.yield
      }) : () -> ()
      "tpu.region"() ({
        %run_scoped3A = tpu.sem_alloc : memref<!tpu.dma_semaphore, #tpu.memory_space<semaphore_mem>>
        %dma_start3A_86 = arith.constant 40 : i32
        %dma_start3A_87 = arith.constant 0 : i32
        %dma_start3A_88 = tpu.memref_slice %arg5[%arg1, %dma_start3A_86, %dma_start3A_87] : memref<16x80x128xi32, #tpu.memory_space<hbm>> -> memref<1x40x128xi32, #tpu.memory_space<hbm>>
        %dma_start3A_89 = tpu.memref_squeeze %dma_start3A_88 : memref<1x40x128xi32, #tpu.memory_space<hbm>> -> memref<40x128xi32, #tpu.memory_space<hbm>>
        %dma_start3A_90 = arith.constant 40 : i32
        %dma_start3A_91 = arith.constant 0 : i32
        %dma_start3A_92 = tpu.memref_slice %arg5[%arg1, %dma_start3A_90, %dma_start3A_91] : memref<16x80x128xi32, #tpu.memory_space<hbm>> -> memref<1x40x128xi32, #tpu.memory_space<hbm>>
        %dma_start3A_93 = tpu.memref_squeeze %dma_start3A_92 : memref<1x40x128xi32, #tpu.memory_space<hbm>> -> memref<40x128xi32, #tpu.memory_space<hbm>>
        tpu.enqueue_dma source(%dma_start3A_93 : memref<40x128xi32, #tpu.memory_space<hbm>>) target(%arg11 : memref<40x128xi32, #tpu.memory_space<vmem>>) target_semaphore(%run_scoped3A : memref<!tpu.dma_semaphore, #tpu.memory_space<semaphore_mem>>)
        %dma_wait3A = arith.constant 40 : i32
        %dma_wait3A_94 = arith.constant 0 : i32
        %dma_wait3A_95 = tpu.memref_slice %arg5[%arg1, %dma_wait3A, %dma_wait3A_94] : memref<16x80x128xi32, #tpu.memory_space<hbm>> -> memref<1x40x128xi32, #tpu.memory_space<hbm>>
        %dma_wait3A_96 = tpu.memref_squeeze %dma_wait3A_95 : memref<1x40x128xi32, #tpu.memory_space<hbm>> -> memref<40x128xi32, #tpu.memory_space<hbm>>
        %dma_wait3A_97 = arith.constant 40 : i32
        %dma_wait3A_98 = arith.constant 0 : i32
        %dma_wait3A_99 = tpu.memref_slice %arg5[%arg1, %dma_wait3A_97, %dma_wait3A_98] : memref<16x80x128xi32, #tpu.memory_space<hbm>> -> memref<1x40x128xi32, #tpu.memory_space<hbm>>
        %dma_wait3A_100 = tpu.memref_squeeze %dma_wait3A_99 : memref<1x40x128xi32, #tpu.memory_space<hbm>> -> memref<40x128xi32, #tpu.memory_space<hbm>>
        tpu.wait_dma2 semaphore(%run_scoped3A : memref<!tpu.dma_semaphore, #tpu.memory_space<semaphore_mem>>) src(%dma_wait3A_100 : memref<40x128xi32, #tpu.memory_space<hbm>>) dst(%arg11 : memref<40x128xi32, #tpu.memory_space<vmem>>)
        tpu.yield
      }) : () -> ()
      %dma_start3A_45 = arith.constant 0 : i32
      %dma_start3A_46 = arith.constant 0 : i32
      %dma_start3A_47 = arith.constant 0 : i32
      %dma_start3A_48 = arith.constant 0 : i32
      %dma_start3A_49 = tpu.memref_slice %arg9[%dma_start3A_46, %dma_start3A_47, %dma_start3A_48] : memref<2x128x128xf32, #tpu.memory_space<vmem>> -> memref<1x128x128xf32, #tpu.memory_space<vmem>>
      %dma_start3A_50 = tpu.memref_squeeze %dma_start3A_49 : memref<1x128x128xf32, #tpu.memory_space<vmem>> -> memref<128x128xf32, #tpu.memory_space<vmem>>
      %dma_start3A_51 = arith.constant 0 : i32
      %dma_start3A_52 = tpu.memref_slice %arg10[%dma_start3A_45, %dma_start3A_51] : memref<40x128xi32, #tpu.memory_space<vmem>> -> memref<1x128xi32, #tpu.memory_space<vmem>>
      %dma_start3A_53 = tpu.memref_squeeze %dma_start3A_52 : memref<1x128xi32, #tpu.memory_space<vmem>> -> memref<128xi32, #tpu.memory_space<vmem>>
      %dma_start3A_54 = arith.constant 0 : i32
      %dma_start3A_55 = arith.constant 0 : i32
      %dma_start3A_56 = tpu.memref_slice %arg2[%dma_start3A_54, %dma_start3A_55] : memref<10000x128xf32, #tpu.memory_space<hbm>> -> memref<10000x128xf32, #tpu.memory_space<hbm>>
      tpu.enqueue_indirect_dma source(%dma_start3A_56 : memref<10000x128xf32, #tpu.memory_space<hbm>>) target(%dma_start3A_50 : memref<128x128xf32, #tpu.memory_space<vmem>>) offsets(%dma_start3A_53 : memref<128xi32, #tpu.memory_space<vmem>>) semaphore(%arg12 : memref<!tpu.dma_semaphore, #tpu.memory_space<semaphore_mem>>)
      %dma_start3A_57 = arith.constant 1 : i32
      %dma_start3A_58 = arith.constant 1 : i32
      %dma_start3A_59 = arith.constant 0 : i32
      %dma_start3A_60 = arith.constant 0 : i32
      %dma_start3A_61 = tpu.memref_slice %arg9[%dma_start3A_58, %dma_start3A_59, %dma_start3A_60] : memref<2x128x128xf32, #tpu.memory_space<vmem>> -> memref<1x128x128xf32, #tpu.memory_space<vmem>>
      %dma_start3A_62 = tpu.memref_squeeze %dma_start3A_61 : memref<1x128x128xf32, #tpu.memory_space<vmem>> -> memref<128x128xf32, #tpu.memory_space<vmem>>
      %dma_start3A_63 = arith.constant 0 : i32
      %dma_start3A_64 = tpu.memref_slice %arg10[%dma_start3A_57, %dma_start3A_63] : memref<40x128xi32, #tpu.memory_space<vmem>> -> memref<1x128xi32, #tpu.memory_space<vmem>>
      %dma_start3A_65 = tpu.memref_squeeze %dma_start3A_64 : memref<1x128xi32, #tpu.memory_space<vmem>> -> memref<128xi32, #tpu.memory_space<vmem>>
      %dma_start3A_66 = arith.constant 0 : i32
      %dma_start3A_67 = arith.constant 0 : i32
      %dma_start3A_68 = tpu.memref_slice %arg2[%dma_start3A_66, %dma_start3A_67] : memref<10000x128xf32, #tpu.memory_space<hbm>> -> memref<10000x128xf32, #tpu.memory_space<hbm>>
      tpu.enqueue_indirect_dma source(%dma_start3A_68 : memref<10000x128xf32, #tpu.memory_space<hbm>>) target(%dma_start3A_62 : memref<128x128xf32, #tpu.memory_space<vmem>>) offsets(%dma_start3A_65 : memref<128xi32, #tpu.memory_space<vmem>>) semaphore(%arg13 : memref<!tpu.dma_semaphore, #tpu.memory_space<semaphore_mem>>)
      %scan3A_69 = arith.constant 0 : i32
      %scan3A_70 = arith.constant 0 : i32
      %scan3A_71 = arith.constant 20 : i32
      %scan3A_72 = arith.addi %scan3A_70, %scan3A_71 : i32
      %scan3A_73 = arith.constant 1 : i32
      scf.for %scan3A_86 = %scan3A_70 to %scan3A_72 step %scan3A_73  : i32 {
        %mul3A_87 = arith.constant 2 : i32
        %mul3A_88 = arith.muli %mul3A_87, %scan3A_86 : i32
        %dma_wait3A = arith.constant 0 : i32
        %dma_wait3A_89 = arith.constant 0 : i32
        %dma_wait3A_90 = arith.constant 0 : i32
        %dma_wait3A_91 = tpu.memref_slice %arg9[%dma_wait3A, %dma_wait3A_89, %dma_wait3A_90] : memref<2x128x128xf32, #tpu.memory_space<vmem>> -> memref<1x128x128xf32, #tpu.memory_space<vmem>>
        %dma_wait3A_92 = tpu.memref_squeeze %dma_wait3A_91 : memref<1x128x128xf32, #tpu.memory_space<vmem>> -> memref<128x128xf32, #tpu.memory_space<vmem>>
        %dma_wait3A_93 = arith.constant 0 : i32
        %dma_wait3A_94 = tpu.memref_slice %arg10[%mul3A_88, %dma_wait3A_93] : memref<40x128xi32, #tpu.memory_space<vmem>> -> memref<1x128xi32, #tpu.memory_space<vmem>>
        %dma_wait3A_95 = tpu.memref_squeeze %dma_wait3A_94 : memref<1x128xi32, #tpu.memory_space<vmem>> -> memref<128xi32, #tpu.memory_space<vmem>>
        %dma_wait3A_96 = arith.constant 0 : i32
        %dma_wait3A_97 = arith.constant 0 : i32
        %dma_wait3A_98 = tpu.memref_slice %arg2[%dma_wait3A_96, %dma_wait3A_97] : memref<10000x128xf32, #tpu.memory_space<hbm>> -> memref<10000x128xf32, #tpu.memory_space<hbm>>
        tpu.wait_indirect_dma semaphore(%arg12 : memref<!tpu.dma_semaphore, #tpu.memory_space<semaphore_mem>>) src(%dma_wait3A_98 : memref<10000x128xf32, #tpu.memory_space<hbm>>) dst(%dma_wait3A_92 : memref<128x128xf32, #tpu.memory_space<vmem>>)
        %run_scoped3A = arith.constant 0 : i32
        "tpu.region"() ({
          %run_scoped3A_124 = tpu.sem_alloc : memref<!tpu.dma_semaphore, #tpu.memory_space<semaphore_mem>>
          %dma_start3A_125 = arith.constant 0 : i32
          %dma_start3A_126 = arith.constant 0 : i32
          %dma_start3A_127 = tpu.memref_slice %arg9[%run_scoped3A, %dma_start3A_125, %dma_start3A_126] : memref<2x128x128xf32, #tpu.memory_space<vmem>> -> memref<1x128x128xf32, #tpu.memory_space<vmem>>
          %dma_start3A_128 = tpu.memref_squeeze %dma_start3A_127 : memref<1x128x128xf32, #tpu.memory_space<vmem>> -> memref<128x128xf32, #tpu.memory_space<vmem>>
          %dma_start3A_129 = arith.constant 0 : i32
          %dma_start3A_130 = tpu.memref_slice %arg11[%mul3A_88, %dma_start3A_129] : memref<40x128xi32, #tpu.memory_space<vmem>> -> memref<1x128xi32, #tpu.memory_space<vmem>>
          %dma_start3A_131 = tpu.memref_squeeze %dma_start3A_130 : memref<1x128xi32, #tpu.memory_space<vmem>> -> memref<128xi32, #tpu.memory_space<vmem>>
          %dma_start3A_132 = arith.constant 0 : i32
          %dma_start3A_133 = arith.constant 0 : i32
          %dma_start3A_134 = tpu.memref_slice %arg8[%dma_start3A_132, %dma_start3A_133] : memref<10016x128xf32, #tpu.memory_space<vmem_shared>> -> memref<10016x128xf32, #tpu.memory_space<vmem_shared>>
          tpu.enqueue_indirect_dma source(%dma_start3A_128 : memref<128x128xf32, #tpu.memory_space<vmem>>) target(%dma_start3A_134 : memref<10016x128xf32, #tpu.memory_space<vmem_shared>>) offsets(%dma_start3A_131 : memref<128xi32, #tpu.memory_space<vmem>>) semaphore(%run_scoped3A_124 : memref<!tpu.dma_semaphore, #tpu.memory_space<semaphore_mem>>) {add = true}
          %dma_wait3A_135 = arith.constant 0 : i32
          %dma_wait3A_136 = arith.constant 0 : i32
          %dma_wait3A_137 = tpu.memref_slice %arg9[%run_scoped3A, %dma_wait3A_135, %dma_wait3A_136] : memref<2x128x128xf32, #tpu.memory_space<vmem>> -> memref<1x128x128xf32, #tpu.memory_space<vmem>>
          %dma_wait3A_138 = tpu.memref_squeeze %dma_wait3A_137 : memref<1x128x128xf32, #tpu.memory_space<vmem>> -> memref<128x128xf32, #tpu.memory_space<vmem>>
          %dma_wait3A_139 = arith.constant 0 : i32
          %dma_wait3A_140 = tpu.memref_slice %arg11[%mul3A_88, %dma_wait3A_139] : memref<40x128xi32, #tpu.memory_space<vmem>> -> memref<1x128xi32, #tpu.memory_space<vmem>>
          %dma_wait3A_141 = tpu.memref_squeeze %dma_wait3A_140 : memref<1x128xi32, #tpu.memory_space<vmem>> -> memref<128xi32, #tpu.memory_space<vmem>>
          %dma_wait3A_142 = arith.constant 0 : i32
          %dma_wait3A_143 = arith.constant 0 : i32
          %dma_wait3A_144 = tpu.memref_slice %arg8[%dma_wait3A_142, %dma_wait3A_143] : memref<10016x128xf32, #tpu.memory_space<vmem_shared>> -> memref<10016x128xf32, #tpu.memory_space<vmem_shared>>
          tpu.wait_indirect_dma semaphore(%run_scoped3A_124 : memref<!tpu.dma_semaphore, #tpu.memory_space<semaphore_mem>>) src(%dma_wait3A_138 : memref<128x128xf32, #tpu.memory_space<vmem>>) dst(%dma_wait3A_144 : memref<10016x128xf32, #tpu.memory_space<vmem_shared>>)
          tpu.yield
        }) : () -> ()
        %lt3A_99 = arith.constant 19 : i32
        %lt3A_100 = arith.cmpi slt, %scan3A_86, %lt3A_99 : i32
        %convert_element_type3A_101 = arith.extui %lt3A_100 : i1 to i32
        %cond3A_102 = arith.constant 0 : i32
        %cond3A_103 = arith.cmpi ne, %convert_element_type3A_101, %cond3A_102 : i32
        scf.if %cond3A_103 {
          %add3A_124 = arith.constant 2 : i32
          %add3A_125 = arith.addi %mul3A_88, %add3A_124 : i32
          %dma_start3A_126 = arith.constant 0 : i32
          %dma_start3A_127 = arith.constant 0 : i32
          %dma_start3A_128 = arith.constant 0 : i32
          %dma_start3A_129 = tpu.memref_slice %arg9[%dma_start3A_126, %dma_start3A_127, %dma_start3A_128] : memref<2x128x128xf32, #tpu.memory_space<vmem>> -> memref<1x128x128xf32, #tpu.memory_space<vmem>>
          %dma_start3A_130 = tpu.memref_squeeze %dma_start3A_129 : memref<1x128x128xf32, #tpu.memory_space<vmem>> -> memref<128x128xf32, #tpu.memory_space<vmem>>
          %dma_start3A_131 = arith.constant 0 : i32
          %dma_start3A_132 = tpu.memref_slice %arg10[%add3A_125, %dma_start3A_131] : memref<40x128xi32, #tpu.memory_space<vmem>> -> memref<1x128xi32, #tpu.memory_space<vmem>>
          %dma_start3A_133 = tpu.memref_squeeze %dma_start3A_132 : memref<1x128xi32, #tpu.memory_space<vmem>> -> memref<128xi32, #tpu.memory_space<vmem>>
          %dma_start3A_134 = arith.constant 0 : i32
          %dma_start3A_135 = arith.constant 0 : i32
          %dma_start3A_136 = tpu.memref_slice %arg2[%dma_start3A_134, %dma_start3A_135] : memref<10000x128xf32, #tpu.memory_space<hbm>> -> memref<10000x128xf32, #tpu.memory_space<hbm>>
          tpu.enqueue_indirect_dma source(%dma_start3A_136 : memref<10000x128xf32, #tpu.memory_space<hbm>>) target(%dma_start3A_130 : memref<128x128xf32, #tpu.memory_space<vmem>>) offsets(%dma_start3A_133 : memref<128xi32, #tpu.memory_space<vmem>>) semaphore(%arg12 : memref<!tpu.dma_semaphore, #tpu.memory_space<semaphore_mem>>)
        } else {
        }
        %add3A = arith.constant 1 : i32
        %add3A_104 = arith.addi %mul3A_88, %add3A : i32
        %dma_wait3A_105 = arith.constant 1 : i32
        %dma_wait3A_106 = arith.constant 0 : i32
        %dma_wait3A_107 = arith.constant 0 : i32
        %dma_wait3A_108 = tpu.memref_slice %arg9[%dma_wait3A_105, %dma_wait3A_106, %dma_wait3A_107] : memref<2x128x128xf32, #tpu.memory_space<vmem>> -> memref<1x128x128xf32, #tpu.memory_space<vmem>>
        %dma_wait3A_109 = tpu.memref_squeeze %dma_wait3A_108 : memref<1x128x128xf32, #tpu.memory_space<vmem>> -> memref<128x128xf32, #tpu.memory_space<vmem>>
        %dma_wait3A_110 = arith.constant 0 : i32
        %dma_wait3A_111 = tpu.memref_slice %arg10[%add3A_104, %dma_wait3A_110] : memref<40x128xi32, #tpu.memory_space<vmem>> -> memref<1x128xi32, #tpu.memory_space<vmem>>
        %dma_wait3A_112 = tpu.memref_squeeze %dma_wait3A_111 : memref<1x128xi32, #tpu.memory_space<vmem>> -> memref<128xi32, #tpu.memory_space<vmem>>
        %dma_wait3A_113 = arith.constant 0 : i32
        %dma_wait3A_114 = arith.constant 0 : i32
        %dma_wait3A_115 = tpu.memref_slice %arg2[%dma_wait3A_113, %dma_wait3A_114] : memref<10000x128xf32, #tpu.memory_space<hbm>> -> memref<10000x128xf32, #tpu.memory_space<hbm>>
        tpu.wait_indirect_dma semaphore(%arg13 : memref<!tpu.dma_semaphore, #tpu.memory_space<semaphore_mem>>) src(%dma_wait3A_115 : memref<10000x128xf32, #tpu.memory_space<hbm>>) dst(%dma_wait3A_109 : memref<128x128xf32, #tpu.memory_space<vmem>>)
        %add3A_116 = arith.constant 1 : i32
        %add3A_117 = arith.addi %mul3A_88, %add3A_116 : i32
        %run_scoped3A_118 = arith.constant 1 : i32
        "tpu.region"() ({
          %run_scoped3A_124 = tpu.sem_alloc : memref<!tpu.dma_semaphore, #tpu.memory_space<semaphore_mem>>
          %dma_start3A_125 = arith.constant 0 : i32
          %dma_start3A_126 = arith.constant 0 : i32
          %dma_start3A_127 = tpu.memref_slice %arg9[%run_scoped3A_118, %dma_start3A_125, %dma_start3A_126] : memref<2x128x128xf32, #tpu.memory_space<vmem>> -> memref<1x128x128xf32, #tpu.memory_space<vmem>>
          %dma_start3A_128 = tpu.memref_squeeze %dma_start3A_127 : memref<1x128x128xf32, #tpu.memory_space<vmem>> -> memref<128x128xf32, #tpu.memory_space<vmem>>
          %dma_start3A_129 = arith.constant 0 : i32
          %dma_start3A_130 = tpu.memref_slice %arg11[%add3A_117, %dma_start3A_129] : memref<40x128xi32, #tpu.memory_space<vmem>> -> memref<1x128xi32, #tpu.memory_space<vmem>>
          %dma_start3A_131 = tpu.memref_squeeze %dma_start3A_130 : memref<1x128xi32, #tpu.memory_space<vmem>> -> memref<128xi32, #tpu.memory_space<vmem>>
          %dma_start3A_132 = arith.constant 0 : i32
          %dma_start3A_133 = arith.constant 0 : i32
          %dma_start3A_134 = tpu.memref_slice %arg8[%dma_start3A_132, %dma_start3A_133] : memref<10016x128xf32, #tpu.memory_space<vmem_shared>> -> memref<10016x128xf32, #tpu.memory_space<vmem_shared>>
          tpu.enqueue_indirect_dma source(%dma_start3A_128 : memref<128x128xf32, #tpu.memory_space<vmem>>) target(%dma_start3A_134 : memref<10016x128xf32, #tpu.memory_space<vmem_shared>>) offsets(%dma_start3A_131 : memref<128xi32, #tpu.memory_space<vmem>>) semaphore(%run_scoped3A_124 : memref<!tpu.dma_semaphore, #tpu.memory_space<semaphore_mem>>) {add = true}
          %dma_wait3A_135 = arith.constant 0 : i32
          %dma_wait3A_136 = arith.constant 0 : i32
          %dma_wait3A_137 = tpu.memref_slice %arg9[%run_scoped3A_118, %dma_wait3A_135, %dma_wait3A_136] : memref<2x128x128xf32, #tpu.memory_space<vmem>> -> memref<1x128x128xf32, #tpu.memory_space<vmem>>
          %dma_wait3A_138 = tpu.memref_squeeze %dma_wait3A_137 : memref<1x128x128xf32, #tpu.memory_space<vmem>> -> memref<128x128xf32, #tpu.memory_space<vmem>>
          %dma_wait3A_139 = arith.constant 0 : i32
          %dma_wait3A_140 = tpu.memref_slice %arg11[%add3A_117, %dma_wait3A_139] : memref<40x128xi32, #tpu.memory_space<vmem>> -> memref<1x128xi32, #tpu.memory_space<vmem>>
          %dma_wait3A_141 = tpu.memref_squeeze %dma_wait3A_140 : memref<1x128xi32, #tpu.memory_space<vmem>> -> memref<128xi32, #tpu.memory_space<vmem>>
          %dma_wait3A_142 = arith.constant 0 : i32
          %dma_wait3A_143 = arith.constant 0 : i32
          %dma_wait3A_144 = tpu.memref_slice %arg8[%dma_wait3A_142, %dma_wait3A_143] : memref<10016x128xf32, #tpu.memory_space<vmem_shared>> -> memref<10016x128xf32, #tpu.memory_space<vmem_shared>>
          tpu.wait_indirect_dma semaphore(%run_scoped3A_124 : memref<!tpu.dma_semaphore, #tpu.memory_space<semaphore_mem>>) src(%dma_wait3A_138 : memref<128x128xf32, #tpu.memory_space<vmem>>) dst(%dma_wait3A_144 : memref<10016x128xf32, #tpu.memory_space<vmem_shared>>)
          tpu.yield
        }) : () -> ()
        %lt3A_119 = arith.constant 19 : i32
        %lt3A_120 = arith.cmpi slt, %scan3A_86, %lt3A_119 : i32
        %convert_element_type3A_121 = arith.extui %lt3A_120 : i1 to i32
        %cond3A_122 = arith.constant 0 : i32
        %cond3A_123 = arith.cmpi ne, %convert_element_type3A_121, %cond3A_122 : i32
        scf.if %cond3A_123 {
          %add3A_124 = arith.constant 3 : i32
          %add3A_125 = arith.addi %mul3A_88, %add3A_124 : i32
          %dma_start3A_126 = arith.constant 1 : i32
          %dma_start3A_127 = arith.constant 0 : i32
          %dma_start3A_128 = arith.constant 0 : i32
          %dma_start3A_129 = tpu.memref_slice %arg9[%dma_start3A_126, %dma_start3A_127, %dma_start3A_128] : memref<2x128x128xf32, #tpu.memory_space<vmem>> -> memref<1x128x128xf32, #tpu.memory_space<vmem>>
          %dma_start3A_130 = tpu.memref_squeeze %dma_start3A_129 : memref<1x128x128xf32, #tpu.memory_space<vmem>> -> memref<128x128xf32, #tpu.memory_space<vmem>>
          %dma_start3A_131 = arith.constant 0 : i32
          %dma_start3A_132 = tpu.memref_slice %arg10[%add3A_125, %dma_start3A_131] : memref<40x128xi32, #tpu.memory_space<vmem>> -> memref<1x128xi32, #tpu.memory_space<vmem>>
          %dma_start3A_133 = tpu.memref_squeeze %dma_start3A_132 : memref<1x128xi32, #tpu.memory_space<vmem>> -> memref<128xi32, #tpu.memory_space<vmem>>
          %dma_start3A_134 = arith.constant 0 : i32
          %dma_start3A_135 = arith.constant 0 : i32
          %dma_start3A_136 = tpu.memref_slice %arg2[%dma_start3A_134, %dma_start3A_135] : memref<10000x128xf32, #tpu.memory_space<hbm>> -> memref<10000x128xf32, #tpu.memory_space<hbm>>
          tpu.enqueue_indirect_dma source(%dma_start3A_136 : memref<10000x128xf32, #tpu.memory_space<hbm>>) target(%dma_start3A_130 : memref<128x128xf32, #tpu.memory_space<vmem>>) offsets(%dma_start3A_133 : memref<128xi32, #tpu.memory_space<vmem>>) semaphore(%arg13 : memref<!tpu.dma_semaphore, #tpu.memory_space<semaphore_mem>>)
        } else {
        }
      }
      %scan3A_74 = arith.constant 20 : i32
      %barrier3A_75 = arith.constant 0 : index
      tpu.barrier barrier_id(%barrier3A_75)
      %lt3A_76 = arith.constant 15 : i32
      %lt3A_77 = arith.cmpi slt, %arg1, %lt3A_76 : i32
      %convert_element_type3A_78 = arith.extui %lt3A_77 : i1 to i32
      %cond3A_79 = arith.constant 0 : i32
      %cond3A_80 = arith.cmpi ne, %convert_element_type3A_78, %cond3A_79 : i32
      scf.if %cond3A_80 {
        "tpu.region"() ({
          %run_scoped3A = tpu.sem_alloc : memref<!tpu.dma_semaphore, #tpu.memory_space<semaphore_mem>>
          %dma_start3A_86 = arith.constant 0 : i32
          %dma_start3A_87 = tpu.memref_slice %arg6[%mul3A_7, %dma_start3A_86] : memref<10000x128xf32, #tpu.memory_space<hbm>> -> memref<632x128xf32, #tpu.memory_space<hbm>>
          %dma_start3A_88 = arith.constant 0 : i32
          %dma_start3A_89 = tpu.memref_slice %arg8[%mul3A_7, %dma_start3A_88] : memref<10016x128xf32, #tpu.memory_space<vmem_shared>> -> memref<632x128xf32, #tpu.memory_space<vmem_shared>>
          tpu.enqueue_dma source(%dma_start3A_89 : memref<632x128xf32, #tpu.memory_space<vmem_shared>>) target(%dma_start3A_87 : memref<632x128xf32, #tpu.memory_space<hbm>>) target_semaphore(%run_scoped3A : memref<!tpu.dma_semaphore, #tpu.memory_space<semaphore_mem>>)
          %dma_wait3A = arith.constant 0 : i32
          %dma_wait3A_90 = tpu.memref_slice %arg6[%mul3A_7, %dma_wait3A] : memref<10000x128xf32, #tpu.memory_space<hbm>> -> memref<632x128xf32, #tpu.memory_space<hbm>>
          %dma_wait3A_91 = arith.constant 0 : i32
          %dma_wait3A_92 = tpu.memref_slice %arg8[%mul3A_7, %dma_wait3A_91] : memref<10016x128xf32, #tpu.memory_space<vmem_shared>> -> memref<632x128xf32, #tpu.memory_space<vmem_shared>>
          tpu.wait_dma2 semaphore(%run_scoped3A : memref<!tpu.dma_semaphore, #tpu.memory_space<semaphore_mem>>) src(%dma_wait3A_92 : memref<632x128xf32, #tpu.memory_space<vmem_shared>>) dst(%dma_wait3A_90 : memref<632x128xf32, #tpu.memory_space<hbm>>)
          tpu.yield
        }) : () -> ()
      } else {
      }
      %eq3A_81 = arith.constant 15 : i32
      %eq3A_82 = arith.cmpi eq, %arg1, %eq3A_81 : i32
      %convert_element_type3A_83 = arith.extui %eq3A_82 : i1 to i32
      %cond3A_84 = arith.constant 0 : i32
      %cond3A_85 = arith.cmpi ne, %convert_element_type3A_83, %cond3A_84 : i32
      scf.if %cond3A_85 {
        "tpu.region"() ({
          %run_scoped3A = tpu.sem_alloc : memref<!tpu.dma_semaphore, #tpu.memory_space<semaphore_mem>>
          %dma_start3A_86 = arith.constant 9480 : i32
          %dma_start3A_87 = arith.constant 0 : i32
          %dma_start3A_88 = tpu.memref_slice %arg6[%dma_start3A_86, %dma_start3A_87] : memref<10000x128xf32, #tpu.memory_space<hbm>> -> memref<520x128xf32, #tpu.memory_space<hbm>>
          %dma_start3A_89 = arith.constant 9480 : i32
          %dma_start3A_90 = arith.constant 0 : i32
          %dma_start3A_91 = tpu.memref_slice %arg8[%dma_start3A_89, %dma_start3A_90] : memref<10016x128xf32, #tpu.memory_space<vmem_shared>> -> memref<520x128xf32, #tpu.memory_space<vmem_shared>>
          tpu.enqueue_dma source(%dma_start3A_91 : memref<520x128xf32, #tpu.memory_space<vmem_shared>>) target(%dma_start3A_88 : memref<520x128xf32, #tpu.memory_space<hbm>>) target_semaphore(%run_scoped3A : memref<!tpu.dma_semaphore, #tpu.memory_space<semaphore_mem>>)
          %dma_wait3A = arith.constant 9480 : i32
          %dma_wait3A_92 = arith.constant 0 : i32
          %dma_wait3A_93 = tpu.memref_slice %arg6[%dma_wait3A, %dma_wait3A_92] : memref<10000x128xf32, #tpu.memory_space<hbm>> -> memref<520x128xf32, #tpu.memory_space<hbm>>
          %dma_wait3A_94 = arith.constant 9480 : i32
          %dma_wait3A_95 = arith.constant 0 : i32
          %dma_wait3A_96 = tpu.memref_slice %arg8[%dma_wait3A_94, %dma_wait3A_95] : memref<10016x128xf32, #tpu.memory_space<vmem_shared>> -> memref<520x128xf32, #tpu.memory_space<vmem_shared>>
          tpu.wait_dma2 semaphore(%run_scoped3A : memref<!tpu.dma_semaphore, #tpu.memory_space<semaphore_mem>>) src(%dma_wait3A_96 : memref<520x128xf32, #tpu.memory_space<vmem_shared>>) dst(%dma_wait3A_93 : memref<520x128xf32, #tpu.memory_space<hbm>>)
          tpu.yield
        }) : () -> ()
      } else {
      }
    } else {
    }
    %eq3A_2 = arith.constant 1 : i32
    %eq3A_3 = arith.cmpi eq, %arg0, %eq3A_2 : i32
    %convert_element_type3A_4 = arith.extui %eq3A_3 : i1 to i32
    %cond3A_5 = arith.constant 0 : i32
    %cond3A_6 = arith.cmpi ne, %convert_element_type3A_4, %cond3A_5 : i32
    scf.if %cond3A_6 {
      %mul3A = arith.constant 632 : i32
      %mul3A_7 = arith.muli %arg1, %mul3A : i32
      %lt3A = arith.constant 15 : i32
      %lt3A_8 = arith.cmpi slt, %arg1, %lt3A : i32
      %convert_element_type3A_9 = arith.extui %lt3A_8 : i1 to i32
      %cond3A_10 = arith.constant 0 : i32
      %cond3A_11 = arith.cmpi ne, %convert_element_type3A_9, %cond3A_10 : i32
      scf.if %cond3A_11 {
        "tpu.region"() ({
          %run_scoped3A = tpu.sem_alloc : memref<!tpu.dma_semaphore, #tpu.memory_space<semaphore_mem>>
          %dma_start3A_86 = arith.constant 0 : i32
          %dma_start3A_87 = tpu.memref_slice %arg8[%mul3A_7, %dma_start3A_86] : memref<10016x128xf32, #tpu.memory_space<vmem_shared>> -> memref<632x128xf32, #tpu.memory_space<vmem_shared>>
          %dma_start3A_88 = arith.constant 0 : i32
          %dma_start3A_89 = tpu.memref_slice %arg3[%mul3A_7, %dma_start3A_88] : memref<10000x128xf32, #tpu.memory_space<hbm>> -> memref<632x128xf32, #tpu.memory_space<hbm>>
          tpu.enqueue_dma source(%dma_start3A_89 : memref<632x128xf32, #tpu.memory_space<hbm>>) target(%dma_start3A_87 : memref<632x128xf32, #tpu.memory_space<vmem_shared>>) target_semaphore(%run_scoped3A : memref<!tpu.dma_semaphore, #tpu.memory_space<semaphore_mem>>)
          %dma_wait3A = arith.constant 0 : i32
          %dma_wait3A_90 = tpu.memref_slice %arg8[%mul3A_7, %dma_wait3A] : memref<10016x128xf32, #tpu.memory_space<vmem_shared>> -> memref<632x128xf32, #tpu.memory_space<vmem_shared>>
          %dma_wait3A_91 = arith.constant 0 : i32
          %dma_wait3A_92 = tpu.memref_slice %arg3[%mul3A_7, %dma_wait3A_91] : memref<10000x128xf32, #tpu.memory_space<hbm>> -> memref<632x128xf32, #tpu.memory_space<hbm>>
          tpu.wait_dma2 semaphore(%run_scoped3A : memref<!tpu.dma_semaphore, #tpu.memory_space<semaphore_mem>>) src(%dma_wait3A_92 : memref<632x128xf32, #tpu.memory_space<hbm>>) dst(%dma_wait3A_90 : memref<632x128xf32, #tpu.memory_space<vmem_shared>>)
          tpu.yield
        }) : () -> ()
      } else {
      }
      %eq3A_12 = arith.constant 15 : i32
      %eq3A_13 = arith.cmpi eq, %arg1, %eq3A_12 : i32
      %convert_element_type3A_14 = arith.extui %eq3A_13 : i1 to i32
      %cond3A_15 = arith.constant 0 : i32
      %cond3A_16 = arith.cmpi ne, %convert_element_type3A_14, %cond3A_15 : i32
      scf.if %cond3A_16 {
        "tpu.region"() ({
          %run_scoped3A = tpu.sem_alloc : memref<!tpu.dma_semaphore, #tpu.memory_space<semaphore_mem>>
          %dma_start3A_86 = arith.constant 9480 : i32
          %dma_start3A_87 = arith.constant 0 : i32
          %dma_start3A_88 = tpu.memref_slice %arg8[%dma_start3A_86, %dma_start3A_87] : memref<10016x128xf32, #tpu.memory_space<vmem_shared>> -> memref<520x128xf32, #tpu.memory_space<vmem_shared>>
          %dma_start3A_89 = arith.constant 9480 : i32
          %dma_start3A_90 = arith.constant 0 : i32
          %dma_start3A_91 = tpu.memref_slice %arg3[%dma_start3A_89, %dma_start3A_90] : memref<10000x128xf32, #tpu.memory_space<hbm>> -> memref<520x128xf32, #tpu.memory_space<hbm>>
          tpu.enqueue_dma source(%dma_start3A_91 : memref<520x128xf32, #tpu.memory_space<hbm>>) target(%dma_start3A_88 : memref<520x128xf32, #tpu.memory_space<vmem_shared>>) target_semaphore(%run_scoped3A : memref<!tpu.dma_semaphore, #tpu.memory_space<semaphore_mem>>)
          %dma_wait3A = arith.constant 9480 : i32
          %dma_wait3A_92 = arith.constant 0 : i32
          %dma_wait3A_93 = tpu.memref_slice %arg8[%dma_wait3A, %dma_wait3A_92] : memref<10016x128xf32, #tpu.memory_space<vmem_shared>> -> memref<520x128xf32, #tpu.memory_space<vmem_shared>>
          %dma_wait3A_94 = arith.constant 9480 : i32
          %dma_wait3A_95 = arith.constant 0 : i32
          %dma_wait3A_96 = tpu.memref_slice %arg3[%dma_wait3A_94, %dma_wait3A_95] : memref<10000x128xf32, #tpu.memory_space<hbm>> -> memref<520x128xf32, #tpu.memory_space<hbm>>
          tpu.wait_dma2 semaphore(%run_scoped3A : memref<!tpu.dma_semaphore, #tpu.memory_space<semaphore_mem>>) src(%dma_wait3A_96 : memref<520x128xf32, #tpu.memory_space<hbm>>) dst(%dma_wait3A_93 : memref<520x128xf32, #tpu.memory_space<vmem_shared>>)
          tpu.yield
        }) : () -> ()
      } else {
      }
      %barrier3A = arith.constant 0 : index
      tpu.barrier barrier_id(%barrier3A)
      "tpu.region"() ({
        %run_scoped3A = tpu.sem_alloc : memref<!tpu.dma_semaphore, #tpu.memory_space<semaphore_mem>>
        %dma_start3A_86 = arith.constant 0 : i32
        %dma_start3A_87 = arith.constant 0 : i32
        %dma_start3A_88 = tpu.memref_slice %arg4[%arg1, %dma_start3A_86, %dma_start3A_87] : memref<16x80x128xi32, #tpu.memory_space<hbm>> -> memref<1x40x128xi32, #tpu.memory_space<hbm>>
        %dma_start3A_89 = tpu.memref_squeeze %dma_start3A_88 : memref<1x40x128xi32, #tpu.memory_space<hbm>> -> memref<40x128xi32, #tpu.memory_space<hbm>>
        %dma_start3A_90 = arith.constant 0 : i32
        %dma_start3A_91 = arith.constant 0 : i32
        %dma_start3A_92 = tpu.memref_slice %arg4[%arg1, %dma_start3A_90, %dma_start3A_91] : memref<16x80x128xi32, #tpu.memory_space<hbm>> -> memref<1x40x128xi32, #tpu.memory_space<hbm>>
        %dma_start3A_93 = tpu.memref_squeeze %dma_start3A_92 : memref<1x40x128xi32, #tpu.memory_space<hbm>> -> memref<40x128xi32, #tpu.memory_space<hbm>>
        tpu.enqueue_dma source(%dma_start3A_93 : memref<40x128xi32, #tpu.memory_space<hbm>>) target(%arg10 : memref<40x128xi32, #tpu.memory_space<vmem>>) target_semaphore(%run_scoped3A : memref<!tpu.dma_semaphore, #tpu.memory_space<semaphore_mem>>)
        %dma_wait3A = arith.constant 0 : i32
        %dma_wait3A_94 = arith.constant 0 : i32
        %dma_wait3A_95 = tpu.memref_slice %arg4[%arg1, %dma_wait3A, %dma_wait3A_94] : memref<16x80x128xi32, #tpu.memory_space<hbm>> -> memref<1x40x128xi32, #tpu.memory_space<hbm>>
        %dma_wait3A_96 = tpu.memref_squeeze %dma_wait3A_95 : memref<1x40x128xi32, #tpu.memory_space<hbm>> -> memref<40x128xi32, #tpu.memory_space<hbm>>
        %dma_wait3A_97 = arith.constant 0 : i32
        %dma_wait3A_98 = arith.constant 0 : i32
        %dma_wait3A_99 = tpu.memref_slice %arg4[%arg1, %dma_wait3A_97, %dma_wait3A_98] : memref<16x80x128xi32, #tpu.memory_space<hbm>> -> memref<1x40x128xi32, #tpu.memory_space<hbm>>
        %dma_wait3A_100 = tpu.memref_squeeze %dma_wait3A_99 : memref<1x40x128xi32, #tpu.memory_space<hbm>> -> memref<40x128xi32, #tpu.memory_space<hbm>>
        tpu.wait_dma2 semaphore(%run_scoped3A : memref<!tpu.dma_semaphore, #tpu.memory_space<semaphore_mem>>) src(%dma_wait3A_100 : memref<40x128xi32, #tpu.memory_space<hbm>>) dst(%arg10 : memref<40x128xi32, #tpu.memory_space<vmem>>)
        tpu.yield
      }) : () -> ()
      "tpu.region"() ({
        %run_scoped3A = tpu.sem_alloc : memref<!tpu.dma_semaphore, #tpu.memory_space<semaphore_mem>>
        %dma_start3A_86 = arith.constant 0 : i32
        %dma_start3A_87 = arith.constant 0 : i32
        %dma_start3A_88 = tpu.memref_slice %arg5[%arg1, %dma_start3A_86, %dma_start3A_87] : memref<16x80x128xi32, #tpu.memory_space<hbm>> -> memref<1x40x128xi32, #tpu.memory_space<hbm>>
        %dma_start3A_89 = tpu.memref_squeeze %dma_start3A_88 : memref<1x40x128xi32, #tpu.memory_space<hbm>> -> memref<40x128xi32, #tpu.memory_space<hbm>>
        %dma_start3A_90 = arith.constant 0 : i32
        %dma_start3A_91 = arith.constant 0 : i32
        %dma_start3A_92 = tpu.memref_slice %arg5[%arg1, %dma_start3A_90, %dma_start3A_91] : memref<16x80x128xi32, #tpu.memory_space<hbm>> -> memref<1x40x128xi32, #tpu.memory_space<hbm>>
        %dma_start3A_93 = tpu.memref_squeeze %dma_start3A_92 : memref<1x40x128xi32, #tpu.memory_space<hbm>> -> memref<40x128xi32, #tpu.memory_space<hbm>>
        tpu.enqueue_dma source(%dma_start3A_93 : memref<40x128xi32, #tpu.memory_space<hbm>>) target(%arg11 : memref<40x128xi32, #tpu.memory_space<vmem>>) target_semaphore(%run_scoped3A : memref<!tpu.dma_semaphore, #tpu.memory_space<semaphore_mem>>)
        %dma_wait3A = arith.constant 0 : i32
        %dma_wait3A_94 = arith.constant 0 : i32
        %dma_wait3A_95 = tpu.memref_slice %arg5[%arg1, %dma_wait3A, %dma_wait3A_94] : memref<16x80x128xi32, #tpu.memory_space<hbm>> -> memref<1x40x128xi32, #tpu.memory_space<hbm>>
        %dma_wait3A_96 = tpu.memref_squeeze %dma_wait3A_95 : memref<1x40x128xi32, #tpu.memory_space<hbm>> -> memref<40x128xi32, #tpu.memory_space<hbm>>
        %dma_wait3A_97 = arith.constant 0 : i32
        %dma_wait3A_98 = arith.constant 0 : i32
        %dma_wait3A_99 = tpu.memref_slice %arg5[%arg1, %dma_wait3A_97, %dma_wait3A_98] : memref<16x80x128xi32, #tpu.memory_space<hbm>> -> memref<1x40x128xi32, #tpu.memory_space<hbm>>
        %dma_wait3A_100 = tpu.memref_squeeze %dma_wait3A_99 : memref<1x40x128xi32, #tpu.memory_space<hbm>> -> memref<40x128xi32, #tpu.memory_space<hbm>>
        tpu.wait_dma2 semaphore(%run_scoped3A : memref<!tpu.dma_semaphore, #tpu.memory_space<semaphore_mem>>) src(%dma_wait3A_100 : memref<40x128xi32, #tpu.memory_space<hbm>>) dst(%arg11 : memref<40x128xi32, #tpu.memory_space<vmem>>)
        tpu.yield
      }) : () -> ()
      %dma_start3A = arith.constant 0 : i32
      %dma_start3A_17 = arith.constant 0 : i32
      %dma_start3A_18 = arith.constant 0 : i32
      %dma_start3A_19 = arith.constant 0 : i32
      %dma_start3A_20 = tpu.memref_slice %arg9[%dma_start3A_17, %dma_start3A_18, %dma_start3A_19] : memref<2x128x128xf32, #tpu.memory_space<vmem>> -> memref<1x128x128xf32, #tpu.memory_space<vmem>>
      %dma_start3A_21 = tpu.memref_squeeze %dma_start3A_20 : memref<1x128x128xf32, #tpu.memory_space<vmem>> -> memref<128x128xf32, #tpu.memory_space<vmem>>
      %dma_start3A_22 = arith.constant 0 : i32
      %dma_start3A_23 = tpu.memref_slice %arg10[%dma_start3A, %dma_start3A_22] : memref<40x128xi32, #tpu.memory_space<vmem>> -> memref<1x128xi32, #tpu.memory_space<vmem>>
      %dma_start3A_24 = tpu.memref_squeeze %dma_start3A_23 : memref<1x128xi32, #tpu.memory_space<vmem>> -> memref<128xi32, #tpu.memory_space<vmem>>
      %dma_start3A_25 = arith.constant 0 : i32
      %dma_start3A_26 = arith.constant 0 : i32
      %dma_start3A_27 = tpu.memref_slice %arg3[%dma_start3A_25, %dma_start3A_26] : memref<10000x128xf32, #tpu.memory_space<hbm>> -> memref<10000x128xf32, #tpu.memory_space<hbm>>
      tpu.enqueue_indirect_dma source(%dma_start3A_27 : memref<10000x128xf32, #tpu.memory_space<hbm>>) target(%dma_start3A_21 : memref<128x128xf32, #tpu.memory_space<vmem>>) offsets(%dma_start3A_24 : memref<128xi32, #tpu.memory_space<vmem>>) semaphore(%arg12 : memref<!tpu.dma_semaphore, #tpu.memory_space<semaphore_mem>>)
      %dma_start3A_28 = arith.constant 1 : i32
      %dma_start3A_29 = arith.constant 1 : i32
      %dma_start3A_30 = arith.constant 0 : i32
      %dma_start3A_31 = arith.constant 0 : i32
      %dma_start3A_32 = tpu.memref_slice %arg9[%dma_start3A_29, %dma_start3A_30, %dma_start3A_31] : memref<2x128x128xf32, #tpu.memory_space<vmem>> -> memref<1x128x128xf32, #tpu.memory_space<vmem>>
      %dma_start3A_33 = tpu.memref_squeeze %dma_start3A_32 : memref<1x128x128xf32, #tpu.memory_space<vmem>> -> memref<128x128xf32, #tpu.memory_space<vmem>>
      %dma_start3A_34 = arith.constant 0 : i32
      %dma_start3A_35 = tpu.memref_slice %arg10[%dma_start3A_28, %dma_start3A_34] : memref<40x128xi32, #tpu.memory_space<vmem>> -> memref<1x128xi32, #tpu.memory_space<vmem>>
      %dma_start3A_36 = tpu.memref_squeeze %dma_start3A_35 : memref<1x128xi32, #tpu.memory_space<vmem>> -> memref<128xi32, #tpu.memory_space<vmem>>
      %dma_start3A_37 = arith.constant 0 : i32
      %dma_start3A_38 = arith.constant 0 : i32
      %dma_start3A_39 = tpu.memref_slice %arg3[%dma_start3A_37, %dma_start3A_38] : memref<10000x128xf32, #tpu.memory_space<hbm>> -> memref<10000x128xf32, #tpu.memory_space<hbm>>
      tpu.enqueue_indirect_dma source(%dma_start3A_39 : memref<10000x128xf32, #tpu.memory_space<hbm>>) target(%dma_start3A_33 : memref<128x128xf32, #tpu.memory_space<vmem>>) offsets(%dma_start3A_36 : memref<128xi32, #tpu.memory_space<vmem>>) semaphore(%arg13 : memref<!tpu.dma_semaphore, #tpu.memory_space<semaphore_mem>>)
      %scan3A = arith.constant 0 : i32
      %scan3A_40 = arith.constant 0 : i32
      %scan3A_41 = arith.constant 20 : i32
      %scan3A_42 = arith.addi %scan3A_40, %scan3A_41 : i32
      %scan3A_43 = arith.constant 1 : i32
      scf.for %scan3A_86 = %scan3A_40 to %scan3A_42 step %scan3A_43  : i32 {
        %mul3A_87 = arith.constant 2 : i32
        %mul3A_88 = arith.muli %mul3A_87, %scan3A_86 : i32
        %dma_wait3A = arith.constant 0 : i32
        %dma_wait3A_89 = arith.constant 0 : i32
        %dma_wait3A_90 = arith.constant 0 : i32
        %dma_wait3A_91 = tpu.memref_slice %arg9[%dma_wait3A, %dma_wait3A_89, %dma_wait3A_90] : memref<2x128x128xf32, #tpu.memory_space<vmem>> -> memref<1x128x128xf32, #tpu.memory_space<vmem>>
        %dma_wait3A_92 = tpu.memref_squeeze %dma_wait3A_91 : memref<1x128x128xf32, #tpu.memory_space<vmem>> -> memref<128x128xf32, #tpu.memory_space<vmem>>
        %dma_wait3A_93 = arith.constant 0 : i32
        %dma_wait3A_94 = tpu.memref_slice %arg10[%mul3A_88, %dma_wait3A_93] : memref<40x128xi32, #tpu.memory_space<vmem>> -> memref<1x128xi32, #tpu.memory_space<vmem>>
        %dma_wait3A_95 = tpu.memref_squeeze %dma_wait3A_94 : memref<1x128xi32, #tpu.memory_space<vmem>> -> memref<128xi32, #tpu.memory_space<vmem>>
        %dma_wait3A_96 = arith.constant 0 : i32
        %dma_wait3A_97 = arith.constant 0 : i32
        %dma_wait3A_98 = tpu.memref_slice %arg3[%dma_wait3A_96, %dma_wait3A_97] : memref<10000x128xf32, #tpu.memory_space<hbm>> -> memref<10000x128xf32, #tpu.memory_space<hbm>>
        tpu.wait_indirect_dma semaphore(%arg12 : memref<!tpu.dma_semaphore, #tpu.memory_space<semaphore_mem>>) src(%dma_wait3A_98 : memref<10000x128xf32, #tpu.memory_space<hbm>>) dst(%dma_wait3A_92 : memref<128x128xf32, #tpu.memory_space<vmem>>)
        %run_scoped3A = arith.constant 0 : i32
        "tpu.region"() ({
          %run_scoped3A_124 = tpu.sem_alloc : memref<!tpu.dma_semaphore, #tpu.memory_space<semaphore_mem>>
          %dma_start3A_125 = arith.constant 0 : i32
          %dma_start3A_126 = arith.constant 0 : i32
          %dma_start3A_127 = tpu.memref_slice %arg9[%run_scoped3A, %dma_start3A_125, %dma_start3A_126] : memref<2x128x128xf32, #tpu.memory_space<vmem>> -> memref<1x128x128xf32, #tpu.memory_space<vmem>>
          %dma_start3A_128 = tpu.memref_squeeze %dma_start3A_127 : memref<1x128x128xf32, #tpu.memory_space<vmem>> -> memref<128x128xf32, #tpu.memory_space<vmem>>
          %dma_start3A_129 = arith.constant 0 : i32
          %dma_start3A_130 = tpu.memref_slice %arg11[%mul3A_88, %dma_start3A_129] : memref<40x128xi32, #tpu.memory_space<vmem>> -> memref<1x128xi32, #tpu.memory_space<vmem>>
          %dma_start3A_131 = tpu.memref_squeeze %dma_start3A_130 : memref<1x128xi32, #tpu.memory_space<vmem>> -> memref<128xi32, #tpu.memory_space<vmem>>
          %dma_start3A_132 = arith.constant 0 : i32
          %dma_start3A_133 = arith.constant 0 : i32
          %dma_start3A_134 = tpu.memref_slice %arg8[%dma_start3A_132, %dma_start3A_133] : memref<10016x128xf32, #tpu.memory_space<vmem_shared>> -> memref<10016x128xf32, #tpu.memory_space<vmem_shared>>
          tpu.enqueue_indirect_dma source(%dma_start3A_128 : memref<128x128xf32, #tpu.memory_space<vmem>>) target(%dma_start3A_134 : memref<10016x128xf32, #tpu.memory_space<vmem_shared>>) offsets(%dma_start3A_131 : memref<128xi32, #tpu.memory_space<vmem>>) semaphore(%run_scoped3A_124 : memref<!tpu.dma_semaphore, #tpu.memory_space<semaphore_mem>>) {add = true}
          %dma_wait3A_135 = arith.constant 0 : i32
          %dma_wait3A_136 = arith.constant 0 : i32
          %dma_wait3A_137 = tpu.memref_slice %arg9[%run_scoped3A, %dma_wait3A_135, %dma_wait3A_136] : memref<2x128x128xf32, #tpu.memory_space<vmem>> -> memref<1x128x128xf32, #tpu.memory_space<vmem>>
          %dma_wait3A_138 = tpu.memref_squeeze %dma_wait3A_137 : memref<1x128x128xf32, #tpu.memory_space<vmem>> -> memref<128x128xf32, #tpu.memory_space<vmem>>
          %dma_wait3A_139 = arith.constant 0 : i32
          %dma_wait3A_140 = tpu.memref_slice %arg11[%mul3A_88, %dma_wait3A_139] : memref<40x128xi32, #tpu.memory_space<vmem>> -> memref<1x128xi32, #tpu.memory_space<vmem>>
          %dma_wait3A_141 = tpu.memref_squeeze %dma_wait3A_140 : memref<1x128xi32, #tpu.memory_space<vmem>> -> memref<128xi32, #tpu.memory_space<vmem>>
          %dma_wait3A_142 = arith.constant 0 : i32
          %dma_wait3A_143 = arith.constant 0 : i32
          %dma_wait3A_144 = tpu.memref_slice %arg8[%dma_wait3A_142, %dma_wait3A_143] : memref<10016x128xf32, #tpu.memory_space<vmem_shared>> -> memref<10016x128xf32, #tpu.memory_space<vmem_shared>>
          tpu.wait_indirect_dma semaphore(%run_scoped3A_124 : memref<!tpu.dma_semaphore, #tpu.memory_space<semaphore_mem>>) src(%dma_wait3A_138 : memref<128x128xf32, #tpu.memory_space<vmem>>) dst(%dma_wait3A_144 : memref<10016x128xf32, #tpu.memory_space<vmem_shared>>)
          tpu.yield
        }) : () -> ()
        %lt3A_99 = arith.constant 19 : i32
        %lt3A_100 = arith.cmpi slt, %scan3A_86, %lt3A_99 : i32
        %convert_element_type3A_101 = arith.extui %lt3A_100 : i1 to i32
        %cond3A_102 = arith.constant 0 : i32
        %cond3A_103 = arith.cmpi ne, %convert_element_type3A_101, %cond3A_102 : i32
        scf.if %cond3A_103 {
          %add3A_124 = arith.constant 2 : i32
          %add3A_125 = arith.addi %mul3A_88, %add3A_124 : i32
          %dma_start3A_126 = arith.constant 0 : i32
          %dma_start3A_127 = arith.constant 0 : i32
          %dma_start3A_128 = arith.constant 0 : i32
          %dma_start3A_129 = tpu.memref_slice %arg9[%dma_start3A_126, %dma_start3A_127, %dma_start3A_128] : memref<2x128x128xf32, #tpu.memory_space<vmem>> -> memref<1x128x128xf32, #tpu.memory_space<vmem>>
          %dma_start3A_130 = tpu.memref_squeeze %dma_start3A_129 : memref<1x128x128xf32, #tpu.memory_space<vmem>> -> memref<128x128xf32, #tpu.memory_space<vmem>>
          %dma_start3A_131 = arith.constant 0 : i32
          %dma_start3A_132 = tpu.memref_slice %arg10[%add3A_125, %dma_start3A_131] : memref<40x128xi32, #tpu.memory_space<vmem>> -> memref<1x128xi32, #tpu.memory_space<vmem>>
          %dma_start3A_133 = tpu.memref_squeeze %dma_start3A_132 : memref<1x128xi32, #tpu.memory_space<vmem>> -> memref<128xi32, #tpu.memory_space<vmem>>
          %dma_start3A_134 = arith.constant 0 : i32
          %dma_start3A_135 = arith.constant 0 : i32
          %dma_start3A_136 = tpu.memref_slice %arg3[%dma_start3A_134, %dma_start3A_135] : memref<10000x128xf32, #tpu.memory_space<hbm>> -> memref<10000x128xf32, #tpu.memory_space<hbm>>
          tpu.enqueue_indirect_dma source(%dma_start3A_136 : memref<10000x128xf32, #tpu.memory_space<hbm>>) target(%dma_start3A_130 : memref<128x128xf32, #tpu.memory_space<vmem>>) offsets(%dma_start3A_133 : memref<128xi32, #tpu.memory_space<vmem>>) semaphore(%arg12 : memref<!tpu.dma_semaphore, #tpu.memory_space<semaphore_mem>>)
        } else {
        }
        %add3A = arith.constant 1 : i32
        %add3A_104 = arith.addi %mul3A_88, %add3A : i32
        %dma_wait3A_105 = arith.constant 1 : i32
        %dma_wait3A_106 = arith.constant 0 : i32
        %dma_wait3A_107 = arith.constant 0 : i32
        %dma_wait3A_108 = tpu.memref_slice %arg9[%dma_wait3A_105, %dma_wait3A_106, %dma_wait3A_107] : memref<2x128x128xf32, #tpu.memory_space<vmem>> -> memref<1x128x128xf32, #tpu.memory_space<vmem>>
        %dma_wait3A_109 = tpu.memref_squeeze %dma_wait3A_108 : memref<1x128x128xf32, #tpu.memory_space<vmem>> -> memref<128x128xf32, #tpu.memory_space<vmem>>
        %dma_wait3A_110 = arith.constant 0 : i32
        %dma_wait3A_111 = tpu.memref_slice %arg10[%add3A_104, %dma_wait3A_110] : memref<40x128xi32, #tpu.memory_space<vmem>> -> memref<1x128xi32, #tpu.memory_space<vmem>>
        %dma_wait3A_112 = tpu.memref_squeeze %dma_wait3A_111 : memref<1x128xi32, #tpu.memory_space<vmem>> -> memref<128xi32, #tpu.memory_space<vmem>>
        %dma_wait3A_113 = arith.constant 0 : i32
        %dma_wait3A_114 = arith.constant 0 : i32
        %dma_wait3A_115 = tpu.memref_slice %arg3[%dma_wait3A_113, %dma_wait3A_114] : memref<10000x128xf32, #tpu.memory_space<hbm>> -> memref<10000x128xf32, #tpu.memory_space<hbm>>
        tpu.wait_indirect_dma semaphore(%arg13 : memref<!tpu.dma_semaphore, #tpu.memory_space<semaphore_mem>>) src(%dma_wait3A_115 : memref<10000x128xf32, #tpu.memory_space<hbm>>) dst(%dma_wait3A_109 : memref<128x128xf32, #tpu.memory_space<vmem>>)
        %add3A_116 = arith.constant 1 : i32
        %add3A_117 = arith.addi %mul3A_88, %add3A_116 : i32
        %run_scoped3A_118 = arith.constant 1 : i32
        "tpu.region"() ({
          %run_scoped3A_124 = tpu.sem_alloc : memref<!tpu.dma_semaphore, #tpu.memory_space<semaphore_mem>>
          %dma_start3A_125 = arith.constant 0 : i32
          %dma_start3A_126 = arith.constant 0 : i32
          %dma_start3A_127 = tpu.memref_slice %arg9[%run_scoped3A_118, %dma_start3A_125, %dma_start3A_126] : memref<2x128x128xf32, #tpu.memory_space<vmem>> -> memref<1x128x128xf32, #tpu.memory_space<vmem>>
          %dma_start3A_128 = tpu.memref_squeeze %dma_start3A_127 : memref<1x128x128xf32, #tpu.memory_space<vmem>> -> memref<128x128xf32, #tpu.memory_space<vmem>>
          %dma_start3A_129 = arith.constant 0 : i32
          %dma_start3A_130 = tpu.memref_slice %arg11[%add3A_117, %dma_start3A_129] : memref<40x128xi32, #tpu.memory_space<vmem>> -> memref<1x128xi32, #tpu.memory_space<vmem>>
          %dma_start3A_131 = tpu.memref_squeeze %dma_start3A_130 : memref<1x128xi32, #tpu.memory_space<vmem>> -> memref<128xi32, #tpu.memory_space<vmem>>
          %dma_start3A_132 = arith.constant 0 : i32
          %dma_start3A_133 = arith.constant 0 : i32
          %dma_start3A_134 = tpu.memref_slice %arg8[%dma_start3A_132, %dma_start3A_133] : memref<10016x128xf32, #tpu.memory_space<vmem_shared>> -> memref<10016x128xf32, #tpu.memory_space<vmem_shared>>
          tpu.enqueue_indirect_dma source(%dma_start3A_128 : memref<128x128xf32, #tpu.memory_space<vmem>>) target(%dma_start3A_134 : memref<10016x128xf32, #tpu.memory_space<vmem_shared>>) offsets(%dma_start3A_131 : memref<128xi32, #tpu.memory_space<vmem>>) semaphore(%run_scoped3A_124 : memref<!tpu.dma_semaphore, #tpu.memory_space<semaphore_mem>>) {add = true}
          %dma_wait3A_135 = arith.constant 0 : i32
          %dma_wait3A_136 = arith.constant 0 : i32
          %dma_wait3A_137 = tpu.memref_slice %arg9[%run_scoped3A_118, %dma_wait3A_135, %dma_wait3A_136] : memref<2x128x128xf32, #tpu.memory_space<vmem>> -> memref<1x128x128xf32, #tpu.memory_space<vmem>>
          %dma_wait3A_138 = tpu.memref_squeeze %dma_wait3A_137 : memref<1x128x128xf32, #tpu.memory_space<vmem>> -> memref<128x128xf32, #tpu.memory_space<vmem>>
          %dma_wait3A_139 = arith.constant 0 : i32
          %dma_wait3A_140 = tpu.memref_slice %arg11[%add3A_117, %dma_wait3A_139] : memref<40x128xi32, #tpu.memory_space<vmem>> -> memref<1x128xi32, #tpu.memory_space<vmem>>
          %dma_wait3A_141 = tpu.memref_squeeze %dma_wait3A_140 : memref<1x128xi32, #tpu.memory_space<vmem>> -> memref<128xi32, #tpu.memory_space<vmem>>
          %dma_wait3A_142 = arith.constant 0 : i32
          %dma_wait3A_143 = arith.constant 0 : i32
          %dma_wait3A_144 = tpu.memref_slice %arg8[%dma_wait3A_142, %dma_wait3A_143] : memref<10016x128xf32, #tpu.memory_space<vmem_shared>> -> memref<10016x128xf32, #tpu.memory_space<vmem_shared>>
          tpu.wait_indirect_dma semaphore(%run_scoped3A_124 : memref<!tpu.dma_semaphore, #tpu.memory_space<semaphore_mem>>) src(%dma_wait3A_138 : memref<128x128xf32, #tpu.memory_space<vmem>>) dst(%dma_wait3A_144 : memref<10016x128xf32, #tpu.memory_space<vmem_shared>>)
          tpu.yield
        }) : () -> ()
        %lt3A_119 = arith.constant 19 : i32
        %lt3A_120 = arith.cmpi slt, %scan3A_86, %lt3A_119 : i32
        %convert_element_type3A_121 = arith.extui %lt3A_120 : i1 to i32
        %cond3A_122 = arith.constant 0 : i32
        %cond3A_123 = arith.cmpi ne, %convert_element_type3A_121, %cond3A_122 : i32
        scf.if %cond3A_123 {
          %add3A_124 = arith.constant 3 : i32
          %add3A_125 = arith.addi %mul3A_88, %add3A_124 : i32
          %dma_start3A_126 = arith.constant 1 : i32
          %dma_start3A_127 = arith.constant 0 : i32
          %dma_start3A_128 = arith.constant 0 : i32
          %dma_start3A_129 = tpu.memref_slice %arg9[%dma_start3A_126, %dma_start3A_127, %dma_start3A_128] : memref<2x128x128xf32, #tpu.memory_space<vmem>> -> memref<1x128x128xf32, #tpu.memory_space<vmem>>
          %dma_start3A_130 = tpu.memref_squeeze %dma_start3A_129 : memref<1x128x128xf32, #tpu.memory_space<vmem>> -> memref<128x128xf32, #tpu.memory_space<vmem>>
          %dma_start3A_131 = arith.constant 0 : i32
          %dma_start3A_132 = tpu.memref_slice %arg10[%add3A_125, %dma_start3A_131] : memref<40x128xi32, #tpu.memory_space<vmem>> -> memref<1x128xi32, #tpu.memory_space<vmem>>
          %dma_start3A_133 = tpu.memref_squeeze %dma_start3A_132 : memref<1x128xi32, #tpu.memory_space<vmem>> -> memref<128xi32, #tpu.memory_space<vmem>>
          %dma_start3A_134 = arith.constant 0 : i32
          %dma_start3A_135 = arith.constant 0 : i32
          %dma_start3A_136 = tpu.memref_slice %arg3[%dma_start3A_134, %dma_start3A_135] : memref<10000x128xf32, #tpu.memory_space<hbm>> -> memref<10000x128xf32, #tpu.memory_space<hbm>>
          tpu.enqueue_indirect_dma source(%dma_start3A_136 : memref<10000x128xf32, #tpu.memory_space<hbm>>) target(%dma_start3A_130 : memref<128x128xf32, #tpu.memory_space<vmem>>) offsets(%dma_start3A_133 : memref<128xi32, #tpu.memory_space<vmem>>) semaphore(%arg13 : memref<!tpu.dma_semaphore, #tpu.memory_space<semaphore_mem>>)
        } else {
        }
      }
      %scan3A_44 = arith.constant 20 : i32
      "tpu.region"() ({
        %run_scoped3A = tpu.sem_alloc : memref<!tpu.dma_semaphore, #tpu.memory_space<semaphore_mem>>
        %dma_start3A_86 = arith.constant 40 : i32
        %dma_start3A_87 = arith.constant 0 : i32
        %dma_start3A_88 = tpu.memref_slice %arg4[%arg1, %dma_start3A_86, %dma_start3A_87] : memref<16x80x128xi32, #tpu.memory_space<hbm>> -> memref<1x40x128xi32, #tpu.memory_space<hbm>>
        %dma_start3A_89 = tpu.memref_squeeze %dma_start3A_88 : memref<1x40x128xi32, #tpu.memory_space<hbm>> -> memref<40x128xi32, #tpu.memory_space<hbm>>
        %dma_start3A_90 = arith.constant 40 : i32
        %dma_start3A_91 = arith.constant 0 : i32
        %dma_start3A_92 = tpu.memref_slice %arg4[%arg1, %dma_start3A_90, %dma_start3A_91] : memref<16x80x128xi32, #tpu.memory_space<hbm>> -> memref<1x40x128xi32, #tpu.memory_space<hbm>>
        %dma_start3A_93 = tpu.memref_squeeze %dma_start3A_92 : memref<1x40x128xi32, #tpu.memory_space<hbm>> -> memref<40x128xi32, #tpu.memory_space<hbm>>
        tpu.enqueue_dma source(%dma_start3A_93 : memref<40x128xi32, #tpu.memory_space<hbm>>) target(%arg10 : memref<40x128xi32, #tpu.memory_space<vmem>>) target_semaphore(%run_scoped3A : memref<!tpu.dma_semaphore, #tpu.memory_space<semaphore_mem>>)
        %dma_wait3A = arith.constant 40 : i32
        %dma_wait3A_94 = arith.constant 0 : i32
        %dma_wait3A_95 = tpu.memref_slice %arg4[%arg1, %dma_wait3A, %dma_wait3A_94] : memref<16x80x128xi32, #tpu.memory_space<hbm>> -> memref<1x40x128xi32, #tpu.memory_space<hbm>>
        %dma_wait3A_96 = tpu.memref_squeeze %dma_wait3A_95 : memref<1x40x128xi32, #tpu.memory_space<hbm>> -> memref<40x128xi32, #tpu.memory_space<hbm>>
        %dma_wait3A_97 = arith.constant 40 : i32
        %dma_wait3A_98 = arith.constant 0 : i32
        %dma_wait3A_99 = tpu.memref_slice %arg4[%arg1, %dma_wait3A_97, %dma_wait3A_98] : memref<16x80x128xi32, #tpu.memory_space<hbm>> -> memref<1x40x128xi32, #tpu.memory_space<hbm>>
        %dma_wait3A_100 = tpu.memref_squeeze %dma_wait3A_99 : memref<1x40x128xi32, #tpu.memory_space<hbm>> -> memref<40x128xi32, #tpu.memory_space<hbm>>
        tpu.wait_dma2 semaphore(%run_scoped3A : memref<!tpu.dma_semaphore, #tpu.memory_space<semaphore_mem>>) src(%dma_wait3A_100 : memref<40x128xi32, #tpu.memory_space<hbm>>) dst(%arg10 : memref<40x128xi32, #tpu.memory_space<vmem>>)
        tpu.yield
      }) : () -> ()
      "tpu.region"() ({
        %run_scoped3A = tpu.sem_alloc : memref<!tpu.dma_semaphore, #tpu.memory_space<semaphore_mem>>
        %dma_start3A_86 = arith.constant 40 : i32
        %dma_start3A_87 = arith.constant 0 : i32
        %dma_start3A_88 = tpu.memref_slice %arg5[%arg1, %dma_start3A_86, %dma_start3A_87] : memref<16x80x128xi32, #tpu.memory_space<hbm>> -> memref<1x40x128xi32, #tpu.memory_space<hbm>>
        %dma_start3A_89 = tpu.memref_squeeze %dma_start3A_88 : memref<1x40x128xi32, #tpu.memory_space<hbm>> -> memref<40x128xi32, #tpu.memory_space<hbm>>
        %dma_start3A_90 = arith.constant 40 : i32
        %dma_start3A_91 = arith.constant 0 : i32
        %dma_start3A_92 = tpu.memref_slice %arg5[%arg1, %dma_start3A_90, %dma_start3A_91] : memref<16x80x128xi32, #tpu.memory_space<hbm>> -> memref<1x40x128xi32, #tpu.memory_space<hbm>>
        %dma_start3A_93 = tpu.memref_squeeze %dma_start3A_92 : memref<1x40x128xi32, #tpu.memory_space<hbm>> -> memref<40x128xi32, #tpu.memory_space<hbm>>
        tpu.enqueue_dma source(%dma_start3A_93 : memref<40x128xi32, #tpu.memory_space<hbm>>) target(%arg11 : memref<40x128xi32, #tpu.memory_space<vmem>>) target_semaphore(%run_scoped3A : memref<!tpu.dma_semaphore, #tpu.memory_space<semaphore_mem>>)
        %dma_wait3A = arith.constant 40 : i32
        %dma_wait3A_94 = arith.constant 0 : i32
        %dma_wait3A_95 = tpu.memref_slice %arg5[%arg1, %dma_wait3A, %dma_wait3A_94] : memref<16x80x128xi32, #tpu.memory_space<hbm>> -> memref<1x40x128xi32, #tpu.memory_space<hbm>>
        %dma_wait3A_96 = tpu.memref_squeeze %dma_wait3A_95 : memref<1x40x128xi32, #tpu.memory_space<hbm>> -> memref<40x128xi32, #tpu.memory_space<hbm>>
        %dma_wait3A_97 = arith.constant 40 : i32
        %dma_wait3A_98 = arith.constant 0 : i32
        %dma_wait3A_99 = tpu.memref_slice %arg5[%arg1, %dma_wait3A_97, %dma_wait3A_98] : memref<16x80x128xi32, #tpu.memory_space<hbm>> -> memref<1x40x128xi32, #tpu.memory_space<hbm>>
        %dma_wait3A_100 = tpu.memref_squeeze %dma_wait3A_99 : memref<1x40x128xi32, #tpu.memory_space<hbm>> -> memref<40x128xi32, #tpu.memory_space<hbm>>
        tpu.wait_dma2 semaphore(%run_scoped3A : memref<!tpu.dma_semaphore, #tpu.memory_space<semaphore_mem>>) src(%dma_wait3A_100 : memref<40x128xi32, #tpu.memory_space<hbm>>) dst(%arg11 : memref<40x128xi32, #tpu.memory_space<vmem>>)
        tpu.yield
      }) : () -> ()
      %dma_start3A_45 = arith.constant 0 : i32
      %dma_start3A_46 = arith.constant 0 : i32
      %dma_start3A_47 = arith.constant 0 : i32
      %dma_start3A_48 = arith.constant 0 : i32
      %dma_start3A_49 = tpu.memref_slice %arg9[%dma_start3A_46, %dma_start3A_47, %dma_start3A_48] : memref<2x128x128xf32, #tpu.memory_space<vmem>> -> memref<1x128x128xf32, #tpu.memory_space<vmem>>
      %dma_start3A_50 = tpu.memref_squeeze %dma_start3A_49 : memref<1x128x128xf32, #tpu.memory_space<vmem>> -> memref<128x128xf32, #tpu.memory_space<vmem>>
      %dma_start3A_51 = arith.constant 0 : i32
      %dma_start3A_52 = tpu.memref_slice %arg10[%dma_start3A_45, %dma_start3A_51] : memref<40x128xi32, #tpu.memory_space<vmem>> -> memref<1x128xi32, #tpu.memory_space<vmem>>
      %dma_start3A_53 = tpu.memref_squeeze %dma_start3A_52 : memref<1x128xi32, #tpu.memory_space<vmem>> -> memref<128xi32, #tpu.memory_space<vmem>>
      %dma_start3A_54 = arith.constant 0 : i32
      %dma_start3A_55 = arith.constant 0 : i32
      %dma_start3A_56 = tpu.memref_slice %arg3[%dma_start3A_54, %dma_start3A_55] : memref<10000x128xf32, #tpu.memory_space<hbm>> -> memref<10000x128xf32, #tpu.memory_space<hbm>>
      tpu.enqueue_indirect_dma source(%dma_start3A_56 : memref<10000x128xf32, #tpu.memory_space<hbm>>) target(%dma_start3A_50 : memref<128x128xf32, #tpu.memory_space<vmem>>) offsets(%dma_start3A_53 : memref<128xi32, #tpu.memory_space<vmem>>) semaphore(%arg12 : memref<!tpu.dma_semaphore, #tpu.memory_space<semaphore_mem>>)
      %dma_start3A_57 = arith.constant 1 : i32
      %dma_start3A_58 = arith.constant 1 : i32
      %dma_start3A_59 = arith.constant 0 : i32
      %dma_start3A_60 = arith.constant 0 : i32
      %dma_start3A_61 = tpu.memref_slice %arg9[%dma_start3A_58, %dma_start3A_59, %dma_start3A_60] : memref<2x128x128xf32, #tpu.memory_space<vmem>> -> memref<1x128x128xf32, #tpu.memory_space<vmem>>
      %dma_start3A_62 = tpu.memref_squeeze %dma_start3A_61 : memref<1x128x128xf32, #tpu.memory_space<vmem>> -> memref<128x128xf32, #tpu.memory_space<vmem>>
      %dma_start3A_63 = arith.constant 0 : i32
      %dma_start3A_64 = tpu.memref_slice %arg10[%dma_start3A_57, %dma_start3A_63] : memref<40x128xi32, #tpu.memory_space<vmem>> -> memref<1x128xi32, #tpu.memory_space<vmem>>
      %dma_start3A_65 = tpu.memref_squeeze %dma_start3A_64 : memref<1x128xi32, #tpu.memory_space<vmem>> -> memref<128xi32, #tpu.memory_space<vmem>>
      %dma_start3A_66 = arith.constant 0 : i32
      %dma_start3A_67 = arith.constant 0 : i32
      %dma_start3A_68 = tpu.memref_slice %arg3[%dma_start3A_66, %dma_start3A_67] : memref<10000x128xf32, #tpu.memory_space<hbm>> -> memref<10000x128xf32, #tpu.memory_space<hbm>>
      tpu.enqueue_indirect_dma source(%dma_start3A_68 : memref<10000x128xf32, #tpu.memory_space<hbm>>) target(%dma_start3A_62 : memref<128x128xf32, #tpu.memory_space<vmem>>) offsets(%dma_start3A_65 : memref<128xi32, #tpu.memory_space<vmem>>) semaphore(%arg13 : memref<!tpu.dma_semaphore, #tpu.memory_space<semaphore_mem>>)
      %scan3A_69 = arith.constant 0 : i32
      %scan3A_70 = arith.constant 0 : i32
      %scan3A_71 = arith.constant 20 : i32
      %scan3A_72 = arith.addi %scan3A_70, %scan3A_71 : i32
      %scan3A_73 = arith.constant 1 : i32
      scf.for %scan3A_86 = %scan3A_70 to %scan3A_72 step %scan3A_73  : i32 {
        %mul3A_87 = arith.constant 2 : i32
        %mul3A_88 = arith.muli %mul3A_87, %scan3A_86 : i32
        %dma_wait3A = arith.constant 0 : i32
        %dma_wait3A_89 = arith.constant 0 : i32
        %dma_wait3A_90 = arith.constant 0 : i32
        %dma_wait3A_91 = tpu.memref_slice %arg9[%dma_wait3A, %dma_wait3A_89, %dma_wait3A_90] : memref<2x128x128xf32, #tpu.memory_space<vmem>> -> memref<1x128x128xf32, #tpu.memory_space<vmem>>
        %dma_wait3A_92 = tpu.memref_squeeze %dma_wait3A_91 : memref<1x128x128xf32, #tpu.memory_space<vmem>> -> memref<128x128xf32, #tpu.memory_space<vmem>>
        %dma_wait3A_93 = arith.constant 0 : i32
        %dma_wait3A_94 = tpu.memref_slice %arg10[%mul3A_88, %dma_wait3A_93] : memref<40x128xi32, #tpu.memory_space<vmem>> -> memref<1x128xi32, #tpu.memory_space<vmem>>
        %dma_wait3A_95 = tpu.memref_squeeze %dma_wait3A_94 : memref<1x128xi32, #tpu.memory_space<vmem>> -> memref<128xi32, #tpu.memory_space<vmem>>
        %dma_wait3A_96 = arith.constant 0 : i32
        %dma_wait3A_97 = arith.constant 0 : i32
        %dma_wait3A_98 = tpu.memref_slice %arg3[%dma_wait3A_96, %dma_wait3A_97] : memref<10000x128xf32, #tpu.memory_space<hbm>> -> memref<10000x128xf32, #tpu.memory_space<hbm>>
        tpu.wait_indirect_dma semaphore(%arg12 : memref<!tpu.dma_semaphore, #tpu.memory_space<semaphore_mem>>) src(%dma_wait3A_98 : memref<10000x128xf32, #tpu.memory_space<hbm>>) dst(%dma_wait3A_92 : memref<128x128xf32, #tpu.memory_space<vmem>>)
        %run_scoped3A = arith.constant 0 : i32
        "tpu.region"() ({
          %run_scoped3A_124 = tpu.sem_alloc : memref<!tpu.dma_semaphore, #tpu.memory_space<semaphore_mem>>
          %dma_start3A_125 = arith.constant 0 : i32
          %dma_start3A_126 = arith.constant 0 : i32
          %dma_start3A_127 = tpu.memref_slice %arg9[%run_scoped3A, %dma_start3A_125, %dma_start3A_126] : memref<2x128x128xf32, #tpu.memory_space<vmem>> -> memref<1x128x128xf32, #tpu.memory_space<vmem>>
          %dma_start3A_128 = tpu.memref_squeeze %dma_start3A_127 : memref<1x128x128xf32, #tpu.memory_space<vmem>> -> memref<128x128xf32, #tpu.memory_space<vmem>>
          %dma_start3A_129 = arith.constant 0 : i32
          %dma_start3A_130 = tpu.memref_slice %arg11[%mul3A_88, %dma_start3A_129] : memref<40x128xi32, #tpu.memory_space<vmem>> -> memref<1x128xi32, #tpu.memory_space<vmem>>
          %dma_start3A_131 = tpu.memref_squeeze %dma_start3A_130 : memref<1x128xi32, #tpu.memory_space<vmem>> -> memref<128xi32, #tpu.memory_space<vmem>>
          %dma_start3A_132 = arith.constant 0 : i32
          %dma_start3A_133 = arith.constant 0 : i32
          %dma_start3A_134 = tpu.memref_slice %arg8[%dma_start3A_132, %dma_start3A_133] : memref<10016x128xf32, #tpu.memory_space<vmem_shared>> -> memref<10016x128xf32, #tpu.memory_space<vmem_shared>>
          tpu.enqueue_indirect_dma source(%dma_start3A_128 : memref<128x128xf32, #tpu.memory_space<vmem>>) target(%dma_start3A_134 : memref<10016x128xf32, #tpu.memory_space<vmem_shared>>) offsets(%dma_start3A_131 : memref<128xi32, #tpu.memory_space<vmem>>) semaphore(%run_scoped3A_124 : memref<!tpu.dma_semaphore, #tpu.memory_space<semaphore_mem>>) {add = true}
          %dma_wait3A_135 = arith.constant 0 : i32
          %dma_wait3A_136 = arith.constant 0 : i32
          %dma_wait3A_137 = tpu.memref_slice %arg9[%run_scoped3A, %dma_wait3A_135, %dma_wait3A_136] : memref<2x128x128xf32, #tpu.memory_space<vmem>> -> memref<1x128x128xf32, #tpu.memory_space<vmem>>
          %dma_wait3A_138 = tpu.memref_squeeze %dma_wait3A_137 : memref<1x128x128xf32, #tpu.memory_space<vmem>> -> memref<128x128xf32, #tpu.memory_space<vmem>>
          %dma_wait3A_139 = arith.constant 0 : i32
          %dma_wait3A_140 = tpu.memref_slice %arg11[%mul3A_88, %dma_wait3A_139] : memref<40x128xi32, #tpu.memory_space<vmem>> -> memref<1x128xi32, #tpu.memory_space<vmem>>
          %dma_wait3A_141 = tpu.memref_squeeze %dma_wait3A_140 : memref<1x128xi32, #tpu.memory_space<vmem>> -> memref<128xi32, #tpu.memory_space<vmem>>
          %dma_wait3A_142 = arith.constant 0 : i32
          %dma_wait3A_143 = arith.constant 0 : i32
          %dma_wait3A_144 = tpu.memref_slice %arg8[%dma_wait3A_142, %dma_wait3A_143] : memref<10016x128xf32, #tpu.memory_space<vmem_shared>> -> memref<10016x128xf32, #tpu.memory_space<vmem_shared>>
          tpu.wait_indirect_dma semaphore(%run_scoped3A_124 : memref<!tpu.dma_semaphore, #tpu.memory_space<semaphore_mem>>) src(%dma_wait3A_138 : memref<128x128xf32, #tpu.memory_space<vmem>>) dst(%dma_wait3A_144 : memref<10016x128xf32, #tpu.memory_space<vmem_shared>>)
          tpu.yield
        }) : () -> ()
        %lt3A_99 = arith.constant 19 : i32
        %lt3A_100 = arith.cmpi slt, %scan3A_86, %lt3A_99 : i32
        %convert_element_type3A_101 = arith.extui %lt3A_100 : i1 to i32
        %cond3A_102 = arith.constant 0 : i32
        %cond3A_103 = arith.cmpi ne, %convert_element_type3A_101, %cond3A_102 : i32
        scf.if %cond3A_103 {
          %add3A_124 = arith.constant 2 : i32
          %add3A_125 = arith.addi %mul3A_88, %add3A_124 : i32
          %dma_start3A_126 = arith.constant 0 : i32
          %dma_start3A_127 = arith.constant 0 : i32
          %dma_start3A_128 = arith.constant 0 : i32
          %dma_start3A_129 = tpu.memref_slice %arg9[%dma_start3A_126, %dma_start3A_127, %dma_start3A_128] : memref<2x128x128xf32, #tpu.memory_space<vmem>> -> memref<1x128x128xf32, #tpu.memory_space<vmem>>
          %dma_start3A_130 = tpu.memref_squeeze %dma_start3A_129 : memref<1x128x128xf32, #tpu.memory_space<vmem>> -> memref<128x128xf32, #tpu.memory_space<vmem>>
          %dma_start3A_131 = arith.constant 0 : i32
          %dma_start3A_132 = tpu.memref_slice %arg10[%add3A_125, %dma_start3A_131] : memref<40x128xi32, #tpu.memory_space<vmem>> -> memref<1x128xi32, #tpu.memory_space<vmem>>
          %dma_start3A_133 = tpu.memref_squeeze %dma_start3A_132 : memref<1x128xi32, #tpu.memory_space<vmem>> -> memref<128xi32, #tpu.memory_space<vmem>>
          %dma_start3A_134 = arith.constant 0 : i32
          %dma_start3A_135 = arith.constant 0 : i32
          %dma_start3A_136 = tpu.memref_slice %arg3[%dma_start3A_134, %dma_start3A_135] : memref<10000x128xf32, #tpu.memory_space<hbm>> -> memref<10000x128xf32, #tpu.memory_space<hbm>>
          tpu.enqueue_indirect_dma source(%dma_start3A_136 : memref<10000x128xf32, #tpu.memory_space<hbm>>) target(%dma_start3A_130 : memref<128x128xf32, #tpu.memory_space<vmem>>) offsets(%dma_start3A_133 : memref<128xi32, #tpu.memory_space<vmem>>) semaphore(%arg12 : memref<!tpu.dma_semaphore, #tpu.memory_space<semaphore_mem>>)
        } else {
        }
        %add3A = arith.constant 1 : i32
        %add3A_104 = arith.addi %mul3A_88, %add3A : i32
        %dma_wait3A_105 = arith.constant 1 : i32
        %dma_wait3A_106 = arith.constant 0 : i32
        %dma_wait3A_107 = arith.constant 0 : i32
        %dma_wait3A_108 = tpu.memref_slice %arg9[%dma_wait3A_105, %dma_wait3A_106, %dma_wait3A_107] : memref<2x128x128xf32, #tpu.memory_space<vmem>> -> memref<1x128x128xf32, #tpu.memory_space<vmem>>
        %dma_wait3A_109 = tpu.memref_squeeze %dma_wait3A_108 : memref<1x128x128xf32, #tpu.memory_space<vmem>> -> memref<128x128xf32, #tpu.memory_space<vmem>>
        %dma_wait3A_110 = arith.constant 0 : i32
        %dma_wait3A_111 = tpu.memref_slice %arg10[%add3A_104, %dma_wait3A_110] : memref<40x128xi32, #tpu.memory_space<vmem>> -> memref<1x128xi32, #tpu.memory_space<vmem>>
        %dma_wait3A_112 = tpu.memref_squeeze %dma_wait3A_111 : memref<1x128xi32, #tpu.memory_space<vmem>> -> memref<128xi32, #tpu.memory_space<vmem>>
        %dma_wait3A_113 = arith.constant 0 : i32
        %dma_wait3A_114 = arith.constant 0 : i32
        %dma_wait3A_115 = tpu.memref_slice %arg3[%dma_wait3A_113, %dma_wait3A_114] : memref<10000x128xf32, #tpu.memory_space<hbm>> -> memref<10000x128xf32, #tpu.memory_space<hbm>>
        tpu.wait_indirect_dma semaphore(%arg13 : memref<!tpu.dma_semaphore, #tpu.memory_space<semaphore_mem>>) src(%dma_wait3A_115 : memref<10000x128xf32, #tpu.memory_space<hbm>>) dst(%dma_wait3A_109 : memref<128x128xf32, #tpu.memory_space<vmem>>)
        %add3A_116 = arith.constant 1 : i32
        %add3A_117 = arith.addi %mul3A_88, %add3A_116 : i32
        %run_scoped3A_118 = arith.constant 1 : i32
        "tpu.region"() ({
          %run_scoped3A_124 = tpu.sem_alloc : memref<!tpu.dma_semaphore, #tpu.memory_space<semaphore_mem>>
          %dma_start3A_125 = arith.constant 0 : i32
          %dma_start3A_126 = arith.constant 0 : i32
          %dma_start3A_127 = tpu.memref_slice %arg9[%run_scoped3A_118, %dma_start3A_125, %dma_start3A_126] : memref<2x128x128xf32, #tpu.memory_space<vmem>> -> memref<1x128x128xf32, #tpu.memory_space<vmem>>
          %dma_start3A_128 = tpu.memref_squeeze %dma_start3A_127 : memref<1x128x128xf32, #tpu.memory_space<vmem>> -> memref<128x128xf32, #tpu.memory_space<vmem>>
          %dma_start3A_129 = arith.constant 0 : i32
          %dma_start3A_130 = tpu.memref_slice %arg11[%add3A_117, %dma_start3A_129] : memref<40x128xi32, #tpu.memory_space<vmem>> -> memref<1x128xi32, #tpu.memory_space<vmem>>
          %dma_start3A_131 = tpu.memref_squeeze %dma_start3A_130 : memref<1x128xi32, #tpu.memory_space<vmem>> -> memref<128xi32, #tpu.memory_space<vmem>>
          %dma_start3A_132 = arith.constant 0 : i32
          %dma_start3A_133 = arith.constant 0 : i32
          %dma_start3A_134 = tpu.memref_slice %arg8[%dma_start3A_132, %dma_start3A_133] : memref<10016x128xf32, #tpu.memory_space<vmem_shared>> -> memref<10016x128xf32, #tpu.memory_space<vmem_shared>>
          tpu.enqueue_indirect_dma source(%dma_start3A_128 : memref<128x128xf32, #tpu.memory_space<vmem>>) target(%dma_start3A_134 : memref<10016x128xf32, #tpu.memory_space<vmem_shared>>) offsets(%dma_start3A_131 : memref<128xi32, #tpu.memory_space<vmem>>) semaphore(%run_scoped3A_124 : memref<!tpu.dma_semaphore, #tpu.memory_space<semaphore_mem>>) {add = true}
          %dma_wait3A_135 = arith.constant 0 : i32
          %dma_wait3A_136 = arith.constant 0 : i32
          %dma_wait3A_137 = tpu.memref_slice %arg9[%run_scoped3A_118, %dma_wait3A_135, %dma_wait3A_136] : memref<2x128x128xf32, #tpu.memory_space<vmem>> -> memref<1x128x128xf32, #tpu.memory_space<vmem>>
          %dma_wait3A_138 = tpu.memref_squeeze %dma_wait3A_137 : memref<1x128x128xf32, #tpu.memory_space<vmem>> -> memref<128x128xf32, #tpu.memory_space<vmem>>
          %dma_wait3A_139 = arith.constant 0 : i32
          %dma_wait3A_140 = tpu.memref_slice %arg11[%add3A_117, %dma_wait3A_139] : memref<40x128xi32, #tpu.memory_space<vmem>> -> memref<1x128xi32, #tpu.memory_space<vmem>>
          %dma_wait3A_141 = tpu.memref_squeeze %dma_wait3A_140 : memref<1x128xi32, #tpu.memory_space<vmem>> -> memref<128xi32, #tpu.memory_space<vmem>>
          %dma_wait3A_142 = arith.constant 0 : i32
          %dma_wait3A_143 = arith.constant 0 : i32
          %dma_wait3A_144 = tpu.memref_slice %arg8[%dma_wait3A_142, %dma_wait3A_143] : memref<10016x128xf32, #tpu.memory_space<vmem_shared>> -> memref<10016x128xf32, #tpu.memory_space<vmem_shared>>
          tpu.wait_indirect_dma semaphore(%run_scoped3A_124 : memref<!tpu.dma_semaphore, #tpu.memory_space<semaphore_mem>>) src(%dma_wait3A_138 : memref<128x128xf32, #tpu.memory_space<vmem>>) dst(%dma_wait3A_144 : memref<10016x128xf32, #tpu.memory_space<vmem_shared>>)
          tpu.yield
        }) : () -> ()
        %lt3A_119 = arith.constant 19 : i32
        %lt3A_120 = arith.cmpi slt, %scan3A_86, %lt3A_119 : i32
        %convert_element_type3A_121 = arith.extui %lt3A_120 : i1 to i32
        %cond3A_122 = arith.constant 0 : i32
        %cond3A_123 = arith.cmpi ne, %convert_element_type3A_121, %cond3A_122 : i32
        scf.if %cond3A_123 {
          %add3A_124 = arith.constant 3 : i32
          %add3A_125 = arith.addi %mul3A_88, %add3A_124 : i32
          %dma_start3A_126 = arith.constant 1 : i32
          %dma_start3A_127 = arith.constant 0 : i32
          %dma_start3A_128 = arith.constant 0 : i32
          %dma_start3A_129 = tpu.memref_slice %arg9[%dma_start3A_126, %dma_start3A_127, %dma_start3A_128] : memref<2x128x128xf32, #tpu.memory_space<vmem>> -> memref<1x128x128xf32, #tpu.memory_space<vmem>>
          %dma_start3A_130 = tpu.memref_squeeze %dma_start3A_129 : memref<1x128x128xf32, #tpu.memory_space<vmem>> -> memref<128x128xf32, #tpu.memory_space<vmem>>
          %dma_start3A_131 = arith.constant 0 : i32
          %dma_start3A_132 = tpu.memref_slice %arg10[%add3A_125, %dma_start3A_131] : memref<40x128xi32, #tpu.memory_space<vmem>> -> memref<1x128xi32, #tpu.memory_space<vmem>>
          %dma_start3A_133 = tpu.memref_squeeze %dma_start3A_132 : memref<1x128xi32, #tpu.memory_space<vmem>> -> memref<128xi32, #tpu.memory_space<vmem>>
          %dma_start3A_134 = arith.constant 0 : i32
          %dma_start3A_135 = arith.constant 0 : i32
          %dma_start3A_136 = tpu.memref_slice %arg3[%dma_start3A_134, %dma_start3A_135] : memref<10000x128xf32, #tpu.memory_space<hbm>> -> memref<10000x128xf32, #tpu.memory_space<hbm>>
          tpu.enqueue_indirect_dma source(%dma_start3A_136 : memref<10000x128xf32, #tpu.memory_space<hbm>>) target(%dma_start3A_130 : memref<128x128xf32, #tpu.memory_space<vmem>>) offsets(%dma_start3A_133 : memref<128xi32, #tpu.memory_space<vmem>>) semaphore(%arg13 : memref<!tpu.dma_semaphore, #tpu.memory_space<semaphore_mem>>)
        } else {
        }
      }
      %scan3A_74 = arith.constant 20 : i32
      %barrier3A_75 = arith.constant 0 : index
      tpu.barrier barrier_id(%barrier3A_75)
      %lt3A_76 = arith.constant 15 : i32
      %lt3A_77 = arith.cmpi slt, %arg1, %lt3A_76 : i32
      %convert_element_type3A_78 = arith.extui %lt3A_77 : i1 to i32
      %cond3A_79 = arith.constant 0 : i32
      %cond3A_80 = arith.cmpi ne, %convert_element_type3A_78, %cond3A_79 : i32
      scf.if %cond3A_80 {
        "tpu.region"() ({
          %run_scoped3A = tpu.sem_alloc : memref<!tpu.dma_semaphore, #tpu.memory_space<semaphore_mem>>
          %dma_start3A_86 = arith.constant 0 : i32
          %dma_start3A_87 = tpu.memref_slice %arg7[%mul3A_7, %dma_start3A_86] : memref<10000x128xf32, #tpu.memory_space<hbm>> -> memref<632x128xf32, #tpu.memory_space<hbm>>
          %dma_start3A_88 = arith.constant 0 : i32
          %dma_start3A_89 = tpu.memref_slice %arg8[%mul3A_7, %dma_start3A_88] : memref<10016x128xf32, #tpu.memory_space<vmem_shared>> -> memref<632x128xf32, #tpu.memory_space<vmem_shared>>
          tpu.enqueue_dma source(%dma_start3A_89 : memref<632x128xf32, #tpu.memory_space<vmem_shared>>) target(%dma_start3A_87 : memref<632x128xf32, #tpu.memory_space<hbm>>) target_semaphore(%run_scoped3A : memref<!tpu.dma_semaphore, #tpu.memory_space<semaphore_mem>>)
          %dma_wait3A = arith.constant 0 : i32
          %dma_wait3A_90 = tpu.memref_slice %arg7[%mul3A_7, %dma_wait3A] : memref<10000x128xf32, #tpu.memory_space<hbm>> -> memref<632x128xf32, #tpu.memory_space<hbm>>
          %dma_wait3A_91 = arith.constant 0 : i32
          %dma_wait3A_92 = tpu.memref_slice %arg8[%mul3A_7, %dma_wait3A_91] : memref<10016x128xf32, #tpu.memory_space<vmem_shared>> -> memref<632x128xf32, #tpu.memory_space<vmem_shared>>
          tpu.wait_dma2 semaphore(%run_scoped3A : memref<!tpu.dma_semaphore, #tpu.memory_space<semaphore_mem>>) src(%dma_wait3A_92 : memref<632x128xf32, #tpu.memory_space<vmem_shared>>) dst(%dma_wait3A_90 : memref<632x128xf32, #tpu.memory_space<hbm>>)
          tpu.yield
        }) : () -> ()
      } else {
      }
      %eq3A_81 = arith.constant 15 : i32
      %eq3A_82 = arith.cmpi eq, %arg1, %eq3A_81 : i32
      %convert_element_type3A_83 = arith.extui %eq3A_82 : i1 to i32
      %cond3A_84 = arith.constant 0 : i32
      %cond3A_85 = arith.cmpi ne, %convert_element_type3A_83, %cond3A_84 : i32
      scf.if %cond3A_85 {
        "tpu.region"() ({
          %run_scoped3A = tpu.sem_alloc : memref<!tpu.dma_semaphore, #tpu.memory_space<semaphore_mem>>
          %dma_start3A_86 = arith.constant 9480 : i32
          %dma_start3A_87 = arith.constant 0 : i32
          %dma_start3A_88 = tpu.memref_slice %arg7[%dma_start3A_86, %dma_start3A_87] : memref<10000x128xf32, #tpu.memory_space<hbm>> -> memref<520x128xf32, #tpu.memory_space<hbm>>
          %dma_start3A_89 = arith.constant 9480 : i32
          %dma_start3A_90 = arith.constant 0 : i32
          %dma_start3A_91 = tpu.memref_slice %arg8[%dma_start3A_89, %dma_start3A_90] : memref<10016x128xf32, #tpu.memory_space<vmem_shared>> -> memref<520x128xf32, #tpu.memory_space<vmem_shared>>
          tpu.enqueue_dma source(%dma_start3A_91 : memref<520x128xf32, #tpu.memory_space<vmem_shared>>) target(%dma_start3A_88 : memref<520x128xf32, #tpu.memory_space<hbm>>) target_semaphore(%run_scoped3A : memref<!tpu.dma_semaphore, #tpu.memory_space<semaphore_mem>>)
          %dma_wait3A = arith.constant 9480 : i32
          %dma_wait3A_92 = arith.constant 0 : i32
          %dma_wait3A_93 = tpu.memref_slice %arg7[%dma_wait3A, %dma_wait3A_92] : memref<10000x128xf32, #tpu.memory_space<hbm>> -> memref<520x128xf32, #tpu.memory_space<hbm>>
          %dma_wait3A_94 = arith.constant 9480 : i32
          %dma_wait3A_95 = arith.constant 0 : i32
          %dma_wait3A_96 = tpu.memref_slice %arg8[%dma_wait3A_94, %dma_wait3A_95] : memref<10016x128xf32, #tpu.memory_space<vmem_shared>> -> memref<520x128xf32, #tpu.memory_space<vmem_shared>>
          tpu.wait_dma2 semaphore(%run_scoped3A : memref<!tpu.dma_semaphore, #tpu.memory_space<semaphore_mem>>) src(%dma_wait3A_96 : memref<520x128xf32, #tpu.memory_space<vmem_shared>>) dst(%dma_wait3A_93 : memref<520x128xf32, #tpu.memory_space<hbm>>)
          tpu.yield
        }) : () -> ()
      } else {
      }
    } else {
    }
    return
  }
}

#map = affine_map<(d0, d1) -> (0, 0, 0)>
#map1 = affine_map<(d0, d1) -> (0, 0)>
module attributes {stable_mosaic.version = 14 : i64} {
  func.func @_deg_body(%arg0: i32, %arg1: i32, %arg2: memref<32x40x128xi32, #tpu.memory_space<hbm>>, %arg3: memref<10016x128xf32, #tpu.memory_space<hbm>>, %arg4: memref<128x128xf32, #tpu.memory_space<hbm>>, %arg5: memref<2x10016x128xf32, #tpu.memory_space<hbm>>, %arg6: memref<10016x128xf32, #tpu.memory_space<vmem_shared>>, %arg7: memref<128x128xf32, #tpu.memory_space<vmem>>, %arg8: memref<40x128xi32, #tpu.memory_space<vmem>>, %arg9: memref<!tpu.dma_semaphore, #tpu.memory_space<semaphore_mem>>) attributes {dimension_semantics = [#tpu.dimension_semantics<core_parallel>, #tpu.dimension_semantics<subcore_parallel>], iteration_bounds = array<i64: 2, 16>, scalar_prefetch = 0 : i64, scratch_operands = 4 : i64, tpu.core_type = #tpu.core_type<sc_vector_subcore>, window_params = [{transform_indices = #map}, {transform_indices = #map1}, {transform_indices = #map1}, {transform_indices = #map}]} {
    %mul3A = arith.constant 632 : i32
    %mul3A_0 = arith.muli %arg1, %mul3A : i32
    %lt3A = arith.constant 15 : i32
    %lt3A_1 = arith.cmpi slt, %arg1, %lt3A : i32
    %convert_element_type3A = arith.extui %lt3A_1 : i1 to i32
    %cond3A = arith.constant 0 : i32
    %cond3A_2 = arith.cmpi ne, %convert_element_type3A, %cond3A : i32
    scf.if %cond3A_2 {
      "tpu.region"() ({
        %run_scoped3A = tpu.sem_alloc : memref<!tpu.dma_semaphore, #tpu.memory_space<semaphore_mem>>
        %dma_start3A = arith.constant 0 : i32
        %dma_start3A_31 = tpu.memref_slice %arg6[%mul3A_0, %dma_start3A] : memref<10016x128xf32, #tpu.memory_space<vmem_shared>> -> memref<632x128xf32, #tpu.memory_space<vmem_shared>>
        %dma_start3A_32 = arith.constant 0 : i32
        %dma_start3A_33 = tpu.memref_slice %arg3[%mul3A_0, %dma_start3A_32] : memref<10016x128xf32, #tpu.memory_space<hbm>> -> memref<632x128xf32, #tpu.memory_space<hbm>>
        tpu.enqueue_dma source(%dma_start3A_33 : memref<632x128xf32, #tpu.memory_space<hbm>>) target(%dma_start3A_31 : memref<632x128xf32, #tpu.memory_space<vmem_shared>>) target_semaphore(%run_scoped3A : memref<!tpu.dma_semaphore, #tpu.memory_space<semaphore_mem>>)
        %dma_wait3A = arith.constant 0 : i32
        %dma_wait3A_34 = tpu.memref_slice %arg6[%mul3A_0, %dma_wait3A] : memref<10016x128xf32, #tpu.memory_space<vmem_shared>> -> memref<632x128xf32, #tpu.memory_space<vmem_shared>>
        %dma_wait3A_35 = arith.constant 0 : i32
        %dma_wait3A_36 = tpu.memref_slice %arg3[%mul3A_0, %dma_wait3A_35] : memref<10016x128xf32, #tpu.memory_space<hbm>> -> memref<632x128xf32, #tpu.memory_space<hbm>>
        tpu.wait_dma2 semaphore(%run_scoped3A : memref<!tpu.dma_semaphore, #tpu.memory_space<semaphore_mem>>) src(%dma_wait3A_36 : memref<632x128xf32, #tpu.memory_space<hbm>>) dst(%dma_wait3A_34 : memref<632x128xf32, #tpu.memory_space<vmem_shared>>)
        tpu.yield
      }) : () -> ()
    } else {
    }
    %eq3A = arith.constant 15 : i32
    %eq3A_3 = arith.cmpi eq, %arg1, %eq3A : i32
    %convert_element_type3A_4 = arith.extui %eq3A_3 : i1 to i32
    %cond3A_5 = arith.constant 0 : i32
    %cond3A_6 = arith.cmpi ne, %convert_element_type3A_4, %cond3A_5 : i32
    scf.if %cond3A_6 {
      "tpu.region"() ({
        %run_scoped3A = tpu.sem_alloc : memref<!tpu.dma_semaphore, #tpu.memory_space<semaphore_mem>>
        %dma_start3A = arith.constant 9480 : i32
        %dma_start3A_31 = arith.constant 0 : i32
        %dma_start3A_32 = tpu.memref_slice %arg6[%dma_start3A, %dma_start3A_31] : memref<10016x128xf32, #tpu.memory_space<vmem_shared>> -> memref<536x128xf32, #tpu.memory_space<vmem_shared>>
        %dma_start3A_33 = arith.constant 9480 : i32
        %dma_start3A_34 = arith.constant 0 : i32
        %dma_start3A_35 = tpu.memref_slice %arg3[%dma_start3A_33, %dma_start3A_34] : memref<10016x128xf32, #tpu.memory_space<hbm>> -> memref<536x128xf32, #tpu.memory_space<hbm>>
        tpu.enqueue_dma source(%dma_start3A_35 : memref<536x128xf32, #tpu.memory_space<hbm>>) target(%dma_start3A_32 : memref<536x128xf32, #tpu.memory_space<vmem_shared>>) target_semaphore(%run_scoped3A : memref<!tpu.dma_semaphore, #tpu.memory_space<semaphore_mem>>)
        %dma_wait3A = arith.constant 9480 : i32
        %dma_wait3A_36 = arith.constant 0 : i32
        %dma_wait3A_37 = tpu.memref_slice %arg6[%dma_wait3A, %dma_wait3A_36] : memref<10016x128xf32, #tpu.memory_space<vmem_shared>> -> memref<536x128xf32, #tpu.memory_space<vmem_shared>>
        %dma_wait3A_38 = arith.constant 9480 : i32
        %dma_wait3A_39 = arith.constant 0 : i32
        %dma_wait3A_40 = tpu.memref_slice %arg3[%dma_wait3A_38, %dma_wait3A_39] : memref<10016x128xf32, #tpu.memory_space<hbm>> -> memref<536x128xf32, #tpu.memory_space<hbm>>
        tpu.wait_dma2 semaphore(%run_scoped3A : memref<!tpu.dma_semaphore, #tpu.memory_space<semaphore_mem>>) src(%dma_wait3A_40 : memref<536x128xf32, #tpu.memory_space<hbm>>) dst(%dma_wait3A_37 : memref<536x128xf32, #tpu.memory_space<vmem_shared>>)
        tpu.yield
      }) : () -> ()
    } else {
    }
    "tpu.region"() ({
      %run_scoped3A = tpu.sem_alloc : memref<!tpu.dma_semaphore, #tpu.memory_space<semaphore_mem>>
      tpu.enqueue_dma source(%arg4 : memref<128x128xf32, #tpu.memory_space<hbm>>) target(%arg7 : memref<128x128xf32, #tpu.memory_space<vmem>>) target_semaphore(%run_scoped3A : memref<!tpu.dma_semaphore, #tpu.memory_space<semaphore_mem>>)
      tpu.wait_dma2 semaphore(%run_scoped3A : memref<!tpu.dma_semaphore, #tpu.memory_space<semaphore_mem>>) src(%arg4 : memref<128x128xf32, #tpu.memory_space<hbm>>) dst(%arg7 : memref<128x128xf32, #tpu.memory_space<vmem>>)
      tpu.yield
    }) : () -> ()
    %mul3A_7 = arith.constant 16 : i32
    %mul3A_8 = arith.muli %arg0, %mul3A_7 : i32
    %add3A = arith.addi %mul3A_8, %arg1 : i32
    "tpu.region"() ({
      %run_scoped3A = tpu.sem_alloc : memref<!tpu.dma_semaphore, #tpu.memory_space<semaphore_mem>>
      %dma_start3A = arith.constant 0 : i32
      %dma_start3A_31 = arith.constant 0 : i32
      %dma_start3A_32 = tpu.memref_slice %arg2[%add3A, %dma_start3A, %dma_start3A_31] : memref<32x40x128xi32, #tpu.memory_space<hbm>> -> memref<1x40x128xi32, #tpu.memory_space<hbm>>
      %dma_start3A_33 = tpu.memref_squeeze %dma_start3A_32 : memref<1x40x128xi32, #tpu.memory_space<hbm>> -> memref<40x128xi32, #tpu.memory_space<hbm>>
      %dma_start3A_34 = arith.constant 0 : i32
      %dma_start3A_35 = arith.constant 0 : i32
      %dma_start3A_36 = tpu.memref_slice %arg2[%add3A, %dma_start3A_34, %dma_start3A_35] : memref<32x40x128xi32, #tpu.memory_space<hbm>> -> memref<1x40x128xi32, #tpu.memory_space<hbm>>
      %dma_start3A_37 = tpu.memref_squeeze %dma_start3A_36 : memref<1x40x128xi32, #tpu.memory_space<hbm>> -> memref<40x128xi32, #tpu.memory_space<hbm>>
      tpu.enqueue_dma source(%dma_start3A_37 : memref<40x128xi32, #tpu.memory_space<hbm>>) target(%arg8 : memref<40x128xi32, #tpu.memory_space<vmem>>) target_semaphore(%run_scoped3A : memref<!tpu.dma_semaphore, #tpu.memory_space<semaphore_mem>>)
      %dma_wait3A = arith.constant 0 : i32
      %dma_wait3A_38 = arith.constant 0 : i32
      %dma_wait3A_39 = tpu.memref_slice %arg2[%add3A, %dma_wait3A, %dma_wait3A_38] : memref<32x40x128xi32, #tpu.memory_space<hbm>> -> memref<1x40x128xi32, #tpu.memory_space<hbm>>
      %dma_wait3A_40 = tpu.memref_squeeze %dma_wait3A_39 : memref<1x40x128xi32, #tpu.memory_space<hbm>> -> memref<40x128xi32, #tpu.memory_space<hbm>>
      %dma_wait3A_41 = arith.constant 0 : i32
      %dma_wait3A_42 = arith.constant 0 : i32
      %dma_wait3A_43 = tpu.memref_slice %arg2[%add3A, %dma_wait3A_41, %dma_wait3A_42] : memref<32x40x128xi32, #tpu.memory_space<hbm>> -> memref<1x40x128xi32, #tpu.memory_space<hbm>>
      %dma_wait3A_44 = tpu.memref_squeeze %dma_wait3A_43 : memref<1x40x128xi32, #tpu.memory_space<hbm>> -> memref<40x128xi32, #tpu.memory_space<hbm>>
      tpu.wait_dma2 semaphore(%run_scoped3A : memref<!tpu.dma_semaphore, #tpu.memory_space<semaphore_mem>>) src(%dma_wait3A_44 : memref<40x128xi32, #tpu.memory_space<hbm>>) dst(%arg8 : memref<40x128xi32, #tpu.memory_space<vmem>>)
      tpu.yield
    }) : () -> ()
    %barrier3A = arith.constant 0 : index
    tpu.barrier barrier_id(%barrier3A)
    %scan3A = arith.constant 0 : i32
    %scan3A_9 = arith.constant 0 : i32
    %scan3A_10 = arith.constant 40 : i32
    %scan3A_11 = arith.addi %scan3A_9, %scan3A_10 : i32
    %scan3A_12 = arith.constant 1 : i32
    scf.for %scan3A_31 = %scan3A_9 to %scan3A_11 step %scan3A_12  : i32 {
      %dma_start3A = arith.constant 0 : i32
      %dma_start3A_32 = tpu.memref_slice %arg8[%scan3A_31, %dma_start3A] : memref<40x128xi32, #tpu.memory_space<vmem>> -> memref<1x128xi32, #tpu.memory_space<vmem>>
      %dma_start3A_33 = tpu.memref_squeeze %dma_start3A_32 : memref<1x128xi32, #tpu.memory_space<vmem>> -> memref<128xi32, #tpu.memory_space<vmem>>
      %dma_start3A_34 = arith.constant 0 : i32
      %dma_start3A_35 = arith.constant 0 : i32
      %dma_start3A_36 = tpu.memref_slice %arg6[%dma_start3A_34, %dma_start3A_35] : memref<10016x128xf32, #tpu.memory_space<vmem_shared>> -> memref<10016x128xf32, #tpu.memory_space<vmem_shared>>
      tpu.enqueue_indirect_dma source(%arg7 : memref<128x128xf32, #tpu.memory_space<vmem>>) target(%dma_start3A_36 : memref<10016x128xf32, #tpu.memory_space<vmem_shared>>) offsets(%dma_start3A_33 : memref<128xi32, #tpu.memory_space<vmem>>) semaphore(%arg9 : memref<!tpu.dma_semaphore, #tpu.memory_space<semaphore_mem>>) {add = true}
    }
    %scan3A_13 = arith.constant 40 : i32
    %scan3A_14 = arith.constant 0 : i32
    %scan3A_15 = arith.constant 0 : i32
    %scan3A_16 = arith.constant 40 : i32
    %scan3A_17 = arith.addi %scan3A_15, %scan3A_16 : i32
    %scan3A_18 = arith.constant 1 : i32
    scf.for %scan3A_31 = %scan3A_15 to %scan3A_17 step %scan3A_18  : i32 {
      %dma_wait3A = arith.constant 0 : i32
      %dma_wait3A_32 = tpu.memref_slice %arg8[%scan3A_31, %dma_wait3A] : memref<40x128xi32, #tpu.memory_space<vmem>> -> memref<1x128xi32, #tpu.memory_space<vmem>>
      %dma_wait3A_33 = tpu.memref_squeeze %dma_wait3A_32 : memref<1x128xi32, #tpu.memory_space<vmem>> -> memref<128xi32, #tpu.memory_space<vmem>>
      %dma_wait3A_34 = arith.constant 0 : i32
      %dma_wait3A_35 = arith.constant 0 : i32
      %dma_wait3A_36 = tpu.memref_slice %arg6[%dma_wait3A_34, %dma_wait3A_35] : memref<10016x128xf32, #tpu.memory_space<vmem_shared>> -> memref<10016x128xf32, #tpu.memory_space<vmem_shared>>
      tpu.wait_indirect_dma semaphore(%arg9 : memref<!tpu.dma_semaphore, #tpu.memory_space<semaphore_mem>>) src(%arg7 : memref<128x128xf32, #tpu.memory_space<vmem>>) dst(%dma_wait3A_36 : memref<10016x128xf32, #tpu.memory_space<vmem_shared>>)
    }
    %scan3A_19 = arith.constant 40 : i32
    %barrier3A_20 = arith.constant 0 : index
    tpu.barrier barrier_id(%barrier3A_20)
    %lt3A_21 = arith.constant 15 : i32
    %lt3A_22 = arith.cmpi slt, %arg1, %lt3A_21 : i32
    %convert_element_type3A_23 = arith.extui %lt3A_22 : i1 to i32
    %cond3A_24 = arith.constant 0 : i32
    %cond3A_25 = arith.cmpi ne, %convert_element_type3A_23, %cond3A_24 : i32
    scf.if %cond3A_25 {
      "tpu.region"() ({
        %run_scoped3A = tpu.sem_alloc : memref<!tpu.dma_semaphore, #tpu.memory_space<semaphore_mem>>
        %dma_start3A = arith.constant 0 : i32
        %dma_start3A_31 = tpu.memref_slice %arg5[%arg0, %mul3A_0, %dma_start3A] : memref<2x10016x128xf32, #tpu.memory_space<hbm>> -> memref<1x632x128xf32, #tpu.memory_space<hbm>>
        %dma_start3A_32 = tpu.memref_squeeze %dma_start3A_31 : memref<1x632x128xf32, #tpu.memory_space<hbm>> -> memref<632x128xf32, #tpu.memory_space<hbm>>
        %dma_start3A_33 = arith.constant 0 : i32
        %dma_start3A_34 = tpu.memref_slice %arg6[%mul3A_0, %dma_start3A_33] : memref<10016x128xf32, #tpu.memory_space<vmem_shared>> -> memref<632x128xf32, #tpu.memory_space<vmem_shared>>
        tpu.enqueue_dma source(%dma_start3A_34 : memref<632x128xf32, #tpu.memory_space<vmem_shared>>) target(%dma_start3A_32 : memref<632x128xf32, #tpu.memory_space<hbm>>) target_semaphore(%run_scoped3A : memref<!tpu.dma_semaphore, #tpu.memory_space<semaphore_mem>>)
        %dma_wait3A = arith.constant 0 : i32
        %dma_wait3A_35 = tpu.memref_slice %arg5[%arg0, %mul3A_0, %dma_wait3A] : memref<2x10016x128xf32, #tpu.memory_space<hbm>> -> memref<1x632x128xf32, #tpu.memory_space<hbm>>
        %dma_wait3A_36 = tpu.memref_squeeze %dma_wait3A_35 : memref<1x632x128xf32, #tpu.memory_space<hbm>> -> memref<632x128xf32, #tpu.memory_space<hbm>>
        %dma_wait3A_37 = arith.constant 0 : i32
        %dma_wait3A_38 = tpu.memref_slice %arg6[%mul3A_0, %dma_wait3A_37] : memref<10016x128xf32, #tpu.memory_space<vmem_shared>> -> memref<632x128xf32, #tpu.memory_space<vmem_shared>>
        tpu.wait_dma2 semaphore(%run_scoped3A : memref<!tpu.dma_semaphore, #tpu.memory_space<semaphore_mem>>) src(%dma_wait3A_38 : memref<632x128xf32, #tpu.memory_space<vmem_shared>>) dst(%dma_wait3A_36 : memref<632x128xf32, #tpu.memory_space<hbm>>)
        tpu.yield
      }) : () -> ()
    } else {
    }
    %eq3A_26 = arith.constant 15 : i32
    %eq3A_27 = arith.cmpi eq, %arg1, %eq3A_26 : i32
    %convert_element_type3A_28 = arith.extui %eq3A_27 : i1 to i32
    %cond3A_29 = arith.constant 0 : i32
    %cond3A_30 = arith.cmpi ne, %convert_element_type3A_28, %cond3A_29 : i32
    scf.if %cond3A_30 {
      "tpu.region"() ({
        %run_scoped3A = tpu.sem_alloc : memref<!tpu.dma_semaphore, #tpu.memory_space<semaphore_mem>>
        %dma_start3A = arith.constant 9480 : i32
        %dma_start3A_31 = arith.constant 0 : i32
        %dma_start3A_32 = tpu.memref_slice %arg5[%arg0, %dma_start3A, %dma_start3A_31] : memref<2x10016x128xf32, #tpu.memory_space<hbm>> -> memref<1x520x128xf32, #tpu.memory_space<hbm>>
        %dma_start3A_33 = tpu.memref_squeeze %dma_start3A_32 : memref<1x520x128xf32, #tpu.memory_space<hbm>> -> memref<520x128xf32, #tpu.memory_space<hbm>>
        %dma_start3A_34 = arith.constant 9480 : i32
        %dma_start3A_35 = arith.constant 0 : i32
        %dma_start3A_36 = tpu.memref_slice %arg6[%dma_start3A_34, %dma_start3A_35] : memref<10016x128xf32, #tpu.memory_space<vmem_shared>> -> memref<520x128xf32, #tpu.memory_space<vmem_shared>>
        tpu.enqueue_dma source(%dma_start3A_36 : memref<520x128xf32, #tpu.memory_space<vmem_shared>>) target(%dma_start3A_33 : memref<520x128xf32, #tpu.memory_space<hbm>>) target_semaphore(%run_scoped3A : memref<!tpu.dma_semaphore, #tpu.memory_space<semaphore_mem>>)
        %dma_wait3A = arith.constant 9480 : i32
        %dma_wait3A_37 = arith.constant 0 : i32
        %dma_wait3A_38 = tpu.memref_slice %arg5[%arg0, %dma_wait3A, %dma_wait3A_37] : memref<2x10016x128xf32, #tpu.memory_space<hbm>> -> memref<1x520x128xf32, #tpu.memory_space<hbm>>
        %dma_wait3A_39 = tpu.memref_squeeze %dma_wait3A_38 : memref<1x520x128xf32, #tpu.memory_space<hbm>> -> memref<520x128xf32, #tpu.memory_space<hbm>>
        %dma_wait3A_40 = arith.constant 9480 : i32
        %dma_wait3A_41 = arith.constant 0 : i32
        %dma_wait3A_42 = tpu.memref_slice %arg6[%dma_wait3A_40, %dma_wait3A_41] : memref<10016x128xf32, #tpu.memory_space<vmem_shared>> -> memref<520x128xf32, #tpu.memory_space<vmem_shared>>
        tpu.wait_dma2 semaphore(%run_scoped3A : memref<!tpu.dma_semaphore, #tpu.memory_space<semaphore_mem>>) src(%dma_wait3A_42 : memref<520x128xf32, #tpu.memory_space<vmem_shared>>) dst(%dma_wait3A_39 : memref<520x128xf32, #tpu.memory_space<hbm>>)
        tpu.yield
      }) : () -> ()
    } else {
    }
    return
  }
}

#map = affine_map<(d0, d1) -> (0, 0)>
#map1 = affine_map<(d0, d1) -> (0, 0, 0)>
module attributes {stable_mosaic.version = 14 : i64} {
  func.func @_msg_body(%arg0: i32, %arg1: i32, %arg2: memref<10000x128xf32, #tpu.memory_space<hbm>>, %arg3: memref<10000x128xf32, #tpu.memory_space<hbm>>, %arg4: memref<16x80x128xi32, #tpu.memory_space<hbm>>, %arg5: memref<16x80x128xi32, #tpu.memory_space<hbm>>, %arg6: memref<10000x128xf32, #tpu.memory_space<hbm>>, %arg7: memref<10000x128xf32, #tpu.memory_space<hbm>>, %arg8: memref<10016x128xf32, #tpu.memory_space<vmem_shared>>, %arg9: memref<2x128x128xf32, #tpu.memory_space<vmem>>, %arg10: memref<40x128xi32, #tpu.memory_space<vmem>>, %arg11: memref<40x128xi32, #tpu.memory_space<vmem>>, %arg12: memref<!tpu.dma_semaphore, #tpu.memory_space<semaphore_mem>>, %arg13: memref<!tpu.dma_semaphore, #tpu.memory_space<semaphore_mem>>) attributes {dimension_semantics = [#tpu.dimension_semantics<core_parallel>, #tpu.dimension_semantics<subcore_parallel>], iteration_bounds = array<i64: 2, 16>, scalar_prefetch = 0 : i64, scratch_operands = 6 : i64, tpu.core_type = #tpu.core_type<sc_vector_subcore>, window_params = [{transform_indices = #map}, {transform_indices = #map}, {transform_indices = #map1}, {transform_indices = #map1}, {transform_indices = #map}, {transform_indices = #map}]} {
    %eq3A = arith.constant 0 : i32
    %eq3A_0 = arith.cmpi eq, %arg0, %eq3A : i32
    %convert_element_type3A = arith.extui %eq3A_0 : i1 to i32
    %cond3A = arith.constant 0 : i32
    %cond3A_1 = arith.cmpi ne, %convert_element_type3A, %cond3A : i32
    scf.if %cond3A_1 {
      %mul3A = arith.constant 632 : i32
      %mul3A_7 = arith.muli %arg1, %mul3A : i32
      %lt3A = arith.constant 15 : i32
      %lt3A_8 = arith.cmpi slt, %arg1, %lt3A : i32
      %convert_element_type3A_9 = arith.extui %lt3A_8 : i1 to i32
      %cond3A_10 = arith.constant 0 : i32
      %cond3A_11 = arith.cmpi ne, %convert_element_type3A_9, %cond3A_10 : i32
      scf.if %cond3A_11 {
        "tpu.region"() ({
          %run_scoped3A = tpu.sem_alloc : memref<!tpu.dma_semaphore, #tpu.memory_space<semaphore_mem>>
          %dma_start3A_86 = arith.constant 0 : i32
          %dma_start3A_87 = tpu.memref_slice %arg8[%mul3A_7, %dma_start3A_86] : memref<10016x128xf32, #tpu.memory_space<vmem_shared>> -> memref<632x128xf32, #tpu.memory_space<vmem_shared>>
          %dma_start3A_88 = arith.constant 0 : i32
          %dma_start3A_89 = tpu.memref_slice %arg2[%mul3A_7, %dma_start3A_88] : memref<10000x128xf32, #tpu.memory_space<hbm>> -> memref<632x128xf32, #tpu.memory_space<hbm>>
          tpu.enqueue_dma source(%dma_start3A_89 : memref<632x128xf32, #tpu.memory_space<hbm>>) target(%dma_start3A_87 : memref<632x128xf32, #tpu.memory_space<vmem_shared>>) target_semaphore(%run_scoped3A : memref<!tpu.dma_semaphore, #tpu.memory_space<semaphore_mem>>)
          %dma_wait3A = arith.constant 0 : i32
          %dma_wait3A_90 = tpu.memref_slice %arg8[%mul3A_7, %dma_wait3A] : memref<10016x128xf32, #tpu.memory_space<vmem_shared>> -> memref<632x128xf32, #tpu.memory_space<vmem_shared>>
          %dma_wait3A_91 = arith.constant 0 : i32
          %dma_wait3A_92 = tpu.memref_slice %arg2[%mul3A_7, %dma_wait3A_91] : memref<10000x128xf32, #tpu.memory_space<hbm>> -> memref<632x128xf32, #tpu.memory_space<hbm>>
          tpu.wait_dma2 semaphore(%run_scoped3A : memref<!tpu.dma_semaphore, #tpu.memory_space<semaphore_mem>>) src(%dma_wait3A_92 : memref<632x128xf32, #tpu.memory_space<hbm>>) dst(%dma_wait3A_90 : memref<632x128xf32, #tpu.memory_space<vmem_shared>>)
          tpu.yield
        }) : () -> ()
      } else {
      }
      %eq3A_12 = arith.constant 15 : i32
      %eq3A_13 = arith.cmpi eq, %arg1, %eq3A_12 : i32
      %convert_element_type3A_14 = arith.extui %eq3A_13 : i1 to i32
      %cond3A_15 = arith.constant 0 : i32
      %cond3A_16 = arith.cmpi ne, %convert_element_type3A_14, %cond3A_15 : i32
      scf.if %cond3A_16 {
        "tpu.region"() ({
          %run_scoped3A = tpu.sem_alloc : memref<!tpu.dma_semaphore, #tpu.memory_space<semaphore_mem>>
          %dma_start3A_86 = arith.constant 9480 : i32
          %dma_start3A_87 = arith.constant 0 : i32
          %dma_start3A_88 = tpu.memref_slice %arg8[%dma_start3A_86, %dma_start3A_87] : memref<10016x128xf32, #tpu.memory_space<vmem_shared>> -> memref<520x128xf32, #tpu.memory_space<vmem_shared>>
          %dma_start3A_89 = arith.constant 9480 : i32
          %dma_start3A_90 = arith.constant 0 : i32
          %dma_start3A_91 = tpu.memref_slice %arg2[%dma_start3A_89, %dma_start3A_90] : memref<10000x128xf32, #tpu.memory_space<hbm>> -> memref<520x128xf32, #tpu.memory_space<hbm>>
          tpu.enqueue_dma source(%dma_start3A_91 : memref<520x128xf32, #tpu.memory_space<hbm>>) target(%dma_start3A_88 : memref<520x128xf32, #tpu.memory_space<vmem_shared>>) target_semaphore(%run_scoped3A : memref<!tpu.dma_semaphore, #tpu.memory_space<semaphore_mem>>)
          %dma_wait3A = arith.constant 9480 : i32
          %dma_wait3A_92 = arith.constant 0 : i32
          %dma_wait3A_93 = tpu.memref_slice %arg8[%dma_wait3A, %dma_wait3A_92] : memref<10016x128xf32, #tpu.memory_space<vmem_shared>> -> memref<520x128xf32, #tpu.memory_space<vmem_shared>>
          %dma_wait3A_94 = arith.constant 9480 : i32
          %dma_wait3A_95 = arith.constant 0 : i32
          %dma_wait3A_96 = tpu.memref_slice %arg2[%dma_wait3A_94, %dma_wait3A_95] : memref<10000x128xf32, #tpu.memory_space<hbm>> -> memref<520x128xf32, #tpu.memory_space<hbm>>
          tpu.wait_dma2 semaphore(%run_scoped3A : memref<!tpu.dma_semaphore, #tpu.memory_space<semaphore_mem>>) src(%dma_wait3A_96 : memref<520x128xf32, #tpu.memory_space<hbm>>) dst(%dma_wait3A_93 : memref<520x128xf32, #tpu.memory_space<vmem_shared>>)
          tpu.yield
        }) : () -> ()
      } else {
      }
      %barrier3A = arith.constant 0 : index
      tpu.barrier barrier_id(%barrier3A)
      "tpu.region"() ({
        %run_scoped3A = tpu.sem_alloc : memref<!tpu.dma_semaphore, #tpu.memory_space<semaphore_mem>>
        %dma_start3A_86 = arith.constant 0 : i32
        %dma_start3A_87 = arith.constant 0 : i32
        %dma_start3A_88 = tpu.memref_slice %arg4[%arg1, %dma_start3A_86, %dma_start3A_87] : memref<16x80x128xi32, #tpu.memory_space<hbm>> -> memref<1x40x128xi32, #tpu.memory_space<hbm>>
        %dma_start3A_89 = tpu.memref_squeeze %dma_start3A_88 : memref<1x40x128xi32, #tpu.memory_space<hbm>> -> memref<40x128xi32, #tpu.memory_space<hbm>>
        %dma_start3A_90 = arith.constant 0 : i32
        %dma_start3A_91 = arith.constant 0 : i32
        %dma_start3A_92 = tpu.memref_slice %arg4[%arg1, %dma_start3A_90, %dma_start3A_91] : memref<16x80x128xi32, #tpu.memory_space<hbm>> -> memref<1x40x128xi32, #tpu.memory_space<hbm>>
        %dma_start3A_93 = tpu.memref_squeeze %dma_start3A_92 : memref<1x40x128xi32, #tpu.memory_space<hbm>> -> memref<40x128xi32, #tpu.memory_space<hbm>>
        tpu.enqueue_dma source(%dma_start3A_93 : memref<40x128xi32, #tpu.memory_space<hbm>>) target(%arg10 : memref<40x128xi32, #tpu.memory_space<vmem>>) target_semaphore(%run_scoped3A : memref<!tpu.dma_semaphore, #tpu.memory_space<semaphore_mem>>)
        %dma_wait3A = arith.constant 0 : i32
        %dma_wait3A_94 = arith.constant 0 : i32
        %dma_wait3A_95 = tpu.memref_slice %arg4[%arg1, %dma_wait3A, %dma_wait3A_94] : memref<16x80x128xi32, #tpu.memory_space<hbm>> -> memref<1x40x128xi32, #tpu.memory_space<hbm>>
        %dma_wait3A_96 = tpu.memref_squeeze %dma_wait3A_95 : memref<1x40x128xi32, #tpu.memory_space<hbm>> -> memref<40x128xi32, #tpu.memory_space<hbm>>
        %dma_wait3A_97 = arith.constant 0 : i32
        %dma_wait3A_98 = arith.constant 0 : i32
        %dma_wait3A_99 = tpu.memref_slice %arg4[%arg1, %dma_wait3A_97, %dma_wait3A_98] : memref<16x80x128xi32, #tpu.memory_space<hbm>> -> memref<1x40x128xi32, #tpu.memory_space<hbm>>
        %dma_wait3A_100 = tpu.memref_squeeze %dma_wait3A_99 : memref<1x40x128xi32, #tpu.memory_space<hbm>> -> memref<40x128xi32, #tpu.memory_space<hbm>>
        tpu.wait_dma2 semaphore(%run_scoped3A : memref<!tpu.dma_semaphore, #tpu.memory_space<semaphore_mem>>) src(%dma_wait3A_100 : memref<40x128xi32, #tpu.memory_space<hbm>>) dst(%arg10 : memref<40x128xi32, #tpu.memory_space<vmem>>)
        tpu.yield
      }) : () -> ()
      "tpu.region"() ({
        %run_scoped3A = tpu.sem_alloc : memref<!tpu.dma_semaphore, #tpu.memory_space<semaphore_mem>>
        %dma_start3A_86 = arith.constant 0 : i32
        %dma_start3A_87 = arith.constant 0 : i32
        %dma_start3A_88 = tpu.memref_slice %arg5[%arg1, %dma_start3A_86, %dma_start3A_87] : memref<16x80x128xi32, #tpu.memory_space<hbm>> -> memref<1x40x128xi32, #tpu.memory_space<hbm>>
        %dma_start3A_89 = tpu.memref_squeeze %dma_start3A_88 : memref<1x40x128xi32, #tpu.memory_space<hbm>> -> memref<40x128xi32, #tpu.memory_space<hbm>>
        %dma_start3A_90 = arith.constant 0 : i32
        %dma_start3A_91 = arith.constant 0 : i32
        %dma_start3A_92 = tpu.memref_slice %arg5[%arg1, %dma_start3A_90, %dma_start3A_91] : memref<16x80x128xi32, #tpu.memory_space<hbm>> -> memref<1x40x128xi32, #tpu.memory_space<hbm>>
        %dma_start3A_93 = tpu.memref_squeeze %dma_start3A_92 : memref<1x40x128xi32, #tpu.memory_space<hbm>> -> memref<40x128xi32, #tpu.memory_space<hbm>>
        tpu.enqueue_dma source(%dma_start3A_93 : memref<40x128xi32, #tpu.memory_space<hbm>>) target(%arg11 : memref<40x128xi32, #tpu.memory_space<vmem>>) target_semaphore(%run_scoped3A : memref<!tpu.dma_semaphore, #tpu.memory_space<semaphore_mem>>)
        %dma_wait3A = arith.constant 0 : i32
        %dma_wait3A_94 = arith.constant 0 : i32
        %dma_wait3A_95 = tpu.memref_slice %arg5[%arg1, %dma_wait3A, %dma_wait3A_94] : memref<16x80x128xi32, #tpu.memory_space<hbm>> -> memref<1x40x128xi32, #tpu.memory_space<hbm>>
        %dma_wait3A_96 = tpu.memref_squeeze %dma_wait3A_95 : memref<1x40x128xi32, #tpu.memory_space<hbm>> -> memref<40x128xi32, #tpu.memory_space<hbm>>
        %dma_wait3A_97 = arith.constant 0 : i32
        %dma_wait3A_98 = arith.constant 0 : i32
        %dma_wait3A_99 = tpu.memref_slice %arg5[%arg1, %dma_wait3A_97, %dma_wait3A_98] : memref<16x80x128xi32, #tpu.memory_space<hbm>> -> memref<1x40x128xi32, #tpu.memory_space<hbm>>
        %dma_wait3A_100 = tpu.memref_squeeze %dma_wait3A_99 : memref<1x40x128xi32, #tpu.memory_space<hbm>> -> memref<40x128xi32, #tpu.memory_space<hbm>>
        tpu.wait_dma2 semaphore(%run_scoped3A : memref<!tpu.dma_semaphore, #tpu.memory_space<semaphore_mem>>) src(%dma_wait3A_100 : memref<40x128xi32, #tpu.memory_space<hbm>>) dst(%arg11 : memref<40x128xi32, #tpu.memory_space<vmem>>)
        tpu.yield
      }) : () -> ()
      %dma_start3A = arith.constant 0 : i32
      %dma_start3A_17 = arith.constant 0 : i32
      %dma_start3A_18 = arith.constant 0 : i32
      %dma_start3A_19 = arith.constant 0 : i32
      %dma_start3A_20 = tpu.memref_slice %arg9[%dma_start3A_17, %dma_start3A_18, %dma_start3A_19] : memref<2x128x128xf32, #tpu.memory_space<vmem>> -> memref<1x128x128xf32, #tpu.memory_space<vmem>>
      %dma_start3A_21 = tpu.memref_squeeze %dma_start3A_20 : memref<1x128x128xf32, #tpu.memory_space<vmem>> -> memref<128x128xf32, #tpu.memory_space<vmem>>
      %dma_start3A_22 = arith.constant 0 : i32
      %dma_start3A_23 = tpu.memref_slice %arg10[%dma_start3A, %dma_start3A_22] : memref<40x128xi32, #tpu.memory_space<vmem>> -> memref<1x128xi32, #tpu.memory_space<vmem>>
      %dma_start3A_24 = tpu.memref_squeeze %dma_start3A_23 : memref<1x128xi32, #tpu.memory_space<vmem>> -> memref<128xi32, #tpu.memory_space<vmem>>
      %dma_start3A_25 = arith.constant 0 : i32
      %dma_start3A_26 = arith.constant 0 : i32
      %dma_start3A_27 = tpu.memref_slice %arg2[%dma_start3A_25, %dma_start3A_26] : memref<10000x128xf32, #tpu.memory_space<hbm>> -> memref<10000x128xf32, #tpu.memory_space<hbm>>
      tpu.enqueue_indirect_dma source(%dma_start3A_27 : memref<10000x128xf32, #tpu.memory_space<hbm>>) target(%dma_start3A_21 : memref<128x128xf32, #tpu.memory_space<vmem>>) offsets(%dma_start3A_24 : memref<128xi32, #tpu.memory_space<vmem>>) semaphore(%arg12 : memref<!tpu.dma_semaphore, #tpu.memory_space<semaphore_mem>>)
      %dma_start3A_28 = arith.constant 1 : i32
      %dma_start3A_29 = arith.constant 1 : i32
      %dma_start3A_30 = arith.constant 0 : i32
      %dma_start3A_31 = arith.constant 0 : i32
      %dma_start3A_32 = tpu.memref_slice %arg9[%dma_start3A_29, %dma_start3A_30, %dma_start3A_31] : memref<2x128x128xf32, #tpu.memory_space<vmem>> -> memref<1x128x128xf32, #tpu.memory_space<vmem>>
      %dma_start3A_33 = tpu.memref_squeeze %dma_start3A_32 : memref<1x128x128xf32, #tpu.memory_space<vmem>> -> memref<128x128xf32, #tpu.memory_space<vmem>>
      %dma_start3A_34 = arith.constant 0 : i32
      %dma_start3A_35 = tpu.memref_slice %arg10[%dma_start3A_28, %dma_start3A_34] : memref<40x128xi32, #tpu.memory_space<vmem>> -> memref<1x128xi32, #tpu.memory_space<vmem>>
      %dma_start3A_36 = tpu.memref_squeeze %dma_start3A_35 : memref<1x128xi32, #tpu.memory_space<vmem>> -> memref<128xi32, #tpu.memory_space<vmem>>
      %dma_start3A_37 = arith.constant 0 : i32
      %dma_start3A_38 = arith.constant 0 : i32
      %dma_start3A_39 = tpu.memref_slice %arg2[%dma_start3A_37, %dma_start3A_38] : memref<10000x128xf32, #tpu.memory_space<hbm>> -> memref<10000x128xf32, #tpu.memory_space<hbm>>
      tpu.enqueue_indirect_dma source(%dma_start3A_39 : memref<10000x128xf32, #tpu.memory_space<hbm>>) target(%dma_start3A_33 : memref<128x128xf32, #tpu.memory_space<vmem>>) offsets(%dma_start3A_36 : memref<128xi32, #tpu.memory_space<vmem>>) semaphore(%arg13 : memref<!tpu.dma_semaphore, #tpu.memory_space<semaphore_mem>>)
      %scan3A = arith.constant 0 : i32
      %scan3A_40 = arith.constant 0 : i32
      %scan3A_41 = arith.constant 20 : i32
      %scan3A_42 = arith.addi %scan3A_40, %scan3A_41 : i32
      %scan3A_43 = arith.constant 1 : i32
      scf.for %scan3A_86 = %scan3A_40 to %scan3A_42 step %scan3A_43  : i32 {
        %mul3A_87 = arith.constant 2 : i32
        %mul3A_88 = arith.muli %mul3A_87, %scan3A_86 : i32
        %dma_wait3A = arith.constant 0 : i32
        %dma_wait3A_89 = arith.constant 0 : i32
        %dma_wait3A_90 = arith.constant 0 : i32
        %dma_wait3A_91 = tpu.memref_slice %arg9[%dma_wait3A, %dma_wait3A_89, %dma_wait3A_90] : memref<2x128x128xf32, #tpu.memory_space<vmem>> -> memref<1x128x128xf32, #tpu.memory_space<vmem>>
        %dma_wait3A_92 = tpu.memref_squeeze %dma_wait3A_91 : memref<1x128x128xf32, #tpu.memory_space<vmem>> -> memref<128x128xf32, #tpu.memory_space<vmem>>
        %dma_wait3A_93 = arith.constant 0 : i32
        %dma_wait3A_94 = tpu.memref_slice %arg10[%mul3A_88, %dma_wait3A_93] : memref<40x128xi32, #tpu.memory_space<vmem>> -> memref<1x128xi32, #tpu.memory_space<vmem>>
        %dma_wait3A_95 = tpu.memref_squeeze %dma_wait3A_94 : memref<1x128xi32, #tpu.memory_space<vmem>> -> memref<128xi32, #tpu.memory_space<vmem>>
        %dma_wait3A_96 = arith.constant 0 : i32
        %dma_wait3A_97 = arith.constant 0 : i32
        %dma_wait3A_98 = tpu.memref_slice %arg2[%dma_wait3A_96, %dma_wait3A_97] : memref<10000x128xf32, #tpu.memory_space<hbm>> -> memref<10000x128xf32, #tpu.memory_space<hbm>>
        tpu.wait_indirect_dma semaphore(%arg12 : memref<!tpu.dma_semaphore, #tpu.memory_space<semaphore_mem>>) src(%dma_wait3A_98 : memref<10000x128xf32, #tpu.memory_space<hbm>>) dst(%dma_wait3A_92 : memref<128x128xf32, #tpu.memory_space<vmem>>)
        %run_scoped3A = arith.constant 0 : i32
        "tpu.region"() ({
          %run_scoped3A_124 = tpu.sem_alloc : memref<!tpu.dma_semaphore, #tpu.memory_space<semaphore_mem>>
          %dma_start3A_125 = arith.constant 0 : i32
          %dma_start3A_126 = arith.constant 0 : i32
          %dma_start3A_127 = tpu.memref_slice %arg9[%run_scoped3A, %dma_start3A_125, %dma_start3A_126] : memref<2x128x128xf32, #tpu.memory_space<vmem>> -> memref<1x128x128xf32, #tpu.memory_space<vmem>>
          %dma_start3A_128 = tpu.memref_squeeze %dma_start3A_127 : memref<1x128x128xf32, #tpu.memory_space<vmem>> -> memref<128x128xf32, #tpu.memory_space<vmem>>
          %dma_start3A_129 = arith.constant 0 : i32
          %dma_start3A_130 = tpu.memref_slice %arg11[%mul3A_88, %dma_start3A_129] : memref<40x128xi32, #tpu.memory_space<vmem>> -> memref<1x128xi32, #tpu.memory_space<vmem>>
          %dma_start3A_131 = tpu.memref_squeeze %dma_start3A_130 : memref<1x128xi32, #tpu.memory_space<vmem>> -> memref<128xi32, #tpu.memory_space<vmem>>
          %dma_start3A_132 = arith.constant 0 : i32
          %dma_start3A_133 = arith.constant 0 : i32
          %dma_start3A_134 = tpu.memref_slice %arg8[%dma_start3A_132, %dma_start3A_133] : memref<10016x128xf32, #tpu.memory_space<vmem_shared>> -> memref<10016x128xf32, #tpu.memory_space<vmem_shared>>
          tpu.enqueue_indirect_dma source(%dma_start3A_128 : memref<128x128xf32, #tpu.memory_space<vmem>>) target(%dma_start3A_134 : memref<10016x128xf32, #tpu.memory_space<vmem_shared>>) offsets(%dma_start3A_131 : memref<128xi32, #tpu.memory_space<vmem>>) semaphore(%run_scoped3A_124 : memref<!tpu.dma_semaphore, #tpu.memory_space<semaphore_mem>>) {add = true}
          %dma_wait3A_135 = arith.constant 0 : i32
          %dma_wait3A_136 = arith.constant 0 : i32
          %dma_wait3A_137 = tpu.memref_slice %arg9[%run_scoped3A, %dma_wait3A_135, %dma_wait3A_136] : memref<2x128x128xf32, #tpu.memory_space<vmem>> -> memref<1x128x128xf32, #tpu.memory_space<vmem>>
          %dma_wait3A_138 = tpu.memref_squeeze %dma_wait3A_137 : memref<1x128x128xf32, #tpu.memory_space<vmem>> -> memref<128x128xf32, #tpu.memory_space<vmem>>
          %dma_wait3A_139 = arith.constant 0 : i32
          %dma_wait3A_140 = tpu.memref_slice %arg11[%mul3A_88, %dma_wait3A_139] : memref<40x128xi32, #tpu.memory_space<vmem>> -> memref<1x128xi32, #tpu.memory_space<vmem>>
          %dma_wait3A_141 = tpu.memref_squeeze %dma_wait3A_140 : memref<1x128xi32, #tpu.memory_space<vmem>> -> memref<128xi32, #tpu.memory_space<vmem>>
          %dma_wait3A_142 = arith.constant 0 : i32
          %dma_wait3A_143 = arith.constant 0 : i32
          %dma_wait3A_144 = tpu.memref_slice %arg8[%dma_wait3A_142, %dma_wait3A_143] : memref<10016x128xf32, #tpu.memory_space<vmem_shared>> -> memref<10016x128xf32, #tpu.memory_space<vmem_shared>>
          tpu.wait_indirect_dma semaphore(%run_scoped3A_124 : memref<!tpu.dma_semaphore, #tpu.memory_space<semaphore_mem>>) src(%dma_wait3A_138 : memref<128x128xf32, #tpu.memory_space<vmem>>) dst(%dma_wait3A_144 : memref<10016x128xf32, #tpu.memory_space<vmem_shared>>)
          tpu.yield
        }) : () -> ()
        %lt3A_99 = arith.constant 19 : i32
        %lt3A_100 = arith.cmpi slt, %scan3A_86, %lt3A_99 : i32
        %convert_element_type3A_101 = arith.extui %lt3A_100 : i1 to i32
        %cond3A_102 = arith.constant 0 : i32
        %cond3A_103 = arith.cmpi ne, %convert_element_type3A_101, %cond3A_102 : i32
        scf.if %cond3A_103 {
          %add3A_124 = arith.constant 2 : i32
          %add3A_125 = arith.addi %mul3A_88, %add3A_124 : i32
          %dma_start3A_126 = arith.constant 0 : i32
          %dma_start3A_127 = arith.constant 0 : i32
          %dma_start3A_128 = arith.constant 0 : i32
          %dma_start3A_129 = tpu.memref_slice %arg9[%dma_start3A_126, %dma_start3A_127, %dma_start3A_128] : memref<2x128x128xf32, #tpu.memory_space<vmem>> -> memref<1x128x128xf32, #tpu.memory_space<vmem>>
          %dma_start3A_130 = tpu.memref_squeeze %dma_start3A_129 : memref<1x128x128xf32, #tpu.memory_space<vmem>> -> memref<128x128xf32, #tpu.memory_space<vmem>>
          %dma_start3A_131 = arith.constant 0 : i32
          %dma_start3A_132 = tpu.memref_slice %arg10[%add3A_125, %dma_start3A_131] : memref<40x128xi32, #tpu.memory_space<vmem>> -> memref<1x128xi32, #tpu.memory_space<vmem>>
          %dma_start3A_133 = tpu.memref_squeeze %dma_start3A_132 : memref<1x128xi32, #tpu.memory_space<vmem>> -> memref<128xi32, #tpu.memory_space<vmem>>
          %dma_start3A_134 = arith.constant 0 : i32
          %dma_start3A_135 = arith.constant 0 : i32
          %dma_start3A_136 = tpu.memref_slice %arg2[%dma_start3A_134, %dma_start3A_135] : memref<10000x128xf32, #tpu.memory_space<hbm>> -> memref<10000x128xf32, #tpu.memory_space<hbm>>
          tpu.enqueue_indirect_dma source(%dma_start3A_136 : memref<10000x128xf32, #tpu.memory_space<hbm>>) target(%dma_start3A_130 : memref<128x128xf32, #tpu.memory_space<vmem>>) offsets(%dma_start3A_133 : memref<128xi32, #tpu.memory_space<vmem>>) semaphore(%arg12 : memref<!tpu.dma_semaphore, #tpu.memory_space<semaphore_mem>>)
        } else {
        }
        %add3A = arith.constant 1 : i32
        %add3A_104 = arith.addi %mul3A_88, %add3A : i32
        %dma_wait3A_105 = arith.constant 1 : i32
        %dma_wait3A_106 = arith.constant 0 : i32
        %dma_wait3A_107 = arith.constant 0 : i32
        %dma_wait3A_108 = tpu.memref_slice %arg9[%dma_wait3A_105, %dma_wait3A_106, %dma_wait3A_107] : memref<2x128x128xf32, #tpu.memory_space<vmem>> -> memref<1x128x128xf32, #tpu.memory_space<vmem>>
        %dma_wait3A_109 = tpu.memref_squeeze %dma_wait3A_108 : memref<1x128x128xf32, #tpu.memory_space<vmem>> -> memref<128x128xf32, #tpu.memory_space<vmem>>
        %dma_wait3A_110 = arith.constant 0 : i32
        %dma_wait3A_111 = tpu.memref_slice %arg10[%add3A_104, %dma_wait3A_110] : memref<40x128xi32, #tpu.memory_space<vmem>> -> memref<1x128xi32, #tpu.memory_space<vmem>>
        %dma_wait3A_112 = tpu.memref_squeeze %dma_wait3A_111 : memref<1x128xi32, #tpu.memory_space<vmem>> -> memref<128xi32, #tpu.memory_space<vmem>>
        %dma_wait3A_113 = arith.constant 0 : i32
        %dma_wait3A_114 = arith.constant 0 : i32
        %dma_wait3A_115 = tpu.memref_slice %arg2[%dma_wait3A_113, %dma_wait3A_114] : memref<10000x128xf32, #tpu.memory_space<hbm>> -> memref<10000x128xf32, #tpu.memory_space<hbm>>
        tpu.wait_indirect_dma semaphore(%arg13 : memref<!tpu.dma_semaphore, #tpu.memory_space<semaphore_mem>>) src(%dma_wait3A_115 : memref<10000x128xf32, #tpu.memory_space<hbm>>) dst(%dma_wait3A_109 : memref<128x128xf32, #tpu.memory_space<vmem>>)
        %add3A_116 = arith.constant 1 : i32
        %add3A_117 = arith.addi %mul3A_88, %add3A_116 : i32
        %run_scoped3A_118 = arith.constant 1 : i32
        "tpu.region"() ({
          %run_scoped3A_124 = tpu.sem_alloc : memref<!tpu.dma_semaphore, #tpu.memory_space<semaphore_mem>>
          %dma_start3A_125 = arith.constant 0 : i32
          %dma_start3A_126 = arith.constant 0 : i32
          %dma_start3A_127 = tpu.memref_slice %arg9[%run_scoped3A_118, %dma_start3A_125, %dma_start3A_126] : memref<2x128x128xf32, #tpu.memory_space<vmem>> -> memref<1x128x128xf32, #tpu.memory_space<vmem>>
          %dma_start3A_128 = tpu.memref_squeeze %dma_start3A_127 : memref<1x128x128xf32, #tpu.memory_space<vmem>> -> memref<128x128xf32, #tpu.memory_space<vmem>>
          %dma_start3A_129 = arith.constant 0 : i32
          %dma_start3A_130 = tpu.memref_slice %arg11[%add3A_117, %dma_start3A_129] : memref<40x128xi32, #tpu.memory_space<vmem>> -> memref<1x128xi32, #tpu.memory_space<vmem>>
          %dma_start3A_131 = tpu.memref_squeeze %dma_start3A_130 : memref<1x128xi32, #tpu.memory_space<vmem>> -> memref<128xi32, #tpu.memory_space<vmem>>
          %dma_start3A_132 = arith.constant 0 : i32
          %dma_start3A_133 = arith.constant 0 : i32
          %dma_start3A_134 = tpu.memref_slice %arg8[%dma_start3A_132, %dma_start3A_133] : memref<10016x128xf32, #tpu.memory_space<vmem_shared>> -> memref<10016x128xf32, #tpu.memory_space<vmem_shared>>
          tpu.enqueue_indirect_dma source(%dma_start3A_128 : memref<128x128xf32, #tpu.memory_space<vmem>>) target(%dma_start3A_134 : memref<10016x128xf32, #tpu.memory_space<vmem_shared>>) offsets(%dma_start3A_131 : memref<128xi32, #tpu.memory_space<vmem>>) semaphore(%run_scoped3A_124 : memref<!tpu.dma_semaphore, #tpu.memory_space<semaphore_mem>>) {add = true}
          %dma_wait3A_135 = arith.constant 0 : i32
          %dma_wait3A_136 = arith.constant 0 : i32
          %dma_wait3A_137 = tpu.memref_slice %arg9[%run_scoped3A_118, %dma_wait3A_135, %dma_wait3A_136] : memref<2x128x128xf32, #tpu.memory_space<vmem>> -> memref<1x128x128xf32, #tpu.memory_space<vmem>>
          %dma_wait3A_138 = tpu.memref_squeeze %dma_wait3A_137 : memref<1x128x128xf32, #tpu.memory_space<vmem>> -> memref<128x128xf32, #tpu.memory_space<vmem>>
          %dma_wait3A_139 = arith.constant 0 : i32
          %dma_wait3A_140 = tpu.memref_slice %arg11[%add3A_117, %dma_wait3A_139] : memref<40x128xi32, #tpu.memory_space<vmem>> -> memref<1x128xi32, #tpu.memory_space<vmem>>
          %dma_wait3A_141 = tpu.memref_squeeze %dma_wait3A_140 : memref<1x128xi32, #tpu.memory_space<vmem>> -> memref<128xi32, #tpu.memory_space<vmem>>
          %dma_wait3A_142 = arith.constant 0 : i32
          %dma_wait3A_143 = arith.constant 0 : i32
          %dma_wait3A_144 = tpu.memref_slice %arg8[%dma_wait3A_142, %dma_wait3A_143] : memref<10016x128xf32, #tpu.memory_space<vmem_shared>> -> memref<10016x128xf32, #tpu.memory_space<vmem_shared>>
          tpu.wait_indirect_dma semaphore(%run_scoped3A_124 : memref<!tpu.dma_semaphore, #tpu.memory_space<semaphore_mem>>) src(%dma_wait3A_138 : memref<128x128xf32, #tpu.memory_space<vmem>>) dst(%dma_wait3A_144 : memref<10016x128xf32, #tpu.memory_space<vmem_shared>>)
          tpu.yield
        }) : () -> ()
        %lt3A_119 = arith.constant 19 : i32
        %lt3A_120 = arith.cmpi slt, %scan3A_86, %lt3A_119 : i32
        %convert_element_type3A_121 = arith.extui %lt3A_120 : i1 to i32
        %cond3A_122 = arith.constant 0 : i32
        %cond3A_123 = arith.cmpi ne, %convert_element_type3A_121, %cond3A_122 : i32
        scf.if %cond3A_123 {
          %add3A_124 = arith.constant 3 : i32
          %add3A_125 = arith.addi %mul3A_88, %add3A_124 : i32
          %dma_start3A_126 = arith.constant 1 : i32
          %dma_start3A_127 = arith.constant 0 : i32
          %dma_start3A_128 = arith.constant 0 : i32
          %dma_start3A_129 = tpu.memref_slice %arg9[%dma_start3A_126, %dma_start3A_127, %dma_start3A_128] : memref<2x128x128xf32, #tpu.memory_space<vmem>> -> memref<1x128x128xf32, #tpu.memory_space<vmem>>
          %dma_start3A_130 = tpu.memref_squeeze %dma_start3A_129 : memref<1x128x128xf32, #tpu.memory_space<vmem>> -> memref<128x128xf32, #tpu.memory_space<vmem>>
          %dma_start3A_131 = arith.constant 0 : i32
          %dma_start3A_132 = tpu.memref_slice %arg10[%add3A_125, %dma_start3A_131] : memref<40x128xi32, #tpu.memory_space<vmem>> -> memref<1x128xi32, #tpu.memory_space<vmem>>
          %dma_start3A_133 = tpu.memref_squeeze %dma_start3A_132 : memref<1x128xi32, #tpu.memory_space<vmem>> -> memref<128xi32, #tpu.memory_space<vmem>>
          %dma_start3A_134 = arith.constant 0 : i32
          %dma_start3A_135 = arith.constant 0 : i32
          %dma_start3A_136 = tpu.memref_slice %arg2[%dma_start3A_134, %dma_start3A_135] : memref<10000x128xf32, #tpu.memory_space<hbm>> -> memref<10000x128xf32, #tpu.memory_space<hbm>>
          tpu.enqueue_indirect_dma source(%dma_start3A_136 : memref<10000x128xf32, #tpu.memory_space<hbm>>) target(%dma_start3A_130 : memref<128x128xf32, #tpu.memory_space<vmem>>) offsets(%dma_start3A_133 : memref<128xi32, #tpu.memory_space<vmem>>) semaphore(%arg13 : memref<!tpu.dma_semaphore, #tpu.memory_space<semaphore_mem>>)
        } else {
        }
      }
      %scan3A_44 = arith.constant 20 : i32
      "tpu.region"() ({
        %run_scoped3A = tpu.sem_alloc : memref<!tpu.dma_semaphore, #tpu.memory_space<semaphore_mem>>
        %dma_start3A_86 = arith.constant 40 : i32
        %dma_start3A_87 = arith.constant 0 : i32
        %dma_start3A_88 = tpu.memref_slice %arg4[%arg1, %dma_start3A_86, %dma_start3A_87] : memref<16x80x128xi32, #tpu.memory_space<hbm>> -> memref<1x40x128xi32, #tpu.memory_space<hbm>>
        %dma_start3A_89 = tpu.memref_squeeze %dma_start3A_88 : memref<1x40x128xi32, #tpu.memory_space<hbm>> -> memref<40x128xi32, #tpu.memory_space<hbm>>
        %dma_start3A_90 = arith.constant 40 : i32
        %dma_start3A_91 = arith.constant 0 : i32
        %dma_start3A_92 = tpu.memref_slice %arg4[%arg1, %dma_start3A_90, %dma_start3A_91] : memref<16x80x128xi32, #tpu.memory_space<hbm>> -> memref<1x40x128xi32, #tpu.memory_space<hbm>>
        %dma_start3A_93 = tpu.memref_squeeze %dma_start3A_92 : memref<1x40x128xi32, #tpu.memory_space<hbm>> -> memref<40x128xi32, #tpu.memory_space<hbm>>
        tpu.enqueue_dma source(%dma_start3A_93 : memref<40x128xi32, #tpu.memory_space<hbm>>) target(%arg10 : memref<40x128xi32, #tpu.memory_space<vmem>>) target_semaphore(%run_scoped3A : memref<!tpu.dma_semaphore, #tpu.memory_space<semaphore_mem>>)
        %dma_wait3A = arith.constant 40 : i32
        %dma_wait3A_94 = arith.constant 0 : i32
        %dma_wait3A_95 = tpu.memref_slice %arg4[%arg1, %dma_wait3A, %dma_wait3A_94] : memref<16x80x128xi32, #tpu.memory_space<hbm>> -> memref<1x40x128xi32, #tpu.memory_space<hbm>>
        %dma_wait3A_96 = tpu.memref_squeeze %dma_wait3A_95 : memref<1x40x128xi32, #tpu.memory_space<hbm>> -> memref<40x128xi32, #tpu.memory_space<hbm>>
        %dma_wait3A_97 = arith.constant 40 : i32
        %dma_wait3A_98 = arith.constant 0 : i32
        %dma_wait3A_99 = tpu.memref_slice %arg4[%arg1, %dma_wait3A_97, %dma_wait3A_98] : memref<16x80x128xi32, #tpu.memory_space<hbm>> -> memref<1x40x128xi32, #tpu.memory_space<hbm>>
        %dma_wait3A_100 = tpu.memref_squeeze %dma_wait3A_99 : memref<1x40x128xi32, #tpu.memory_space<hbm>> -> memref<40x128xi32, #tpu.memory_space<hbm>>
        tpu.wait_dma2 semaphore(%run_scoped3A : memref<!tpu.dma_semaphore, #tpu.memory_space<semaphore_mem>>) src(%dma_wait3A_100 : memref<40x128xi32, #tpu.memory_space<hbm>>) dst(%arg10 : memref<40x128xi32, #tpu.memory_space<vmem>>)
        tpu.yield
      }) : () -> ()
      "tpu.region"() ({
        %run_scoped3A = tpu.sem_alloc : memref<!tpu.dma_semaphore, #tpu.memory_space<semaphore_mem>>
        %dma_start3A_86 = arith.constant 40 : i32
        %dma_start3A_87 = arith.constant 0 : i32
        %dma_start3A_88 = tpu.memref_slice %arg5[%arg1, %dma_start3A_86, %dma_start3A_87] : memref<16x80x128xi32, #tpu.memory_space<hbm>> -> memref<1x40x128xi32, #tpu.memory_space<hbm>>
        %dma_start3A_89 = tpu.memref_squeeze %dma_start3A_88 : memref<1x40x128xi32, #tpu.memory_space<hbm>> -> memref<40x128xi32, #tpu.memory_space<hbm>>
        %dma_start3A_90 = arith.constant 40 : i32
        %dma_start3A_91 = arith.constant 0 : i32
        %dma_start3A_92 = tpu.memref_slice %arg5[%arg1, %dma_start3A_90, %dma_start3A_91] : memref<16x80x128xi32, #tpu.memory_space<hbm>> -> memref<1x40x128xi32, #tpu.memory_space<hbm>>
        %dma_start3A_93 = tpu.memref_squeeze %dma_start3A_92 : memref<1x40x128xi32, #tpu.memory_space<hbm>> -> memref<40x128xi32, #tpu.memory_space<hbm>>
        tpu.enqueue_dma source(%dma_start3A_93 : memref<40x128xi32, #tpu.memory_space<hbm>>) target(%arg11 : memref<40x128xi32, #tpu.memory_space<vmem>>) target_semaphore(%run_scoped3A : memref<!tpu.dma_semaphore, #tpu.memory_space<semaphore_mem>>)
        %dma_wait3A = arith.constant 40 : i32
        %dma_wait3A_94 = arith.constant 0 : i32
        %dma_wait3A_95 = tpu.memref_slice %arg5[%arg1, %dma_wait3A, %dma_wait3A_94] : memref<16x80x128xi32, #tpu.memory_space<hbm>> -> memref<1x40x128xi32, #tpu.memory_space<hbm>>
        %dma_wait3A_96 = tpu.memref_squeeze %dma_wait3A_95 : memref<1x40x128xi32, #tpu.memory_space<hbm>> -> memref<40x128xi32, #tpu.memory_space<hbm>>
        %dma_wait3A_97 = arith.constant 40 : i32
        %dma_wait3A_98 = arith.constant 0 : i32
        %dma_wait3A_99 = tpu.memref_slice %arg5[%arg1, %dma_wait3A_97, %dma_wait3A_98] : memref<16x80x128xi32, #tpu.memory_space<hbm>> -> memref<1x40x128xi32, #tpu.memory_space<hbm>>
        %dma_wait3A_100 = tpu.memref_squeeze %dma_wait3A_99 : memref<1x40x128xi32, #tpu.memory_space<hbm>> -> memref<40x128xi32, #tpu.memory_space<hbm>>
        tpu.wait_dma2 semaphore(%run_scoped3A : memref<!tpu.dma_semaphore, #tpu.memory_space<semaphore_mem>>) src(%dma_wait3A_100 : memref<40x128xi32, #tpu.memory_space<hbm>>) dst(%arg11 : memref<40x128xi32, #tpu.memory_space<vmem>>)
        tpu.yield
      }) : () -> ()
      %dma_start3A_45 = arith.constant 0 : i32
      %dma_start3A_46 = arith.constant 0 : i32
      %dma_start3A_47 = arith.constant 0 : i32
      %dma_start3A_48 = arith.constant 0 : i32
      %dma_start3A_49 = tpu.memref_slice %arg9[%dma_start3A_46, %dma_start3A_47, %dma_start3A_48] : memref<2x128x128xf32, #tpu.memory_space<vmem>> -> memref<1x128x128xf32, #tpu.memory_space<vmem>>
      %dma_start3A_50 = tpu.memref_squeeze %dma_start3A_49 : memref<1x128x128xf32, #tpu.memory_space<vmem>> -> memref<128x128xf32, #tpu.memory_space<vmem>>
      %dma_start3A_51 = arith.constant 0 : i32
      %dma_start3A_52 = tpu.memref_slice %arg10[%dma_start3A_45, %dma_start3A_51] : memref<40x128xi32, #tpu.memory_space<vmem>> -> memref<1x128xi32, #tpu.memory_space<vmem>>
      %dma_start3A_53 = tpu.memref_squeeze %dma_start3A_52 : memref<1x128xi32, #tpu.memory_space<vmem>> -> memref<128xi32, #tpu.memory_space<vmem>>
      %dma_start3A_54 = arith.constant 0 : i32
      %dma_start3A_55 = arith.constant 0 : i32
      %dma_start3A_56 = tpu.memref_slice %arg2[%dma_start3A_54, %dma_start3A_55] : memref<10000x128xf32, #tpu.memory_space<hbm>> -> memref<10000x128xf32, #tpu.memory_space<hbm>>
      tpu.enqueue_indirect_dma source(%dma_start3A_56 : memref<10000x128xf32, #tpu.memory_space<hbm>>) target(%dma_start3A_50 : memref<128x128xf32, #tpu.memory_space<vmem>>) offsets(%dma_start3A_53 : memref<128xi32, #tpu.memory_space<vmem>>) semaphore(%arg12 : memref<!tpu.dma_semaphore, #tpu.memory_space<semaphore_mem>>)
      %dma_start3A_57 = arith.constant 1 : i32
      %dma_start3A_58 = arith.constant 1 : i32
      %dma_start3A_59 = arith.constant 0 : i32
      %dma_start3A_60 = arith.constant 0 : i32
      %dma_start3A_61 = tpu.memref_slice %arg9[%dma_start3A_58, %dma_start3A_59, %dma_start3A_60] : memref<2x128x128xf32, #tpu.memory_space<vmem>> -> memref<1x128x128xf32, #tpu.memory_space<vmem>>
      %dma_start3A_62 = tpu.memref_squeeze %dma_start3A_61 : memref<1x128x128xf32, #tpu.memory_space<vmem>> -> memref<128x128xf32, #tpu.memory_space<vmem>>
      %dma_start3A_63 = arith.constant 0 : i32
      %dma_start3A_64 = tpu.memref_slice %arg10[%dma_start3A_57, %dma_start3A_63] : memref<40x128xi32, #tpu.memory_space<vmem>> -> memref<1x128xi32, #tpu.memory_space<vmem>>
      %dma_start3A_65 = tpu.memref_squeeze %dma_start3A_64 : memref<1x128xi32, #tpu.memory_space<vmem>> -> memref<128xi32, #tpu.memory_space<vmem>>
      %dma_start3A_66 = arith.constant 0 : i32
      %dma_start3A_67 = arith.constant 0 : i32
      %dma_start3A_68 = tpu.memref_slice %arg2[%dma_start3A_66, %dma_start3A_67] : memref<10000x128xf32, #tpu.memory_space<hbm>> -> memref<10000x128xf32, #tpu.memory_space<hbm>>
      tpu.enqueue_indirect_dma source(%dma_start3A_68 : memref<10000x128xf32, #tpu.memory_space<hbm>>) target(%dma_start3A_62 : memref<128x128xf32, #tpu.memory_space<vmem>>) offsets(%dma_start3A_65 : memref<128xi32, #tpu.memory_space<vmem>>) semaphore(%arg13 : memref<!tpu.dma_semaphore, #tpu.memory_space<semaphore_mem>>)
      %scan3A_69 = arith.constant 0 : i32
      %scan3A_70 = arith.constant 0 : i32
      %scan3A_71 = arith.constant 20 : i32
      %scan3A_72 = arith.addi %scan3A_70, %scan3A_71 : i32
      %scan3A_73 = arith.constant 1 : i32
      scf.for %scan3A_86 = %scan3A_70 to %scan3A_72 step %scan3A_73  : i32 {
        %mul3A_87 = arith.constant 2 : i32
        %mul3A_88 = arith.muli %mul3A_87, %scan3A_86 : i32
        %dma_wait3A = arith.constant 0 : i32
        %dma_wait3A_89 = arith.constant 0 : i32
        %dma_wait3A_90 = arith.constant 0 : i32
        %dma_wait3A_91 = tpu.memref_slice %arg9[%dma_wait3A, %dma_wait3A_89, %dma_wait3A_90] : memref<2x128x128xf32, #tpu.memory_space<vmem>> -> memref<1x128x128xf32, #tpu.memory_space<vmem>>
        %dma_wait3A_92 = tpu.memref_squeeze %dma_wait3A_91 : memref<1x128x128xf32, #tpu.memory_space<vmem>> -> memref<128x128xf32, #tpu.memory_space<vmem>>
        %dma_wait3A_93 = arith.constant 0 : i32
        %dma_wait3A_94 = tpu.memref_slice %arg10[%mul3A_88, %dma_wait3A_93] : memref<40x128xi32, #tpu.memory_space<vmem>> -> memref<1x128xi32, #tpu.memory_space<vmem>>
        %dma_wait3A_95 = tpu.memref_squeeze %dma_wait3A_94 : memref<1x128xi32, #tpu.memory_space<vmem>> -> memref<128xi32, #tpu.memory_space<vmem>>
        %dma_wait3A_96 = arith.constant 0 : i32
        %dma_wait3A_97 = arith.constant 0 : i32
        %dma_wait3A_98 = tpu.memref_slice %arg2[%dma_wait3A_96, %dma_wait3A_97] : memref<10000x128xf32, #tpu.memory_space<hbm>> -> memref<10000x128xf32, #tpu.memory_space<hbm>>
        tpu.wait_indirect_dma semaphore(%arg12 : memref<!tpu.dma_semaphore, #tpu.memory_space<semaphore_mem>>) src(%dma_wait3A_98 : memref<10000x128xf32, #tpu.memory_space<hbm>>) dst(%dma_wait3A_92 : memref<128x128xf32, #tpu.memory_space<vmem>>)
        %run_scoped3A = arith.constant 0 : i32
        "tpu.region"() ({
          %run_scoped3A_124 = tpu.sem_alloc : memref<!tpu.dma_semaphore, #tpu.memory_space<semaphore_mem>>
          %dma_start3A_125 = arith.constant 0 : i32
          %dma_start3A_126 = arith.constant 0 : i32
          %dma_start3A_127 = tpu.memref_slice %arg9[%run_scoped3A, %dma_start3A_125, %dma_start3A_126] : memref<2x128x128xf32, #tpu.memory_space<vmem>> -> memref<1x128x128xf32, #tpu.memory_space<vmem>>
          %dma_start3A_128 = tpu.memref_squeeze %dma_start3A_127 : memref<1x128x128xf32, #tpu.memory_space<vmem>> -> memref<128x128xf32, #tpu.memory_space<vmem>>
          %dma_start3A_129 = arith.constant 0 : i32
          %dma_start3A_130 = tpu.memref_slice %arg11[%mul3A_88, %dma_start3A_129] : memref<40x128xi32, #tpu.memory_space<vmem>> -> memref<1x128xi32, #tpu.memory_space<vmem>>
          %dma_start3A_131 = tpu.memref_squeeze %dma_start3A_130 : memref<1x128xi32, #tpu.memory_space<vmem>> -> memref<128xi32, #tpu.memory_space<vmem>>
          %dma_start3A_132 = arith.constant 0 : i32
          %dma_start3A_133 = arith.constant 0 : i32
          %dma_start3A_134 = tpu.memref_slice %arg8[%dma_start3A_132, %dma_start3A_133] : memref<10016x128xf32, #tpu.memory_space<vmem_shared>> -> memref<10016x128xf32, #tpu.memory_space<vmem_shared>>
          tpu.enqueue_indirect_dma source(%dma_start3A_128 : memref<128x128xf32, #tpu.memory_space<vmem>>) target(%dma_start3A_134 : memref<10016x128xf32, #tpu.memory_space<vmem_shared>>) offsets(%dma_start3A_131 : memref<128xi32, #tpu.memory_space<vmem>>) semaphore(%run_scoped3A_124 : memref<!tpu.dma_semaphore, #tpu.memory_space<semaphore_mem>>) {add = true}
          %dma_wait3A_135 = arith.constant 0 : i32
          %dma_wait3A_136 = arith.constant 0 : i32
          %dma_wait3A_137 = tpu.memref_slice %arg9[%run_scoped3A, %dma_wait3A_135, %dma_wait3A_136] : memref<2x128x128xf32, #tpu.memory_space<vmem>> -> memref<1x128x128xf32, #tpu.memory_space<vmem>>
          %dma_wait3A_138 = tpu.memref_squeeze %dma_wait3A_137 : memref<1x128x128xf32, #tpu.memory_space<vmem>> -> memref<128x128xf32, #tpu.memory_space<vmem>>
          %dma_wait3A_139 = arith.constant 0 : i32
          %dma_wait3A_140 = tpu.memref_slice %arg11[%mul3A_88, %dma_wait3A_139] : memref<40x128xi32, #tpu.memory_space<vmem>> -> memref<1x128xi32, #tpu.memory_space<vmem>>
          %dma_wait3A_141 = tpu.memref_squeeze %dma_wait3A_140 : memref<1x128xi32, #tpu.memory_space<vmem>> -> memref<128xi32, #tpu.memory_space<vmem>>
          %dma_wait3A_142 = arith.constant 0 : i32
          %dma_wait3A_143 = arith.constant 0 : i32
          %dma_wait3A_144 = tpu.memref_slice %arg8[%dma_wait3A_142, %dma_wait3A_143] : memref<10016x128xf32, #tpu.memory_space<vmem_shared>> -> memref<10016x128xf32, #tpu.memory_space<vmem_shared>>
          tpu.wait_indirect_dma semaphore(%run_scoped3A_124 : memref<!tpu.dma_semaphore, #tpu.memory_space<semaphore_mem>>) src(%dma_wait3A_138 : memref<128x128xf32, #tpu.memory_space<vmem>>) dst(%dma_wait3A_144 : memref<10016x128xf32, #tpu.memory_space<vmem_shared>>)
          tpu.yield
        }) : () -> ()
        %lt3A_99 = arith.constant 19 : i32
        %lt3A_100 = arith.cmpi slt, %scan3A_86, %lt3A_99 : i32
        %convert_element_type3A_101 = arith.extui %lt3A_100 : i1 to i32
        %cond3A_102 = arith.constant 0 : i32
        %cond3A_103 = arith.cmpi ne, %convert_element_type3A_101, %cond3A_102 : i32
        scf.if %cond3A_103 {
          %add3A_124 = arith.constant 2 : i32
          %add3A_125 = arith.addi %mul3A_88, %add3A_124 : i32
          %dma_start3A_126 = arith.constant 0 : i32
          %dma_start3A_127 = arith.constant 0 : i32
          %dma_start3A_128 = arith.constant 0 : i32
          %dma_start3A_129 = tpu.memref_slice %arg9[%dma_start3A_126, %dma_start3A_127, %dma_start3A_128] : memref<2x128x128xf32, #tpu.memory_space<vmem>> -> memref<1x128x128xf32, #tpu.memory_space<vmem>>
          %dma_start3A_130 = tpu.memref_squeeze %dma_start3A_129 : memref<1x128x128xf32, #tpu.memory_space<vmem>> -> memref<128x128xf32, #tpu.memory_space<vmem>>
          %dma_start3A_131 = arith.constant 0 : i32
          %dma_start3A_132 = tpu.memref_slice %arg10[%add3A_125, %dma_start3A_131] : memref<40x128xi32, #tpu.memory_space<vmem>> -> memref<1x128xi32, #tpu.memory_space<vmem>>
          %dma_start3A_133 = tpu.memref_squeeze %dma_start3A_132 : memref<1x128xi32, #tpu.memory_space<vmem>> -> memref<128xi32, #tpu.memory_space<vmem>>
          %dma_start3A_134 = arith.constant 0 : i32
          %dma_start3A_135 = arith.constant 0 : i32
          %dma_start3A_136 = tpu.memref_slice %arg2[%dma_start3A_134, %dma_start3A_135] : memref<10000x128xf32, #tpu.memory_space<hbm>> -> memref<10000x128xf32, #tpu.memory_space<hbm>>
          tpu.enqueue_indirect_dma source(%dma_start3A_136 : memref<10000x128xf32, #tpu.memory_space<hbm>>) target(%dma_start3A_130 : memref<128x128xf32, #tpu.memory_space<vmem>>) offsets(%dma_start3A_133 : memref<128xi32, #tpu.memory_space<vmem>>) semaphore(%arg12 : memref<!tpu.dma_semaphore, #tpu.memory_space<semaphore_mem>>)
        } else {
        }
        %add3A = arith.constant 1 : i32
        %add3A_104 = arith.addi %mul3A_88, %add3A : i32
        %dma_wait3A_105 = arith.constant 1 : i32
        %dma_wait3A_106 = arith.constant 0 : i32
        %dma_wait3A_107 = arith.constant 0 : i32
        %dma_wait3A_108 = tpu.memref_slice %arg9[%dma_wait3A_105, %dma_wait3A_106, %dma_wait3A_107] : memref<2x128x128xf32, #tpu.memory_space<vmem>> -> memref<1x128x128xf32, #tpu.memory_space<vmem>>
        %dma_wait3A_109 = tpu.memref_squeeze %dma_wait3A_108 : memref<1x128x128xf32, #tpu.memory_space<vmem>> -> memref<128x128xf32, #tpu.memory_space<vmem>>
        %dma_wait3A_110 = arith.constant 0 : i32
        %dma_wait3A_111 = tpu.memref_slice %arg10[%add3A_104, %dma_wait3A_110] : memref<40x128xi32, #tpu.memory_space<vmem>> -> memref<1x128xi32, #tpu.memory_space<vmem>>
        %dma_wait3A_112 = tpu.memref_squeeze %dma_wait3A_111 : memref<1x128xi32, #tpu.memory_space<vmem>> -> memref<128xi32, #tpu.memory_space<vmem>>
        %dma_wait3A_113 = arith.constant 0 : i32
        %dma_wait3A_114 = arith.constant 0 : i32
        %dma_wait3A_115 = tpu.memref_slice %arg2[%dma_wait3A_113, %dma_wait3A_114] : memref<10000x128xf32, #tpu.memory_space<hbm>> -> memref<10000x128xf32, #tpu.memory_space<hbm>>
        tpu.wait_indirect_dma semaphore(%arg13 : memref<!tpu.dma_semaphore, #tpu.memory_space<semaphore_mem>>) src(%dma_wait3A_115 : memref<10000x128xf32, #tpu.memory_space<hbm>>) dst(%dma_wait3A_109 : memref<128x128xf32, #tpu.memory_space<vmem>>)
        %add3A_116 = arith.constant 1 : i32
        %add3A_117 = arith.addi %mul3A_88, %add3A_116 : i32
        %run_scoped3A_118 = arith.constant 1 : i32
        "tpu.region"() ({
          %run_scoped3A_124 = tpu.sem_alloc : memref<!tpu.dma_semaphore, #tpu.memory_space<semaphore_mem>>
          %dma_start3A_125 = arith.constant 0 : i32
          %dma_start3A_126 = arith.constant 0 : i32
          %dma_start3A_127 = tpu.memref_slice %arg9[%run_scoped3A_118, %dma_start3A_125, %dma_start3A_126] : memref<2x128x128xf32, #tpu.memory_space<vmem>> -> memref<1x128x128xf32, #tpu.memory_space<vmem>>
          %dma_start3A_128 = tpu.memref_squeeze %dma_start3A_127 : memref<1x128x128xf32, #tpu.memory_space<vmem>> -> memref<128x128xf32, #tpu.memory_space<vmem>>
          %dma_start3A_129 = arith.constant 0 : i32
          %dma_start3A_130 = tpu.memref_slice %arg11[%add3A_117, %dma_start3A_129] : memref<40x128xi32, #tpu.memory_space<vmem>> -> memref<1x128xi32, #tpu.memory_space<vmem>>
          %dma_start3A_131 = tpu.memref_squeeze %dma_start3A_130 : memref<1x128xi32, #tpu.memory_space<vmem>> -> memref<128xi32, #tpu.memory_space<vmem>>
          %dma_start3A_132 = arith.constant 0 : i32
          %dma_start3A_133 = arith.constant 0 : i32
          %dma_start3A_134 = tpu.memref_slice %arg8[%dma_start3A_132, %dma_start3A_133] : memref<10016x128xf32, #tpu.memory_space<vmem_shared>> -> memref<10016x128xf32, #tpu.memory_space<vmem_shared>>
          tpu.enqueue_indirect_dma source(%dma_start3A_128 : memref<128x128xf32, #tpu.memory_space<vmem>>) target(%dma_start3A_134 : memref<10016x128xf32, #tpu.memory_space<vmem_shared>>) offsets(%dma_start3A_131 : memref<128xi32, #tpu.memory_space<vmem>>) semaphore(%run_scoped3A_124 : memref<!tpu.dma_semaphore, #tpu.memory_space<semaphore_mem>>) {add = true}
          %dma_wait3A_135 = arith.constant 0 : i32
          %dma_wait3A_136 = arith.constant 0 : i32
          %dma_wait3A_137 = tpu.memref_slice %arg9[%run_scoped3A_118, %dma_wait3A_135, %dma_wait3A_136] : memref<2x128x128xf32, #tpu.memory_space<vmem>> -> memref<1x128x128xf32, #tpu.memory_space<vmem>>
          %dma_wait3A_138 = tpu.memref_squeeze %dma_wait3A_137 : memref<1x128x128xf32, #tpu.memory_space<vmem>> -> memref<128x128xf32, #tpu.memory_space<vmem>>
          %dma_wait3A_139 = arith.constant 0 : i32
          %dma_wait3A_140 = tpu.memref_slice %arg11[%add3A_117, %dma_wait3A_139] : memref<40x128xi32, #tpu.memory_space<vmem>> -> memref<1x128xi32, #tpu.memory_space<vmem>>
          %dma_wait3A_141 = tpu.memref_squeeze %dma_wait3A_140 : memref<1x128xi32, #tpu.memory_space<vmem>> -> memref<128xi32, #tpu.memory_space<vmem>>
          %dma_wait3A_142 = arith.constant 0 : i32
          %dma_wait3A_143 = arith.constant 0 : i32
          %dma_wait3A_144 = tpu.memref_slice %arg8[%dma_wait3A_142, %dma_wait3A_143] : memref<10016x128xf32, #tpu.memory_space<vmem_shared>> -> memref<10016x128xf32, #tpu.memory_space<vmem_shared>>
          tpu.wait_indirect_dma semaphore(%run_scoped3A_124 : memref<!tpu.dma_semaphore, #tpu.memory_space<semaphore_mem>>) src(%dma_wait3A_138 : memref<128x128xf32, #tpu.memory_space<vmem>>) dst(%dma_wait3A_144 : memref<10016x128xf32, #tpu.memory_space<vmem_shared>>)
          tpu.yield
        }) : () -> ()
        %lt3A_119 = arith.constant 19 : i32
        %lt3A_120 = arith.cmpi slt, %scan3A_86, %lt3A_119 : i32
        %convert_element_type3A_121 = arith.extui %lt3A_120 : i1 to i32
        %cond3A_122 = arith.constant 0 : i32
        %cond3A_123 = arith.cmpi ne, %convert_element_type3A_121, %cond3A_122 : i32
        scf.if %cond3A_123 {
          %add3A_124 = arith.constant 3 : i32
          %add3A_125 = arith.addi %mul3A_88, %add3A_124 : i32
          %dma_start3A_126 = arith.constant 1 : i32
          %dma_start3A_127 = arith.constant 0 : i32
          %dma_start3A_128 = arith.constant 0 : i32
          %dma_start3A_129 = tpu.memref_slice %arg9[%dma_start3A_126, %dma_start3A_127, %dma_start3A_128] : memref<2x128x128xf32, #tpu.memory_space<vmem>> -> memref<1x128x128xf32, #tpu.memory_space<vmem>>
          %dma_start3A_130 = tpu.memref_squeeze %dma_start3A_129 : memref<1x128x128xf32, #tpu.memory_space<vmem>> -> memref<128x128xf32, #tpu.memory_space<vmem>>
          %dma_start3A_131 = arith.constant 0 : i32
          %dma_start3A_132 = tpu.memref_slice %arg10[%add3A_125, %dma_start3A_131] : memref<40x128xi32, #tpu.memory_space<vmem>> -> memref<1x128xi32, #tpu.memory_space<vmem>>
          %dma_start3A_133 = tpu.memref_squeeze %dma_start3A_132 : memref<1x128xi32, #tpu.memory_space<vmem>> -> memref<128xi32, #tpu.memory_space<vmem>>
          %dma_start3A_134 = arith.constant 0 : i32
          %dma_start3A_135 = arith.constant 0 : i32
          %dma_start3A_136 = tpu.memref_slice %arg2[%dma_start3A_134, %dma_start3A_135] : memref<10000x128xf32, #tpu.memory_space<hbm>> -> memref<10000x128xf32, #tpu.memory_space<hbm>>
          tpu.enqueue_indirect_dma source(%dma_start3A_136 : memref<10000x128xf32, #tpu.memory_space<hbm>>) target(%dma_start3A_130 : memref<128x128xf32, #tpu.memory_space<vmem>>) offsets(%dma_start3A_133 : memref<128xi32, #tpu.memory_space<vmem>>) semaphore(%arg13 : memref<!tpu.dma_semaphore, #tpu.memory_space<semaphore_mem>>)
        } else {
        }
      }
      %scan3A_74 = arith.constant 20 : i32
      %barrier3A_75 = arith.constant 0 : index
      tpu.barrier barrier_id(%barrier3A_75)
      %lt3A_76 = arith.constant 15 : i32
      %lt3A_77 = arith.cmpi slt, %arg1, %lt3A_76 : i32
      %convert_element_type3A_78 = arith.extui %lt3A_77 : i1 to i32
      %cond3A_79 = arith.constant 0 : i32
      %cond3A_80 = arith.cmpi ne, %convert_element_type3A_78, %cond3A_79 : i32
      scf.if %cond3A_80 {
        "tpu.region"() ({
          %run_scoped3A = tpu.sem_alloc : memref<!tpu.dma_semaphore, #tpu.memory_space<semaphore_mem>>
          %dma_start3A_86 = arith.constant 0 : i32
          %dma_start3A_87 = tpu.memref_slice %arg6[%mul3A_7, %dma_start3A_86] : memref<10000x128xf32, #tpu.memory_space<hbm>> -> memref<632x128xf32, #tpu.memory_space<hbm>>
          %dma_start3A_88 = arith.constant 0 : i32
          %dma_start3A_89 = tpu.memref_slice %arg8[%mul3A_7, %dma_start3A_88] : memref<10016x128xf32, #tpu.memory_space<vmem_shared>> -> memref<632x128xf32, #tpu.memory_space<vmem_shared>>
          tpu.enqueue_dma source(%dma_start3A_89 : memref<632x128xf32, #tpu.memory_space<vmem_shared>>) target(%dma_start3A_87 : memref<632x128xf32, #tpu.memory_space<hbm>>) target_semaphore(%run_scoped3A : memref<!tpu.dma_semaphore, #tpu.memory_space<semaphore_mem>>)
          %dma_wait3A = arith.constant 0 : i32
          %dma_wait3A_90 = tpu.memref_slice %arg6[%mul3A_7, %dma_wait3A] : memref<10000x128xf32, #tpu.memory_space<hbm>> -> memref<632x128xf32, #tpu.memory_space<hbm>>
          %dma_wait3A_91 = arith.constant 0 : i32
          %dma_wait3A_92 = tpu.memref_slice %arg8[%mul3A_7, %dma_wait3A_91] : memref<10016x128xf32, #tpu.memory_space<vmem_shared>> -> memref<632x128xf32, #tpu.memory_space<vmem_shared>>
          tpu.wait_dma2 semaphore(%run_scoped3A : memref<!tpu.dma_semaphore, #tpu.memory_space<semaphore_mem>>) src(%dma_wait3A_92 : memref<632x128xf32, #tpu.memory_space<vmem_shared>>) dst(%dma_wait3A_90 : memref<632x128xf32, #tpu.memory_space<hbm>>)
          tpu.yield
        }) : () -> ()
      } else {
      }
      %eq3A_81 = arith.constant 15 : i32
      %eq3A_82 = arith.cmpi eq, %arg1, %eq3A_81 : i32
      %convert_element_type3A_83 = arith.extui %eq3A_82 : i1 to i32
      %cond3A_84 = arith.constant 0 : i32
      %cond3A_85 = arith.cmpi ne, %convert_element_type3A_83, %cond3A_84 : i32
      scf.if %cond3A_85 {
        "tpu.region"() ({
          %run_scoped3A = tpu.sem_alloc : memref<!tpu.dma_semaphore, #tpu.memory_space<semaphore_mem>>
          %dma_start3A_86 = arith.constant 9480 : i32
          %dma_start3A_87 = arith.constant 0 : i32
          %dma_start3A_88 = tpu.memref_slice %arg6[%dma_start3A_86, %dma_start3A_87] : memref<10000x128xf32, #tpu.memory_space<hbm>> -> memref<520x128xf32, #tpu.memory_space<hbm>>
          %dma_start3A_89 = arith.constant 9480 : i32
          %dma_start3A_90 = arith.constant 0 : i32
          %dma_start3A_91 = tpu.memref_slice %arg8[%dma_start3A_89, %dma_start3A_90] : memref<10016x128xf32, #tpu.memory_space<vmem_shared>> -> memref<520x128xf32, #tpu.memory_space<vmem_shared>>
          tpu.enqueue_dma source(%dma_start3A_91 : memref<520x128xf32, #tpu.memory_space<vmem_shared>>) target(%dma_start3A_88 : memref<520x128xf32, #tpu.memory_space<hbm>>) target_semaphore(%run_scoped3A : memref<!tpu.dma_semaphore, #tpu.memory_space<semaphore_mem>>)
          %dma_wait3A = arith.constant 9480 : i32
          %dma_wait3A_92 = arith.constant 0 : i32
          %dma_wait3A_93 = tpu.memref_slice %arg6[%dma_wait3A, %dma_wait3A_92] : memref<10000x128xf32, #tpu.memory_space<hbm>> -> memref<520x128xf32, #tpu.memory_space<hbm>>
          %dma_wait3A_94 = arith.constant 9480 : i32
          %dma_wait3A_95 = arith.constant 0 : i32
          %dma_wait3A_96 = tpu.memref_slice %arg8[%dma_wait3A_94, %dma_wait3A_95] : memref<10016x128xf32, #tpu.memory_space<vmem_shared>> -> memref<520x128xf32, #tpu.memory_space<vmem_shared>>
          tpu.wait_dma2 semaphore(%run_scoped3A : memref<!tpu.dma_semaphore, #tpu.memory_space<semaphore_mem>>) src(%dma_wait3A_96 : memref<520x128xf32, #tpu.memory_space<vmem_shared>>) dst(%dma_wait3A_93 : memref<520x128xf32, #tpu.memory_space<hbm>>)
          tpu.yield
        }) : () -> ()
      } else {
      }
    } else {
    }
    %eq3A_2 = arith.constant 1 : i32
    %eq3A_3 = arith.cmpi eq, %arg0, %eq3A_2 : i32
    %convert_element_type3A_4 = arith.extui %eq3A_3 : i1 to i32
    %cond3A_5 = arith.constant 0 : i32
    %cond3A_6 = arith.cmpi ne, %convert_element_type3A_4, %cond3A_5 : i32
    scf.if %cond3A_6 {
      %mul3A = arith.constant 632 : i32
      %mul3A_7 = arith.muli %arg1, %mul3A : i32
      %lt3A = arith.constant 15 : i32
      %lt3A_8 = arith.cmpi slt, %arg1, %lt3A : i32
      %convert_element_type3A_9 = arith.extui %lt3A_8 : i1 to i32
      %cond3A_10 = arith.constant 0 : i32
      %cond3A_11 = arith.cmpi ne, %convert_element_type3A_9, %cond3A_10 : i32
      scf.if %cond3A_11 {
        "tpu.region"() ({
          %run_scoped3A = tpu.sem_alloc : memref<!tpu.dma_semaphore, #tpu.memory_space<semaphore_mem>>
          %dma_start3A_86 = arith.constant 0 : i32
          %dma_start3A_87 = tpu.memref_slice %arg8[%mul3A_7, %dma_start3A_86] : memref<10016x128xf32, #tpu.memory_space<vmem_shared>> -> memref<632x128xf32, #tpu.memory_space<vmem_shared>>
          %dma_start3A_88 = arith.constant 0 : i32
          %dma_start3A_89 = tpu.memref_slice %arg3[%mul3A_7, %dma_start3A_88] : memref<10000x128xf32, #tpu.memory_space<hbm>> -> memref<632x128xf32, #tpu.memory_space<hbm>>
          tpu.enqueue_dma source(%dma_start3A_89 : memref<632x128xf32, #tpu.memory_space<hbm>>) target(%dma_start3A_87 : memref<632x128xf32, #tpu.memory_space<vmem_shared>>) target_semaphore(%run_scoped3A : memref<!tpu.dma_semaphore, #tpu.memory_space<semaphore_mem>>)
          %dma_wait3A = arith.constant 0 : i32
          %dma_wait3A_90 = tpu.memref_slice %arg8[%mul3A_7, %dma_wait3A] : memref<10016x128xf32, #tpu.memory_space<vmem_shared>> -> memref<632x128xf32, #tpu.memory_space<vmem_shared>>
          %dma_wait3A_91 = arith.constant 0 : i32
          %dma_wait3A_92 = tpu.memref_slice %arg3[%mul3A_7, %dma_wait3A_91] : memref<10000x128xf32, #tpu.memory_space<hbm>> -> memref<632x128xf32, #tpu.memory_space<hbm>>
          tpu.wait_dma2 semaphore(%run_scoped3A : memref<!tpu.dma_semaphore, #tpu.memory_space<semaphore_mem>>) src(%dma_wait3A_92 : memref<632x128xf32, #tpu.memory_space<hbm>>) dst(%dma_wait3A_90 : memref<632x128xf32, #tpu.memory_space<vmem_shared>>)
          tpu.yield
        }) : () -> ()
      } else {
      }
      %eq3A_12 = arith.constant 15 : i32
      %eq3A_13 = arith.cmpi eq, %arg1, %eq3A_12 : i32
      %convert_element_type3A_14 = arith.extui %eq3A_13 : i1 to i32
      %cond3A_15 = arith.constant 0 : i32
      %cond3A_16 = arith.cmpi ne, %convert_element_type3A_14, %cond3A_15 : i32
      scf.if %cond3A_16 {
        "tpu.region"() ({
          %run_scoped3A = tpu.sem_alloc : memref<!tpu.dma_semaphore, #tpu.memory_space<semaphore_mem>>
          %dma_start3A_86 = arith.constant 9480 : i32
          %dma_start3A_87 = arith.constant 0 : i32
          %dma_start3A_88 = tpu.memref_slice %arg8[%dma_start3A_86, %dma_start3A_87] : memref<10016x128xf32, #tpu.memory_space<vmem_shared>> -> memref<520x128xf32, #tpu.memory_space<vmem_shared>>
          %dma_start3A_89 = arith.constant 9480 : i32
          %dma_start3A_90 = arith.constant 0 : i32
          %dma_start3A_91 = tpu.memref_slice %arg3[%dma_start3A_89, %dma_start3A_90] : memref<10000x128xf32, #tpu.memory_space<hbm>> -> memref<520x128xf32, #tpu.memory_space<hbm>>
          tpu.enqueue_dma source(%dma_start3A_91 : memref<520x128xf32, #tpu.memory_space<hbm>>) target(%dma_start3A_88 : memref<520x128xf32, #tpu.memory_space<vmem_shared>>) target_semaphore(%run_scoped3A : memref<!tpu.dma_semaphore, #tpu.memory_space<semaphore_mem>>)
          %dma_wait3A = arith.constant 9480 : i32
          %dma_wait3A_92 = arith.constant 0 : i32
          %dma_wait3A_93 = tpu.memref_slice %arg8[%dma_wait3A, %dma_wait3A_92] : memref<10016x128xf32, #tpu.memory_space<vmem_shared>> -> memref<520x128xf32, #tpu.memory_space<vmem_shared>>
          %dma_wait3A_94 = arith.constant 9480 : i32
          %dma_wait3A_95 = arith.constant 0 : i32
          %dma_wait3A_96 = tpu.memref_slice %arg3[%dma_wait3A_94, %dma_wait3A_95] : memref<10000x128xf32, #tpu.memory_space<hbm>> -> memref<520x128xf32, #tpu.memory_space<hbm>>
          tpu.wait_dma2 semaphore(%run_scoped3A : memref<!tpu.dma_semaphore, #tpu.memory_space<semaphore_mem>>) src(%dma_wait3A_96 : memref<520x128xf32, #tpu.memory_space<hbm>>) dst(%dma_wait3A_93 : memref<520x128xf32, #tpu.memory_space<vmem_shared>>)
          tpu.yield
        }) : () -> ()
      } else {
      }
      %barrier3A = arith.constant 0 : index
      tpu.barrier barrier_id(%barrier3A)
      "tpu.region"() ({
        %run_scoped3A = tpu.sem_alloc : memref<!tpu.dma_semaphore, #tpu.memory_space<semaphore_mem>>
        %dma_start3A_86 = arith.constant 0 : i32
        %dma_start3A_87 = arith.constant 0 : i32
        %dma_start3A_88 = tpu.memref_slice %arg4[%arg1, %dma_start3A_86, %dma_start3A_87] : memref<16x80x128xi32, #tpu.memory_space<hbm>> -> memref<1x40x128xi32, #tpu.memory_space<hbm>>
        %dma_start3A_89 = tpu.memref_squeeze %dma_start3A_88 : memref<1x40x128xi32, #tpu.memory_space<hbm>> -> memref<40x128xi32, #tpu.memory_space<hbm>>
        %dma_start3A_90 = arith.constant 0 : i32
        %dma_start3A_91 = arith.constant 0 : i32
        %dma_start3A_92 = tpu.memref_slice %arg4[%arg1, %dma_start3A_90, %dma_start3A_91] : memref<16x80x128xi32, #tpu.memory_space<hbm>> -> memref<1x40x128xi32, #tpu.memory_space<hbm>>
        %dma_start3A_93 = tpu.memref_squeeze %dma_start3A_92 : memref<1x40x128xi32, #tpu.memory_space<hbm>> -> memref<40x128xi32, #tpu.memory_space<hbm>>
        tpu.enqueue_dma source(%dma_start3A_93 : memref<40x128xi32, #tpu.memory_space<hbm>>) target(%arg10 : memref<40x128xi32, #tpu.memory_space<vmem>>) target_semaphore(%run_scoped3A : memref<!tpu.dma_semaphore, #tpu.memory_space<semaphore_mem>>)
        %dma_wait3A = arith.constant 0 : i32
        %dma_wait3A_94 = arith.constant 0 : i32
        %dma_wait3A_95 = tpu.memref_slice %arg4[%arg1, %dma_wait3A, %dma_wait3A_94] : memref<16x80x128xi32, #tpu.memory_space<hbm>> -> memref<1x40x128xi32, #tpu.memory_space<hbm>>
        %dma_wait3A_96 = tpu.memref_squeeze %dma_wait3A_95 : memref<1x40x128xi32, #tpu.memory_space<hbm>> -> memref<40x128xi32, #tpu.memory_space<hbm>>
        %dma_wait3A_97 = arith.constant 0 : i32
        %dma_wait3A_98 = arith.constant 0 : i32
        %dma_wait3A_99 = tpu.memref_slice %arg4[%arg1, %dma_wait3A_97, %dma_wait3A_98] : memref<16x80x128xi32, #tpu.memory_space<hbm>> -> memref<1x40x128xi32, #tpu.memory_space<hbm>>
        %dma_wait3A_100 = tpu.memref_squeeze %dma_wait3A_99 : memref<1x40x128xi32, #tpu.memory_space<hbm>> -> memref<40x128xi32, #tpu.memory_space<hbm>>
        tpu.wait_dma2 semaphore(%run_scoped3A : memref<!tpu.dma_semaphore, #tpu.memory_space<semaphore_mem>>) src(%dma_wait3A_100 : memref<40x128xi32, #tpu.memory_space<hbm>>) dst(%arg10 : memref<40x128xi32, #tpu.memory_space<vmem>>)
        tpu.yield
      }) : () -> ()
      "tpu.region"() ({
        %run_scoped3A = tpu.sem_alloc : memref<!tpu.dma_semaphore, #tpu.memory_space<semaphore_mem>>
        %dma_start3A_86 = arith.constant 0 : i32
        %dma_start3A_87 = arith.constant 0 : i32
        %dma_start3A_88 = tpu.memref_slice %arg5[%arg1, %dma_start3A_86, %dma_start3A_87] : memref<16x80x128xi32, #tpu.memory_space<hbm>> -> memref<1x40x128xi32, #tpu.memory_space<hbm>>
        %dma_start3A_89 = tpu.memref_squeeze %dma_start3A_88 : memref<1x40x128xi32, #tpu.memory_space<hbm>> -> memref<40x128xi32, #tpu.memory_space<hbm>>
        %dma_start3A_90 = arith.constant 0 : i32
        %dma_start3A_91 = arith.constant 0 : i32
        %dma_start3A_92 = tpu.memref_slice %arg5[%arg1, %dma_start3A_90, %dma_start3A_91] : memref<16x80x128xi32, #tpu.memory_space<hbm>> -> memref<1x40x128xi32, #tpu.memory_space<hbm>>
        %dma_start3A_93 = tpu.memref_squeeze %dma_start3A_92 : memref<1x40x128xi32, #tpu.memory_space<hbm>> -> memref<40x128xi32, #tpu.memory_space<hbm>>
        tpu.enqueue_dma source(%dma_start3A_93 : memref<40x128xi32, #tpu.memory_space<hbm>>) target(%arg11 : memref<40x128xi32, #tpu.memory_space<vmem>>) target_semaphore(%run_scoped3A : memref<!tpu.dma_semaphore, #tpu.memory_space<semaphore_mem>>)
        %dma_wait3A = arith.constant 0 : i32
        %dma_wait3A_94 = arith.constant 0 : i32
        %dma_wait3A_95 = tpu.memref_slice %arg5[%arg1, %dma_wait3A, %dma_wait3A_94] : memref<16x80x128xi32, #tpu.memory_space<hbm>> -> memref<1x40x128xi32, #tpu.memory_space<hbm>>
        %dma_wait3A_96 = tpu.memref_squeeze %dma_wait3A_95 : memref<1x40x128xi32, #tpu.memory_space<hbm>> -> memref<40x128xi32, #tpu.memory_space<hbm>>
        %dma_wait3A_97 = arith.constant 0 : i32
        %dma_wait3A_98 = arith.constant 0 : i32
        %dma_wait3A_99 = tpu.memref_slice %arg5[%arg1, %dma_wait3A_97, %dma_wait3A_98] : memref<16x80x128xi32, #tpu.memory_space<hbm>> -> memref<1x40x128xi32, #tpu.memory_space<hbm>>
        %dma_wait3A_100 = tpu.memref_squeeze %dma_wait3A_99 : memref<1x40x128xi32, #tpu.memory_space<hbm>> -> memref<40x128xi32, #tpu.memory_space<hbm>>
        tpu.wait_dma2 semaphore(%run_scoped3A : memref<!tpu.dma_semaphore, #tpu.memory_space<semaphore_mem>>) src(%dma_wait3A_100 : memref<40x128xi32, #tpu.memory_space<hbm>>) dst(%arg11 : memref<40x128xi32, #tpu.memory_space<vmem>>)
        tpu.yield
      }) : () -> ()
      %dma_start3A = arith.constant 0 : i32
      %dma_start3A_17 = arith.constant 0 : i32
      %dma_start3A_18 = arith.constant 0 : i32
      %dma_start3A_19 = arith.constant 0 : i32
      %dma_start3A_20 = tpu.memref_slice %arg9[%dma_start3A_17, %dma_start3A_18, %dma_start3A_19] : memref<2x128x128xf32, #tpu.memory_space<vmem>> -> memref<1x128x128xf32, #tpu.memory_space<vmem>>
      %dma_start3A_21 = tpu.memref_squeeze %dma_start3A_20 : memref<1x128x128xf32, #tpu.memory_space<vmem>> -> memref<128x128xf32, #tpu.memory_space<vmem>>
      %dma_start3A_22 = arith.constant 0 : i32
      %dma_start3A_23 = tpu.memref_slice %arg10[%dma_start3A, %dma_start3A_22] : memref<40x128xi32, #tpu.memory_space<vmem>> -> memref<1x128xi32, #tpu.memory_space<vmem>>
      %dma_start3A_24 = tpu.memref_squeeze %dma_start3A_23 : memref<1x128xi32, #tpu.memory_space<vmem>> -> memref<128xi32, #tpu.memory_space<vmem>>
      %dma_start3A_25 = arith.constant 0 : i32
      %dma_start3A_26 = arith.constant 0 : i32
      %dma_start3A_27 = tpu.memref_slice %arg3[%dma_start3A_25, %dma_start3A_26] : memref<10000x128xf32, #tpu.memory_space<hbm>> -> memref<10000x128xf32, #tpu.memory_space<hbm>>
      tpu.enqueue_indirect_dma source(%dma_start3A_27 : memref<10000x128xf32, #tpu.memory_space<hbm>>) target(%dma_start3A_21 : memref<128x128xf32, #tpu.memory_space<vmem>>) offsets(%dma_start3A_24 : memref<128xi32, #tpu.memory_space<vmem>>) semaphore(%arg12 : memref<!tpu.dma_semaphore, #tpu.memory_space<semaphore_mem>>)
      %dma_start3A_28 = arith.constant 1 : i32
      %dma_start3A_29 = arith.constant 1 : i32
      %dma_start3A_30 = arith.constant 0 : i32
      %dma_start3A_31 = arith.constant 0 : i32
      %dma_start3A_32 = tpu.memref_slice %arg9[%dma_start3A_29, %dma_start3A_30, %dma_start3A_31] : memref<2x128x128xf32, #tpu.memory_space<vmem>> -> memref<1x128x128xf32, #tpu.memory_space<vmem>>
      %dma_start3A_33 = tpu.memref_squeeze %dma_start3A_32 : memref<1x128x128xf32, #tpu.memory_space<vmem>> -> memref<128x128xf32, #tpu.memory_space<vmem>>
      %dma_start3A_34 = arith.constant 0 : i32
      %dma_start3A_35 = tpu.memref_slice %arg10[%dma_start3A_28, %dma_start3A_34] : memref<40x128xi32, #tpu.memory_space<vmem>> -> memref<1x128xi32, #tpu.memory_space<vmem>>
      %dma_start3A_36 = tpu.memref_squeeze %dma_start3A_35 : memref<1x128xi32, #tpu.memory_space<vmem>> -> memref<128xi32, #tpu.memory_space<vmem>>
      %dma_start3A_37 = arith.constant 0 : i32
      %dma_start3A_38 = arith.constant 0 : i32
      %dma_start3A_39 = tpu.memref_slice %arg3[%dma_start3A_37, %dma_start3A_38] : memref<10000x128xf32, #tpu.memory_space<hbm>> -> memref<10000x128xf32, #tpu.memory_space<hbm>>
      tpu.enqueue_indirect_dma source(%dma_start3A_39 : memref<10000x128xf32, #tpu.memory_space<hbm>>) target(%dma_start3A_33 : memref<128x128xf32, #tpu.memory_space<vmem>>) offsets(%dma_start3A_36 : memref<128xi32, #tpu.memory_space<vmem>>) semaphore(%arg13 : memref<!tpu.dma_semaphore, #tpu.memory_space<semaphore_mem>>)
      %scan3A = arith.constant 0 : i32
      %scan3A_40 = arith.constant 0 : i32
      %scan3A_41 = arith.constant 20 : i32
      %scan3A_42 = arith.addi %scan3A_40, %scan3A_41 : i32
      %scan3A_43 = arith.constant 1 : i32
      scf.for %scan3A_86 = %scan3A_40 to %scan3A_42 step %scan3A_43  : i32 {
        %mul3A_87 = arith.constant 2 : i32
        %mul3A_88 = arith.muli %mul3A_87, %scan3A_86 : i32
        %dma_wait3A = arith.constant 0 : i32
        %dma_wait3A_89 = arith.constant 0 : i32
        %dma_wait3A_90 = arith.constant 0 : i32
        %dma_wait3A_91 = tpu.memref_slice %arg9[%dma_wait3A, %dma_wait3A_89, %dma_wait3A_90] : memref<2x128x128xf32, #tpu.memory_space<vmem>> -> memref<1x128x128xf32, #tpu.memory_space<vmem>>
        %dma_wait3A_92 = tpu.memref_squeeze %dma_wait3A_91 : memref<1x128x128xf32, #tpu.memory_space<vmem>> -> memref<128x128xf32, #tpu.memory_space<vmem>>
        %dma_wait3A_93 = arith.constant 0 : i32
        %dma_wait3A_94 = tpu.memref_slice %arg10[%mul3A_88, %dma_wait3A_93] : memref<40x128xi32, #tpu.memory_space<vmem>> -> memref<1x128xi32, #tpu.memory_space<vmem>>
        %dma_wait3A_95 = tpu.memref_squeeze %dma_wait3A_94 : memref<1x128xi32, #tpu.memory_space<vmem>> -> memref<128xi32, #tpu.memory_space<vmem>>
        %dma_wait3A_96 = arith.constant 0 : i32
        %dma_wait3A_97 = arith.constant 0 : i32
        %dma_wait3A_98 = tpu.memref_slice %arg3[%dma_wait3A_96, %dma_wait3A_97] : memref<10000x128xf32, #tpu.memory_space<hbm>> -> memref<10000x128xf32, #tpu.memory_space<hbm>>
        tpu.wait_indirect_dma semaphore(%arg12 : memref<!tpu.dma_semaphore, #tpu.memory_space<semaphore_mem>>) src(%dma_wait3A_98 : memref<10000x128xf32, #tpu.memory_space<hbm>>) dst(%dma_wait3A_92 : memref<128x128xf32, #tpu.memory_space<vmem>>)
        %run_scoped3A = arith.constant 0 : i32
        "tpu.region"() ({
          %run_scoped3A_124 = tpu.sem_alloc : memref<!tpu.dma_semaphore, #tpu.memory_space<semaphore_mem>>
          %dma_start3A_125 = arith.constant 0 : i32
          %dma_start3A_126 = arith.constant 0 : i32
          %dma_start3A_127 = tpu.memref_slice %arg9[%run_scoped3A, %dma_start3A_125, %dma_start3A_126] : memref<2x128x128xf32, #tpu.memory_space<vmem>> -> memref<1x128x128xf32, #tpu.memory_space<vmem>>
          %dma_start3A_128 = tpu.memref_squeeze %dma_start3A_127 : memref<1x128x128xf32, #tpu.memory_space<vmem>> -> memref<128x128xf32, #tpu.memory_space<vmem>>
          %dma_start3A_129 = arith.constant 0 : i32
          %dma_start3A_130 = tpu.memref_slice %arg11[%mul3A_88, %dma_start3A_129] : memref<40x128xi32, #tpu.memory_space<vmem>> -> memref<1x128xi32, #tpu.memory_space<vmem>>
          %dma_start3A_131 = tpu.memref_squeeze %dma_start3A_130 : memref<1x128xi32, #tpu.memory_space<vmem>> -> memref<128xi32, #tpu.memory_space<vmem>>
          %dma_start3A_132 = arith.constant 0 : i32
          %dma_start3A_133 = arith.constant 0 : i32
          %dma_start3A_134 = tpu.memref_slice %arg8[%dma_start3A_132, %dma_start3A_133] : memref<10016x128xf32, #tpu.memory_space<vmem_shared>> -> memref<10016x128xf32, #tpu.memory_space<vmem_shared>>
          tpu.enqueue_indirect_dma source(%dma_start3A_128 : memref<128x128xf32, #tpu.memory_space<vmem>>) target(%dma_start3A_134 : memref<10016x128xf32, #tpu.memory_space<vmem_shared>>) offsets(%dma_start3A_131 : memref<128xi32, #tpu.memory_space<vmem>>) semaphore(%run_scoped3A_124 : memref<!tpu.dma_semaphore, #tpu.memory_space<semaphore_mem>>) {add = true}
          %dma_wait3A_135 = arith.constant 0 : i32
          %dma_wait3A_136 = arith.constant 0 : i32
          %dma_wait3A_137 = tpu.memref_slice %arg9[%run_scoped3A, %dma_wait3A_135, %dma_wait3A_136] : memref<2x128x128xf32, #tpu.memory_space<vmem>> -> memref<1x128x128xf32, #tpu.memory_space<vmem>>
          %dma_wait3A_138 = tpu.memref_squeeze %dma_wait3A_137 : memref<1x128x128xf32, #tpu.memory_space<vmem>> -> memref<128x128xf32, #tpu.memory_space<vmem>>
          %dma_wait3A_139 = arith.constant 0 : i32
          %dma_wait3A_140 = tpu.memref_slice %arg11[%mul3A_88, %dma_wait3A_139] : memref<40x128xi32, #tpu.memory_space<vmem>> -> memref<1x128xi32, #tpu.memory_space<vmem>>
          %dma_wait3A_141 = tpu.memref_squeeze %dma_wait3A_140 : memref<1x128xi32, #tpu.memory_space<vmem>> -> memref<128xi32, #tpu.memory_space<vmem>>
          %dma_wait3A_142 = arith.constant 0 : i32
          %dma_wait3A_143 = arith.constant 0 : i32
          %dma_wait3A_144 = tpu.memref_slice %arg8[%dma_wait3A_142, %dma_wait3A_143] : memref<10016x128xf32, #tpu.memory_space<vmem_shared>> -> memref<10016x128xf32, #tpu.memory_space<vmem_shared>>
          tpu.wait_indirect_dma semaphore(%run_scoped3A_124 : memref<!tpu.dma_semaphore, #tpu.memory_space<semaphore_mem>>) src(%dma_wait3A_138 : memref<128x128xf32, #tpu.memory_space<vmem>>) dst(%dma_wait3A_144 : memref<10016x128xf32, #tpu.memory_space<vmem_shared>>)
          tpu.yield
        }) : () -> ()
        %lt3A_99 = arith.constant 19 : i32
        %lt3A_100 = arith.cmpi slt, %scan3A_86, %lt3A_99 : i32
        %convert_element_type3A_101 = arith.extui %lt3A_100 : i1 to i32
        %cond3A_102 = arith.constant 0 : i32
        %cond3A_103 = arith.cmpi ne, %convert_element_type3A_101, %cond3A_102 : i32
        scf.if %cond3A_103 {
          %add3A_124 = arith.constant 2 : i32
          %add3A_125 = arith.addi %mul3A_88, %add3A_124 : i32
          %dma_start3A_126 = arith.constant 0 : i32
          %dma_start3A_127 = arith.constant 0 : i32
          %dma_start3A_128 = arith.constant 0 : i32
          %dma_start3A_129 = tpu.memref_slice %arg9[%dma_start3A_126, %dma_start3A_127, %dma_start3A_128] : memref<2x128x128xf32, #tpu.memory_space<vmem>> -> memref<1x128x128xf32, #tpu.memory_space<vmem>>
          %dma_start3A_130 = tpu.memref_squeeze %dma_start3A_129 : memref<1x128x128xf32, #tpu.memory_space<vmem>> -> memref<128x128xf32, #tpu.memory_space<vmem>>
          %dma_start3A_131 = arith.constant 0 : i32
          %dma_start3A_132 = tpu.memref_slice %arg10[%add3A_125, %dma_start3A_131] : memref<40x128xi32, #tpu.memory_space<vmem>> -> memref<1x128xi32, #tpu.memory_space<vmem>>
          %dma_start3A_133 = tpu.memref_squeeze %dma_start3A_132 : memref<1x128xi32, #tpu.memory_space<vmem>> -> memref<128xi32, #tpu.memory_space<vmem>>
          %dma_start3A_134 = arith.constant 0 : i32
          %dma_start3A_135 = arith.constant 0 : i32
          %dma_start3A_136 = tpu.memref_slice %arg3[%dma_start3A_134, %dma_start3A_135] : memref<10000x128xf32, #tpu.memory_space<hbm>> -> memref<10000x128xf32, #tpu.memory_space<hbm>>
          tpu.enqueue_indirect_dma source(%dma_start3A_136 : memref<10000x128xf32, #tpu.memory_space<hbm>>) target(%dma_start3A_130 : memref<128x128xf32, #tpu.memory_space<vmem>>) offsets(%dma_start3A_133 : memref<128xi32, #tpu.memory_space<vmem>>) semaphore(%arg12 : memref<!tpu.dma_semaphore, #tpu.memory_space<semaphore_mem>>)
        } else {
        }
        %add3A = arith.constant 1 : i32
        %add3A_104 = arith.addi %mul3A_88, %add3A : i32
        %dma_wait3A_105 = arith.constant 1 : i32
        %dma_wait3A_106 = arith.constant 0 : i32
        %dma_wait3A_107 = arith.constant 0 : i32
        %dma_wait3A_108 = tpu.memref_slice %arg9[%dma_wait3A_105, %dma_wait3A_106, %dma_wait3A_107] : memref<2x128x128xf32, #tpu.memory_space<vmem>> -> memref<1x128x128xf32, #tpu.memory_space<vmem>>
        %dma_wait3A_109 = tpu.memref_squeeze %dma_wait3A_108 : memref<1x128x128xf32, #tpu.memory_space<vmem>> -> memref<128x128xf32, #tpu.memory_space<vmem>>
        %dma_wait3A_110 = arith.constant 0 : i32
        %dma_wait3A_111 = tpu.memref_slice %arg10[%add3A_104, %dma_wait3A_110] : memref<40x128xi32, #tpu.memory_space<vmem>> -> memref<1x128xi32, #tpu.memory_space<vmem>>
        %dma_wait3A_112 = tpu.memref_squeeze %dma_wait3A_111 : memref<1x128xi32, #tpu.memory_space<vmem>> -> memref<128xi32, #tpu.memory_space<vmem>>
        %dma_wait3A_113 = arith.constant 0 : i32
        %dma_wait3A_114 = arith.constant 0 : i32
        %dma_wait3A_115 = tpu.memref_slice %arg3[%dma_wait3A_113, %dma_wait3A_114] : memref<10000x128xf32, #tpu.memory_space<hbm>> -> memref<10000x128xf32, #tpu.memory_space<hbm>>
        tpu.wait_indirect_dma semaphore(%arg13 : memref<!tpu.dma_semaphore, #tpu.memory_space<semaphore_mem>>) src(%dma_wait3A_115 : memref<10000x128xf32, #tpu.memory_space<hbm>>) dst(%dma_wait3A_109 : memref<128x128xf32, #tpu.memory_space<vmem>>)
        %add3A_116 = arith.constant 1 : i32
        %add3A_117 = arith.addi %mul3A_88, %add3A_116 : i32
        %run_scoped3A_118 = arith.constant 1 : i32
        "tpu.region"() ({
          %run_scoped3A_124 = tpu.sem_alloc : memref<!tpu.dma_semaphore, #tpu.memory_space<semaphore_mem>>
          %dma_start3A_125 = arith.constant 0 : i32
          %dma_start3A_126 = arith.constant 0 : i32
          %dma_start3A_127 = tpu.memref_slice %arg9[%run_scoped3A_118, %dma_start3A_125, %dma_start3A_126] : memref<2x128x128xf32, #tpu.memory_space<vmem>> -> memref<1x128x128xf32, #tpu.memory_space<vmem>>
          %dma_start3A_128 = tpu.memref_squeeze %dma_start3A_127 : memref<1x128x128xf32, #tpu.memory_space<vmem>> -> memref<128x128xf32, #tpu.memory_space<vmem>>
          %dma_start3A_129 = arith.constant 0 : i32
          %dma_start3A_130 = tpu.memref_slice %arg11[%add3A_117, %dma_start3A_129] : memref<40x128xi32, #tpu.memory_space<vmem>> -> memref<1x128xi32, #tpu.memory_space<vmem>>
          %dma_start3A_131 = tpu.memref_squeeze %dma_start3A_130 : memref<1x128xi32, #tpu.memory_space<vmem>> -> memref<128xi32, #tpu.memory_space<vmem>>
          %dma_start3A_132 = arith.constant 0 : i32
          %dma_start3A_133 = arith.constant 0 : i32
          %dma_start3A_134 = tpu.memref_slice %arg8[%dma_start3A_132, %dma_start3A_133] : memref<10016x128xf32, #tpu.memory_space<vmem_shared>> -> memref<10016x128xf32, #tpu.memory_space<vmem_shared>>
          tpu.enqueue_indirect_dma source(%dma_start3A_128 : memref<128x128xf32, #tpu.memory_space<vmem>>) target(%dma_start3A_134 : memref<10016x128xf32, #tpu.memory_space<vmem_shared>>) offsets(%dma_start3A_131 : memref<128xi32, #tpu.memory_space<vmem>>) semaphore(%run_scoped3A_124 : memref<!tpu.dma_semaphore, #tpu.memory_space<semaphore_mem>>) {add = true}
          %dma_wait3A_135 = arith.constant 0 : i32
          %dma_wait3A_136 = arith.constant 0 : i32
          %dma_wait3A_137 = tpu.memref_slice %arg9[%run_scoped3A_118, %dma_wait3A_135, %dma_wait3A_136] : memref<2x128x128xf32, #tpu.memory_space<vmem>> -> memref<1x128x128xf32, #tpu.memory_space<vmem>>
          %dma_wait3A_138 = tpu.memref_squeeze %dma_wait3A_137 : memref<1x128x128xf32, #tpu.memory_space<vmem>> -> memref<128x128xf32, #tpu.memory_space<vmem>>
          %dma_wait3A_139 = arith.constant 0 : i32
          %dma_wait3A_140 = tpu.memref_slice %arg11[%add3A_117, %dma_wait3A_139] : memref<40x128xi32, #tpu.memory_space<vmem>> -> memref<1x128xi32, #tpu.memory_space<vmem>>
          %dma_wait3A_141 = tpu.memref_squeeze %dma_wait3A_140 : memref<1x128xi32, #tpu.memory_space<vmem>> -> memref<128xi32, #tpu.memory_space<vmem>>
          %dma_wait3A_142 = arith.constant 0 : i32
          %dma_wait3A_143 = arith.constant 0 : i32
          %dma_wait3A_144 = tpu.memref_slice %arg8[%dma_wait3A_142, %dma_wait3A_143] : memref<10016x128xf32, #tpu.memory_space<vmem_shared>> -> memref<10016x128xf32, #tpu.memory_space<vmem_shared>>
          tpu.wait_indirect_dma semaphore(%run_scoped3A_124 : memref<!tpu.dma_semaphore, #tpu.memory_space<semaphore_mem>>) src(%dma_wait3A_138 : memref<128x128xf32, #tpu.memory_space<vmem>>) dst(%dma_wait3A_144 : memref<10016x128xf32, #tpu.memory_space<vmem_shared>>)
          tpu.yield
        }) : () -> ()
        %lt3A_119 = arith.constant 19 : i32
        %lt3A_120 = arith.cmpi slt, %scan3A_86, %lt3A_119 : i32
        %convert_element_type3A_121 = arith.extui %lt3A_120 : i1 to i32
        %cond3A_122 = arith.constant 0 : i32
        %cond3A_123 = arith.cmpi ne, %convert_element_type3A_121, %cond3A_122 : i32
        scf.if %cond3A_123 {
          %add3A_124 = arith.constant 3 : i32
          %add3A_125 = arith.addi %mul3A_88, %add3A_124 : i32
          %dma_start3A_126 = arith.constant 1 : i32
          %dma_start3A_127 = arith.constant 0 : i32
          %dma_start3A_128 = arith.constant 0 : i32
          %dma_start3A_129 = tpu.memref_slice %arg9[%dma_start3A_126, %dma_start3A_127, %dma_start3A_128] : memref<2x128x128xf32, #tpu.memory_space<vmem>> -> memref<1x128x128xf32, #tpu.memory_space<vmem>>
          %dma_start3A_130 = tpu.memref_squeeze %dma_start3A_129 : memref<1x128x128xf32, #tpu.memory_space<vmem>> -> memref<128x128xf32, #tpu.memory_space<vmem>>
          %dma_start3A_131 = arith.constant 0 : i32
          %dma_start3A_132 = tpu.memref_slice %arg10[%add3A_125, %dma_start3A_131] : memref<40x128xi32, #tpu.memory_space<vmem>> -> memref<1x128xi32, #tpu.memory_space<vmem>>
          %dma_start3A_133 = tpu.memref_squeeze %dma_start3A_132 : memref<1x128xi32, #tpu.memory_space<vmem>> -> memref<128xi32, #tpu.memory_space<vmem>>
          %dma_start3A_134 = arith.constant 0 : i32
          %dma_start3A_135 = arith.constant 0 : i32
          %dma_start3A_136 = tpu.memref_slice %arg3[%dma_start3A_134, %dma_start3A_135] : memref<10000x128xf32, #tpu.memory_space<hbm>> -> memref<10000x128xf32, #tpu.memory_space<hbm>>
          tpu.enqueue_indirect_dma source(%dma_start3A_136 : memref<10000x128xf32, #tpu.memory_space<hbm>>) target(%dma_start3A_130 : memref<128x128xf32, #tpu.memory_space<vmem>>) offsets(%dma_start3A_133 : memref<128xi32, #tpu.memory_space<vmem>>) semaphore(%arg13 : memref<!tpu.dma_semaphore, #tpu.memory_space<semaphore_mem>>)
        } else {
        }
      }
      %scan3A_44 = arith.constant 20 : i32
      "tpu.region"() ({
        %run_scoped3A = tpu.sem_alloc : memref<!tpu.dma_semaphore, #tpu.memory_space<semaphore_mem>>
        %dma_start3A_86 = arith.constant 40 : i32
        %dma_start3A_87 = arith.constant 0 : i32
        %dma_start3A_88 = tpu.memref_slice %arg4[%arg1, %dma_start3A_86, %dma_start3A_87] : memref<16x80x128xi32, #tpu.memory_space<hbm>> -> memref<1x40x128xi32, #tpu.memory_space<hbm>>
        %dma_start3A_89 = tpu.memref_squeeze %dma_start3A_88 : memref<1x40x128xi32, #tpu.memory_space<hbm>> -> memref<40x128xi32, #tpu.memory_space<hbm>>
        %dma_start3A_90 = arith.constant 40 : i32
        %dma_start3A_91 = arith.constant 0 : i32
        %dma_start3A_92 = tpu.memref_slice %arg4[%arg1, %dma_start3A_90, %dma_start3A_91] : memref<16x80x128xi32, #tpu.memory_space<hbm>> -> memref<1x40x128xi32, #tpu.memory_space<hbm>>
        %dma_start3A_93 = tpu.memref_squeeze %dma_start3A_92 : memref<1x40x128xi32, #tpu.memory_space<hbm>> -> memref<40x128xi32, #tpu.memory_space<hbm>>
        tpu.enqueue_dma source(%dma_start3A_93 : memref<40x128xi32, #tpu.memory_space<hbm>>) target(%arg10 : memref<40x128xi32, #tpu.memory_space<vmem>>) target_semaphore(%run_scoped3A : memref<!tpu.dma_semaphore, #tpu.memory_space<semaphore_mem>>)
        %dma_wait3A = arith.constant 40 : i32
        %dma_wait3A_94 = arith.constant 0 : i32
        %dma_wait3A_95 = tpu.memref_slice %arg4[%arg1, %dma_wait3A, %dma_wait3A_94] : memref<16x80x128xi32, #tpu.memory_space<hbm>> -> memref<1x40x128xi32, #tpu.memory_space<hbm>>
        %dma_wait3A_96 = tpu.memref_squeeze %dma_wait3A_95 : memref<1x40x128xi32, #tpu.memory_space<hbm>> -> memref<40x128xi32, #tpu.memory_space<hbm>>
        %dma_wait3A_97 = arith.constant 40 : i32
        %dma_wait3A_98 = arith.constant 0 : i32
        %dma_wait3A_99 = tpu.memref_slice %arg4[%arg1, %dma_wait3A_97, %dma_wait3A_98] : memref<16x80x128xi32, #tpu.memory_space<hbm>> -> memref<1x40x128xi32, #tpu.memory_space<hbm>>
        %dma_wait3A_100 = tpu.memref_squeeze %dma_wait3A_99 : memref<1x40x128xi32, #tpu.memory_space<hbm>> -> memref<40x128xi32, #tpu.memory_space<hbm>>
        tpu.wait_dma2 semaphore(%run_scoped3A : memref<!tpu.dma_semaphore, #tpu.memory_space<semaphore_mem>>) src(%dma_wait3A_100 : memref<40x128xi32, #tpu.memory_space<hbm>>) dst(%arg10 : memref<40x128xi32, #tpu.memory_space<vmem>>)
        tpu.yield
      }) : () -> ()
      "tpu.region"() ({
        %run_scoped3A = tpu.sem_alloc : memref<!tpu.dma_semaphore, #tpu.memory_space<semaphore_mem>>
        %dma_start3A_86 = arith.constant 40 : i32
        %dma_start3A_87 = arith.constant 0 : i32
        %dma_start3A_88 = tpu.memref_slice %arg5[%arg1, %dma_start3A_86, %dma_start3A_87] : memref<16x80x128xi32, #tpu.memory_space<hbm>> -> memref<1x40x128xi32, #tpu.memory_space<hbm>>
        %dma_start3A_89 = tpu.memref_squeeze %dma_start3A_88 : memref<1x40x128xi32, #tpu.memory_space<hbm>> -> memref<40x128xi32, #tpu.memory_space<hbm>>
        %dma_start3A_90 = arith.constant 40 : i32
        %dma_start3A_91 = arith.constant 0 : i32
        %dma_start3A_92 = tpu.memref_slice %arg5[%arg1, %dma_start3A_90, %dma_start3A_91] : memref<16x80x128xi32, #tpu.memory_space<hbm>> -> memref<1x40x128xi32, #tpu.memory_space<hbm>>
        %dma_start3A_93 = tpu.memref_squeeze %dma_start3A_92 : memref<1x40x128xi32, #tpu.memory_space<hbm>> -> memref<40x128xi32, #tpu.memory_space<hbm>>
        tpu.enqueue_dma source(%dma_start3A_93 : memref<40x128xi32, #tpu.memory_space<hbm>>) target(%arg11 : memref<40x128xi32, #tpu.memory_space<vmem>>) target_semaphore(%run_scoped3A : memref<!tpu.dma_semaphore, #tpu.memory_space<semaphore_mem>>)
        %dma_wait3A = arith.constant 40 : i32
        %dma_wait3A_94 = arith.constant 0 : i32
        %dma_wait3A_95 = tpu.memref_slice %arg5[%arg1, %dma_wait3A, %dma_wait3A_94] : memref<16x80x128xi32, #tpu.memory_space<hbm>> -> memref<1x40x128xi32, #tpu.memory_space<hbm>>
        %dma_wait3A_96 = tpu.memref_squeeze %dma_wait3A_95 : memref<1x40x128xi32, #tpu.memory_space<hbm>> -> memref<40x128xi32, #tpu.memory_space<hbm>>
        %dma_wait3A_97 = arith.constant 40 : i32
        %dma_wait3A_98 = arith.constant 0 : i32
        %dma_wait3A_99 = tpu.memref_slice %arg5[%arg1, %dma_wait3A_97, %dma_wait3A_98] : memref<16x80x128xi32, #tpu.memory_space<hbm>> -> memref<1x40x128xi32, #tpu.memory_space<hbm>>
        %dma_wait3A_100 = tpu.memref_squeeze %dma_wait3A_99 : memref<1x40x128xi32, #tpu.memory_space<hbm>> -> memref<40x128xi32, #tpu.memory_space<hbm>>
        tpu.wait_dma2 semaphore(%run_scoped3A : memref<!tpu.dma_semaphore, #tpu.memory_space<semaphore_mem>>) src(%dma_wait3A_100 : memref<40x128xi32, #tpu.memory_space<hbm>>) dst(%arg11 : memref<40x128xi32, #tpu.memory_space<vmem>>)
        tpu.yield
      }) : () -> ()
      %dma_start3A_45 = arith.constant 0 : i32
      %dma_start3A_46 = arith.constant 0 : i32
      %dma_start3A_47 = arith.constant 0 : i32
      %dma_start3A_48 = arith.constant 0 : i32
      %dma_start3A_49 = tpu.memref_slice %arg9[%dma_start3A_46, %dma_start3A_47, %dma_start3A_48] : memref<2x128x128xf32, #tpu.memory_space<vmem>> -> memref<1x128x128xf32, #tpu.memory_space<vmem>>
      %dma_start3A_50 = tpu.memref_squeeze %dma_start3A_49 : memref<1x128x128xf32, #tpu.memory_space<vmem>> -> memref<128x128xf32, #tpu.memory_space<vmem>>
      %dma_start3A_51 = arith.constant 0 : i32
      %dma_start3A_52 = tpu.memref_slice %arg10[%dma_start3A_45, %dma_start3A_51] : memref<40x128xi32, #tpu.memory_space<vmem>> -> memref<1x128xi32, #tpu.memory_space<vmem>>
      %dma_start3A_53 = tpu.memref_squeeze %dma_start3A_52 : memref<1x128xi32, #tpu.memory_space<vmem>> -> memref<128xi32, #tpu.memory_space<vmem>>
      %dma_start3A_54 = arith.constant 0 : i32
      %dma_start3A_55 = arith.constant 0 : i32
      %dma_start3A_56 = tpu.memref_slice %arg3[%dma_start3A_54, %dma_start3A_55] : memref<10000x128xf32, #tpu.memory_space<hbm>> -> memref<10000x128xf32, #tpu.memory_space<hbm>>
      tpu.enqueue_indirect_dma source(%dma_start3A_56 : memref<10000x128xf32, #tpu.memory_space<hbm>>) target(%dma_start3A_50 : memref<128x128xf32, #tpu.memory_space<vmem>>) offsets(%dma_start3A_53 : memref<128xi32, #tpu.memory_space<vmem>>) semaphore(%arg12 : memref<!tpu.dma_semaphore, #tpu.memory_space<semaphore_mem>>)
      %dma_start3A_57 = arith.constant 1 : i32
      %dma_start3A_58 = arith.constant 1 : i32
      %dma_start3A_59 = arith.constant 0 : i32
      %dma_start3A_60 = arith.constant 0 : i32
      %dma_start3A_61 = tpu.memref_slice %arg9[%dma_start3A_58, %dma_start3A_59, %dma_start3A_60] : memref<2x128x128xf32, #tpu.memory_space<vmem>> -> memref<1x128x128xf32, #tpu.memory_space<vmem>>
      %dma_start3A_62 = tpu.memref_squeeze %dma_start3A_61 : memref<1x128x128xf32, #tpu.memory_space<vmem>> -> memref<128x128xf32, #tpu.memory_space<vmem>>
      %dma_start3A_63 = arith.constant 0 : i32
      %dma_start3A_64 = tpu.memref_slice %arg10[%dma_start3A_57, %dma_start3A_63] : memref<40x128xi32, #tpu.memory_space<vmem>> -> memref<1x128xi32, #tpu.memory_space<vmem>>
      %dma_start3A_65 = tpu.memref_squeeze %dma_start3A_64 : memref<1x128xi32, #tpu.memory_space<vmem>> -> memref<128xi32, #tpu.memory_space<vmem>>
      %dma_start3A_66 = arith.constant 0 : i32
      %dma_start3A_67 = arith.constant 0 : i32
      %dma_start3A_68 = tpu.memref_slice %arg3[%dma_start3A_66, %dma_start3A_67] : memref<10000x128xf32, #tpu.memory_space<hbm>> -> memref<10000x128xf32, #tpu.memory_space<hbm>>
      tpu.enqueue_indirect_dma source(%dma_start3A_68 : memref<10000x128xf32, #tpu.memory_space<hbm>>) target(%dma_start3A_62 : memref<128x128xf32, #tpu.memory_space<vmem>>) offsets(%dma_start3A_65 : memref<128xi32, #tpu.memory_space<vmem>>) semaphore(%arg13 : memref<!tpu.dma_semaphore, #tpu.memory_space<semaphore_mem>>)
      %scan3A_69 = arith.constant 0 : i32
      %scan3A_70 = arith.constant 0 : i32
      %scan3A_71 = arith.constant 20 : i32
      %scan3A_72 = arith.addi %scan3A_70, %scan3A_71 : i32
      %scan3A_73 = arith.constant 1 : i32
      scf.for %scan3A_86 = %scan3A_70 to %scan3A_72 step %scan3A_73  : i32 {
        %mul3A_87 = arith.constant 2 : i32
        %mul3A_88 = arith.muli %mul3A_87, %scan3A_86 : i32
        %dma_wait3A = arith.constant 0 : i32
        %dma_wait3A_89 = arith.constant 0 : i32
        %dma_wait3A_90 = arith.constant 0 : i32
        %dma_wait3A_91 = tpu.memref_slice %arg9[%dma_wait3A, %dma_wait3A_89, %dma_wait3A_90] : memref<2x128x128xf32, #tpu.memory_space<vmem>> -> memref<1x128x128xf32, #tpu.memory_space<vmem>>
        %dma_wait3A_92 = tpu.memref_squeeze %dma_wait3A_91 : memref<1x128x128xf32, #tpu.memory_space<vmem>> -> memref<128x128xf32, #tpu.memory_space<vmem>>
        %dma_wait3A_93 = arith.constant 0 : i32
        %dma_wait3A_94 = tpu.memref_slice %arg10[%mul3A_88, %dma_wait3A_93] : memref<40x128xi32, #tpu.memory_space<vmem>> -> memref<1x128xi32, #tpu.memory_space<vmem>>
        %dma_wait3A_95 = tpu.memref_squeeze %dma_wait3A_94 : memref<1x128xi32, #tpu.memory_space<vmem>> -> memref<128xi32, #tpu.memory_space<vmem>>
        %dma_wait3A_96 = arith.constant 0 : i32
        %dma_wait3A_97 = arith.constant 0 : i32
        %dma_wait3A_98 = tpu.memref_slice %arg3[%dma_wait3A_96, %dma_wait3A_97] : memref<10000x128xf32, #tpu.memory_space<hbm>> -> memref<10000x128xf32, #tpu.memory_space<hbm>>
        tpu.wait_indirect_dma semaphore(%arg12 : memref<!tpu.dma_semaphore, #tpu.memory_space<semaphore_mem>>) src(%dma_wait3A_98 : memref<10000x128xf32, #tpu.memory_space<hbm>>) dst(%dma_wait3A_92 : memref<128x128xf32, #tpu.memory_space<vmem>>)
        %run_scoped3A = arith.constant 0 : i32
        "tpu.region"() ({
          %run_scoped3A_124 = tpu.sem_alloc : memref<!tpu.dma_semaphore, #tpu.memory_space<semaphore_mem>>
          %dma_start3A_125 = arith.constant 0 : i32
          %dma_start3A_126 = arith.constant 0 : i32
          %dma_start3A_127 = tpu.memref_slice %arg9[%run_scoped3A, %dma_start3A_125, %dma_start3A_126] : memref<2x128x128xf32, #tpu.memory_space<vmem>> -> memref<1x128x128xf32, #tpu.memory_space<vmem>>
          %dma_start3A_128 = tpu.memref_squeeze %dma_start3A_127 : memref<1x128x128xf32, #tpu.memory_space<vmem>> -> memref<128x128xf32, #tpu.memory_space<vmem>>
          %dma_start3A_129 = arith.constant 0 : i32
          %dma_start3A_130 = tpu.memref_slice %arg11[%mul3A_88, %dma_start3A_129] : memref<40x128xi32, #tpu.memory_space<vmem>> -> memref<1x128xi32, #tpu.memory_space<vmem>>
          %dma_start3A_131 = tpu.memref_squeeze %dma_start3A_130 : memref<1x128xi32, #tpu.memory_space<vmem>> -> memref<128xi32, #tpu.memory_space<vmem>>
          %dma_start3A_132 = arith.constant 0 : i32
          %dma_start3A_133 = arith.constant 0 : i32
          %dma_start3A_134 = tpu.memref_slice %arg8[%dma_start3A_132, %dma_start3A_133] : memref<10016x128xf32, #tpu.memory_space<vmem_shared>> -> memref<10016x128xf32, #tpu.memory_space<vmem_shared>>
          tpu.enqueue_indirect_dma source(%dma_start3A_128 : memref<128x128xf32, #tpu.memory_space<vmem>>) target(%dma_start3A_134 : memref<10016x128xf32, #tpu.memory_space<vmem_shared>>) offsets(%dma_start3A_131 : memref<128xi32, #tpu.memory_space<vmem>>) semaphore(%run_scoped3A_124 : memref<!tpu.dma_semaphore, #tpu.memory_space<semaphore_mem>>) {add = true}
          %dma_wait3A_135 = arith.constant 0 : i32
          %dma_wait3A_136 = arith.constant 0 : i32
          %dma_wait3A_137 = tpu.memref_slice %arg9[%run_scoped3A, %dma_wait3A_135, %dma_wait3A_136] : memref<2x128x128xf32, #tpu.memory_space<vmem>> -> memref<1x128x128xf32, #tpu.memory_space<vmem>>
          %dma_wait3A_138 = tpu.memref_squeeze %dma_wait3A_137 : memref<1x128x128xf32, #tpu.memory_space<vmem>> -> memref<128x128xf32, #tpu.memory_space<vmem>>
          %dma_wait3A_139 = arith.constant 0 : i32
          %dma_wait3A_140 = tpu.memref_slice %arg11[%mul3A_88, %dma_wait3A_139] : memref<40x128xi32, #tpu.memory_space<vmem>> -> memref<1x128xi32, #tpu.memory_space<vmem>>
          %dma_wait3A_141 = tpu.memref_squeeze %dma_wait3A_140 : memref<1x128xi32, #tpu.memory_space<vmem>> -> memref<128xi32, #tpu.memory_space<vmem>>
          %dma_wait3A_142 = arith.constant 0 : i32
          %dma_wait3A_143 = arith.constant 0 : i32
          %dma_wait3A_144 = tpu.memref_slice %arg8[%dma_wait3A_142, %dma_wait3A_143] : memref<10016x128xf32, #tpu.memory_space<vmem_shared>> -> memref<10016x128xf32, #tpu.memory_space<vmem_shared>>
          tpu.wait_indirect_dma semaphore(%run_scoped3A_124 : memref<!tpu.dma_semaphore, #tpu.memory_space<semaphore_mem>>) src(%dma_wait3A_138 : memref<128x128xf32, #tpu.memory_space<vmem>>) dst(%dma_wait3A_144 : memref<10016x128xf32, #tpu.memory_space<vmem_shared>>)
          tpu.yield
        }) : () -> ()
        %lt3A_99 = arith.constant 19 : i32
        %lt3A_100 = arith.cmpi slt, %scan3A_86, %lt3A_99 : i32
        %convert_element_type3A_101 = arith.extui %lt3A_100 : i1 to i32
        %cond3A_102 = arith.constant 0 : i32
        %cond3A_103 = arith.cmpi ne, %convert_element_type3A_101, %cond3A_102 : i32
        scf.if %cond3A_103 {
          %add3A_124 = arith.constant 2 : i32
          %add3A_125 = arith.addi %mul3A_88, %add3A_124 : i32
          %dma_start3A_126 = arith.constant 0 : i32
          %dma_start3A_127 = arith.constant 0 : i32
          %dma_start3A_128 = arith.constant 0 : i32
          %dma_start3A_129 = tpu.memref_slice %arg9[%dma_start3A_126, %dma_start3A_127, %dma_start3A_128] : memref<2x128x128xf32, #tpu.memory_space<vmem>> -> memref<1x128x128xf32, #tpu.memory_space<vmem>>
          %dma_start3A_130 = tpu.memref_squeeze %dma_start3A_129 : memref<1x128x128xf32, #tpu.memory_space<vmem>> -> memref<128x128xf32, #tpu.memory_space<vmem>>
          %dma_start3A_131 = arith.constant 0 : i32
          %dma_start3A_132 = tpu.memref_slice %arg10[%add3A_125, %dma_start3A_131] : memref<40x128xi32, #tpu.memory_space<vmem>> -> memref<1x128xi32, #tpu.memory_space<vmem>>
          %dma_start3A_133 = tpu.memref_squeeze %dma_start3A_132 : memref<1x128xi32, #tpu.memory_space<vmem>> -> memref<128xi32, #tpu.memory_space<vmem>>
          %dma_start3A_134 = arith.constant 0 : i32
          %dma_start3A_135 = arith.constant 0 : i32
          %dma_start3A_136 = tpu.memref_slice %arg3[%dma_start3A_134, %dma_start3A_135] : memref<10000x128xf32, #tpu.memory_space<hbm>> -> memref<10000x128xf32, #tpu.memory_space<hbm>>
          tpu.enqueue_indirect_dma source(%dma_start3A_136 : memref<10000x128xf32, #tpu.memory_space<hbm>>) target(%dma_start3A_130 : memref<128x128xf32, #tpu.memory_space<vmem>>) offsets(%dma_start3A_133 : memref<128xi32, #tpu.memory_space<vmem>>) semaphore(%arg12 : memref<!tpu.dma_semaphore, #tpu.memory_space<semaphore_mem>>)
        } else {
        }
        %add3A = arith.constant 1 : i32
        %add3A_104 = arith.addi %mul3A_88, %add3A : i32
        %dma_wait3A_105 = arith.constant 1 : i32
        %dma_wait3A_106 = arith.constant 0 : i32
        %dma_wait3A_107 = arith.constant 0 : i32
        %dma_wait3A_108 = tpu.memref_slice %arg9[%dma_wait3A_105, %dma_wait3A_106, %dma_wait3A_107] : memref<2x128x128xf32, #tpu.memory_space<vmem>> -> memref<1x128x128xf32, #tpu.memory_space<vmem>>
        %dma_wait3A_109 = tpu.memref_squeeze %dma_wait3A_108 : memref<1x128x128xf32, #tpu.memory_space<vmem>> -> memref<128x128xf32, #tpu.memory_space<vmem>>
        %dma_wait3A_110 = arith.constant 0 : i32
        %dma_wait3A_111 = tpu.memref_slice %arg10[%add3A_104, %dma_wait3A_110] : memref<40x128xi32, #tpu.memory_space<vmem>> -> memref<1x128xi32, #tpu.memory_space<vmem>>
        %dma_wait3A_112 = tpu.memref_squeeze %dma_wait3A_111 : memref<1x128xi32, #tpu.memory_space<vmem>> -> memref<128xi32, #tpu.memory_space<vmem>>
        %dma_wait3A_113 = arith.constant 0 : i32
        %dma_wait3A_114 = arith.constant 0 : i32
        %dma_wait3A_115 = tpu.memref_slice %arg3[%dma_wait3A_113, %dma_wait3A_114] : memref<10000x128xf32, #tpu.memory_space<hbm>> -> memref<10000x128xf32, #tpu.memory_space<hbm>>
        tpu.wait_indirect_dma semaphore(%arg13 : memref<!tpu.dma_semaphore, #tpu.memory_space<semaphore_mem>>) src(%dma_wait3A_115 : memref<10000x128xf32, #tpu.memory_space<hbm>>) dst(%dma_wait3A_109 : memref<128x128xf32, #tpu.memory_space<vmem>>)
        %add3A_116 = arith.constant 1 : i32
        %add3A_117 = arith.addi %mul3A_88, %add3A_116 : i32
        %run_scoped3A_118 = arith.constant 1 : i32
        "tpu.region"() ({
          %run_scoped3A_124 = tpu.sem_alloc : memref<!tpu.dma_semaphore, #tpu.memory_space<semaphore_mem>>
          %dma_start3A_125 = arith.constant 0 : i32
          %dma_start3A_126 = arith.constant 0 : i32
          %dma_start3A_127 = tpu.memref_slice %arg9[%run_scoped3A_118, %dma_start3A_125, %dma_start3A_126] : memref<2x128x128xf32, #tpu.memory_space<vmem>> -> memref<1x128x128xf32, #tpu.memory_space<vmem>>
          %dma_start3A_128 = tpu.memref_squeeze %dma_start3A_127 : memref<1x128x128xf32, #tpu.memory_space<vmem>> -> memref<128x128xf32, #tpu.memory_space<vmem>>
          %dma_start3A_129 = arith.constant 0 : i32
          %dma_start3A_130 = tpu.memref_slice %arg11[%add3A_117, %dma_start3A_129] : memref<40x128xi32, #tpu.memory_space<vmem>> -> memref<1x128xi32, #tpu.memory_space<vmem>>
          %dma_start3A_131 = tpu.memref_squeeze %dma_start3A_130 : memref<1x128xi32, #tpu.memory_space<vmem>> -> memref<128xi32, #tpu.memory_space<vmem>>
          %dma_start3A_132 = arith.constant 0 : i32
          %dma_start3A_133 = arith.constant 0 : i32
          %dma_start3A_134 = tpu.memref_slice %arg8[%dma_start3A_132, %dma_start3A_133] : memref<10016x128xf32, #tpu.memory_space<vmem_shared>> -> memref<10016x128xf32, #tpu.memory_space<vmem_shared>>
          tpu.enqueue_indirect_dma source(%dma_start3A_128 : memref<128x128xf32, #tpu.memory_space<vmem>>) target(%dma_start3A_134 : memref<10016x128xf32, #tpu.memory_space<vmem_shared>>) offsets(%dma_start3A_131 : memref<128xi32, #tpu.memory_space<vmem>>) semaphore(%run_scoped3A_124 : memref<!tpu.dma_semaphore, #tpu.memory_space<semaphore_mem>>) {add = true}
          %dma_wait3A_135 = arith.constant 0 : i32
          %dma_wait3A_136 = arith.constant 0 : i32
          %dma_wait3A_137 = tpu.memref_slice %arg9[%run_scoped3A_118, %dma_wait3A_135, %dma_wait3A_136] : memref<2x128x128xf32, #tpu.memory_space<vmem>> -> memref<1x128x128xf32, #tpu.memory_space<vmem>>
          %dma_wait3A_138 = tpu.memref_squeeze %dma_wait3A_137 : memref<1x128x128xf32, #tpu.memory_space<vmem>> -> memref<128x128xf32, #tpu.memory_space<vmem>>
          %dma_wait3A_139 = arith.constant 0 : i32
          %dma_wait3A_140 = tpu.memref_slice %arg11[%add3A_117, %dma_wait3A_139] : memref<40x128xi32, #tpu.memory_space<vmem>> -> memref<1x128xi32, #tpu.memory_space<vmem>>
          %dma_wait3A_141 = tpu.memref_squeeze %dma_wait3A_140 : memref<1x128xi32, #tpu.memory_space<vmem>> -> memref<128xi32, #tpu.memory_space<vmem>>
          %dma_wait3A_142 = arith.constant 0 : i32
          %dma_wait3A_143 = arith.constant 0 : i32
          %dma_wait3A_144 = tpu.memref_slice %arg8[%dma_wait3A_142, %dma_wait3A_143] : memref<10016x128xf32, #tpu.memory_space<vmem_shared>> -> memref<10016x128xf32, #tpu.memory_space<vmem_shared>>
          tpu.wait_indirect_dma semaphore(%run_scoped3A_124 : memref<!tpu.dma_semaphore, #tpu.memory_space<semaphore_mem>>) src(%dma_wait3A_138 : memref<128x128xf32, #tpu.memory_space<vmem>>) dst(%dma_wait3A_144 : memref<10016x128xf32, #tpu.memory_space<vmem_shared>>)
          tpu.yield
        }) : () -> ()
        %lt3A_119 = arith.constant 19 : i32
        %lt3A_120 = arith.cmpi slt, %scan3A_86, %lt3A_119 : i32
        %convert_element_type3A_121 = arith.extui %lt3A_120 : i1 to i32
        %cond3A_122 = arith.constant 0 : i32
        %cond3A_123 = arith.cmpi ne, %convert_element_type3A_121, %cond3A_122 : i32
        scf.if %cond3A_123 {
          %add3A_124 = arith.constant 3 : i32
          %add3A_125 = arith.addi %mul3A_88, %add3A_124 : i32
          %dma_start3A_126 = arith.constant 1 : i32
          %dma_start3A_127 = arith.constant 0 : i32
          %dma_start3A_128 = arith.constant 0 : i32
          %dma_start3A_129 = tpu.memref_slice %arg9[%dma_start3A_126, %dma_start3A_127, %dma_start3A_128] : memref<2x128x128xf32, #tpu.memory_space<vmem>> -> memref<1x128x128xf32, #tpu.memory_space<vmem>>
          %dma_start3A_130 = tpu.memref_squeeze %dma_start3A_129 : memref<1x128x128xf32, #tpu.memory_space<vmem>> -> memref<128x128xf32, #tpu.memory_space<vmem>>
          %dma_start3A_131 = arith.constant 0 : i32
          %dma_start3A_132 = tpu.memref_slice %arg10[%add3A_125, %dma_start3A_131] : memref<40x128xi32, #tpu.memory_space<vmem>> -> memref<1x128xi32, #tpu.memory_space<vmem>>
          %dma_start3A_133 = tpu.memref_squeeze %dma_start3A_132 : memref<1x128xi32, #tpu.memory_space<vmem>> -> memref<128xi32, #tpu.memory_space<vmem>>
          %dma_start3A_134 = arith.constant 0 : i32
          %dma_start3A_135 = arith.constant 0 : i32
          %dma_start3A_136 = tpu.memref_slice %arg3[%dma_start3A_134, %dma_start3A_135] : memref<10000x128xf32, #tpu.memory_space<hbm>> -> memref<10000x128xf32, #tpu.memory_space<hbm>>
          tpu.enqueue_indirect_dma source(%dma_start3A_136 : memref<10000x128xf32, #tpu.memory_space<hbm>>) target(%dma_start3A_130 : memref<128x128xf32, #tpu.memory_space<vmem>>) offsets(%dma_start3A_133 : memref<128xi32, #tpu.memory_space<vmem>>) semaphore(%arg13 : memref<!tpu.dma_semaphore, #tpu.memory_space<semaphore_mem>>)
        } else {
        }
      }
      %scan3A_74 = arith.constant 20 : i32
      %barrier3A_75 = arith.constant 0 : index
      tpu.barrier barrier_id(%barrier3A_75)
      %lt3A_76 = arith.constant 15 : i32
      %lt3A_77 = arith.cmpi slt, %arg1, %lt3A_76 : i32
      %convert_element_type3A_78 = arith.extui %lt3A_77 : i1 to i32
      %cond3A_79 = arith.constant 0 : i32
      %cond3A_80 = arith.cmpi ne, %convert_element_type3A_78, %cond3A_79 : i32
      scf.if %cond3A_80 {
        "tpu.region"() ({
          %run_scoped3A = tpu.sem_alloc : memref<!tpu.dma_semaphore, #tpu.memory_space<semaphore_mem>>
          %dma_start3A_86 = arith.constant 0 : i32
          %dma_start3A_87 = tpu.memref_slice %arg7[%mul3A_7, %dma_start3A_86] : memref<10000x128xf32, #tpu.memory_space<hbm>> -> memref<632x128xf32, #tpu.memory_space<hbm>>
          %dma_start3A_88 = arith.constant 0 : i32
          %dma_start3A_89 = tpu.memref_slice %arg8[%mul3A_7, %dma_start3A_88] : memref<10016x128xf32, #tpu.memory_space<vmem_shared>> -> memref<632x128xf32, #tpu.memory_space<vmem_shared>>
          tpu.enqueue_dma source(%dma_start3A_89 : memref<632x128xf32, #tpu.memory_space<vmem_shared>>) target(%dma_start3A_87 : memref<632x128xf32, #tpu.memory_space<hbm>>) target_semaphore(%run_scoped3A : memref<!tpu.dma_semaphore, #tpu.memory_space<semaphore_mem>>)
          %dma_wait3A = arith.constant 0 : i32
          %dma_wait3A_90 = tpu.memref_slice %arg7[%mul3A_7, %dma_wait3A] : memref<10000x128xf32, #tpu.memory_space<hbm>> -> memref<632x128xf32, #tpu.memory_space<hbm>>
          %dma_wait3A_91 = arith.constant 0 : i32
          %dma_wait3A_92 = tpu.memref_slice %arg8[%mul3A_7, %dma_wait3A_91] : memref<10016x128xf32, #tpu.memory_space<vmem_shared>> -> memref<632x128xf32, #tpu.memory_space<vmem_shared>>
          tpu.wait_dma2 semaphore(%run_scoped3A : memref<!tpu.dma_semaphore, #tpu.memory_space<semaphore_mem>>) src(%dma_wait3A_92 : memref<632x128xf32, #tpu.memory_space<vmem_shared>>) dst(%dma_wait3A_90 : memref<632x128xf32, #tpu.memory_space<hbm>>)
          tpu.yield
        }) : () -> ()
      } else {
      }
      %eq3A_81 = arith.constant 15 : i32
      %eq3A_82 = arith.cmpi eq, %arg1, %eq3A_81 : i32
      %convert_element_type3A_83 = arith.extui %eq3A_82 : i1 to i32
      %cond3A_84 = arith.constant 0 : i32
      %cond3A_85 = arith.cmpi ne, %convert_element_type3A_83, %cond3A_84 : i32
      scf.if %cond3A_85 {
        "tpu.region"() ({
          %run_scoped3A = tpu.sem_alloc : memref<!tpu.dma_semaphore, #tpu.memory_space<semaphore_mem>>
          %dma_start3A_86 = arith.constant 9480 : i32
          %dma_start3A_87 = arith.constant 0 : i32
          %dma_start3A_88 = tpu.memref_slice %arg7[%dma_start3A_86, %dma_start3A_87] : memref<10000x128xf32, #tpu.memory_space<hbm>> -> memref<520x128xf32, #tpu.memory_space<hbm>>
          %dma_start3A_89 = arith.constant 9480 : i32
          %dma_start3A_90 = arith.constant 0 : i32
          %dma_start3A_91 = tpu.memref_slice %arg8[%dma_start3A_89, %dma_start3A_90] : memref<10016x128xf32, #tpu.memory_space<vmem_shared>> -> memref<520x128xf32, #tpu.memory_space<vmem_shared>>
          tpu.enqueue_dma source(%dma_start3A_91 : memref<520x128xf32, #tpu.memory_space<vmem_shared>>) target(%dma_start3A_88 : memref<520x128xf32, #tpu.memory_space<hbm>>) target_semaphore(%run_scoped3A : memref<!tpu.dma_semaphore, #tpu.memory_space<semaphore_mem>>)
          %dma_wait3A = arith.constant 9480 : i32
          %dma_wait3A_92 = arith.constant 0 : i32
          %dma_wait3A_93 = tpu.memref_slice %arg7[%dma_wait3A, %dma_wait3A_92] : memref<10000x128xf32, #tpu.memory_space<hbm>> -> memref<520x128xf32, #tpu.memory_space<hbm>>
          %dma_wait3A_94 = arith.constant 9480 : i32
          %dma_wait3A_95 = arith.constant 0 : i32
          %dma_wait3A_96 = tpu.memref_slice %arg8[%dma_wait3A_94, %dma_wait3A_95] : memref<10016x128xf32, #tpu.memory_space<vmem_shared>> -> memref<520x128xf32, #tpu.memory_space<vmem_shared>>
          tpu.wait_dma2 semaphore(%run_scoped3A : memref<!tpu.dma_semaphore, #tpu.memory_space<semaphore_mem>>) src(%dma_wait3A_96 : memref<520x128xf32, #tpu.memory_space<vmem_shared>>) dst(%dma_wait3A_93 : memref<520x128xf32, #tpu.memory_space<hbm>>)
          tpu.yield
        }) : () -> ()
      } else {
      }
    } else {
    }
    return
  }
}

module attributes {stable_mosaic.version = 14 : i64} {
  func.func @_lin2_body(%arg0: i32, %arg1: memref<2000x128xf32, #tpu.memory_space<vmem>>, %arg2: memref<2000x128xf32, #tpu.memory_space<vmem>>, %arg3: memref<1x2000x128xf32, #tpu.memory_space<vmem>>, %arg4: memref<1x2000x128xf32, #tpu.memory_space<vmem>>, %arg5: memref<1x256xf32, #tpu.memory_space<vmem>>, %arg6: memref<256x256xf32, #tpu.memory_space<vmem>>, %arg7: memref<2000x128xf32, #tpu.memory_space<vmem>>, %arg8: memref<2000x128xf32, #tpu.memory_space<vmem>>) attributes {dimension_semantics = [#tpu.dimension_semantics<arbitrary>], iteration_bounds = array<i64: 5>, scalar_prefetch = 0 : i64, scratch_operands = 0 : i64, tpu.core_type = #tpu.core_type<tc>, window_params = [{transform_indices = @transform_0, window_bounds = array<i64: 2000, 128>}, {transform_indices = @transform_1, window_bounds = array<i64: 2000, 128>}, {transform_indices = @transform_2, window_bounds = array<i64: 1, 2000, 128>}, {transform_indices = @transform_3, window_bounds = array<i64: 1, 2000, 128>}, {pipeline_mode = #tpu.pipeline_mode<synchronous>, transform_indices = @transform_4, window_bounds = array<i64: 1, 256>}, {pipeline_mode = #tpu.pipeline_mode<synchronous>, transform_indices = @transform_5, window_bounds = array<i64: 256, 256>}, {transform_indices = @transform_6, window_bounds = array<i64: 2000, 128>}, {transform_indices = @transform_7, window_bounds = array<i64: 2000, 128>}]} {
    %get3A = arith.constant 0 : index
    %get3A_0 = arith.constant 0 : index
    %get3A_1 = arith.constant 0 : index
    %get3A_2 = vector.load %arg3[%get3A, %get3A_0, %get3A_1] : memref<1x2000x128xf32, #tpu.memory_space<vmem>>, vector<1x2000x1xf32>
    %get3A_3 = vector.shape_cast %get3A_2 : vector<1x2000x1xf32> to vector<2000x1xf32>
    %get3A_4 = arith.constant 0 : index
    %get3A_5 = arith.constant 0 : index
    %get3A_6 = arith.constant 0 : index
    %get3A_7 = vector.load %arg4[%get3A_4, %get3A_5, %get3A_6] : memref<1x2000x128xf32, #tpu.memory_space<vmem>>, vector<1x2000x1xf32>
    %get3A_8 = vector.shape_cast %get3A_7 : vector<1x2000x1xf32> to vector<2000x1xf32>
    %add3A = arith.addf %get3A_3, %get3A_8 : vector<2000x1xf32>
    %add3A_9 = arith.constant 1.000000e+00 : f32
    %add3A_10 = vector.broadcast %add3A_9 : f32 to vector<2000x1xf32>
    %add3A_11 = arith.addf %add3A, %add3A_10 : vector<2000x1xf32>
    %rsqrt3A = math.rsqrt %add3A_11 : vector<2000x1xf32>
    %get3A_12 = arith.constant 0 : index
    %get3A_13 = arith.constant 0 : index
    %get3A_14 = vector.load %arg1[%get3A_12, %get3A_13] : memref<2000x128xf32, #tpu.memory_space<vmem>>, vector<2000x128xf32>
    %get3A_15 = arith.constant 0 : index
    %get3A_16 = arith.constant 0 : index
    %get3A_17 = vector.load %arg2[%get3A_15, %get3A_16] : memref<2000x128xf32, #tpu.memory_space<vmem>>, vector<2000x128xf32>
    %concatenate3A = tpu.concatenate %get3A_14, %get3A_17 in 1 : vector<2000x128xf32>, vector<2000x128xf32> -> vector<2000x256xf32>
    %mul3A = vector.broadcast %rsqrt3A : vector<2000x1xf32> to vector<2000x256xf32>
    %mul3A_18 = arith.mulf %concatenate3A, %mul3A : vector<2000x256xf32>
    %get3A_19 = arith.constant 0 : index
    %get3A_20 = arith.constant 0 : index
    %get3A_21 = vector.load %arg5[%get3A_19, %get3A_20] : memref<1x256xf32, #tpu.memory_space<vmem>>, vector<1x256xf32>
    %add3A_22 = vector.broadcast %get3A_21 : vector<1x256xf32> to vector<2000x256xf32>
    %add3A_23 = arith.addf %mul3A_18, %add3A_22 : vector<2000x256xf32>
    %max3A = arith.constant 0.000000e+00 : f32
    %max3A_24 = vector.broadcast %max3A : f32 to vector<2000x256xf32>
    %max3A_25 = arith.maximumf %add3A_23, %max3A_24 : vector<2000x256xf32>
    %get3A_26 = arith.constant 0 : index
    %get3A_27 = arith.constant 0 : index
    %get3A_28 = vector.load %arg6[%get3A_26, %get3A_27] : memref<256x256xf32, #tpu.memory_space<vmem>>, vector<256x256xf32>
    %dot_general3A = arith.constant dense<0.000000e+00> : vector<2000x256xf32>
    %dot_general3A_29 = tpu.matmul %max3A_25, %get3A_28, %dot_general3A {dimension_numbers = #tpu.dot_dimension_numbers<[1], [0], [0], [1], [0, 0, 1, 1], [], []>, transpose_lhs_hint = false} : vector<2000x256xf32>, vector<256x256xf32>, vector<2000x256xf32> -> vector<2000x256xf32>
    %mul3A_30 = vector.broadcast %rsqrt3A : vector<2000x1xf32> to vector<2000x256xf32>
    %mul3A_31 = arith.mulf %dot_general3A_29, %mul3A_30 : vector<2000x256xf32>
    %slice3A = vector.extract_strided_slice %mul3A_31 {offsets = [0, 0], sizes = [2000, 128], strides = [1, 1]} : vector<2000x256xf32> to vector<2000x128xf32>
    %swap3A = arith.constant 0 : index
    %swap3A_32 = arith.constant 0 : index
    %swap3A_33 = vector.load %arg7[%swap3A, %swap3A_32] : memref<2000x128xf32, #tpu.memory_space<vmem>>, vector<2000x128xf32>
    tpu.vector_store %arg7[%swap3A, %swap3A_32], %slice3A {strides = array<i32>} : memref<2000x128xf32, #tpu.memory_space<vmem>>, vector<2000x128xf32>,
    %slice3A_34 = vector.extract_strided_slice %mul3A_31 {offsets = [0, 128], sizes = [2000, 128], strides = [1, 1]} : vector<2000x256xf32> to vector<2000x128xf32>
    %swap3A_35 = arith.constant 0 : index
    %swap3A_36 = arith.constant 0 : index
    %swap3A_37 = vector.load %arg8[%swap3A_35, %swap3A_36] : memref<2000x128xf32, #tpu.memory_space<vmem>>, vector<2000x128xf32>
    tpu.vector_store %arg8[%swap3A_35, %swap3A_36], %slice3A_34 {strides = array<i32>} : memref<2000x128xf32, #tpu.memory_space<vmem>>, vector<2000x128xf32>,
    return
  }
  func.func @transform_0(%arg0: i32) -> (i32, i32) {
    %c0_i32 = arith.constant 0 : i32
    %c0_i32_0 = arith.constant 0 : i32
    return %arg0, %c0_i32 : i32, i32
  }
  func.func @transform_1(%arg0: i32) -> (i32, i32) {
    %c0_i32 = arith.constant 0 : i32
    %c0_i32_0 = arith.constant 0 : i32
    return %arg0, %c0_i32 : i32, i32
  }
  func.func @transform_2(%arg0: i32) -> (i32, i32, i32) {
    %c0_i32 = arith.constant 0 : i32
    %c0_i32_0 = arith.constant 0 : i32
    %c0_i32_1 = arith.constant 0 : i32
    return %c0_i32, %arg0, %c0_i32_0 : i32, i32, i32
  }
  func.func @transform_3(%arg0: i32) -> (i32, i32, i32) {
    %c1_i32 = arith.constant 1 : i32
    %c0_i32 = arith.constant 0 : i32
    %c0_i32_0 = arith.constant 0 : i32
    return %c1_i32, %arg0, %c0_i32 : i32, i32, i32
  }
  func.func @transform_4(%arg0: i32) -> (i32, i32) {
    %c0_i32 = arith.constant 0 : i32
    %c0_i32_0 = arith.constant 0 : i32
    %c0_i32_1 = arith.constant 0 : i32
    return %c0_i32, %c0_i32_0 : i32, i32
  }
  func.func @transform_5(%arg0: i32) -> (i32, i32) {
    %c0_i32 = arith.constant 0 : i32
    %c0_i32_0 = arith.constant 0 : i32
    %c0_i32_1 = arith.constant 0 : i32
    return %c0_i32, %c0_i32_0 : i32, i32
  }
  func.func @transform_6(%arg0: i32) -> (i32, i32) {
    %c0_i32 = arith.constant 0 : i32
    %c0_i32_0 = arith.constant 0 : i32
    return %arg0, %c0_i32 : i32, i32
  }
  func.func @transform_7(%arg0: i32) -> (i32, i32) {
    %c0_i32 = arith.constant 0 : i32
    %c0_i32_0 = arith.constant 0 : i32
    return %arg0, %c0_i32 : i32, i32
  }
}

module attributes {stable_mosaic.version = 14 : i64} {
  func.func @_lin1_body(%arg0: i32, %arg1: memref<2000x256xf32, #tpu.memory_space<vmem>>, %arg2: memref<256x256xf32, #tpu.memory_space<vmem>>, %arg3: memref<1x2000x128xf32, #tpu.memory_space<vmem>>, %arg4: memref<1x2000x128xf32, #tpu.memory_space<vmem>>, %arg5: memref<2000x128xf32, #tpu.memory_space<vmem>>, %arg6: memref<2000x128xf32, #tpu.memory_space<vmem>>) attributes {dimension_semantics = [#tpu.dimension_semantics<arbitrary>], iteration_bounds = array<i64: 5>, scalar_prefetch = 0 : i64, scratch_operands = 0 : i64, tpu.core_type = #tpu.core_type<tc>, window_params = [{transform_indices = @transform_0, window_bounds = array<i64: 2000, 256>}, {pipeline_mode = #tpu.pipeline_mode<synchronous>, transform_indices = @transform_1, window_bounds = array<i64: 256, 256>}, {transform_indices = @transform_2, window_bounds = array<i64: 1, 2000, 128>}, {transform_indices = @transform_3, window_bounds = array<i64: 1, 2000, 128>}, {transform_indices = @transform_4, window_bounds = array<i64: 2000, 128>}, {transform_indices = @transform_5, window_bounds = array<i64: 2000, 128>}]} {
    %get3A = arith.constant 0 : index
    %get3A_0 = arith.constant 0 : index
    %get3A_1 = vector.load %arg1[%get3A, %get3A_0] : memref<2000x256xf32, #tpu.memory_space<vmem>>, vector<2000x256xf32>
    %get3A_2 = arith.constant 0 : index
    %get3A_3 = arith.constant 0 : index
    %get3A_4 = vector.load %arg2[%get3A_2, %get3A_3] : memref<256x256xf32, #tpu.memory_space<vmem>>, vector<256x256xf32>
    %dot_general3A = arith.constant dense<0.000000e+00> : vector<2000x256xf32>
    %dot_general3A_5 = tpu.matmul %get3A_1, %get3A_4, %dot_general3A {dimension_numbers = #tpu.dot_dimension_numbers<[1], [0], [0], [1], [0, 0, 1, 1], [], []>, transpose_lhs_hint = false} : vector<2000x256xf32>, vector<256x256xf32>, vector<2000x256xf32> -> vector<2000x256xf32>
    %get3A_6 = arith.constant 0 : index
    %get3A_7 = arith.constant 0 : index
    %get3A_8 = arith.constant 0 : index
    %get3A_9 = vector.load %arg3[%get3A_6, %get3A_7, %get3A_8] : memref<1x2000x128xf32, #tpu.memory_space<vmem>>, vector<1x2000x1xf32>
    %get3A_10 = vector.shape_cast %get3A_9 : vector<1x2000x1xf32> to vector<2000x1xf32>
    %get3A_11 = arith.constant 0 : index
    %get3A_12 = arith.constant 0 : index
    %get3A_13 = arith.constant 0 : index
    %get3A_14 = vector.load %arg4[%get3A_11, %get3A_12, %get3A_13] : memref<1x2000x128xf32, #tpu.memory_space<vmem>>, vector<1x2000x1xf32>
    %get3A_15 = vector.shape_cast %get3A_14 : vector<1x2000x1xf32> to vector<2000x1xf32>
    %add3A = arith.addf %get3A_10, %get3A_15 : vector<2000x1xf32>
    %add3A_16 = arith.constant 1.000000e+00 : f32
    %add3A_17 = vector.broadcast %add3A_16 : f32 to vector<2000x1xf32>
    %add3A_18 = arith.addf %add3A, %add3A_17 : vector<2000x1xf32>
    %rsqrt3A = math.rsqrt %add3A_18 : vector<2000x1xf32>
    %mul3A = vector.broadcast %rsqrt3A : vector<2000x1xf32> to vector<2000x256xf32>
    %mul3A_19 = arith.mulf %dot_general3A_5, %mul3A : vector<2000x256xf32>
    %slice3A = vector.extract_strided_slice %mul3A_19 {offsets = [0, 0], sizes = [2000, 128], strides = [1, 1]} : vector<2000x256xf32> to vector<2000x128xf32>
    %swap3A = arith.constant 0 : index
    %swap3A_20 = arith.constant 0 : index
    %swap3A_21 = vector.load %arg5[%swap3A, %swap3A_20] : memref<2000x128xf32, #tpu.memory_space<vmem>>, vector<2000x128xf32>
    tpu.vector_store %arg5[%swap3A, %swap3A_20], %slice3A {strides = array<i32>} : memref<2000x128xf32, #tpu.memory_space<vmem>>, vector<2000x128xf32>,
    %slice3A_22 = vector.extract_strided_slice %mul3A_19 {offsets = [0, 128], sizes = [2000, 128], strides = [1, 1]} : vector<2000x256xf32> to vector<2000x128xf32>
    %swap3A_23 = arith.constant 0 : index
    %swap3A_24 = arith.constant 0 : index
    %swap3A_25 = vector.load %arg6[%swap3A_23, %swap3A_24] : memref<2000x128xf32, #tpu.memory_space<vmem>>, vector<2000x128xf32>
    tpu.vector_store %arg6[%swap3A_23, %swap3A_24], %slice3A_22 {strides = array<i32>} : memref<2000x128xf32, #tpu.memory_space<vmem>>, vector<2000x128xf32>,
    return
  }
  func.func @transform_0(%arg0: i32) -> (i32, i32) {
    %c0_i32 = arith.constant 0 : i32
    %c0_i32_0 = arith.constant 0 : i32
    return %arg0, %c0_i32 : i32, i32
  }
  func.func @transform_1(%arg0: i32) -> (i32, i32) {
    %c0_i32 = arith.constant 0 : i32
    %c0_i32_0 = arith.constant 0 : i32
    %c0_i32_1 = arith.constant 0 : i32
    return %c0_i32, %c0_i32_0 : i32, i32
  }
  func.func @transform_2(%arg0: i32) -> (i32, i32, i32) {
    %c0_i32 = arith.constant 0 : i32
    %c0_i32_0 = arith.constant 0 : i32
    %c0_i32_1 = arith.constant 0 : i32
    return %c0_i32, %arg0, %c0_i32_0 : i32, i32, i32
  }
  func.func @transform_3(%arg0: i32) -> (i32, i32, i32) {
    %c1_i32 = arith.constant 1 : i32
    %c0_i32 = arith.constant 0 : i32
    %c0_i32_0 = arith.constant 0 : i32
    return %c1_i32, %arg0, %c0_i32 : i32, i32, i32
  }
  func.func @transform_4(%arg0: i32) -> (i32, i32) {
    %c0_i32 = arith.constant 0 : i32
    %c0_i32_0 = arith.constant 0 : i32
    return %arg0, %c0_i32 : i32, i32
  }
  func.func @transform_5(%arg0: i32) -> (i32, i32) {
    %c0_i32 = arith.constant 0 : i32
    %c0_i32_0 = arith.constant 0 : i32
    return %arg0, %c0_i32 : i32, i32
  }
}

module attributes {stable_mosaic.version = 14 : i64} {
  func.func @_out_body(%arg0: i32, %arg1: memref<2000x128xf32, #tpu.memory_space<vmem>>, %arg2: memref<2000x128xf32, #tpu.memory_space<vmem>>, %arg3: memref<1x2000x128xf32, #tpu.memory_space<vmem>>, %arg4: memref<1x2000x128xf32, #tpu.memory_space<vmem>>, %arg5: memref<1x256xf32, #tpu.memory_space<vmem>>, %arg6: memref<2000x256xf32, #tpu.memory_space<vmem>>) attributes {dimension_semantics = [#tpu.dimension_semantics<arbitrary>], iteration_bounds = array<i64: 5>, scalar_prefetch = 0 : i64, scratch_operands = 0 : i64, tpu.core_type = #tpu.core_type<tc>, window_params = [{transform_indices = @transform_0, window_bounds = array<i64: 2000, 128>}, {transform_indices = @transform_1, window_bounds = array<i64: 2000, 128>}, {transform_indices = @transform_2, window_bounds = array<i64: 1, 2000, 128>}, {transform_indices = @transform_3, window_bounds = array<i64: 1, 2000, 128>}, {pipeline_mode = #tpu.pipeline_mode<synchronous>, transform_indices = @transform_4, window_bounds = array<i64: 1, 256>}, {transform_indices = @transform_5, window_bounds = array<i64: 2000, 256>}]} {
    %get3A = arith.constant 0 : index
    %get3A_0 = arith.constant 0 : index
    %get3A_1 = arith.constant 0 : index
    %get3A_2 = vector.load %arg3[%get3A, %get3A_0, %get3A_1] : memref<1x2000x128xf32, #tpu.memory_space<vmem>>, vector<1x2000x1xf32>
    %get3A_3 = vector.shape_cast %get3A_2 : vector<1x2000x1xf32> to vector<2000x1xf32>
    %get3A_4 = arith.constant 0 : index
    %get3A_5 = arith.constant 0 : index
    %get3A_6 = arith.constant 0 : index
    %get3A_7 = vector.load %arg4[%get3A_4, %get3A_5, %get3A_6] : memref<1x2000x128xf32, #tpu.memory_space<vmem>>, vector<1x2000x1xf32>
    %get3A_8 = vector.shape_cast %get3A_7 : vector<1x2000x1xf32> to vector<2000x1xf32>
    %add3A = arith.addf %get3A_3, %get3A_8 : vector<2000x1xf32>
    %add3A_9 = arith.constant 1.000000e+00 : f32
    %add3A_10 = vector.broadcast %add3A_9 : f32 to vector<2000x1xf32>
    %add3A_11 = arith.addf %add3A, %add3A_10 : vector<2000x1xf32>
    %rsqrt3A = math.rsqrt %add3A_11 : vector<2000x1xf32>
    %get3A_12 = arith.constant 0 : index
    %get3A_13 = arith.constant 0 : index
    %get3A_14 = vector.load %arg1[%get3A_12, %get3A_13] : memref<2000x128xf32, #tpu.memory_space<vmem>>, vector<2000x128xf32>
    %get3A_15 = arith.constant 0 : index
    %get3A_16 = arith.constant 0 : index
    %get3A_17 = vector.load %arg2[%get3A_15, %get3A_16] : memref<2000x128xf32, #tpu.memory_space<vmem>>, vector<2000x128xf32>
    %concatenate3A = tpu.concatenate %get3A_14, %get3A_17 in 1 : vector<2000x128xf32>, vector<2000x128xf32> -> vector<2000x256xf32>
    %mul3A = vector.broadcast %rsqrt3A : vector<2000x1xf32> to vector<2000x256xf32>
    %mul3A_18 = arith.mulf %concatenate3A, %mul3A : vector<2000x256xf32>
    %get3A_19 = arith.constant 0 : index
    %get3A_20 = arith.constant 0 : index
    %get3A_21 = vector.load %arg5[%get3A_19, %get3A_20] : memref<1x256xf32, #tpu.memory_space<vmem>>, vector<1x256xf32>
    %add3A_22 = vector.broadcast %get3A_21 : vector<1x256xf32> to vector<2000x256xf32>
    %add3A_23 = arith.addf %mul3A_18, %add3A_22 : vector<2000x256xf32>
    %swap3A = arith.constant 0 : index
    %swap3A_24 = arith.constant 0 : index
    %swap3A_25 = vector.load %arg6[%swap3A, %swap3A_24] : memref<2000x256xf32, #tpu.memory_space<vmem>>, vector<2000x256xf32>
    tpu.vector_store %arg6[%swap3A, %swap3A_24], %add3A_23 {strides = array<i32>} : memref<2000x256xf32, #tpu.memory_space<vmem>>, vector<2000x256xf32>,
    return
  }
  func.func @transform_0(%arg0: i32) -> (i32, i32) {
    %c0_i32 = arith.constant 0 : i32
    %c0_i32_0 = arith.constant 0 : i32
    return %arg0, %c0_i32 : i32, i32
  }
  func.func @transform_1(%arg0: i32) -> (i32, i32) {
    %c0_i32 = arith.constant 0 : i32
    %c0_i32_0 = arith.constant 0 : i32
    return %arg0, %c0_i32 : i32, i32
  }
  func.func @transform_2(%arg0: i32) -> (i32, i32, i32) {
    %c0_i32 = arith.constant 0 : i32
    %c0_i32_0 = arith.constant 0 : i32
    %c0_i32_1 = arith.constant 0 : i32
    return %c0_i32, %arg0, %c0_i32_0 : i32, i32, i32
  }
  func.func @transform_3(%arg0: i32) -> (i32, i32, i32) {
    %c1_i32 = arith.constant 1 : i32
    %c0_i32 = arith.constant 0 : i32
    %c0_i32_0 = arith.constant 0 : i32
    return %c1_i32, %arg0, %c0_i32 : i32, i32, i32
  }
  func.func @transform_4(%arg0: i32) -> (i32, i32) {
    %c0_i32 = arith.constant 0 : i32
    %c0_i32_0 = arith.constant 0 : i32
    %c0_i32_1 = arith.constant 0 : i32
    return %c0_i32, %c0_i32_0 : i32, i32
  }
  func.func @transform_5(%arg0: i32) -> (i32, i32) {
    %c0_i32 = arith.constant 0 : i32
    %c0_i32_0 = arith.constant 0 : i32
    return %arg0, %c0_i32 : i32, i32
  }
}

</mosaic_0001>

<sc_bundles>
// kernel: kernel.11.cloned.1.call-start
scs
__scs_entry_jumppad:
0x0: {  	(pc) =	sbr.rel $0x88, $3  }
0x1: {  	(tag) =	ssettag $0x0;
	lr =	simm.s32 $0x1  }
0x2: {  	[smem:$0x3F9B] =	sst lr;
	_ =	strace $0xD0000000  }
0x3: {  	_ = 	snop  }
0x4: {  	_ = 	snop  }
0x5: {  	_ = 	snop  }
0x6: {  	_ = 	snop  }
0x7: {  	_ = 	snop  }
__scs_overlays_trampoline_lowered:
0x8: {  	[smem:$0x3FAA] =	sst s0  }
0x9: {  	[smem:$0x3FAB] =	sst s1  }
0xa: {  	[smem:$0x3FAC] =	sst s2  }
0xb: {  	[smem:$0x3FAD] =	sst s3  }
0xc: {  	[smem:$0x3FAE] =	sst s4  }
0xd: {  	[smem:$0x3FAF] =	sst s5  }
0xe: {  	[smem:$0x3FB0] =	sst s6  }
0xf: {  	[smem:$0x3FB1] =	sst s7  }
0x10: {  	[smem:$0x3FB2] =	sst s8  }
0x11: {  	[smem:$0x3FB3] =	sst s9;
	s0 =	simm.s32 @!p0 $0x0  }
0x12: {  	s1 =	sld [smem:$0x3F99];
	s0 =	simm.s32 @p0 $0x1  }
0x13: {  	[smem:$0x3FB4] =	sst s0;
	s0 =	simm.s32 @!p1 $0x0  }
0x14: {  	s2 =	sld [smem:$0x3F98];
	s0 =	simm.s32 @p1 $0x1  }
0x15: {  	[smem:$0x3FB5] =	sst s0;
	s0 =	simm.s32 @!p2 $0x0  }
0x16: {  	s3 =	sld [smem:$0x3FDB];
	s0 =	simm.s32 @p2 $0x1  }
0x17: {  	s4 =	simm.s32 $0x1BF5;
	[smem:$0x3FB7] =	sst s0  }
0x18: {  	s0 =	sld [smem:$0x3F9A];
	_ =	swait.ge [sflag:s4], $0x0  }
0x19: {  	s7 =	sld [smem:$0x3F9B]  }
0x1a: {  	s8 =	sadd.s32 $0xFFFFE003, lr  }
0x1b: {  	s9 =	sadd.s32 $0xFFFFFEF7, lr;
	s5 =	simm.s32 $0xFFFFFFFF;
	p2 =	slt.u32 s8, $0xFFFFF086  }
0x1c: {  	p1 =	slt.u32 s9, $0xF7A;
	s5 =	simm.s32 @!p2 $0x0  }
0x1d: {  	s5 =	simm.s32 @p1 $0x1;
	p0 =	seq.s32 s7, s2  }
0x1e: {  	s7 =	smul.u32 @!p0 $0xF7A, s2;
	p2 =	seq.s32 @!p0 s5, $0x0  }
0x1f: {  	s9 =	smul.u32 $0xF7A, s1;
	s8 =	simm.s32 @!p0 $0x1BF5;
	p2 =	por !p2, p0  }
0x20: {  	[sflag:s8] =	ssyncset.s32 @!p0 $0xFFFFF086;
	s6 =	sadd.s32 @!p0 s3, s7;
	s7 =	simm.s32 @!p0 $0x108  }
0x21: {  	s3 =	sadd.s32 s3, s9;
	s6 =	sadd.s32 @!p0 $0x88, s6;
	s7 =	simm.s32 @p2 $0x1082  }
0x22: {  	[simem:s7], [sflag:s8] =	dma.local @!p0 [hbm:s6], $0xF7A  }
0x23: {  	s9 =	sor.u32 $0xD0000000, s2;
	s6 =	simm.s32 $0x108;
	_ =	swait.ge @!p0 [sflag:s8], $0x0  }
0x24: {  	s3 =	sadd.s32 $0x88, s3;
	s6 =	simm.s32 @!p1 $0x1082;
	[sflag:s4] =	ssyncset.s32 $0xFFFFF086  }
0x25: {  	[simem:s6], [sflag:s4] =	dma.local [hbm:s3], $0xF7A  }
0x26: {  	[smem:$0x3F9B] =	sst s1;
	(tag) =	ssettag s2;
	_ =	strace s9  }
0x27: {  	s1 =	sld [smem:$0x3FAB]  }
0x28: {  	s2 =	sld [smem:$0x3FAC]  }
0x29: {  	s4 =	sld [smem:$0x3FAE]  }
0x2a: {  	p0 =	seq.s32 s5, $0x0;
	s5 =	sld [smem:$0x3FAF]  }
0x2b: {  	s6 =	sld [smem:$0x3FB0]  }
0x2c: {  	s7 =	sld [smem:$0x3FB1]  }
0x2d: {  	s3 =	simm.s32 $0x108;
	s8 =	sld [smem:$0x3FB2]  }
0x2e: {  	s3 =	simm.s32 @!p0 $0x1082;
	s9 =	sld [smem:$0x3FB3]  }
0x2f: {  	lr =	sadd.s32 s0, s3;
	s0 =	sld [smem:$0x3FAA]  }
0x30: {  	s3 =	sld [smem:$0x3FAD]  }
0x31: {  	[smem:$0x3FB6] =	sst s10  }
0x32: {  	s10 =	sld [smem:$0x3FB4];
	_ =	sdelay $0x3  }
0x33: {  	p0 =	seq.s32 s10, $0x1;
	s10 =	sld [smem:$0x3FB6];
	_ =	sdelay $0x3  }
0x34: {  	[smem:$0x3FB6] =	sst s10  }
0x35: {  	s10 =	sld [smem:$0x3FB5];
	_ =	sdelay $0x3  }
0x36: {  	p1 =	seq.s32 s10, $0x1;
	s10 =	sld [smem:$0x3FB6];
	_ =	sdelay $0x3  }
0x37: {  	[smem:$0x3FB6] =	sst s10  }
0x38: {  	s10 =	sld [smem:$0x3FB7]  }
0x39: {  	_ = 	snop;
	(pc) =	sbr.ind lr, $3  }
0x3a: {  	_ = 	snop  }
0x3b: {  	_ = 	snop  }
0x3c: {  	p2 =	seq.s32 s10, $0x1;
	s10 =	sld [smem:$0x3FB6]  }
0x3d: {  	_ =	shalt  }
0x3e: {  	_ =	shalt  }
0x3f: {  	_ =	shalt  }
0x40: {  	_ =	shalt  }
0x41: {  	_ =	shalt  }
0x42: {  	_ =	shalt  }
0x43: {  	_ =	shalt  }
0x44: {  	_ =	shalt  }
0x45: {  	_ =	shalt  }
0x46: {  	_ =	shalt  }
0x47: {  	_ =	shalt  }
0x48: {  	_ =	shalt  }
0x49: {  	_ =	shalt  }
0x4a: {  	_ =	shalt  }
0x4b: {  	_ =	shalt  }
0x4c: {  	_ =	shalt  }
0x4d: {  	_ =	shalt  }
0x4e: {  	_ =	shalt  }
0x4f: {  	_ =	shalt  }
0x50: {  	_ =	shalt  }
0x51: {  	_ =	shalt  }
0x52: {  	_ =	shalt  }
0x53: {  	_ =	shalt  }
0x54: {  	_ =	shalt  }
0x55: {  	_ =	shalt  }
0x56: {  	_ =	shalt  }
0x57: {  	_ =	shalt  }
0x58: {  	_ =	shalt  }
0x59: {  	_ =	shalt  }
0x5a: {  	_ =	shalt  }
0x5b: {  	_ =	shalt  }
0x5c: {  	_ =	shalt  }
0x5d: {  	_ =	shalt  }
0x5e: {  	_ =	shalt  }
0x5f: {  	_ =	shalt  }
0x60: {  	_ =	shalt  }
0x61: {  	_ =	shalt  }
0x62: {  	_ =	shalt  }
0x63: {  	_ =	shalt  }
0x64: {  	_ =	shalt  }
0x65: {  	_ =	shalt  }
0x66: {  	_ =	shalt  }
0x67: {  	_ =	shalt  }
0x68: {  	_ =	shalt  }
0x69: {  	_ =	shalt  }
0x6a: {  	_ =	shalt  }
0x6b: {  	_ =	shalt  }
0x6c: {  	_ =	shalt  }
0x6d: {  	_ =	shalt  }
0x6e: {  	_ =	shalt  }
0x6f: {  	_ =	shalt  }
0x70: {  	_ =	shalt  }
0x71: {  	_ =	shalt  }
0x72: {  	_ =	shalt  }
0x73: {  	_ =	shalt  }
0x74: {  	_ =	shalt  }
0x75: {  	_ =	shalt  }
0x76: {  	_ =	shalt  }
0x77: {  	_ =	shalt  }
0x78: {  	_ =	shalt  }
0x79: {  	_ =	shalt  }
0x7a: {  	_ =	shalt  }
0x7b: {  	_ =	shalt  }
0x7c: {  	_ =	shalt  }
0x7d: {  	_ =	shalt  }
0x7e: {  	_ =	shalt  }
0x7f: {  	_ =	shalt  }
0x80: {  	_ =	shalt  }
0x81: {  	_ =	shalt  }
0x82: {  	_ =	shalt  }
0x83: {  	_ =	shalt  }
0x84: {  	_ =	shalt  }
0x85: {  	_ =	shalt  }
0x86: {  	_ =	shalt  }
0x87: {  	_ =	shalt  }
.Lfunc_end0:
.L_simem_size_0:
called_computation.1_lowered:
.L_overlay_start_0:
0x88: {  	s2 =	sld [smem:$0x3FD9]  }
0x89: {  	s3 =	sld [smem:$0x3FFE];
	_ =	sdelay $0x1  }
0x8a: {  	s1 =	srdreg.scid  }
0x8b: {  	s0 =	sand.u32 $0x1, s1  }
0x8c: {  	s17 =	sshll.u32 s0, $0xA;
	s2 =	sadd.s32 s3, s2  }
0x8d: {  	s2 =	sadd.s32 s2, s17  }
0x8e: {  	[smem:$0x3FC2] =	sst s2  }
0x8f: {  	_ = 	snop  }
0x90: {  	s2 =	sld [smem:$0x3FD0];
	(tm) =	ssettm $0x1  }
0x91: {  	s18 =	sld [smem:$0x3FFB];
	_ =	sdelay $0x3  }
0x92: {  	_ =	strace s18  }
0x93: {  	s3 =	sld [smem:$0x3FFC];
	_ =	sdelay $0x3  }
0x94: {  	_ =	strace s3  }
0x95: {  	s3 =	sld [smem:$0x3FFD];
	_ =	sdelay $0x3  }
0x96: {  	_ =	strace s3  }
0x97: {  	_ =	strace $0x8FFFFFFF  }
0x98: {  	s19 =	sld [smem:$0x3FDB];
	_ =	sdelay $0x1  }
0x99: {  	s4 =	simm.s32 $_scs_section_size  }
0x9a: {  	s5 =	simm.s32 $_size__tile_overlayer_lowered;
	s6 =	simm.s32 $_tile_overlayer_lowered  }
0x9b: {  	s22 =	simm.s32 $0x1BFF;
	s21 =	sshll.u32 s6, $0x1;
	s3 =	sadd.s32 s4, s19  }
0x9c: {  	s7 =	simm.s32 $0x0;
	s20 =	sshll.u32 s5, $0x1;
	s5 =	sadd.s32 s21, s3  }
0x9d: {  	[timem:s7], [sflag:s22] =	dma.local [hbm:s5], s20  }
0x9e: {  	_ =	swait.ge [sflag:s22], s20  }
0x9f: {  	s4 =	ssub.s32 $0x0, s20;
	[sflag:s22] =	ssyncset.done $0x0  }
0xa0: {  	[sflag:s22] =	ssyncadd.s32 s4;
	_ =	sdelay $0x1  }
0xa1: {  	s23 =	simm.s32 $0x1B8B  }
0xa2: {  	_ =	swait.ge [sflag:s23], $0x1  }
0xa3: {  	[sflag:s23] =	ssyncset.done $0x0  }
0xa4: {  	s25 =	simm.s32 $0x1B8E;
	s24 =	sld [smem:$0x3FFE];
	[sflag:s23] =	ssyncadd.s32 $0xFFFFFFFF  }
0xa5: {  	s26 =	simm.s32 $execute0_lowered;
	[smem:$0x3FD2] =	sst s25  }
0xa6: {  	s5 =	sshll.u32 s26, $0x1;
	_ =	strace $0x80000049;
	[dreg:$0x1] =	wrdreg $0xFFFFFFFF  }
0xa7: {  	s28 =	simm.s32 $_size_execute0_lowered;
	s3 =	sadd.s32 s3, s5;
	[dreg:$0x0] =	wrdreg $0x0  }
0xa8: {  	s5 =	sshll.u32 s28, $0x1;
	[dreg:$0x2] =	wrdreg s3  }
0xa9: {  	[dreg:$0x3] =	wrdreg s5  }
0xaa: {  	[dreg:$0x4] =	wrdreg $0xC0  }
0xab: {  	_ =	task [dreg:s7], $0x5FFFF  }
0xac: {  	[dreg:$0x1] =	wrdreg $0xFFFFFFFF  }
0xad: {  	[dreg:$0x0] =	wrdreg $0x60  }
0xae: {  	[dreg:$0x2] =	wrdreg s2  }
0xaf: {  	[dreg:$0x3] =	wrdreg s24  }
0xb0: {  	[dreg:$0x4] =	wrdreg $0x0  }
0xb1: {  	[dreg:$0x5] =	wrdreg $0x9  }
0xb2: {  	_ =	task.clear_ibuf [dreg:s7], $0x6FFFF;
	_ =	strace $0x90000049  }
0xb3: {  	s29 =	simm.s32 $0x9;
	_ =	strace $0x8000004B  }
0xb4: {  	_ =	swait.ge [sflag:s29], $0x1  }
0xb5: {  	[sflag:s29] =	ssyncadd.s32 $0xFFFFFFFF  }
0xb6: {  	_ =	strace $0x9000004B  }
0xb7: {  	_ =	sfence  }
0xb8: {  	s30 =	sld [smem:$0x0];
	_ =	sdelay $0x2  }
0xb9: {  	s31 =	sshll.u32 s1, $0xD;
	s1 =	sshrl.u32 s1, $0x2  }
0xba: {  	s3 =	sand.u32 $0x4000, s31;
	s1 =	sadd.s32 s1, s30  }
0xbb: {  	s0 =	sor.u32 s3, s0;
	s1 =	sshll.u32 s1, $0x11  }
0xbc: {  	s0 =	sor.u32 s1, s0  }
0xbd: {  	s0 =	sadd.s32 $0x8F2B, s0  }
0xbe: {  	[sflag:s0] =	ssyncadd.remote.s32 $0x1  }
0xbf: {  	_ =	sfence.sel $0xFFFF  }
0xc0: {  	[dreg:$0x0] =	wrdreg $0xFFFFFFFF;
	(pc) =	sbr.abs _section_cstart, $3  }
0xc1: {  	[dreg:$0x1] =	wrdreg $0xFFFFFFFF  }
0xc2: {  	_ =	task.clear_ibuf [dreg:s7], $0x2FFFF;
	_ =	strace $0x9FFFFFFF  }
0xc3: {  	(tm) =	ssettm $0x7FFFFFFF  }
tec
execute0_lowered:
.L_overlay_start_1:
0x0: {  	(tag) =	ssettag $0x1  }
0x1: {  	s1 =	rddreg [dreg:$0x0]  }
0x2: {  	s0 =	rddreg [dreg:$0x1]  }
0x3: {  	s2 =	rddreg [dreg:$0x2]  }
0x4: {  	s4 =	simm.s32 $0x0;
	s3 =	stileid.u32;
	s6 =	srdreg.scid  }
0x5: {  	s28 =	simm.s32 $0x17900;
	s29 =	simm.s32 $0x1;
	s30 =	simm.s32 $0x2  }
0x6: {  	s31 =	simm.s32 $0x1E000;
	[smem:$0x7FF] =	sst s4;
	s7 =	smul.u32 $0x2780, s3  }
0x7: {  	s5 =	sadd.s32 $0x5CE00, s0;
	s6 =	sand.u32 $0x1, s6;
	s10 =	smul.u32 $0x4F000, s3  }
0x8: {  	s9 =	sadd.s32 $0x9200, s0;
	s13 =	sadd.s32 $0x4200, s0;
	s21 =	smul.u32 $0x2800, s3  }
0x9: {  	s23 =	sadd.s32 $0x25080, s1;
	s25 =	sadd.s32 $0xA9080, s0;
	s26 =	sadd.s32 $0x81E80, s0  }
0xa: {  	s19 =	sadd.s32 $0xD0280, s0;
	_ =	strace $0x8000004A;
	[dreg:$0x5] =	wrdreg s23  }
0xb: {  	p1 =	seq.s32 s3, $0xF;
	s8 =	ssub.s32 $0x2, s6;
	[dreg:$0x7] =	wrdreg s25  }
0xc: {  	p0 =	seq.s32 s6, $0x1;
	[dreg:$0x9] =	wrdreg s26;
	s23 =	simm.s32 $0x1CD00  }
0xd: {  	s25 =	simm.s32 $0x13900;
	s26 =	simm.s32 $0x1B980;
	s14 =	sadd.s32 s7, s0  }
0xe: {  	s11 =	sshrl.u32 s8, $0x1;
	s20 =	sshrl.u32 s10, $0x2;
	s22 =	sadd.s32 s1, s7  }
0xf: {  	s12 =	sshrl.u32 s21, $0x3;
	s7 =	sadd.s32 s5, s7;
	s21 =	simm.s32 $0x1B900  }
0x10: {  	s0 =	simm.s32 $0x1E080;
	s15 =	ssub.s32 s8, s11;
	s6 =	sadd.s32 s20, s2  }
.Ltmp0:
0x11: {  	[dreg:$0x4] =	wrdreg s22;
	s8 =	sadd.s32 $0x128400, s2;
	(pc) =	sbr.rel .LBB2_1-.Ltmp0, $4  }
0x12: {  	s10 =	sadd.s32 s9, s12;
	s11 =	sadd.s32 s13, s12;
	s16 =	sadd.s32 $0x280, s12  }
0x13: {  	s24 =	sadd.s32 $0x84000, s14;
	[dreg:$0x8] =	wrdreg s7;
	s18 =	sadd.s32 $0xAB200, s14  }
0x14: {  	s22 =	simm.s32 $0x3;
	s12 =	sadd.s32 s9, s16;
	s13 =	sadd.s32 s13, s16  }
0x15: {  	[dreg:$0x6] =	wrdreg s24;
	s20 =	smax.u32 s15, $0x1;
	s24 =	simm.s32 $0x80  }
.LBB2_11:
0x16: {  	[tilespmem:s28], [sflag:$0x2] =	stream.indirect.gather [hbm4b:s5+s24], $0x80, s16, s24, $0xb8;
	[tilespmem:$0x1E100] =	vst v63  }
0x17: {  	_ =	swait.ge [sflag:s29], $0x4000  }
0x18: {  	[sflag:s29] =	ssyncset.done $0x0  }
0x19: {  	[sflag:s29] =	ssyncadd.s32 $0xFFFFC000  }
0x1a: {  	[spmem:s2] =	stream.indirect.scatter.add.f32 [tilespmem:s25], [sflag:$0x3], $0x80, s31, s24, $0xb8;
	[tilespmem:$0x1E100] =	vst v63  }
0x1b: {  	_ =	swait.ge [sflag:s22], $0x4000  }
0x1c: {  	[sflag:s22] =	ssyncset.done $0x0  }
0x1d: {  	[sflag:s22] =	ssyncadd.s32 $0xFFFFC000  }
0x1e: {  	_ =	swait.ge [sflag:s30], $0x4000  }
0x1f: {  	[sflag:s30] =	ssyncset.done $0x0  }
0x20: {  	[sflag:s30] =	ssyncadd.s32 $0xFFFFC000  }
0x21: {  	[spmem:s2] =	stream.indirect.scatter.add.f32 [tilespmem:s28], [sflag:$0x3], $0x80, s0, s24, $0xb8;
	[tilespmem:$0x1E100] =	vst v63  }
0x22: {  	_ =	swait.ge [sflag:s22], $0x4000  }
0x23: {  	[sflag:s22] =	ssyncset.done $0x0  }
0x24: {  	[sflag:s22] =	ssyncadd.s32 $0xFFFFC000  }
0x25: {  	s15 =	simm.s32 @p1 $0x1FC3;
	[bflag:$0x0] =	sbarrier.arrive $0xFFFF  }
0x26: {  	[hbm:s19], [sflag:s15] =	dma.local @p1 [spmem:s14], $0x2080  }
0x27: {  	s14 =	simm.s32 @p1 $0x3  }
0x28: {  	_ =	swait.ge @p1 [sflag:s14], $0x2080  }
0x29: {  	[sflag:s14] =	ssyncset.done @p1 $0x0  }
0x2a: {  	[sflag:s14] =	ssyncadd.s32 @p1 $0xFFFFDF80  }
0x2b: {  	[hbm:s18], [sflag:s9] =	dma.local @!p1 [spmem:s7], $0x2780  }
0x2c: {  	s7 =	simm.s32 @!p1 $0x3  }
0x2d: {  	_ =	swait.ge @!p1 [sflag:s7], $0x2780  }
0x2e: {  	[sflag:s7] =	ssyncset.done @!p1 $0x0  }
0x2f: {  	[sflag:s7] =	ssyncadd.s32 @!p1 $0xFFFFD880  }
.LBB2_12:
0x30: {  	s4 =	sadd.s32 $0x1, s4  }
0x31: {  	p2 =	sne.s32 s4, s20  }
.Ltmp1:
0x32: {  	_ = 	snop;
	(pc) =	sbr.rel @!p2 .LBB2_13-.Ltmp1, $1  }
0x33: {  	_ =	sdelay $0x3  }
.LBB2_1:
.Ltmp2:
0x34: {  	(pc) =	sbr.rel @!p0 .LBB2_2-.Ltmp2, $3  }
0x35: {  	_ =	sdelay $0x1  }
0x36: {  	s9 =	sshll.u32 @!p1 s3, $0x6  }
0x37: {  	s14 =	sshrl.u32 @p1 s8, $0x3;
	s7 =	sshrl.u32 @!p1 s6, $0x3;
	s9 =	sor.u32 @!p1 $0x1C03, s9  }
0x38: {  	s15 =	simm.s32 @p1 $0x1FC3;
	s16 =	rddreg [dreg:$0x9]  }
0x39: {  	[spmem:s14], [sflag:s15] =	dma.local @p1 [hbm:s16], $0x2080  }
0x3a: {  	s15 =	simm.s32 @p1 $0x3  }
0x3b: {  	_ =	swait.ge @p1 [sflag:s15], $0x2080  }
0x3c: {  	[sflag:s15] =	ssyncset.done @p1 $0x0  }
0x3d: {  	[sflag:s15] =	ssyncadd.s32 @p1 $0xFFFFDF80;
	s15 =	rddreg [dreg:$0x8]  }
0x3e: {  	[spmem:s7], [sflag:s9] =	dma.local @!p1 [hbm:s15], $0x2780  }
0x3f: {  	s15 =	simm.s32 @!p1 $0x3  }
0x40: {  	_ =	swait.ge @!p1 [sflag:s15], $0x2780  }
0x41: {  	[sflag:s15] =	ssyncset.done @!p1 $0x0  }
0x42: {  	[sflag:s15] =	ssyncadd.s32 @!p1 $0xFFFFD880  }
0x43: {  	s16 =	simm.s32 $0x0;
	[bflag:$0x0] =	sbarrier.arrive $0xFFFF  }
0x44: {  	[tilespmem:s21], [sflag:$0x3] =	stream.linear.gather [hbm4b:s10+s16], $0x1400, $0x38;
	[tilespmem:$0x1E100] =	vst v63  }
0x45: {  	_ =	swait.ge [sflag:s22], $0x1400  }
0x46: {  	[sflag:s22] =	ssyncset.done $0x0  }
0x47: {  	[sflag:s22] =	ssyncadd.s32 $0xFFFFEC00  }
0x48: {  	[tilespmem:s23], [sflag:$0x3] =	stream.linear.gather [hbm4b:s11+s16], $0x1400, $0x38;
	[tilespmem:$0x1E100] =	vst v63  }
0x49: {  	_ =	swait.ge [sflag:s22], $0x1400  }
0x4a: {  	[sflag:s22] =	ssyncset.done $0x0  }
0x4b: {  	[sflag:s22] =	ssyncadd.s32 $0xFFFFEC00  }
0x4c: {  	[tilespmem:s25], [sflag:$0x1] =	stream.indirect.gather [hbm4b:s5+s24], $0x80, s21, s24, $0xb8;
	[tilespmem:$0x1E100] =	vst v63  }
0x4d: {  	_ = 	snop  }
0x4e: {  	[tilespmem:s28], [sflag:$0x2] =	stream.indirect.gather [hbm4b:s5+s24], $0x80, s26, s24, $0xb8;
	[tilespmem:$0x1E100] =	vst v63  }
0x4f: {  	_ =	swait.ge [sflag:s29], $0x4000  }
0x50: {  	[sflag:s29] =	ssyncset.done $0x0  }
0x51: {  	s17 =	simm.s32 $0x1CD00;
	[sflag:s29] =	ssyncadd.s32 $0xFFFFC000  }
0x52: {  	[spmem:s2] =	stream.indirect.scatter.add.f32 [tilespmem:s25], [sflag:$0x3], $0x80, s17, s24, $0xb8;
	[tilespmem:$0x1E100] =	vst v63  }
0x53: {  	_ =	swait.ge [sflag:s22], $0x4000  }
0x54: {  	[sflag:s22] =	ssyncset.done $0x0  }
0x55: {  	s16 =	simm.s32 $0x1BA00;
	[sflag:s22] =	ssyncadd.s32 $0xFFFFC000  }
0x56: {  	[tilespmem:s25], [sflag:$0x1] =	stream.indirect.gather [hbm4b:s5+s24], $0x80, s16, s24, $0xb8;
	[tilespmem:$0x1E100] =	vst v63  }
0x57: {  	_ =	swait.ge [sflag:s30], $0x4000  }
0x58: {  	[sflag:s30] =	ssyncset.done $0x0  }
0x59: {  	s17 =	simm.s32 $0x1CD80;
	[sflag:s30] =	ssyncadd.s32 $0xFFFFC000  }
0x5a: {  	[spmem:s2] =	stream.indirect.scatter.add.f32 [tilespmem:s28], [sflag:$0x3], $0x80, s17, s24, $0xb8;
	[tilespmem:$0x1E100] =	vst v63  }
0x5b: {  	_ =	swait.ge [sflag:s22], $0x4000  }
0x5c: {  	[sflag:s22] =	ssyncset.done $0x0  }
0x5d: {  	s15 =	simm.s32 $0x400;
	s16 =	simm.s32 $0x1BA80;
	[sflag:s22] =	ssyncadd.s32 $0xFFFFC000  }
.LBB2_8:
0x5e: {  	[tilespmem:s28], [sflag:$0x2] =	stream.indirect.gather [hbm4b:s5+s24], $0x80, s16, s24, $0xb8;
	[tilespmem:$0x1E100] =	vst v63  }
0x5f: {  	s16 =	smov.u32 s15  }
0x60: {  	p2 =	sne.s32 s15, $0x4800;
	s15 =	sadd.s32 $0x400, s15;
	_ =	swait.ge [sflag:s29], $0x4000  }
0x61: {  	s16 =	sshra.s32 s16, $0x2;
	[sflag:s29] =	ssyncset.done $0x0  }
0x62: {  	s17 =	sadd.s32 $0x1CD00, s16;
	[sflag:s29] =	ssyncadd.s32 $0xFFFFC000  }
0x63: {  	[spmem:s2] =	stream.indirect.scatter.add.f32 [tilespmem:s25], [sflag:$0x3], $0x80, s17, s24, $0xb8;
	[tilespmem:$0x1E100] =	vst v63  }
0x64: {  	_ =	swait.ge [sflag:s22], $0x4000  }
0x65: {  	[sflag:s22] =	ssyncset.done $0x0  }
0x66: {  	s17 =	sadd.s32 $0x1BA00, s16;
	[sflag:s22] =	ssyncadd.s32 $0xFFFFC000  }
0x67: {  	[tilespmem:s25], [sflag:$0x1] =	stream.indirect.gather [hbm4b:s5+s24], $0x80, s17, s24, $0xb8;
	[tilespmem:$0x1E100] =	vst v63  }
0x68: {  	_ =	swait.ge [sflag:s30], $0x4000  }
0x69: {  	[sflag:s30] =	ssyncset.done $0x0  }
.Ltmp3:
0x6a: {  	s17 =	sadd.s32 $0x1CD80, s16;
	[sflag:s30] =	ssyncadd.s32 $0xFFFFC000;
	(pc) =	sbr.rel @p2 .LBB2_8-.Ltmp3, $4  }
0x6b: {  	[spmem:s2] =	stream.indirect.scatter.add.f32 [tilespmem:s28], [sflag:$0x3], $0x80, s17, s24, $0xb8;
	[tilespmem:$0x1E100] =	vst v63  }
0x6c: {  	_ =	swait.ge [sflag:s22], $0x4000  }
0x6d: {  	[sflag:s22] =	ssyncset.done $0x0  }
0x6e: {  	s16 =	sadd.s32 $0x1BA80, s16;
	[sflag:s22] =	ssyncadd.s32 $0xFFFFC000  }
0x6f: {  	[tilespmem:s28], [sflag:$0x2] =	stream.indirect.gather [hbm4b:s5+s24], $0x80, s16, s24, $0xb8;
	[tilespmem:$0x1E100] =	vst v63  }
0x70: {  	_ =	swait.ge [sflag:s29], $0x4000  }
0x71: {  	[sflag:s29] =	ssyncset.done $0x0  }
0x72: {  	[sflag:s29] =	ssyncadd.s32 $0xFFFFC000  }
0x73: {  	[spmem:s2] =	stream.indirect.scatter.add.f32 [tilespmem:s25], [sflag:$0x3], $0x80, s31, s24, $0xb8;
	[tilespmem:$0x1E100] =	vst v63  }
0x74: {  	_ =	swait.ge [sflag:s22], $0x4000  }
0x75: {  	[sflag:s22] =	ssyncset.done $0x0  }
0x76: {  	[sflag:s22] =	ssyncadd.s32 $0xFFFFC000  }
0x77: {  	_ =	swait.ge [sflag:s30], $0x4000  }
0x78: {  	[sflag:s30] =	ssyncset.done $0x0  }
0x79: {  	[sflag:s30] =	ssyncadd.s32 $0xFFFFC000  }
0x7a: {  	[spmem:s2] =	stream.indirect.scatter.add.f32 [tilespmem:s28], [sflag:$0x3], $0x80, s0, s24, $0xb8;
	[tilespmem:$0x1E100] =	vst v63  }
0x7b: {  	_ =	swait.ge [sflag:s22], $0x4000  }
0x7c: {  	[sflag:s22] =	ssyncset.done $0x0  }
0x7d: {  	s15 =	simm.s32 $0x0;
	[sflag:s22] =	ssyncadd.s32 $0xFFFFC000  }
0x7e: {  	[tilespmem:s21], [sflag:$0x3] =	stream.linear.gather [hbm4b:s12+s15], $0x1400, $0x38;
	[tilespmem:$0x1E100] =	vst v63  }
0x7f: {  	_ =	swait.ge [sflag:s22], $0x1400  }
0x80: {  	[sflag:s22] =	ssyncset.done $0x0  }
0x81: {  	[sflag:s22] =	ssyncadd.s32 $0xFFFFEC00  }
0x82: {  	[tilespmem:s23], [sflag:$0x3] =	stream.linear.gather [hbm4b:s13+s15], $0x1400, $0x38;
	[tilespmem:$0x1E100] =	vst v63  }
0x83: {  	_ =	swait.ge [sflag:s22], $0x1400  }
0x84: {  	[sflag:s22] =	ssyncset.done $0x0  }
0x85: {  	[sflag:s22] =	ssyncadd.s32 $0xFFFFEC00  }
0x86: {  	[tilespmem:s25], [sflag:$0x1] =	stream.indirect.gather [hbm4b:s5+s24], $0x80, s21, s24, $0xb8;
	[tilespmem:$0x1E100] =	vst v63  }
0x87: {  	_ = 	snop  }
0x88: {  	[tilespmem:s28], [sflag:$0x2] =	stream.indirect.gather [hbm4b:s5+s24], $0x80, s26, s24, $0xb8;
	[tilespmem:$0x1E100] =	vst v63  }
0x89: {  	_ =	swait.ge [sflag:s29], $0x4000  }
0x8a: {  	[sflag:s29] =	ssyncset.done $0x0  }
0x8b: {  	s17 =	simm.s32 $0x1CD00;
	[sflag:s29] =	ssyncadd.s32 $0xFFFFC000  }
0x8c: {  	[spmem:s2] =	stream.indirect.scatter.add.f32 [tilespmem:s25], [sflag:$0x3], $0x80, s17, s24, $0xb8;
	[tilespmem:$0x1E100] =	vst v63  }
0x8d: {  	_ =	swait.ge [sflag:s22], $0x4000  }
0x8e: {  	[sflag:s22] =	ssyncset.done $0x0  }
0x8f: {  	s16 =	simm.s32 $0x1BA00;
	[sflag:s22] =	ssyncadd.s32 $0xFFFFC000  }
0x90: {  	[tilespmem:s25], [sflag:$0x1] =	stream.indirect.gather [hbm4b:s5+s24], $0x80, s16, s24, $0xb8;
	[tilespmem:$0x1E100] =	vst v63  }
0x91: {  	_ =	swait.ge [sflag:s30], $0x4000  }
0x92: {  	[sflag:s30] =	ssyncset.done $0x0  }
0x93: {  	s17 =	simm.s32 $0x1CD80;
	[sflag:s30] =	ssyncadd.s32 $0xFFFFC000  }
0x94: {  	[spmem:s2] =	stream.indirect.scatter.add.f32 [tilespmem:s28], [sflag:$0x3], $0x80, s17, s24, $0xb8;
	[tilespmem:$0x1E100] =	vst v63  }
0x95: {  	_ =	swait.ge [sflag:s22], $0x4000  }
0x96: {  	[sflag:s22] =	ssyncset.done $0x0  }
0x97: {  	s15 =	simm.s32 $0x400;
	s16 =	simm.s32 $0x1BA80;
	[sflag:s22] =	ssyncadd.s32 $0xFFFFC000  }
.LBB2_10:
0x98: {  	[tilespmem:s28], [sflag:$0x2] =	stream.indirect.gather [hbm4b:s5+s24], $0x80, s16, s24, $0xb8;
	[tilespmem:$0x1E100] =	vst v63  }
0x99: {  	s16 =	smov.u32 s15  }
0x9a: {  	p2 =	sne.s32 s15, $0x4800;
	s15 =	sadd.s32 $0x400, s15;
	_ =	swait.ge [sflag:s29], $0x4000  }
0x9b: {  	s16 =	sshra.s32 s16, $0x2;
	[sflag:s29] =	ssyncset.done $0x0  }
0x9c: {  	s17 =	sadd.s32 $0x1CD00, s16;
	[sflag:s29] =	ssyncadd.s32 $0xFFFFC000  }
0x9d: {  	[spmem:s2] =	stream.indirect.scatter.add.f32 [tilespmem:s25], [sflag:$0x3], $0x80, s17, s24, $0xb8;
	[tilespmem:$0x1E100] =	vst v63  }
0x9e: {  	_ =	swait.ge [sflag:s22], $0x4000  }
0x9f: {  	[sflag:s22] =	ssyncset.done $0x0  }
0xa0: {  	s17 =	sadd.s32 $0x1BA00, s16;
	[sflag:s22] =	ssyncadd.s32 $0xFFFFC000  }
0xa1: {  	[tilespmem:s25], [sflag:$0x1] =	stream.indirect.gather [hbm4b:s5+s24], $0x80, s17, s24, $0xb8;
	[tilespmem:$0x1E100] =	vst v63  }
0xa2: {  	_ =	swait.ge [sflag:s30], $0x4000  }
0xa3: {  	[sflag:s30] =	ssyncset.done $0x0  }
.Ltmp4:
0xa4: {  	s17 =	sadd.s32 $0x1CD80, s16;
	[sflag:s30] =	ssyncadd.s32 $0xFFFFC000;
	(pc) =	sbr.rel @p2 .LBB2_10-.Ltmp4, $4  }
0xa5: {  	[spmem:s2] =	stream.indirect.scatter.add.f32 [tilespmem:s28], [sflag:$0x3], $0x80, s17, s24, $0xb8;
	[tilespmem:$0x1E100] =	vst v63  }
0xa6: {  	_ =	swait.ge [sflag:s22], $0x4000  }
0xa7: {  	[sflag:s22] =	ssyncset.done $0x0  }
0xa8: {  	s16 =	sadd.s32 $0x1BA80, s16;
	[sflag:s22] =	ssyncadd.s32 $0xFFFFC000  }
.Ltmp5:
0xa9: {  	_ = 	snop;
	(pc) =	sbr.rel .LBB2_11-.Ltmp5, $1  }
0xaa: {  	_ =	sdelay $0x3  }
.LBB2_2:
0xab: {  	s15 =	simm.s32 @p1 $0x1FC3;
	s16 =	rddreg [dreg:$0x5]  }
0xac: {  	[spmem:s14], [sflag:s15] =	dma.local @p1 [hbm:s16], $0x2080  }
0xad: {  	s15 =	simm.s32 @p1 $0x3  }
0xae: {  	_ =	swait.ge @p1 [sflag:s15], $0x2080  }
0xaf: {  	[sflag:s15] =	ssyncset.done @p1 $0x0  }
0xb0: {  	[sflag:s15] =	ssyncadd.s32 @p1 $0xFFFFDF80;
	s15 =	rddreg [dreg:$0x4]  }
0xb1: {  	[spmem:s7], [sflag:s9] =	dma.local @!p1 [hbm:s15], $0x2780  }
0xb2: {  	s15 =	simm.s32 @!p1 $0x3  }
0xb3: {  	_ =	swait.ge @!p1 [sflag:s15], $0x2780  }
0xb4: {  	[sflag:s15] =	ssyncset.done @!p1 $0x0  }
0xb5: {  	[sflag:s15] =	ssyncadd.s32 @!p1 $0xFFFFD880  }
0xb6: {  	s16 =	simm.s32 $0x0;
	[bflag:$0x0] =	sbarrier.arrive $0xFFFF  }
0xb7: {  	[tilespmem:s21], [sflag:$0x3] =	stream.linear.gather [hbm4b:s10+s16], $0x1400, $0x38;
	[tilespmem:$0x1E100] =	vst v63  }
0xb8: {  	_ =	swait.ge [sflag:s22], $0x1400  }
0xb9: {  	[sflag:s22] =	ssyncset.done $0x0  }
0xba: {  	[sflag:s22] =	ssyncadd.s32 $0xFFFFEC00  }
0xbb: {  	[tilespmem:s23], [sflag:$0x3] =	stream.linear.gather [hbm4b:s11+s16], $0x1400, $0x38;
	[tilespmem:$0x1E100] =	vst v63  }
0xbc: {  	_ =	swait.ge [sflag:s22], $0x1400  }
0xbd: {  	[sflag:s22] =	ssyncset.done $0x0  }
0xbe: {  	[sflag:s22] =	ssyncadd.s32 $0xFFFFEC00  }
0xbf: {  	[tilespmem:s25], [sflag:$0x1] =	stream.indirect.gather [hbm4b:s1+s24], $0x80, s21, s24, $0xb8;
	[tilespmem:$0x1E100] =	vst v63  }
0xc0: {  	_ = 	snop  }
0xc1: {  	[tilespmem:s28], [sflag:$0x2] =	stream.indirect.gather [hbm4b:s1+s24], $0x80, s26, s24, $0xb8;
	[tilespmem:$0x1E100] =	vst v63  }
0xc2: {  	_ =	swait.ge [sflag:s29], $0x4000  }
0xc3: {  	[sflag:s29] =	ssyncset.done $0x0  }
0xc4: {  	s17 =	simm.s32 $0x1CD00;
	[sflag:s29] =	ssyncadd.s32 $0xFFFFC000  }
0xc5: {  	[spmem:s2] =	stream.indirect.scatter.add.f32 [tilespmem:s25], [sflag:$0x3], $0x80, s17, s24, $0xb8;
	[tilespmem:$0x1E100] =	vst v63  }
0xc6: {  	_ =	swait.ge [sflag:s22], $0x4000  }
0xc7: {  	[sflag:s22] =	ssyncset.done $0x0  }
0xc8: {  	s16 =	simm.s32 $0x1BA00;
	[sflag:s22] =	ssyncadd.s32 $0xFFFFC000  }
0xc9: {  	[tilespmem:s25], [sflag:$0x1] =	stream.indirect.gather [hbm4b:s1+s24], $0x80, s16, s24, $0xb8;
	[tilespmem:$0x1E100] =	vst v63  }
0xca: {  	_ =	swait.ge [sflag:s30], $0x4000  }
0xcb: {  	[sflag:s30] =	ssyncset.done $0x0  }
0xcc: {  	s17 =	simm.s32 $0x1CD80;
	[sflag:s30] =	ssyncadd.s32 $0xFFFFC000  }
0xcd: {  	[spmem:s2] =	stream.indirect.scatter.add.f32 [tilespmem:s28], [sflag:$0x3], $0x80, s17, s24, $0xb8;
	[tilespmem:$0x1E100] =	vst v63  }
0xce: {  	_ =	swait.ge [sflag:s22], $0x4000  }
0xcf: {  	[sflag:s22] =	ssyncset.done $0x0  }
0xd0: {  	s15 =	simm.s32 $0x400;
	s16 =	simm.s32 $0x1BA80;
	[sflag:s22] =	ssyncadd.s32 $0xFFFFC000  }
.LBB2_3:
0xd1: {  	[tilespmem:s28], [sflag:$0x2] =	stream.indirect.gather [hbm4b:s1+s24], $0x80, s16, s24, $0xb8;
	[tilespmem:$0x1E100] =	vst v63  }
0xd2: {  	s16 =	smov.u32 s15  }
0xd3: {  	p2 =	sne.s32 s15, $0x4800;
	s15 =	sadd.s32 $0x400, s15;
	_ =	swait.ge [sflag:s29], $0x4000  }
0xd4: {  	s16 =	sshra.s32 s16, $0x2;
	[sflag:s29] =	ssyncset.done $0x0  }
0xd5: {  	s17 =	sadd.s32 $0x1CD00, s16;
	[sflag:s29] =	ssyncadd.s32 $0xFFFFC000  }
0xd6: {  	[spmem:s2] =	stream.indirect.scatter.add.f32 [tilespmem:s25], [sflag:$0x3], $0x80, s17, s24, $0xb8;
	[tilespmem:$0x1E100] =	vst v63  }
0xd7: {  	_ =	swait.ge [sflag:s22], $0x4000  }
0xd8: {  	[sflag:s22] =	ssyncset.done $0x0  }
0xd9: {  	s17 =	sadd.s32 $0x1BA00, s16;
	[sflag:s22] =	ssyncadd.s32 $0xFFFFC000  }
0xda: {  	[tilespmem:s25], [sflag:$0x1] =	stream.indirect.gather [hbm4b:s1+s24], $0x80, s17, s24, $0xb8;
	[tilespmem:$0x1E100] =	vst v63  }
0xdb: {  	_ =	swait.ge [sflag:s30], $0x4000  }
0xdc: {  	[sflag:s30] =	ssyncset.done $0x0  }
.Ltmp6:
0xdd: {  	s17 =	sadd.s32 $0x1CD80, s16;
	[sflag:s30] =	ssyncadd.s32 $0xFFFFC000;
	(pc) =	sbr.rel @p2 .LBB2_3-.Ltmp6, $4  }
0xde: {  	[spmem:s2] =	stream.indirect.scatter.add.f32 [tilespmem:s28], [sflag:$0x3], $0x80, s17, s24, $0xb8;
	[tilespmem:$0x1E100] =	vst v63  }
0xdf: {  	_ =	swait.ge [sflag:s22], $0x4000  }
0xe0: {  	[sflag:s22] =	ssyncset.done $0x0  }
0xe1: {  	s16 =	sadd.s32 $0x1BA80, s16;
	[sflag:s22] =	ssyncadd.s32 $0xFFFFC000  }
0xe2: {  	[tilespmem:s28], [sflag:$0x2] =	stream.indirect.gather [hbm4b:s1+s24], $0x80, s16, s24, $0xb8;
	[tilespmem:$0x1E100] =	vst v63  }
0xe3: {  	_ =	swait.ge [sflag:s29], $0x4000  }
0xe4: {  	[sflag:s29] =	ssyncset.done $0x0  }
0xe5: {  	[sflag:s29] =	ssyncadd.s32 $0xFFFFC000  }
0xe6: {  	[spmem:s2] =	stream.indirect.scatter.add.f32 [tilespmem:s25], [sflag:$0x3], $0x80, s31, s24, $0xb8;
	[tilespmem:$0x1E100] =	vst v63  }
0xe7: {  	_ =	swait.ge [sflag:s22], $0x4000  }
0xe8: {  	[sflag:s22] =	ssyncset.done $0x0  }
0xe9: {  	[sflag:s22] =	ssyncadd.s32 $0xFFFFC000  }
0xea: {  	_ =	swait.ge [sflag:s30], $0x4000  }
0xeb: {  	[sflag:s30] =	ssyncset.done $0x0  }
0xec: {  	[sflag:s30] =	ssyncadd.s32 $0xFFFFC000  }
0xed: {  	[spmem:s2] =	stream.indirect.scatter.add.f32 [tilespmem:s28], [sflag:$0x3], $0x80, s0, s24, $0xb8;
	[tilespmem:$0x1E100] =	vst v63  }
0xee: {  	_ =	swait.ge [sflag:s22], $0x4000  }
0xef: {  	[sflag:s22] =	ssyncset.done $0x0  }
0xf0: {  	s15 =	simm.s32 $0x0;
	[sflag:s22] =	ssyncadd.s32 $0xFFFFC000  }
0xf1: {  	[tilespmem:s21], [sflag:$0x3] =	stream.linear.gather [hbm4b:s12+s15], $0x1400, $0x38;
	[tilespmem:$0x1E100] =	vst v63  }
0xf2: {  	_ =	swait.ge [sflag:s22], $0x1400  }
0xf3: {  	[sflag:s22] =	ssyncset.done $0x0  }
0xf4: {  	[sflag:s22] =	ssyncadd.s32 $0xFFFFEC00  }
0xf5: {  	[tilespmem:s23], [sflag:$0x3] =	stream.linear.gather [hbm4b:s13+s15], $0x1400, $0x38;
	[tilespmem:$0x1E100] =	vst v63  }
0xf6: {  	_ =	swait.ge [sflag:s22], $0x1400  }
0xf7: {  	[sflag:s22] =	ssyncset.done $0x0  }
0xf8: {  	[sflag:s22] =	ssyncadd.s32 $0xFFFFEC00  }
0xf9: {  	[tilespmem:s25], [sflag:$0x1] =	stream.indirect.gather [hbm4b:s1+s24], $0x80, s21, s24, $0xb8;
	[tilespmem:$0x1E100] =	vst v63  }
0xfa: {  	_ = 	snop  }
0xfb: {  	[tilespmem:s28], [sflag:$0x2] =	stream.indirect.gather [hbm4b:s1+s24], $0x80, s26, s24, $0xb8;
	[tilespmem:$0x1E100] =	vst v63  }
0xfc: {  	_ =	swait.ge [sflag:s29], $0x4000  }
0xfd: {  	[sflag:s29] =	ssyncset.done $0x0  }
0xfe: {  	s17 =	simm.s32 $0x1CD00;
	[sflag:s29] =	ssyncadd.s32 $0xFFFFC000  }
0xff: {  	[spmem:s2] =	stream.indirect.scatter.add.f32 [tilespmem:s25], [sflag:$0x3], $0x80, s17, s24, $0xb8;
	[tilespmem:$0x1E100] =	vst v63  }
0x100: {  	_ =	swait.ge [sflag:s22], $0x4000  }
0x101: {  	[sflag:s22] =	ssyncset.done $0x0  }
0x102: {  	s16 =	simm.s32 $0x1BA00;
	[sflag:s22] =	ssyncadd.s32 $0xFFFFC000  }
0x103: {  	[tilespmem:s25], [sflag:$0x1] =	stream.indirect.gather [hbm4b:s1+s24], $0x80, s16, s24, $0xb8;
	[tilespmem:$0x1E100] =	vst v63  }
0x104: {  	_ =	swait.ge [sflag:s30], $0x4000  }
0x105: {  	[sflag:s30] =	ssyncset.done $0x0  }
0x106: {  	s17 =	simm.s32 $0x1CD80;
	[sflag:s30] =	ssyncadd.s32 $0xFFFFC000  }
0x107: {  	[spmem:s2] =	stream.indirect.scatter.add.f32 [tilespmem:s28], [sflag:$0x3], $0x80, s17, s24, $0xb8;
	[tilespmem:$0x1E100] =	vst v63  }
0x108: {  	_ =	swait.ge [sflag:s22], $0x4000  }
0x109: {  	[sflag:s22] =	ssyncset.done $0x0  }
0x10a: {  	s15 =	simm.s32 $0x400;
	s16 =	simm.s32 $0x1BA80;
	[sflag:s22] =	ssyncadd.s32 $0xFFFFC000  }
.LBB2_5:
0x10b: {  	[tilespmem:s28], [sflag:$0x2] =	stream.indirect.gather [hbm4b:s1+s24], $0x80, s16, s24, $0xb8;
	[tilespmem:$0x1E100] =	vst v63  }
0x10c: {  	s16 =	smov.u32 s15  }
0x10d: {  	p2 =	sne.s32 s15, $0x4800;
	s15 =	sadd.s32 $0x400, s15;
	_ =	swait.ge [sflag:s29], $0x4000  }
0x10e: {  	s16 =	sshra.s32 s16, $0x2;
	[sflag:s29] =	ssyncset.done $0x0  }
0x10f: {  	s17 =	sadd.s32 $0x1CD00, s16;
	[sflag:s29] =	ssyncadd.s32 $0xFFFFC000  }
0x110: {  	[spmem:s2] =	stream.indirect.scatter.add.f32 [tilespmem:s25], [sflag:$0x3], $0x80, s17, s24, $0xb8;
	[tilespmem:$0x1E100] =	vst v63  }
0x111: {  	_ =	swait.ge [sflag:s22], $0x4000  }
0x112: {  	[sflag:s22] =	ssyncset.done $0x0  }
0x113: {  	s17 =	sadd.s32 $0x1BA00, s16;
	[sflag:s22] =	ssyncadd.s32 $0xFFFFC000  }
0x114: {  	[tilespmem:s25], [sflag:$0x1] =	stream.indirect.gather [hbm4b:s1+s24], $0x80, s17, s24, $0xb8;
	[tilespmem:$0x1E100] =	vst v63  }
0x115: {  	_ =	swait.ge [sflag:s30], $0x4000  }
0x116: {  	[sflag:s30] =	ssyncset.done $0x0  }
.Ltmp7:
0x117: {  	s17 =	sadd.s32 $0x1CD80, s16;
	[sflag:s30] =	ssyncadd.s32 $0xFFFFC000;
	(pc) =	sbr.rel @p2 .LBB2_5-.Ltmp7, $4  }
0x118: {  	[spmem:s2] =	stream.indirect.scatter.add.f32 [tilespmem:s28], [sflag:$0x3], $0x80, s17, s24, $0xb8;
	[tilespmem:$0x1E100] =	vst v63  }
0x119: {  	_ =	swait.ge [sflag:s22], $0x4000  }
0x11a: {  	[sflag:s22] =	ssyncset.done $0x0  }
0x11b: {  	s16 =	sadd.s32 $0x1BA80, s16;
	[sflag:s22] =	ssyncadd.s32 $0xFFFFC000  }
0x11c: {  	[tilespmem:s28], [sflag:$0x2] =	stream.indirect.gather [hbm4b:s1+s24], $0x80, s16, s24, $0xb8;
	[tilespmem:$0x1E100] =	vst v63  }
0x11d: {  	_ =	swait.ge [sflag:s29], $0x4000  }
0x11e: {  	[sflag:s29] =	ssyncset.done $0x0  }
0x11f: {  	[sflag:s29] =	ssyncadd.s32 $0xFFFFC000  }
0x120: {  	[spmem:s2] =	stream.indirect.scatter.add.f32 [tilespmem:s25], [sflag:$0x3], $0x80, s31, s24, $0xb8;
	[tilespmem:$0x1E100] =	vst v63  }
0x121: {  	_ =	swait.ge [sflag:s22], $0x4000  }
0x122: {  	[sflag:s22] =	ssyncset.done $0x0  }
0x123: {  	[sflag:s22] =	ssyncadd.s32 $0xFFFFC000  }
0x124: {  	_ =	swait.ge [sflag:s30], $0x4000  }
0x125: {  	[sflag:s30] =	ssyncset.done $0x0  }
0x126: {  	[sflag:s30] =	ssyncadd.s32 $0xFFFFC000  }
0x127: {  	[spmem:s2] =	stream.indirect.scatter.add.f32 [tilespmem:s28], [sflag:$0x3], $0x80, s0, s24, $0xb8;
	[tilespmem:$0x1E100] =	vst v63  }
0x128: {  	_ =	swait.ge [sflag:s22], $0x4000  }
0x129: {  	[sflag:s22] =	ssyncset.done $0x0  }
0x12a: {  	[sflag:s22] =	ssyncadd.s32 $0xFFFFC000  }
0x12b: {  	[bflag:$0x0] =	sbarrier.arrive $0xFFFF  }
0x12c: {  	s15 =	simm.s32 @p1 $0x1FC3;
	s16 =	rddreg [dreg:$0x7]  }
0x12d: {  	[hbm:s16], [sflag:s15] =	dma.local @p1 [spmem:s14], $0x2080  }
0x12e: {  	s14 =	simm.s32 @p1 $0x3  }
0x12f: {  	_ =	swait.ge @p1 [sflag:s14], $0x2080  }
0x130: {  	[sflag:s14] =	ssyncset.done @p1 $0x0  }
0x131: {  	[sflag:s14] =	ssyncadd.s32 @p1 $0xFFFFDF80;
	s14 =	rddreg [dreg:$0x6]  }
0x132: {  	[hbm:s14], [sflag:s9] =	dma.local @!p1 [spmem:s7], $0x2780  }
.Ltmp8:
0x133: {  	_ = 	snop;
	(pc) =	sbr.rel .LBB2_12-.Ltmp8, $4  }
0x134: {  	s7 =	simm.s32 @!p1 $0x3  }
0x135: {  	_ =	swait.ge @!p1 [sflag:s7], $0x2780  }
0x136: {  	[sflag:s7] =	ssyncset.done @!p1 $0x0  }
0x137: {  	[sflag:s7] =	ssyncadd.s32 @!p1 $0xFFFFD880  }
.LBB2_13:
0x138: {  	_ =	sfence.sel $0x180000  }
0x139: {  	[bflag:$0x0] =	sbarrier.arrive $0xFFFF  }
0x13a: {  	_ =	strace $0x9000004A  }
0x13b: {  	[bflag:$0x2] =	sbarrier.arrive $0xFFFF  }
0x13c: {  	p0 =	sne.s32 s3, $0x0;
	s0 =	rddreg [dreg:$0x3]  }
0x13d: {  	s0 =	sadd.s32 @!p0 $0x100000, s0  }
0x13e: {  	[sflag:s0] =	ssyncadd.tile.s32 @!p0 $0x1;
	_ =	shalt  }
.Lfunc_end2:
_tile_overlayer_lowered:
.L_overlay_start_2:
0x13f: {  	(tag) =	ssettag $0x2  }
0x140: {  	s0 =	rddreg [dreg:$0x0];
	s2 =	stileid.u32  }
0x141: {  	s1 =	rddreg [dreg:$0x1];
	p0 =	sne.s32 s2, $0x0  }
0x142: {  	s3 =	rddreg [dreg:$0x2];
	[bflag:$0x3] =	sbarrier.arrive $0xFFFF;
	s2 =	simm.s32 @!p0 $0x1C03  }
0x143: {  	[timem:s3], [sflag:s2] =	dma.local @!p0 [hbm:s0], s1  }
0x144: {  	s0 =	simm.s32 @!p0 $0x3  }
0x145: {  	_ =	swait.ge @!p0 [sflag:s0], s1  }
0x146: {  	s1 =	ssub.s32 @!p0 $0x0, s1;
	[sflag:s0] =	ssyncset.done @!p0 $0x0  }
0x147: {  	[sflag:s0] =	ssyncadd.s32 @!p0 s1  }
0x148: {  	[bflag:$0x3] =	sbarrier.arrive $0xFFFF  }
0x149: {  	_ =	shalt  }

// kernel: kernel.14.cloned.1.call-start
scs
__scs_entry_jumppad:
0x0: {  	(pc) =	sbr.rel $0x88, $3  }
0x1: {  	(tag) =	ssettag $0x0;
	lr =	simm.s32 $0x1  }
0x2: {  	[smem:$0x3F9B] =	sst lr;
	_ =	strace $0xD0000000  }
0x3: {  	_ = 	snop  }
0x4: {  	_ = 	snop  }
0x5: {  	_ = 	snop  }
0x6: {  	_ = 	snop  }
0x7: {  	_ = 	snop  }
__scs_overlays_trampoline_lowered:
0x8: {  	[smem:$0x3FAA] =	sst s0  }
0x9: {  	[smem:$0x3FAB] =	sst s1  }
0xa: {  	[smem:$0x3FAC] =	sst s2  }
0xb: {  	[smem:$0x3FAD] =	sst s3  }
0xc: {  	[smem:$0x3FAE] =	sst s4  }
0xd: {  	[smem:$0x3FAF] =	sst s5  }
0xe: {  	[smem:$0x3FB0] =	sst s6  }
0xf: {  	[smem:$0x3FB1] =	sst s7  }
0x10: {  	[smem:$0x3FB2] =	sst s8  }
0x11: {  	[smem:$0x3FB3] =	sst s9;
	s0 =	simm.s32 @!p0 $0x0  }
0x12: {  	s1 =	sld [smem:$0x3F99];
	s0 =	simm.s32 @p0 $0x1  }
0x13: {  	[smem:$0x3FB4] =	sst s0;
	s0 =	simm.s32 @!p1 $0x0  }
0x14: {  	s2 =	sld [smem:$0x3F98];
	s0 =	simm.s32 @p1 $0x1  }
0x15: {  	[smem:$0x3FB5] =	sst s0;
	s0 =	simm.s32 @!p2 $0x0  }
0x16: {  	s3 =	sld [smem:$0x3FDB];
	s0 =	simm.s32 @p2 $0x1  }
0x17: {  	s4 =	simm.s32 $0x1BF5;
	[smem:$0x3FB7] =	sst s0  }
0x18: {  	s0 =	sld [smem:$0x3F9A];
	_ =	swait.ge [sflag:s4], $0x0  }
0x19: {  	s7 =	sld [smem:$0x3F9B]  }
0x1a: {  	s8 =	sadd.s32 $0xFFFFE003, lr  }
0x1b: {  	s9 =	sadd.s32 $0xFFFFFEF7, lr;
	s5 =	simm.s32 $0xFFFFFFFF;
	p2 =	slt.u32 s8, $0xFFFFF086  }
0x1c: {  	p1 =	slt.u32 s9, $0xF7A;
	s5 =	simm.s32 @!p2 $0x0  }
0x1d: {  	s5 =	simm.s32 @p1 $0x1;
	p0 =	seq.s32 s7, s2  }
0x1e: {  	s7 =	smul.u32 @!p0 $0xF7A, s2;
	p2 =	seq.s32 @!p0 s5, $0x0  }
0x1f: {  	s9 =	smul.u32 $0xF7A, s1;
	s8 =	simm.s32 @!p0 $0x1BF5;
	p2 =	por !p2, p0  }
0x20: {  	[sflag:s8] =	ssyncset.s32 @!p0 $0xFFFFF086;
	s6 =	sadd.s32 @!p0 s3, s7;
	s7 =	simm.s32 @!p0 $0x108  }
0x21: {  	s3 =	sadd.s32 s3, s9;
	s6 =	sadd.s32 @!p0 $0x88, s6;
	s7 =	simm.s32 @p2 $0x1082  }
0x22: {  	[simem:s7], [sflag:s8] =	dma.local @!p0 [hbm:s6], $0xF7A  }
0x23: {  	s9 =	sor.u32 $0xD0000000, s2;
	s6 =	simm.s32 $0x108;
	_ =	swait.ge @!p0 [sflag:s8], $0x0  }
0x24: {  	s3 =	sadd.s32 $0x88, s3;
	s6 =	simm.s32 @!p1 $0x1082;
	[sflag:s4] =	ssyncset.s32 $0xFFFFF086  }
0x25: {  	[simem:s6], [sflag:s4] =	dma.local [hbm:s3], $0xF7A  }
0x26: {  	[smem:$0x3F9B] =	sst s1;
	(tag) =	ssettag s2;
	_ =	strace s9  }
0x27: {  	s1 =	sld [smem:$0x3FAB]  }
0x28: {  	s2 =	sld [smem:$0x3FAC]  }
0x29: {  	s4 =	sld [smem:$0x3FAE]  }
0x2a: {  	p0 =	seq.s32 s5, $0x0;
	s5 =	sld [smem:$0x3FAF]  }
0x2b: {  	s6 =	sld [smem:$0x3FB0]  }
0x2c: {  	s7 =	sld [smem:$0x3FB1]  }
0x2d: {  	s3 =	simm.s32 $0x108;
	s8 =	sld [smem:$0x3FB2]  }
0x2e: {  	s3 =	simm.s32 @!p0 $0x1082;
	s9 =	sld [smem:$0x3FB3]  }
0x2f: {  	lr =	sadd.s32 s0, s3;
	s0 =	sld [smem:$0x3FAA]  }
0x30: {  	s3 =	sld [smem:$0x3FAD]  }
0x31: {  	[smem:$0x3FB6] =	sst s10  }
0x32: {  	s10 =	sld [smem:$0x3FB4];
	_ =	sdelay $0x3  }
0x33: {  	p0 =	seq.s32 s10, $0x1;
	s10 =	sld [smem:$0x3FB6];
	_ =	sdelay $0x3  }
0x34: {  	[smem:$0x3FB6] =	sst s10  }
0x35: {  	s10 =	sld [smem:$0x3FB5];
	_ =	sdelay $0x3  }
0x36: {  	p1 =	seq.s32 s10, $0x1;
	s10 =	sld [smem:$0x3FB6];
	_ =	sdelay $0x3  }
0x37: {  	[smem:$0x3FB6] =	sst s10  }
0x38: {  	s10 =	sld [smem:$0x3FB7]  }
0x39: {  	_ = 	snop;
	(pc) =	sbr.ind lr, $3  }
0x3a: {  	_ = 	snop  }
0x3b: {  	_ = 	snop  }
0x3c: {  	p2 =	seq.s32 s10, $0x1;
	s10 =	sld [smem:$0x3FB6]  }
0x3d: {  	_ =	shalt  }
0x3e: {  	_ =	shalt  }
0x3f: {  	_ =	shalt  }
0x40: {  	_ =	shalt  }
0x41: {  	_ =	shalt  }
0x42: {  	_ =	shalt  }
0x43: {  	_ =	shalt  }
0x44: {  	_ =	shalt  }
0x45: {  	_ =	shalt  }
0x46: {  	_ =	shalt  }
0x47: {  	_ =	shalt  }
0x48: {  	_ =	shalt  }
0x49: {  	_ =	shalt  }
0x4a: {  	_ =	shalt  }
0x4b: {  	_ =	shalt  }
0x4c: {  	_ =	shalt  }
0x4d: {  	_ =	shalt  }
0x4e: {  	_ =	shalt  }
0x4f: {  	_ =	shalt  }
0x50: {  	_ =	shalt  }
0x51: {  	_ =	shalt  }
0x52: {  	_ =	shalt  }
0x53: {  	_ =	shalt  }
0x54: {  	_ =	shalt  }
0x55: {  	_ =	shalt  }
0x56: {  	_ =	shalt  }
0x57: {  	_ =	shalt  }
0x58: {  	_ =	shalt  }
0x59: {  	_ =	shalt  }
0x5a: {  	_ =	shalt  }
0x5b: {  	_ =	shalt  }
0x5c: {  	_ =	shalt  }
0x5d: {  	_ =	shalt  }
0x5e: {  	_ =	shalt  }
0x5f: {  	_ =	shalt  }
0x60: {  	_ =	shalt  }
0x61: {  	_ =	shalt  }
0x62: {  	_ =	shalt  }
0x63: {  	_ =	shalt  }
0x64: {  	_ =	shalt  }
0x65: {  	_ =	shalt  }
0x66: {  	_ =	shalt  }
0x67: {  	_ =	shalt  }
0x68: {  	_ =	shalt  }
0x69: {  	_ =	shalt  }
0x6a: {  	_ =	shalt  }
0x6b: {  	_ =	shalt  }
0x6c: {  	_ =	shalt  }
0x6d: {  	_ =	shalt  }
0x6e: {  	_ =	shalt  }
0x6f: {  	_ =	shalt  }
0x70: {  	_ =	shalt  }
0x71: {  	_ =	shalt  }
0x72: {  	_ =	shalt  }
0x73: {  	_ =	shalt  }
0x74: {  	_ =	shalt  }
0x75: {  	_ =	shalt  }
0x76: {  	_ =	shalt  }
0x77: {  	_ =	shalt  }
0x78: {  	_ =	shalt  }
0x79: {  	_ =	shalt  }
0x7a: {  	_ =	shalt  }
0x7b: {  	_ =	shalt  }
0x7c: {  	_ =	shalt  }
0x7d: {  	_ =	shalt  }
0x7e: {  	_ =	shalt  }
0x7f: {  	_ =	shalt  }
0x80: {  	_ =	shalt  }
0x81: {  	_ =	shalt  }
0x82: {  	_ =	shalt  }
0x83: {  	_ =	shalt  }
0x84: {  	_ =	shalt  }
0x85: {  	_ =	shalt  }
0x86: {  	_ =	shalt  }
0x87: {  	_ =	shalt  }
.Lfunc_end0:
.L_simem_size_0:
called_computation.2_lowered:
.L_overlay_start_0:
0x88: {  	s2 =	sld [smem:$0x3FD9]  }
0x89: {  	s3 =	sld [smem:$0x3FFE];
	_ =	sdelay $0x1  }
0x8a: {  	s1 =	srdreg.scid  }
0x8b: {  	s0 =	sand.u32 $0x1, s1  }
0x8c: {  	s17 =	sshll.u32 s0, $0xA;
	s2 =	sadd.s32 s3, s2  }
0x8d: {  	s2 =	sadd.s32 s2, s17  }
0x8e: {  	[smem:$0x3FC2] =	sst s2  }
0x8f: {  	_ = 	snop  }
0x90: {  	s2 =	sld [smem:$0x3FD0];
	(tm) =	ssettm $0x1  }
0x91: {  	s18 =	sld [smem:$0x3FFB];
	_ =	sdelay $0x3  }
0x92: {  	_ =	strace s18  }
0x93: {  	s3 =	sld [smem:$0x3FFC];
	_ =	sdelay $0x3  }
0x94: {  	_ =	strace s3  }
0x95: {  	s3 =	sld [smem:$0x3FFD];
	_ =	sdelay $0x3  }
0x96: {  	_ =	strace s3  }
0x97: {  	_ =	strace $0x8FFFFFFF  }
0x98: {  	s19 =	sld [smem:$0x3FDB];
	_ =	sdelay $0x1  }
0x99: {  	s4 =	simm.s32 $_scs_section_size  }
0x9a: {  	s5 =	simm.s32 $_size__tile_overlayer_lowered;
	s6 =	simm.s32 $_tile_overlayer_lowered  }
0x9b: {  	s22 =	simm.s32 $0x1BFF;
	s21 =	sshll.u32 s6, $0x1;
	s3 =	sadd.s32 s4, s19  }
0x9c: {  	s7 =	simm.s32 $0x0;
	s20 =	sshll.u32 s5, $0x1;
	s5 =	sadd.s32 s21, s3  }
0x9d: {  	[timem:s7], [sflag:s22] =	dma.local [hbm:s5], s20  }
0x9e: {  	_ =	swait.ge [sflag:s22], s20  }
0x9f: {  	s4 =	ssub.s32 $0x0, s20;
	[sflag:s22] =	ssyncset.done $0x0  }
0xa0: {  	[sflag:s22] =	ssyncadd.s32 s4;
	_ =	sdelay $0x1  }
0xa1: {  	s23 =	simm.s32 $0x1B8B  }
0xa2: {  	_ =	swait.ge [sflag:s23], $0x1  }
0xa3: {  	[sflag:s23] =	ssyncset.done $0x0  }
0xa4: {  	s25 =	simm.s32 $0x1B8E;
	s24 =	sld [smem:$0x3FFE];
	[sflag:s23] =	ssyncadd.s32 $0xFFFFFFFF  }
0xa5: {  	s26 =	simm.s32 $execute0_lowered;
	[smem:$0x3FD2] =	sst s25  }
0xa6: {  	s5 =	sshll.u32 s26, $0x1;
	_ =	strace $0x8000004C;
	[dreg:$0x1] =	wrdreg $0xFFFFFFFF  }
0xa7: {  	s28 =	simm.s32 $_size_execute0_lowered;
	s3 =	sadd.s32 s3, s5;
	[dreg:$0x0] =	wrdreg $0x0  }
0xa8: {  	s5 =	sshll.u32 s28, $0x1;
	[dreg:$0x2] =	wrdreg s3  }
0xa9: {  	[dreg:$0x3] =	wrdreg s5  }
0xaa: {  	[dreg:$0x4] =	wrdreg $0xC0  }
0xab: {  	_ =	task [dreg:s7], $0x5FFFF  }
0xac: {  	[dreg:$0x1] =	wrdreg $0xFFFFFFFF  }
0xad: {  	[dreg:$0x0] =	wrdreg $0x60  }
0xae: {  	[dreg:$0x2] =	wrdreg s2  }
0xaf: {  	[dreg:$0x3] =	wrdreg s24  }
0xb0: {  	[dreg:$0x4] =	wrdreg $0x0  }
0xb1: {  	[dreg:$0x5] =	wrdreg $0x9  }
0xb2: {  	_ =	task.clear_ibuf [dreg:s7], $0x6FFFF;
	_ =	strace $0x9000004C  }
0xb3: {  	s29 =	simm.s32 $0x9;
	_ =	strace $0x8000004E  }
0xb4: {  	_ =	swait.ge [sflag:s29], $0x1  }
0xb5: {  	[sflag:s29] =	ssyncadd.s32 $0xFFFFFFFF  }
0xb6: {  	_ =	strace $0x9000004E  }
0xb7: {  	_ =	sfence  }
0xb8: {  	s30 =	sld [smem:$0x0];
	_ =	sdelay $0x2  }
0xb9: {  	s31 =	sshll.u32 s1, $0xD;
	s1 =	sshrl.u32 s1, $0x2  }
0xba: {  	s3 =	sand.u32 $0x4000, s31;
	s1 =	sadd.s32 s1, s30  }
0xbb: {  	s0 =	sor.u32 s3, s0;
	s1 =	sshll.u32 s1, $0x11  }
0xbc: {  	s0 =	sor.u32 s1, s0  }
0xbd: {  	s0 =	sadd.s32 $0x8F2B, s0  }
0xbe: {  	[sflag:s0] =	ssyncadd.remote.s32 $0x1  }
0xbf: {  	_ =	sfence.sel $0xFFFF  }
0xc0: {  	[dreg:$0x0] =	wrdreg $0xFFFFFFFF;
	(pc) =	sbr.abs _section_cstart, $3  }
0xc1: {  	[dreg:$0x1] =	wrdreg $0xFFFFFFFF  }
0xc2: {  	_ =	task.clear_ibuf [dreg:s7], $0x2FFFF;
	_ =	strace $0x9FFFFFFF  }
0xc3: {  	(tm) =	ssettm $0x7FFFFFFF  }
tec
execute0_lowered:
.L_overlay_start_1:
0x0: {  	(tag) =	ssettag $0x1  }
0x1: {  	s1 =	rddreg [dreg:$0x0]  }
0x2: {  	s0 =	rddreg [dreg:$0x1]  }
0x3: {  	s2 =	rddreg [dreg:$0x2]  }
0x4: {  	s4 =	simm.s32 $0x0;
	s3 =	stileid.u32;
	s6 =	srdreg.scid  }
0x5: {  	s28 =	simm.s32 $0x17900;
	s29 =	simm.s32 $0x1;
	s30 =	simm.s32 $0x2  }
0x6: {  	s31 =	simm.s32 $0x1E000;
	[smem:$0x7FF] =	sst s4;
	s7 =	smul.u32 $0x2780, s3  }
0x7: {  	s5 =	sadd.s32 $0x5CE00, s0;
	s6 =	sand.u32 $0x1, s6;
	s10 =	smul.u32 $0x4F000, s3  }
0x8: {  	s9 =	sadd.s32 $0x9200, s0;
	s13 =	sadd.s32 $0x4200, s0;
	s21 =	smul.u32 $0x2800, s3  }
0x9: {  	s23 =	sadd.s32 $0x25080, s1;
	s25 =	sadd.s32 $0xA9080, s0;
	s26 =	sadd.s32 $0x81E80, s0  }
0xa: {  	s19 =	sadd.s32 $0xD0280, s0;
	_ =	strace $0x8000004D;
	[dreg:$0x5] =	wrdreg s23  }
0xb: {  	p1 =	seq.s32 s3, $0xF;
	s8 =	ssub.s32 $0x2, s6;
	[dreg:$0x7] =	wrdreg s25  }
0xc: {  	p0 =	seq.s32 s6, $0x1;
	[dreg:$0x9] =	wrdreg s26;
	s23 =	simm.s32 $0x1CD00  }
0xd: {  	s25 =	simm.s32 $0x13900;
	s26 =	simm.s32 $0x1B980;
	s14 =	sadd.s32 s7, s0  }
0xe: {  	s11 =	sshrl.u32 s8, $0x1;
	s20 =	sshrl.u32 s10, $0x2;
	s22 =	sadd.s32 s1, s7  }
0xf: {  	s12 =	sshrl.u32 s21, $0x3;
	s7 =	sadd.s32 s5, s7;
	s21 =	simm.s32 $0x1B900  }
0x10: {  	s0 =	simm.s32 $0x1E080;
	s15 =	ssub.s32 s8, s11;
	s6 =	sadd.s32 s20, s2  }
.Ltmp0:
0x11: {  	[dreg:$0x4] =	wrdreg s22;
	s8 =	sadd.s32 $0x128400, s2;
	(pc) =	sbr.rel .LBB2_1-.Ltmp0, $4  }
0x12: {  	s10 =	sadd.s32 s9, s12;
	s11 =	sadd.s32 s13, s12;
	s16 =	sadd.s32 $0x280, s12  }
0x13: {  	s24 =	sadd.s32 $0x84000, s14;
	[dreg:$0x8] =	wrdreg s7;
	s18 =	sadd.s32 $0xAB200, s14  }
0x14: {  	s22 =	simm.s32 $0x3;
	s12 =	sadd.s32 s9, s16;
	s13 =	sadd.s32 s13, s16  }
0x15: {  	[dreg:$0x6] =	wrdreg s24;
	s20 =	smax.u32 s15, $0x1;
	s24 =	simm.s32 $0x80  }
.LBB2_11:
0x16: {  	[tilespmem:s28], [sflag:$0x2] =	stream.indirect.gather [hbm4b:s5+s24], $0x80, s16, s24, $0xb8;
	[tilespmem:$0x1E100] =	vst v63  }
0x17: {  	_ =	swait.ge [sflag:s29], $0x4000  }
0x18: {  	[sflag:s29] =	ssyncset.done $0x0  }
0x19: {  	[sflag:s29] =	ssyncadd.s32 $0xFFFFC000  }
0x1a: {  	[spmem:s2] =	stream.indirect.scatter.add.f32 [tilespmem:s25], [sflag:$0x3], $0x80, s31, s24, $0xb8;
	[tilespmem:$0x1E100] =	vst v63  }
0x1b: {  	_ =	swait.ge [sflag:s22], $0x4000  }
0x1c: {  	[sflag:s22] =	ssyncset.done $0x0  }
0x1d: {  	[sflag:s22] =	ssyncadd.s32 $0xFFFFC000  }
0x1e: {  	_ =	swait.ge [sflag:s30], $0x4000  }
0x1f: {  	[sflag:s30] =	ssyncset.done $0x0  }
0x20: {  	[sflag:s30] =	ssyncadd.s32 $0xFFFFC000  }
0x21: {  	[spmem:s2] =	stream.indirect.scatter.add.f32 [tilespmem:s28], [sflag:$0x3], $0x80, s0, s24, $0xb8;
	[tilespmem:$0x1E100] =	vst v63  }
0x22: {  	_ =	swait.ge [sflag:s22], $0x4000  }
0x23: {  	[sflag:s22] =	ssyncset.done $0x0  }
0x24: {  	[sflag:s22] =	ssyncadd.s32 $0xFFFFC000  }
0x25: {  	s15 =	simm.s32 @p1 $0x1FC3;
	[bflag:$0x0] =	sbarrier.arrive $0xFFFF  }
0x26: {  	[hbm:s19], [sflag:s15] =	dma.local @p1 [spmem:s14], $0x2080  }
0x27: {  	s14 =	simm.s32 @p1 $0x3  }
0x28: {  	_ =	swait.ge @p1 [sflag:s14], $0x2080  }
0x29: {  	[sflag:s14] =	ssyncset.done @p1 $0x0  }
0x2a: {  	[sflag:s14] =	ssyncadd.s32 @p1 $0xFFFFDF80  }
0x2b: {  	[hbm:s18], [sflag:s9] =	dma.local @!p1 [spmem:s7], $0x2780  }
0x2c: {  	s7 =	simm.s32 @!p1 $0x3  }
0x2d: {  	_ =	swait.ge @!p1 [sflag:s7], $0x2780  }
0x2e: {  	[sflag:s7] =	ssyncset.done @!p1 $0x0  }
0x2f: {  	[sflag:s7] =	ssyncadd.s32 @!p1 $0xFFFFD880  }
.LBB2_12:
0x30: {  	s4 =	sadd.s32 $0x1, s4  }
0x31: {  	p2 =	sne.s32 s4, s20  }
.Ltmp1:
0x32: {  	_ = 	snop;
	(pc) =	sbr.rel @!p2 .LBB2_13-.Ltmp1, $1  }
0x33: {  	_ =	sdelay $0x3  }
.LBB2_1:
.Ltmp2:
0x34: {  	(pc) =	sbr.rel @!p0 .LBB2_2-.Ltmp2, $3  }
0x35: {  	_ =	sdelay $0x1  }
0x36: {  	s9 =	sshll.u32 @!p1 s3, $0x6  }
0x37: {  	s14 =	sshrl.u32 @p1 s8, $0x3;
	s7 =	sshrl.u32 @!p1 s6, $0x3;
	s9 =	sor.u32 @!p1 $0x1C03, s9  }
0x38: {  	s15 =	simm.s32 @p1 $0x1FC3;
	s16 =	rddreg [dreg:$0x9]  }
0x39: {  	[spmem:s14], [sflag:s15] =	dma.local @p1 [hbm:s16], $0x2080  }
0x3a: {  	s15 =	simm.s32 @p1 $0x3  }
0x3b: {  	_ =	swait.ge @p1 [sflag:s15], $0x2080  }
0x3c: {  	[sflag:s15] =	ssyncset.done @p1 $0x0  }
0x3d: {  	[sflag:s15] =	ssyncadd.s32 @p1 $0xFFFFDF80;
	s15 =	rddreg [dreg:$0x8]  }
0x3e: {  	[spmem:s7], [sflag:s9] =	dma.local @!p1 [hbm:s15], $0x2780  }
0x3f: {  	s15 =	simm.s32 @!p1 $0x3  }
0x40: {  	_ =	swait.ge @!p1 [sflag:s15], $0x2780  }
0x41: {  	[sflag:s15] =	ssyncset.done @!p1 $0x0  }
0x42: {  	[sflag:s15] =	ssyncadd.s32 @!p1 $0xFFFFD880  }
0x43: {  	s16 =	simm.s32 $0x0;
	[bflag:$0x0] =	sbarrier.arrive $0xFFFF  }
0x44: {  	[tilespmem:s21], [sflag:$0x3] =	stream.linear.gather [hbm4b:s10+s16], $0x1400, $0x38;
	[tilespmem:$0x1E100] =	vst v63  }
0x45: {  	_ =	swait.ge [sflag:s22], $0x1400  }
0x46: {  	[sflag:s22] =	ssyncset.done $0x0  }
0x47: {  	[sflag:s22] =	ssyncadd.s32 $0xFFFFEC00  }
0x48: {  	[tilespmem:s23], [sflag:$0x3] =	stream.linear.gather [hbm4b:s11+s16], $0x1400, $0x38;
	[tilespmem:$0x1E100] =	vst v63  }
0x49: {  	_ =	swait.ge [sflag:s22], $0x1400  }
0x4a: {  	[sflag:s22] =	ssyncset.done $0x0  }
0x4b: {  	[sflag:s22] =	ssyncadd.s32 $0xFFFFEC00  }
0x4c: {  	[tilespmem:s25], [sflag:$0x1] =	stream.indirect.gather [hbm4b:s5+s24], $0x80, s21, s24, $0xb8;
	[tilespmem:$0x1E100] =	vst v63  }
0x4d: {  	_ = 	snop  }
0x4e: {  	[tilespmem:s28], [sflag:$0x2] =	stream.indirect.gather [hbm4b:s5+s24], $0x80, s26, s24, $0xb8;
	[tilespmem:$0x1E100] =	vst v63  }
0x4f: {  	_ =	swait.ge [sflag:s29], $0x4000  }
0x50: {  	[sflag:s29] =	ssyncset.done $0x0  }
0x51: {  	s17 =	simm.s32 $0x1CD00;
	[sflag:s29] =	ssyncadd.s32 $0xFFFFC000  }
0x52: {  	[spmem:s2] =	stream.indirect.scatter.add.f32 [tilespmem:s25], [sflag:$0x3], $0x80, s17, s24, $0xb8;
	[tilespmem:$0x1E100] =	vst v63  }
0x53: {  	_ =	swait.ge [sflag:s22], $0x4000  }
0x54: {  	[sflag:s22] =	ssyncset.done $0x0  }
0x55: {  	s16 =	simm.s32 $0x1BA00;
	[sflag:s22] =	ssyncadd.s32 $0xFFFFC000  }
0x56: {  	[tilespmem:s25], [sflag:$0x1] =	stream.indirect.gather [hbm4b:s5+s24], $0x80, s16, s24, $0xb8;
	[tilespmem:$0x1E100] =	vst v63  }
0x57: {  	_ =	swait.ge [sflag:s30], $0x4000  }
0x58: {  	[sflag:s30] =	ssyncset.done $0x0  }
0x59: {  	s17 =	simm.s32 $0x1CD80;
	[sflag:s30] =	ssyncadd.s32 $0xFFFFC000  }
0x5a: {  	[spmem:s2] =	stream.indirect.scatter.add.f32 [tilespmem:s28], [sflag:$0x3], $0x80, s17, s24, $0xb8;
	[tilespmem:$0x1E100] =	vst v63  }
0x5b: {  	_ =	swait.ge [sflag:s22], $0x4000  }
0x5c: {  	[sflag:s22] =	ssyncset.done $0x0  }
0x5d: {  	s15 =	simm.s32 $0x400;
	s16 =	simm.s32 $0x1BA80;
	[sflag:s22] =	ssyncadd.s32 $0xFFFFC000  }
.LBB2_8:
0x5e: {  	[tilespmem:s28], [sflag:$0x2] =	stream.indirect.gather [hbm4b:s5+s24], $0x80, s16, s24, $0xb8;
	[tilespmem:$0x1E100] =	vst v63  }
0x5f: {  	s16 =	smov.u32 s15  }
0x60: {  	p2 =	sne.s32 s15, $0x4800;
	s15 =	sadd.s32 $0x400, s15;
	_ =	swait.ge [sflag:s29], $0x4000  }
0x61: {  	s16 =	sshra.s32 s16, $0x2;
	[sflag:s29] =	ssyncset.done $0x0  }
0x62: {  	s17 =	sadd.s32 $0x1CD00, s16;
	[sflag:s29] =	ssyncadd.s32 $0xFFFFC000  }
0x63: {  	[spmem:s2] =	stream.indirect.scatter.add.f32 [tilespmem:s25], [sflag:$0x3], $0x80, s17, s24, $0xb8;
	[tilespmem:$0x1E100] =	vst v63  }
0x64: {  	_ =	swait.ge [sflag:s22], $0x4000  }
0x65: {  	[sflag:s22] =	ssyncset.done $0x0  }
0x66: {  	s17 =	sadd.s32 $0x1BA00, s16;
	[sflag:s22] =	ssyncadd.s32 $0xFFFFC000  }
0x67: {  	[tilespmem:s25], [sflag:$0x1] =	stream.indirect.gather [hbm4b:s5+s24], $0x80, s17, s24, $0xb8;
	[tilespmem:$0x1E100] =	vst v63  }
0x68: {  	_ =	swait.ge [sflag:s30], $0x4000  }
0x69: {  	[sflag:s30] =	ssyncset.done $0x0  }
.Ltmp3:
0x6a: {  	s17 =	sadd.s32 $0x1CD80, s16;
	[sflag:s30] =	ssyncadd.s32 $0xFFFFC000;
	(pc) =	sbr.rel @p2 .LBB2_8-.Ltmp3, $4  }
0x6b: {  	[spmem:s2] =	stream.indirect.scatter.add.f32 [tilespmem:s28], [sflag:$0x3], $0x80, s17, s24, $0xb8;
	[tilespmem:$0x1E100] =	vst v63  }
0x6c: {  	_ =	swait.ge [sflag:s22], $0x4000  }
0x6d: {  	[sflag:s22] =	ssyncset.done $0x0  }
0x6e: {  	s16 =	sadd.s32 $0x1BA80, s16;
	[sflag:s22] =	ssyncadd.s32 $0xFFFFC000  }
0x6f: {  	[tilespmem:s28], [sflag:$0x2] =	stream.indirect.gather [hbm4b:s5+s24], $0x80, s16, s24, $0xb8;
	[tilespmem:$0x1E100] =	vst v63  }
0x70: {  	_ =	swait.ge [sflag:s29], $0x4000  }
0x71: {  	[sflag:s29] =	ssyncset.done $0x0  }
0x72: {  	[sflag:s29] =	ssyncadd.s32 $0xFFFFC000  }
0x73: {  	[spmem:s2] =	stream.indirect.scatter.add.f32 [tilespmem:s25], [sflag:$0x3], $0x80, s31, s24, $0xb8;
	[tilespmem:$0x1E100] =	vst v63  }
0x74: {  	_ =	swait.ge [sflag:s22], $0x4000  }
0x75: {  	[sflag:s22] =	ssyncset.done $0x0  }
0x76: {  	[sflag:s22] =	ssyncadd.s32 $0xFFFFC000  }
0x77: {  	_ =	swait.ge [sflag:s30], $0x4000  }
0x78: {  	[sflag:s30] =	ssyncset.done $0x0  }
0x79: {  	[sflag:s30] =	ssyncadd.s32 $0xFFFFC000  }
0x7a: {  	[spmem:s2] =	stream.indirect.scatter.add.f32 [tilespmem:s28], [sflag:$0x3], $0x80, s0, s24, $0xb8;
	[tilespmem:$0x1E100] =	vst v63  }
0x7b: {  	_ =	swait.ge [sflag:s22], $0x4000  }
0x7c: {  	[sflag:s22] =	ssyncset.done $0x0  }
0x7d: {  	s15 =	simm.s32 $0x0;
	[sflag:s22] =	ssyncadd.s32 $0xFFFFC000  }
0x7e: {  	[tilespmem:s21], [sflag:$0x3] =	stream.linear.gather [hbm4b:s12+s15], $0x1400, $0x38;
	[tilespmem:$0x1E100] =	vst v63  }
0x7f: {  	_ =	swait.ge [sflag:s22], $0x1400  }
0x80: {  	[sflag:s22] =	ssyncset.done $0x0  }
0x81: {  	[sflag:s22] =	ssyncadd.s32 $0xFFFFEC00  }
0x82: {  	[tilespmem:s23], [sflag:$0x3] =	stream.linear.gather [hbm4b:s13+s15], $0x1400, $0x38;
	[tilespmem:$0x1E100] =	vst v63  }
0x83: {  	_ =	swait.ge [sflag:s22], $0x1400  }
0x84: {  	[sflag:s22] =	ssyncset.done $0x0  }
0x85: {  	[sflag:s22] =	ssyncadd.s32 $0xFFFFEC00  }
0x86: {  	[tilespmem:s25], [sflag:$0x1] =	stream.indirect.gather [hbm4b:s5+s24], $0x80, s21, s24, $0xb8;
	[tilespmem:$0x1E100] =	vst v63  }
0x87: {  	_ = 	snop  }
0x88: {  	[tilespmem:s28], [sflag:$0x2] =	stream.indirect.gather [hbm4b:s5+s24], $0x80, s26, s24, $0xb8;
	[tilespmem:$0x1E100] =	vst v63  }
0x89: {  	_ =	swait.ge [sflag:s29], $0x4000  }
0x8a: {  	[sflag:s29] =	ssyncset.done $0x0  }
0x8b: {  	s17 =	simm.s32 $0x1CD00;
	[sflag:s29] =	ssyncadd.s32 $0xFFFFC000  }
0x8c: {  	[spmem:s2] =	stream.indirect.scatter.add.f32 [tilespmem:s25], [sflag:$0x3], $0x80, s17, s24, $0xb8;
	[tilespmem:$0x1E100] =	vst v63  }
0x8d: {  	_ =	swait.ge [sflag:s22], $0x4000  }
0x8e: {  	[sflag:s22] =	ssyncset.done $0x0  }
0x8f: {  	s16 =	simm.s32 $0x1BA00;
	[sflag:s22] =	ssyncadd.s32 $0xFFFFC000  }
0x90: {  	[tilespmem:s25], [sflag:$0x1] =	stream.indirect.gather [hbm4b:s5+s24], $0x80, s16, s24, $0xb8;
	[tilespmem:$0x1E100] =	vst v63  }
0x91: {  	_ =	swait.ge [sflag:s30], $0x4000  }
0x92: {  	[sflag:s30] =	ssyncset.done $0x0  }
0x93: {  	s17 =	simm.s32 $0x1CD80;
	[sflag:s30] =	ssyncadd.s32 $0xFFFFC000  }
0x94: {  	[spmem:s2] =	stream.indirect.scatter.add.f32 [tilespmem:s28], [sflag:$0x3], $0x80, s17, s24, $0xb8;
	[tilespmem:$0x1E100] =	vst v63  }
0x95: {  	_ =	swait.ge [sflag:s22], $0x4000  }
0x96: {  	[sflag:s22] =	ssyncset.done $0x0  }
0x97: {  	s15 =	simm.s32 $0x400;
	s16 =	simm.s32 $0x1BA80;
	[sflag:s22] =	ssyncadd.s32 $0xFFFFC000  }
.LBB2_10:
0x98: {  	[tilespmem:s28], [sflag:$0x2] =	stream.indirect.gather [hbm4b:s5+s24], $0x80, s16, s24, $0xb8;
	[tilespmem:$0x1E100] =	vst v63  }
0x99: {  	s16 =	smov.u32 s15  }
0x9a: {  	p2 =	sne.s32 s15, $0x4800;
	s15 =	sadd.s32 $0x400, s15;
	_ =	swait.ge [sflag:s29], $0x4000  }
0x9b: {  	s16 =	sshra.s32 s16, $0x2;
	[sflag:s29] =	ssyncset.done $0x0  }
0x9c: {  	s17 =	sadd.s32 $0x1CD00, s16;
	[sflag:s29] =	ssyncadd.s32 $0xFFFFC000  }
0x9d: {  	[spmem:s2] =	stream.indirect.scatter.add.f32 [tilespmem:s25], [sflag:$0x3], $0x80, s17, s24, $0xb8;
	[tilespmem:$0x1E100] =	vst v63  }
0x9e: {  	_ =	swait.ge [sflag:s22], $0x4000  }
0x9f: {  	[sflag:s22] =	ssyncset.done $0x0  }
0xa0: {  	s17 =	sadd.s32 $0x1BA00, s16;
	[sflag:s22] =	ssyncadd.s32 $0xFFFFC000  }
0xa1: {  	[tilespmem:s25], [sflag:$0x1] =	stream.indirect.gather [hbm4b:s5+s24], $0x80, s17, s24, $0xb8;
	[tilespmem:$0x1E100] =	vst v63  }
0xa2: {  	_ =	swait.ge [sflag:s30], $0x4000  }
0xa3: {  	[sflag:s30] =	ssyncset.done $0x0  }
.Ltmp4:
0xa4: {  	s17 =	sadd.s32 $0x1CD80, s16;
	[sflag:s30] =	ssyncadd.s32 $0xFFFFC000;
	(pc) =	sbr.rel @p2 .LBB2_10-.Ltmp4, $4  }
0xa5: {  	[spmem:s2] =	stream.indirect.scatter.add.f32 [tilespmem:s28], [sflag:$0x3], $0x80, s17, s24, $0xb8;
	[tilespmem:$0x1E100] =	vst v63  }
0xa6: {  	_ =	swait.ge [sflag:s22], $0x4000  }
0xa7: {  	[sflag:s22] =	ssyncset.done $0x0  }
0xa8: {  	s16 =	sadd.s32 $0x1BA80, s16;
	[sflag:s22] =	ssyncadd.s32 $0xFFFFC000  }
.Ltmp5:
0xa9: {  	_ = 	snop;
	(pc) =	sbr.rel .LBB2_11-.Ltmp5, $1  }
0xaa: {  	_ =	sdelay $0x3  }
.LBB2_2:
0xab: {  	s15 =	simm.s32 @p1 $0x1FC3;
	s16 =	rddreg [dreg:$0x5]  }
0xac: {  	[spmem:s14], [sflag:s15] =	dma.local @p1 [hbm:s16], $0x2080  }
0xad: {  	s15 =	simm.s32 @p1 $0x3  }
0xae: {  	_ =	swait.ge @p1 [sflag:s15], $0x2080  }
0xaf: {  	[sflag:s15] =	ssyncset.done @p1 $0x0  }
0xb0: {  	[sflag:s15] =	ssyncadd.s32 @p1 $0xFFFFDF80;
	s15 =	rddreg [dreg:$0x4]  }
0xb1: {  	[spmem:s7], [sflag:s9] =	dma.local @!p1 [hbm:s15], $0x2780  }
0xb2: {  	s15 =	simm.s32 @!p1 $0x3  }
0xb3: {  	_ =	swait.ge @!p1 [sflag:s15], $0x2780  }
0xb4: {  	[sflag:s15] =	ssyncset.done @!p1 $0x0  }
0xb5: {  	[sflag:s15] =	ssyncadd.s32 @!p1 $0xFFFFD880  }
0xb6: {  	s16 =	simm.s32 $0x0;
	[bflag:$0x0] =	sbarrier.arrive $0xFFFF  }
0xb7: {  	[tilespmem:s21], [sflag:$0x3] =	stream.linear.gather [hbm4b:s10+s16], $0x1400, $0x38;
	[tilespmem:$0x1E100] =	vst v63  }
0xb8: {  	_ =	swait.ge [sflag:s22], $0x1400  }
0xb9: {  	[sflag:s22] =	ssyncset.done $0x0  }
0xba: {  	[sflag:s22] =	ssyncadd.s32 $0xFFFFEC00  }
0xbb: {  	[tilespmem:s23], [sflag:$0x3] =	stream.linear.gather [hbm4b:s11+s16], $0x1400, $0x38;
	[tilespmem:$0x1E100] =	vst v63  }
0xbc: {  	_ =	swait.ge [sflag:s22], $0x1400  }
0xbd: {  	[sflag:s22] =	ssyncset.done $0x0  }
0xbe: {  	[sflag:s22] =	ssyncadd.s32 $0xFFFFEC00  }
0xbf: {  	[tilespmem:s25], [sflag:$0x1] =	stream.indirect.gather [hbm4b:s1+s24], $0x80, s21, s24, $0xb8;
	[tilespmem:$0x1E100] =	vst v63  }
0xc0: {  	_ = 	snop  }
0xc1: {  	[tilespmem:s28], [sflag:$0x2] =	stream.indirect.gather [hbm4b:s1+s24], $0x80, s26, s24, $0xb8;
	[tilespmem:$0x1E100] =	vst v63  }
0xc2: {  	_ =	swait.ge [sflag:s29], $0x4000  }
0xc3: {  	[sflag:s29] =	ssyncset.done $0x0  }
0xc4: {  	s17 =	simm.s32 $0x1CD00;
	[sflag:s29] =	ssyncadd.s32 $0xFFFFC000  }
0xc5: {  	[spmem:s2] =	stream.indirect.scatter.add.f32 [tilespmem:s25], [sflag:$0x3], $0x80, s17, s24, $0xb8;
	[tilespmem:$0x1E100] =	vst v63  }
0xc6: {  	_ =	swait.ge [sflag:s22], $0x4000  }
0xc7: {  	[sflag:s22] =	ssyncset.done $0x0  }
0xc8: {  	s16 =	simm.s32 $0x1BA00;
	[sflag:s22] =	ssyncadd.s32 $0xFFFFC000  }
0xc9: {  	[tilespmem:s25], [sflag:$0x1] =	stream.indirect.gather [hbm4b:s1+s24], $0x80, s16, s24, $0xb8;
	[tilespmem:$0x1E100] =	vst v63  }
0xca: {  	_ =	swait.ge [sflag:s30], $0x4000  }
0xcb: {  	[sflag:s30] =	ssyncset.done $0x0  }
0xcc: {  	s17 =	simm.s32 $0x1CD80;
	[sflag:s30] =	ssyncadd.s32 $0xFFFFC000  }
0xcd: {  	[spmem:s2] =	stream.indirect.scatter.add.f32 [tilespmem:s28], [sflag:$0x3], $0x80, s17, s24, $0xb8;
	[tilespmem:$0x1E100] =	vst v63  }
0xce: {  	_ =	swait.ge [sflag:s22], $0x4000  }
0xcf: {  	[sflag:s22] =	ssyncset.done $0x0  }
0xd0: {  	s15 =	simm.s32 $0x400;
	s16 =	simm.s32 $0x1BA80;
	[sflag:s22] =	ssyncadd.s32 $0xFFFFC000  }
.LBB2_3:
0xd1: {  	[tilespmem:s28], [sflag:$0x2] =	stream.indirect.gather [hbm4b:s1+s24], $0x80, s16, s24, $0xb8;
	[tilespmem:$0x1E100] =	vst v63  }
0xd2: {  	s16 =	smov.u32 s15  }
0xd3: {  	p2 =	sne.s32 s15, $0x4800;
	s15 =	sadd.s32 $0x400, s15;
	_ =	swait.ge [sflag:s29], $0x4000  }
0xd4: {  	s16 =	sshra.s32 s16, $0x2;
	[sflag:s29] =	ssyncset.done $0x0  }
0xd5: {  	s17 =	sadd.s32 $0x1CD00, s16;
	[sflag:s29] =	ssyncadd.s32 $0xFFFFC000  }
0xd6: {  	[spmem:s2] =	stream.indirect.scatter.add.f32 [tilespmem:s25], [sflag:$0x3], $0x80, s17, s24, $0xb8;
	[tilespmem:$0x1E100] =	vst v63  }
0xd7: {  	_ =	swait.ge [sflag:s22], $0x4000  }
0xd8: {  	[sflag:s22] =	ssyncset.done $0x0  }
0xd9: {  	s17 =	sadd.s32 $0x1BA00, s16;
	[sflag:s22] =	ssyncadd.s32 $0xFFFFC000  }
0xda: {  	[tilespmem:s25], [sflag:$0x1] =	stream.indirect.gather [hbm4b:s1+s24], $0x80, s17, s24, $0xb8;
	[tilespmem:$0x1E100] =	vst v63  }
0xdb: {  	_ =	swait.ge [sflag:s30], $0x4000  }
0xdc: {  	[sflag:s30] =	ssyncset.done $0x0  }
.Ltmp6:
0xdd: {  	s17 =	sadd.s32 $0x1CD80, s16;
	[sflag:s30] =	ssyncadd.s32 $0xFFFFC000;
	(pc) =	sbr.rel @p2 .LBB2_3-.Ltmp6, $4  }
0xde: {  	[spmem:s2] =	stream.indirect.scatter.add.f32 [tilespmem:s28], [sflag:$0x3], $0x80, s17, s24, $0xb8;
	[tilespmem:$0x1E100] =	vst v63  }
0xdf: {  	_ =	swait.ge [sflag:s22], $0x4000  }
0xe0: {  	[sflag:s22] =	ssyncset.done $0x0  }
0xe1: {  	s16 =	sadd.s32 $0x1BA80, s16;
	[sflag:s22] =	ssyncadd.s32 $0xFFFFC000  }
0xe2: {  	[tilespmem:s28], [sflag:$0x2] =	stream.indirect.gather [hbm4b:s1+s24], $0x80, s16, s24, $0xb8;
	[tilespmem:$0x1E100] =	vst v63  }
0xe3: {  	_ =	swait.ge [sflag:s29], $0x4000  }
0xe4: {  	[sflag:s29] =	ssyncset.done $0x0  }
0xe5: {  	[sflag:s29] =	ssyncadd.s32 $0xFFFFC000  }
0xe6: {  	[spmem:s2] =	stream.indirect.scatter.add.f32 [tilespmem:s25], [sflag:$0x3], $0x80, s31, s24, $0xb8;
	[tilespmem:$0x1E100] =	vst v63  }
0xe7: {  	_ =	swait.ge [sflag:s22], $0x4000  }
0xe8: {  	[sflag:s22] =	ssyncset.done $0x0  }
0xe9: {  	[sflag:s22] =	ssyncadd.s32 $0xFFFFC000  }
0xea: {  	_ =	swait.ge [sflag:s30], $0x4000  }
0xeb: {  	[sflag:s30] =	ssyncset.done $0x0  }
0xec: {  	[sflag:s30] =	ssyncadd.s32 $0xFFFFC000  }
0xed: {  	[spmem:s2] =	stream.indirect.scatter.add.f32 [tilespmem:s28], [sflag:$0x3], $0x80, s0, s24, $0xb8;
	[tilespmem:$0x1E100] =	vst v63  }
0xee: {  	_ =	swait.ge [sflag:s22], $0x4000  }
0xef: {  	[sflag:s22] =	ssyncset.done $0x0  }
0xf0: {  	s15 =	simm.s32 $0x0;
	[sflag:s22] =	ssyncadd.s32 $0xFFFFC000  }
0xf1: {  	[tilespmem:s21], [sflag:$0x3] =	stream.linear.gather [hbm4b:s12+s15], $0x1400, $0x38;
	[tilespmem:$0x1E100] =	vst v63  }
0xf2: {  	_ =	swait.ge [sflag:s22], $0x1400  }
0xf3: {  	[sflag:s22] =	ssyncset.done $0x0  }
0xf4: {  	[sflag:s22] =	ssyncadd.s32 $0xFFFFEC00  }
0xf5: {  	[tilespmem:s23], [sflag:$0x3] =	stream.linear.gather [hbm4b:s13+s15], $0x1400, $0x38;
	[tilespmem:$0x1E100] =	vst v63  }
0xf6: {  	_ =	swait.ge [sflag:s22], $0x1400  }
0xf7: {  	[sflag:s22] =	ssyncset.done $0x0  }
0xf8: {  	[sflag:s22] =	ssyncadd.s32 $0xFFFFEC00  }
0xf9: {  	[tilespmem:s25], [sflag:$0x1] =	stream.indirect.gather [hbm4b:s1+s24], $0x80, s21, s24, $0xb8;
	[tilespmem:$0x1E100] =	vst v63  }
0xfa: {  	_ = 	snop  }
0xfb: {  	[tilespmem:s28], [sflag:$0x2] =	stream.indirect.gather [hbm4b:s1+s24], $0x80, s26, s24, $0xb8;
	[tilespmem:$0x1E100] =	vst v63  }
0xfc: {  	_ =	swait.ge [sflag:s29], $0x4000  }
0xfd: {  	[sflag:s29] =	ssyncset.done $0x0  }
0xfe: {  	s17 =	simm.s32 $0x1CD00;
	[sflag:s29] =	ssyncadd.s32 $0xFFFFC000  }
0xff: {  	[spmem:s2] =	stream.indirect.scatter.add.f32 [tilespmem:s25], [sflag:$0x3], $0x80, s17, s24, $0xb8;
	[tilespmem:$0x1E100] =	vst v63  }
0x100: {  	_ =	swait.ge [sflag:s22], $0x4000  }
0x101: {  	[sflag:s22] =	ssyncset.done $0x0  }
0x102: {  	s16 =	simm.s32 $0x1BA00;
	[sflag:s22] =	ssyncadd.s32 $0xFFFFC000  }
0x103: {  	[tilespmem:s25], [sflag:$0x1] =	stream.indirect.gather [hbm4b:s1+s24], $0x80, s16, s24, $0xb8;
	[tilespmem:$0x1E100] =	vst v63  }
0x104: {  	_ =	swait.ge [sflag:s30], $0x4000  }
0x105: {  	[sflag:s30] =	ssyncset.done $0x0  }
0x106: {  	s17 =	simm.s32 $0x1CD80;
	[sflag:s30] =	ssyncadd.s32 $0xFFFFC000  }
0x107: {  	[spmem:s2] =	stream.indirect.scatter.add.f32 [tilespmem:s28], [sflag:$0x3], $0x80, s17, s24, $0xb8;
	[tilespmem:$0x1E100] =	vst v63  }
0x108: {  	_ =	swait.ge [sflag:s22], $0x4000  }
0x109: {  	[sflag:s22] =	ssyncset.done $0x0  }
0x10a: {  	s15 =	simm.s32 $0x400;
	s16 =	simm.s32 $0x1BA80;
	[sflag:s22] =	ssyncadd.s32 $0xFFFFC000  }
.LBB2_5:
0x10b: {  	[tilespmem:s28], [sflag:$0x2] =	stream.indirect.gather [hbm4b:s1+s24], $0x80, s16, s24, $0xb8;
	[tilespmem:$0x1E100] =	vst v63  }
0x10c: {  	s16 =	smov.u32 s15  }
0x10d: {  	p2 =	sne.s32 s15, $0x4800;
	s15 =	sadd.s32 $0x400, s15;
	_ =	swait.ge [sflag:s29], $0x4000  }
0x10e: {  	s16 =	sshra.s32 s16, $0x2;
	[sflag:s29] =	ssyncset.done $0x0  }
0x10f: {  	s17 =	sadd.s32 $0x1CD00, s16;
	[sflag:s29] =	ssyncadd.s32 $0xFFFFC000  }
0x110: {  	[spmem:s2] =	stream.indirect.scatter.add.f32 [tilespmem:s25], [sflag:$0x3], $0x80, s17, s24, $0xb8;
	[tilespmem:$0x1E100] =	vst v63  }
0x111: {  	_ =	swait.ge [sflag:s22], $0x4000  }
0x112: {  	[sflag:s22] =	ssyncset.done $0x0  }
0x113: {  	s17 =	sadd.s32 $0x1BA00, s16;
	[sflag:s22] =	ssyncadd.s32 $0xFFFFC000  }
0x114: {  	[tilespmem:s25], [sflag:$0x1] =	stream.indirect.gather [hbm4b:s1+s24], $0x80, s17, s24, $0xb8;
	[tilespmem:$0x1E100] =	vst v63  }
0x115: {  	_ =	swait.ge [sflag:s30], $0x4000  }
0x116: {  	[sflag:s30] =	ssyncset.done $0x0  }
.Ltmp7:
0x117: {  	s17 =	sadd.s32 $0x1CD80, s16;
	[sflag:s30] =	ssyncadd.s32 $0xFFFFC000;
	(pc) =	sbr.rel @p2 .LBB2_5-.Ltmp7, $4  }
0x118: {  	[spmem:s2] =	stream.indirect.scatter.add.f32 [tilespmem:s28], [sflag:$0x3], $0x80, s17, s24, $0xb8;
	[tilespmem:$0x1E100] =	vst v63  }
0x119: {  	_ =	swait.ge [sflag:s22], $0x4000  }
0x11a: {  	[sflag:s22] =	ssyncset.done $0x0  }
0x11b: {  	s16 =	sadd.s32 $0x1BA80, s16;
	[sflag:s22] =	ssyncadd.s32 $0xFFFFC000  }
0x11c: {  	[tilespmem:s28], [sflag:$0x2] =	stream.indirect.gather [hbm4b:s1+s24], $0x80, s16, s24, $0xb8;
	[tilespmem:$0x1E100] =	vst v63  }
0x11d: {  	_ =	swait.ge [sflag:s29], $0x4000  }
0x11e: {  	[sflag:s29] =	ssyncset.done $0x0  }
0x11f: {  	[sflag:s29] =	ssyncadd.s32 $0xFFFFC000  }
0x120: {  	[spmem:s2] =	stream.indirect.scatter.add.f32 [tilespmem:s25], [sflag:$0x3], $0x80, s31, s24, $0xb8;
	[tilespmem:$0x1E100] =	vst v63  }
0x121: {  	_ =	swait.ge [sflag:s22], $0x4000  }
0x122: {  	[sflag:s22] =	ssyncset.done $0x0  }
0x123: {  	[sflag:s22] =	ssyncadd.s32 $0xFFFFC000  }
0x124: {  	_ =	swait.ge [sflag:s30], $0x4000  }
0x125: {  	[sflag:s30] =	ssyncset.done $0x0  }
0x126: {  	[sflag:s30] =	ssyncadd.s32 $0xFFFFC000  }
0x127: {  	[spmem:s2] =	stream.indirect.scatter.add.f32 [tilespmem:s28], [sflag:$0x3], $0x80, s0, s24, $0xb8;
	[tilespmem:$0x1E100] =	vst v63  }
0x128: {  	_ =	swait.ge [sflag:s22], $0x4000  }
0x129: {  	[sflag:s22] =	ssyncset.done $0x0  }
0x12a: {  	[sflag:s22] =	ssyncadd.s32 $0xFFFFC000  }
0x12b: {  	[bflag:$0x0] =	sbarrier.arrive $0xFFFF  }
0x12c: {  	s15 =	simm.s32 @p1 $0x1FC3;
	s16 =	rddreg [dreg:$0x7]  }
0x12d: {  	[hbm:s16], [sflag:s15] =	dma.local @p1 [spmem:s14], $0x2080  }
0x12e: {  	s14 =	simm.s32 @p1 $0x3  }
0x12f: {  	_ =	swait.ge @p1 [sflag:s14], $0x2080  }
0x130: {  	[sflag:s14] =	ssyncset.done @p1 $0x0  }
0x131: {  	[sflag:s14] =	ssyncadd.s32 @p1 $0xFFFFDF80;
	s14 =	rddreg [dreg:$0x6]  }
0x132: {  	[hbm:s14], [sflag:s9] =	dma.local @!p1 [spmem:s7], $0x2780  }
.Ltmp8:
0x133: {  	_ = 	snop;
	(pc) =	sbr.rel .LBB2_12-.Ltmp8, $4  }
0x134: {  	s7 =	simm.s32 @!p1 $0x3  }
0x135: {  	_ =	swait.ge @!p1 [sflag:s7], $0x2780  }
0x136: {  	[sflag:s7] =	ssyncset.done @!p1 $0x0  }
0x137: {  	[sflag:s7] =	ssyncadd.s32 @!p1 $0xFFFFD880  }
.LBB2_13:
0x138: {  	_ =	sfence.sel $0x180000  }
0x139: {  	[bflag:$0x0] =	sbarrier.arrive $0xFFFF  }
0x13a: {  	_ =	strace $0x9000004D  }
0x13b: {  	[bflag:$0x2] =	sbarrier.arrive $0xFFFF  }
0x13c: {  	p0 =	sne.s32 s3, $0x0;
	s0 =	rddreg [dreg:$0x3]  }
0x13d: {  	s0 =	sadd.s32 @!p0 $0x100000, s0  }
0x13e: {  	[sflag:s0] =	ssyncadd.tile.s32 @!p0 $0x1;
	_ =	shalt  }
.Lfunc_end2:
_tile_overlayer_lowered:
.L_overlay_start_2:
0x13f: {  	(tag) =	ssettag $0x2  }
0x140: {  	s0 =	rddreg [dreg:$0x0];
	s2 =	stileid.u32  }
0x141: {  	s1 =	rddreg [dreg:$0x1];
	p0 =	sne.s32 s2, $0x0  }
0x142: {  	s3 =	rddreg [dreg:$0x2];
	[bflag:$0x3] =	sbarrier.arrive $0xFFFF;
	s2 =	simm.s32 @!p0 $0x1C03  }
0x143: {  	[timem:s3], [sflag:s2] =	dma.local @!p0 [hbm:s0], s1  }
0x144: {  	s0 =	simm.s32 @!p0 $0x3  }
0x145: {  	_ =	swait.ge @!p0 [sflag:s0], s1  }
0x146: {  	s1 =	ssub.s32 @!p0 $0x0, s1;
	[sflag:s0] =	ssyncset.done @!p0 $0x0  }
0x147: {  	[sflag:s0] =	ssyncadd.s32 @!p0 s1  }
0x148: {  	[bflag:$0x3] =	sbarrier.arrive $0xFFFF  }
0x149: {  	_ =	shalt  }

// kernel: kernel.8.cloned.1.call-start
scs
__scs_entry_jumppad:
0x0: {  	(pc) =	sbr.rel $0x88, $3  }
0x1: {  	(tag) =	ssettag $0x0;
	lr =	simm.s32 $0x1  }
0x2: {  	[smem:$0x3F9B] =	sst lr;
	_ =	strace $0xD0000000  }
0x3: {  	_ = 	snop  }
0x4: {  	_ = 	snop  }
0x5: {  	_ = 	snop  }
0x6: {  	_ = 	snop  }
0x7: {  	_ = 	snop  }
__scs_overlays_trampoline_lowered:
0x8: {  	[smem:$0x3FAA] =	sst s0  }
0x9: {  	[smem:$0x3FAB] =	sst s1  }
0xa: {  	[smem:$0x3FAC] =	sst s2  }
0xb: {  	[smem:$0x3FAD] =	sst s3  }
0xc: {  	[smem:$0x3FAE] =	sst s4  }
0xd: {  	[smem:$0x3FAF] =	sst s5  }
0xe: {  	[smem:$0x3FB0] =	sst s6  }
0xf: {  	[smem:$0x3FB1] =	sst s7  }
0x10: {  	[smem:$0x3FB2] =	sst s8  }
0x11: {  	[smem:$0x3FB3] =	sst s9;
	s0 =	simm.s32 @!p0 $0x0  }
0x12: {  	s1 =	sld [smem:$0x3F99];
	s0 =	simm.s32 @p0 $0x1  }
0x13: {  	[smem:$0x3FB4] =	sst s0;
	s0 =	simm.s32 @!p1 $0x0  }
0x14: {  	s2 =	sld [smem:$0x3F98];
	s0 =	simm.s32 @p1 $0x1  }
0x15: {  	[smem:$0x3FB5] =	sst s0;
	s0 =	simm.s32 @!p2 $0x0  }
0x16: {  	s3 =	sld [smem:$0x3FDB];
	s0 =	simm.s32 @p2 $0x1  }
0x17: {  	s4 =	simm.s32 $0x1BF5;
	[smem:$0x3FB7] =	sst s0  }
0x18: {  	s0 =	sld [smem:$0x3F9A];
	_ =	swait.ge [sflag:s4], $0x0  }
0x19: {  	s7 =	sld [smem:$0x3F9B]  }
0x1a: {  	s8 =	sadd.s32 $0xFFFFE003, lr  }
0x1b: {  	s9 =	sadd.s32 $0xFFFFFEF7, lr;
	s5 =	simm.s32 $0xFFFFFFFF;
	p2 =	slt.u32 s8, $0xFFFFF086  }
0x1c: {  	p1 =	slt.u32 s9, $0xF7A;
	s5 =	simm.s32 @!p2 $0x0  }
0x1d: {  	s5 =	simm.s32 @p1 $0x1;
	p0 =	seq.s32 s7, s2  }
0x1e: {  	s7 =	smul.u32 @!p0 $0xF7A, s2;
	p2 =	seq.s32 @!p0 s5, $0x0  }
0x1f: {  	s9 =	smul.u32 $0xF7A, s1;
	s8 =	simm.s32 @!p0 $0x1BF5;
	p2 =	por !p2, p0  }
0x20: {  	[sflag:s8] =	ssyncset.s32 @!p0 $0xFFFFF086;
	s6 =	sadd.s32 @!p0 s3, s7;
	s7 =	simm.s32 @!p0 $0x108  }
0x21: {  	s3 =	sadd.s32 s3, s9;
	s6 =	sadd.s32 @!p0 $0x88, s6;
	s7 =	simm.s32 @p2 $0x1082  }
0x22: {  	[simem:s7], [sflag:s8] =	dma.local @!p0 [hbm:s6], $0xF7A  }
0x23: {  	s9 =	sor.u32 $0xD0000000, s2;
	s6 =	simm.s32 $0x108;
	_ =	swait.ge @!p0 [sflag:s8], $0x0  }
0x24: {  	s3 =	sadd.s32 $0x88, s3;
	s6 =	simm.s32 @!p1 $0x1082;
	[sflag:s4] =	ssyncset.s32 $0xFFFFF086  }
0x25: {  	[simem:s6], [sflag:s4] =	dma.local [hbm:s3], $0xF7A  }
0x26: {  	[smem:$0x3F9B] =	sst s1;
	(tag) =	ssettag s2;
	_ =	strace s9  }
0x27: {  	s1 =	sld [smem:$0x3FAB]  }
0x28: {  	s2 =	sld [smem:$0x3FAC]  }
0x29: {  	s4 =	sld [smem:$0x3FAE]  }
0x2a: {  	p0 =	seq.s32 s5, $0x0;
	s5 =	sld [smem:$0x3FAF]  }
0x2b: {  	s6 =	sld [smem:$0x3FB0]  }
0x2c: {  	s7 =	sld [smem:$0x3FB1]  }
0x2d: {  	s3 =	simm.s32 $0x108;
	s8 =	sld [smem:$0x3FB2]  }
0x2e: {  	s3 =	simm.s32 @!p0 $0x1082;
	s9 =	sld [smem:$0x3FB3]  }
0x2f: {  	lr =	sadd.s32 s0, s3;
	s0 =	sld [smem:$0x3FAA]  }
0x30: {  	s3 =	sld [smem:$0x3FAD]  }
0x31: {  	[smem:$0x3FB6] =	sst s10  }
0x32: {  	s10 =	sld [smem:$0x3FB4];
	_ =	sdelay $0x3  }
0x33: {  	p0 =	seq.s32 s10, $0x1;
	s10 =	sld [smem:$0x3FB6];
	_ =	sdelay $0x3  }
0x34: {  	[smem:$0x3FB6] =	sst s10  }
0x35: {  	s10 =	sld [smem:$0x3FB5];
	_ =	sdelay $0x3  }
0x36: {  	p1 =	seq.s32 s10, $0x1;
	s10 =	sld [smem:$0x3FB6];
	_ =	sdelay $0x3  }
0x37: {  	[smem:$0x3FB6] =	sst s10  }
0x38: {  	s10 =	sld [smem:$0x3FB7]  }
0x39: {  	_ = 	snop;
	(pc) =	sbr.ind lr, $3  }
0x3a: {  	_ = 	snop  }
0x3b: {  	_ = 	snop  }
0x3c: {  	p2 =	seq.s32 s10, $0x1;
	s10 =	sld [smem:$0x3FB6]  }
0x3d: {  	_ =	shalt  }
0x3e: {  	_ =	shalt  }
0x3f: {  	_ =	shalt  }
0x40: {  	_ =	shalt  }
0x41: {  	_ =	shalt  }
0x42: {  	_ =	shalt  }
0x43: {  	_ =	shalt  }
0x44: {  	_ =	shalt  }
0x45: {  	_ =	shalt  }
0x46: {  	_ =	shalt  }
0x47: {  	_ =	shalt  }
0x48: {  	_ =	shalt  }
0x49: {  	_ =	shalt  }
0x4a: {  	_ =	shalt  }
0x4b: {  	_ =	shalt  }
0x4c: {  	_ =	shalt  }
0x4d: {  	_ =	shalt  }
0x4e: {  	_ =	shalt  }
0x4f: {  	_ =	shalt  }
0x50: {  	_ =	shalt  }
0x51: {  	_ =	shalt  }
0x52: {  	_ =	shalt  }
0x53: {  	_ =	shalt  }
0x54: {  	_ =	shalt  }
0x55: {  	_ =	shalt  }
0x56: {  	_ =	shalt  }
0x57: {  	_ =	shalt  }
0x58: {  	_ =	shalt  }
0x59: {  	_ =	shalt  }
0x5a: {  	_ =	shalt  }
0x5b: {  	_ =	shalt  }
0x5c: {  	_ =	shalt  }
0x5d: {  	_ =	shalt  }
0x5e: {  	_ =	shalt  }
0x5f: {  	_ =	shalt  }
0x60: {  	_ =	shalt  }
0x61: {  	_ =	shalt  }
0x62: {  	_ =	shalt  }
0x63: {  	_ =	shalt  }
0x64: {  	_ =	shalt  }
0x65: {  	_ =	shalt  }
0x66: {  	_ =	shalt  }
0x67: {  	_ =	shalt  }
0x68: {  	_ =	shalt  }
0x69: {  	_ =	shalt  }
0x6a: {  	_ =	shalt  }
0x6b: {  	_ =	shalt  }
0x6c: {  	_ =	shalt  }
0x6d: {  	_ =	shalt  }
0x6e: {  	_ =	shalt  }
0x6f: {  	_ =	shalt  }
0x70: {  	_ =	shalt  }
0x71: {  	_ =	shalt  }
0x72: {  	_ =	shalt  }
0x73: {  	_ =	shalt  }
0x74: {  	_ =	shalt  }
0x75: {  	_ =	shalt  }
0x76: {  	_ =	shalt  }
0x77: {  	_ =	shalt  }
0x78: {  	_ =	shalt  }
0x79: {  	_ =	shalt  }
0x7a: {  	_ =	shalt  }
0x7b: {  	_ =	shalt  }
0x7c: {  	_ =	shalt  }
0x7d: {  	_ =	shalt  }
0x7e: {  	_ =	shalt  }
0x7f: {  	_ =	shalt  }
0x80: {  	_ =	shalt  }
0x81: {  	_ =	shalt  }
0x82: {  	_ =	shalt  }
0x83: {  	_ =	shalt  }
0x84: {  	_ =	shalt  }
0x85: {  	_ =	shalt  }
0x86: {  	_ =	shalt  }
0x87: {  	_ =	shalt  }
.Lfunc_end0:
.L_simem_size_0:
called_computation_lowered:
.L_overlay_start_0:
0x88: {  	s2 =	sld [smem:$0x3FD9]  }
0x89: {  	s3 =	sld [smem:$0x3FFE];
	_ =	sdelay $0x1  }
0x8a: {  	s1 =	srdreg.scid  }
0x8b: {  	s0 =	sand.u32 $0x1, s1  }
0x8c: {  	s17 =	sshll.u32 s0, $0xA;
	s2 =	sadd.s32 s3, s2  }
0x8d: {  	s2 =	sadd.s32 s2, s17  }
0x8e: {  	[smem:$0x3FC2] =	sst s2  }
0x8f: {  	_ = 	snop  }
0x90: {  	s2 =	sld [smem:$0x3FD0];
	(tm) =	ssettm $0x1  }
0x91: {  	s18 =	sld [smem:$0x3FFB];
	_ =	sdelay $0x3  }
0x92: {  	_ =	strace s18  }
0x93: {  	s3 =	sld [smem:$0x3FFC];
	_ =	sdelay $0x3  }
0x94: {  	_ =	strace s3  }
0x95: {  	s3 =	sld [smem:$0x3FFD];
	_ =	sdelay $0x3  }
0x96: {  	_ =	strace s3  }
0x97: {  	_ =	strace $0x8FFFFFFF  }
0x98: {  	s19 =	sld [smem:$0x3FDB];
	_ =	sdelay $0x1  }
0x99: {  	s4 =	simm.s32 $_scs_section_size  }
0x9a: {  	s5 =	simm.s32 $_size__tile_overlayer_lowered;
	s6 =	simm.s32 $_tile_overlayer_lowered  }
0x9b: {  	s22 =	simm.s32 $0x1BFF;
	s21 =	sshll.u32 s6, $0x1;
	s3 =	sadd.s32 s4, s19  }
0x9c: {  	s7 =	simm.s32 $0x0;
	s20 =	sshll.u32 s5, $0x1;
	s5 =	sadd.s32 s21, s3  }
0x9d: {  	[timem:s7], [sflag:s22] =	dma.local [hbm:s5], s20  }
0x9e: {  	_ =	swait.ge [sflag:s22], s20  }
0x9f: {  	s4 =	ssub.s32 $0x0, s20;
	[sflag:s22] =	ssyncset.done $0x0  }
0xa0: {  	[sflag:s22] =	ssyncadd.s32 s4;
	_ =	sdelay $0x1  }
0xa1: {  	s23 =	simm.s32 $0x1B8B  }
0xa2: {  	_ =	swait.ge [sflag:s23], $0x1  }
0xa3: {  	[sflag:s23] =	ssyncset.done $0x0  }
0xa4: {  	s25 =	simm.s32 $0x1B8E;
	s24 =	sld [smem:$0x3FFE];
	[sflag:s23] =	ssyncadd.s32 $0xFFFFFFFF  }
0xa5: {  	s26 =	simm.s32 $execute0_lowered;
	[smem:$0x3FD2] =	sst s25  }
0xa6: {  	s5 =	sshll.u32 s26, $0x1;
	_ =	strace $0x80000046;
	[dreg:$0x1] =	wrdreg $0xFFFFFFFF  }
0xa7: {  	s28 =	simm.s32 $_size_execute0_lowered;
	s3 =	sadd.s32 s3, s5;
	[dreg:$0x0] =	wrdreg $0x0  }
0xa8: {  	s5 =	sshll.u32 s28, $0x1;
	[dreg:$0x2] =	wrdreg s3  }
0xa9: {  	[dreg:$0x3] =	wrdreg s5  }
0xaa: {  	[dreg:$0x4] =	wrdreg $0xC0  }
0xab: {  	_ =	task [dreg:s7], $0x5FFFF  }
0xac: {  	[dreg:$0x1] =	wrdreg $0xFFFFFFFF  }
0xad: {  	[dreg:$0x0] =	wrdreg $0x60  }
0xae: {  	[dreg:$0x2] =	wrdreg s24  }
0xaf: {  	[dreg:$0x3] =	wrdreg s2  }
0xb0: {  	[dreg:$0x4] =	wrdreg $0x0  }
0xb1: {  	[dreg:$0x5] =	wrdreg $0x9  }
0xb2: {  	_ =	task.clear_ibuf [dreg:s7], $0x6FFFF;
	_ =	strace $0x90000046  }
0xb3: {  	s29 =	simm.s32 $0x9;
	_ =	strace $0x80000048  }
0xb4: {  	_ =	swait.ge [sflag:s29], $0x1  }
0xb5: {  	[sflag:s29] =	ssyncadd.s32 $0xFFFFFFFF  }
0xb6: {  	_ =	strace $0x90000048  }
0xb7: {  	_ =	sfence  }
0xb8: {  	s30 =	sld [smem:$0x0];
	_ =	sdelay $0x2  }
0xb9: {  	s31 =	sshll.u32 s1, $0xD;
	s1 =	sshrl.u32 s1, $0x2  }
0xba: {  	s3 =	sand.u32 $0x4000, s31;
	s1 =	sadd.s32 s1, s30  }
0xbb: {  	s0 =	sor.u32 s3, s0;
	s1 =	sshll.u32 s1, $0x11  }
0xbc: {  	s0 =	sor.u32 s1, s0  }
0xbd: {  	s0 =	sadd.s32 $0x8F2B, s0  }
0xbe: {  	[sflag:s0] =	ssyncadd.remote.s32 $0x1  }
0xbf: {  	_ =	sfence.sel $0xFFFF  }
0xc0: {  	[dreg:$0x0] =	wrdreg $0xFFFFFFFF;
	(pc) =	sbr.abs _section_cstart, $3  }
0xc1: {  	[dreg:$0x1] =	wrdreg $0xFFFFFFFF  }
0xc2: {  	_ =	task.clear_ibuf [dreg:s7], $0x2FFFF;
	_ =	strace $0x9FFFFFFF  }
0xc3: {  	(tm) =	ssettm $0x7FFFFFFF  }
tec
execute0_lowered:
.L_overlay_start_1:
0x0: {  	(tag) =	ssettag $0x1  }
0x1: {  	s0 =	rddreg [dreg:$0x0]  }
0x2: {  	s6 =	rddreg [dreg:$0x1]  }
0x3: {  	s1 =	srdreg.scid;
	s2 =	rddreg [dreg:$0x2]  }
0x4: {  	s14 =	stileid.u32;
	s3 =	simm.s32 $0x0;
	s15 =	simm.s32 $0x2  }
0x5: {  	s16 =	simm.s32 $0x17900;
	s17 =	simm.s32 $0x80;
	s31 =	simm.s32 $0x18700  }
0x6: {  	s18 =	simm.s32 $0x18880;
	s19 =	simm.s32 $0x18900;
	s20 =	simm.s32 $0x18980  }
0x7: {  	s21 =	simm.s32 $0x18A00;
	s22 =	simm.s32 $0x18A80;
	s23 =	simm.s32 $0x18B00  }
0x8: {  	s24 =	simm.s32 $0x18B80;
	s25 =	simm.s32 $0x18C00;
	s26 =	simm.s32 $0x18C80  }
0x9: {  	s28 =	simm.s32 $0x1;
	s29 =	simm.s32 $0x0;
	s5 =	smul.u32 $0x4F000, s14  }
0xa: {  	s1 =	sand.u32 $0x1, s1;
	[smem:$0x7FF] =	sst s3;
	s8 =	smul.u32 $0x2780, s14  }
0xb: {  	s11 =	smul.u32 $0x13C00, s14;
	s12 =	sadd.s32 $0x128400, s2;
	p0 =	seq.s32 s14, $0xF  }
0xc: {  	s4 =	sshll.u32 s1, $0x4;
	_ =	strace $0x80000047;
	s9 =	ssub.s32 $0x2, s1  }
0xd: {  	s1 =	smul.u32 $0x139000, s1;
	s4 =	sor.u32 s14, s4;
	s10 =	sshrl.u32 s9, $0x1  }
0xe: {  	s5 =	sshrl.u32 s5, $0x2;
	s4 =	smul.u32 $0x280, s4;
	s10 =	ssub.s32 s9, s10  }
0xf: {  	s13 =	sadd.s32 s5, s2;
	s5 =	sadd.s32 s6, s8;
	s6 =	sadd.s32 $0x25080, s6  }
0x10: {  	s30 =	sadd.s32 s11, s1;
	s1 =	sshrl.u32 s1, $0x3;
	s11 =	sshrl.u32 @p0 s12, $0x3  }
0x11: {  	s8 =	sshrl.u32 s30, $0x3;
	s10 =	smax.u32 s10, $0x1;
	s13 =	sshrl.u32 @!p0 s13, $0x3  }
0x12: {  	s7 =	sadd.s32 s4, s0;
	s4 =	sadd.s32 $0xE200, s0;
	s0 =	sadd.s32 $0xEA00, s0  }
0x13: {  	s7 =	sadd.s32 $0x4200, s7;
	s8 =	sadd.s32 s0, s8;
	s0 =	sadd.s32 s0, s1  }
0x14: {  	s1 =	simm.s32 $0x18800;
	s9 =	sadd.s32 $0x25080, s0;
	s0 =	sshll.u32 @!p0 s14, $0x6  }
0x15: {  	s14 =	simm.s32 $0x13900;
	s12 =	sor.u32 @!p0 $0x1C02, s0;
	s0 =	simm.s32 $0x18780  }
.LBB2_1:
0x16: {  	s30 =	simm.s32 @p0 $0x1FC2  }
0x17: {  	[spmem:s11], [sflag:s30] =	dma.local @p0 [hbm:s6], $0x2180  }
0x18: {  	s30 =	simm.s32 @p0 $0x2  }
0x19: {  	_ =	swait.ge @p0 [sflag:s30], $0x2180  }
0x1a: {  	[sflag:s30] =	ssyncset.done @p0 $0x0  }
0x1b: {  	[sflag:s30] =	ssyncadd.s32 @p0 $0xFFFFDE80;
	s30 =	simm.s32 @!p0 $0x2  }
0x1c: {  	[spmem:s13], [sflag:s12] =	dma.local @!p0 [hbm:s5], $0x2780  }
0x1d: {  	_ =	swait.ge @!p0 [sflag:s30], $0x2780  }
0x1e: {  	[sflag:s30] =	ssyncset.done @!p0 $0x0  }
0x1f: {  	[sflag:s30] =	ssyncadd.s32 @!p0 $0xFFFFD880  }
0x20: {  	[tilespmem:s14], [sflag:$0x2] =	stream.linear.gather [hbm4b:s4+s3], $0x4000, $0x38;
	[tilespmem:$0x18D00] =	vst v63  }
0x21: {  	_ =	swait.ge [sflag:s15], $0x4000  }
0x22: {  	[sflag:s15] =	ssyncset.done $0x0  }
0x23: {  	[sflag:s15] =	ssyncadd.s32 $0xFFFFC000  }
0x24: {  	[tilespmem:s16], [sflag:$0x2] =	stream.linear.gather [hbm4b:s7+s3], $0x1400, $0x38;
	[tilespmem:$0x18D00] =	vst v63  }
0x25: {  	_ =	swait.ge [sflag:s15], $0x1400  }
0x26: {  	[sflag:s15] =	ssyncset.done $0x0  }
0x27: {  	[sflag:s15] =	ssyncadd.s32 $0xFFFFEC00  }
0x28: {  	[bflag:$0x0] =	sbarrier.arrive $0xFFFF  }
0x29: {  	[spmem:s2] =	stream.indirect.scatter.add.f32 [tilespmem:s14], [sflag:$0x1], $0x80, s16, s17, $0xb8;
	[tilespmem:$0x18D00] =	vst v63  }
0x2a: {  	s30 =	simm.s32 $0x17980  }
0x2b: {  	[spmem:s2] =	stream.indirect.scatter.add.f32 [tilespmem:s14], [sflag:$0x1], $0x80, s30, s17, $0xb8;
	[tilespmem:$0x18D00] =	vst v63  }
0x2c: {  	s30 =	simm.s32 $0x17A00  }
0x2d: {  	[spmem:s2] =	stream.indirect.scatter.add.f32 [tilespmem:s14], [sflag:$0x1], $0x80, s30, s17, $0xb8;
	[tilespmem:$0x18D00] =	vst v63  }
0x2e: {  	s30 =	simm.s32 $0x17A80  }
0x2f: {  	[spmem:s2] =	stream.indirect.scatter.add.f32 [tilespmem:s14], [sflag:$0x1], $0x80, s30, s17, $0xb8;
	[tilespmem:$0x18D00] =	vst v63  }
0x30: {  	s30 =	simm.s32 $0x17B00  }
0x31: {  	[spmem:s2] =	stream.indirect.scatter.add.f32 [tilespmem:s14], [sflag:$0x1], $0x80, s30, s17, $0xb8;
	[tilespmem:$0x18D00] =	vst v63  }
0x32: {  	s30 =	simm.s32 $0x17B80  }
0x33: {  	[spmem:s2] =	stream.indirect.scatter.add.f32 [tilespmem:s14], [sflag:$0x1], $0x80, s30, s17, $0xb8;
	[tilespmem:$0x18D00] =	vst v63  }
0x34: {  	s30 =	simm.s32 $0x17C00  }
0x35: {  	[spmem:s2] =	stream.indirect.scatter.add.f32 [tilespmem:s14], [sflag:$0x1], $0x80, s30, s17, $0xb8;
	[tilespmem:$0x18D00] =	vst v63  }
0x36: {  	s30 =	simm.s32 $0x17C80  }
0x37: {  	[spmem:s2] =	stream.indirect.scatter.add.f32 [tilespmem:s14], [sflag:$0x1], $0x80, s30, s17, $0xb8;
	[tilespmem:$0x18D00] =	vst v63  }
0x38: {  	s30 =	simm.s32 $0x17D00  }
0x39: {  	[spmem:s2] =	stream.indirect.scatter.add.f32 [tilespmem:s14], [sflag:$0x1], $0x80, s30, s17, $0xb8;
	[tilespmem:$0x18D00] =	vst v63  }
0x3a: {  	s30 =	simm.s32 $0x17D80  }
0x3b: {  	[spmem:s2] =	stream.indirect.scatter.add.f32 [tilespmem:s14], [sflag:$0x1], $0x80, s30, s17, $0xb8;
	[tilespmem:$0x18D00] =	vst v63  }
0x3c: {  	s30 =	simm.s32 $0x17E00  }
0x3d: {  	[spmem:s2] =	stream.indirect.scatter.add.f32 [tilespmem:s14], [sflag:$0x1], $0x80, s30, s17, $0xb8;
	[tilespmem:$0x18D00] =	vst v63  }
0x3e: {  	s30 =	simm.s32 $0x17E80  }
0x3f: {  	[spmem:s2] =	stream.indirect.scatter.add.f32 [tilespmem:s14], [sflag:$0x1], $0x80, s30, s17, $0xb8;
	[tilespmem:$0x18D00] =	vst v63  }
0x40: {  	s30 =	simm.s32 $0x17F00  }
0x41: {  	[spmem:s2] =	stream.indirect.scatter.add.f32 [tilespmem:s14], [sflag:$0x1], $0x80, s30, s17, $0xb8;
	[tilespmem:$0x18D00] =	vst v63  }
0x42: {  	s30 =	simm.s32 $0x17F80  }
0x43: {  	[spmem:s2] =	stream.indirect.scatter.add.f32 [tilespmem:s14], [sflag:$0x1], $0x80, s30, s17, $0xb8;
	[tilespmem:$0x18D00] =	vst v63  }
0x44: {  	s30 =	simm.s32 $0x18000  }
0x45: {  	[spmem:s2] =	stream.indirect.scatter.add.f32 [tilespmem:s14], [sflag:$0x1], $0x80, s30, s17, $0xb8;
	[tilespmem:$0x18D00] =	vst v63  }
0x46: {  	s30 =	simm.s32 $0x18080  }
0x47: {  	[spmem:s2] =	stream.indirect.scatter.add.f32 [tilespmem:s14], [sflag:$0x1], $0x80, s30, s17, $0xb8;
	[tilespmem:$0x18D00] =	vst v63  }
0x48: {  	s30 =	simm.s32 $0x18100  }
0x49: {  	[spmem:s2] =	stream.indirect.scatter.add.f32 [tilespmem:s14], [sflag:$0x1], $0x80, s30, s17, $0xb8;
	[tilespmem:$0x18D00] =	vst v63  }
0x4a: {  	s30 =	simm.s32 $0x18180  }
0x4b: {  	[spmem:s2] =	stream.indirect.scatter.add.f32 [tilespmem:s14], [sflag:$0x1], $0x80, s30, s17, $0xb8;
	[tilespmem:$0x18D00] =	vst v63  }
0x4c: {  	s30 =	simm.s32 $0x18200  }
0x4d: {  	[spmem:s2] =	stream.indirect.scatter.add.f32 [tilespmem:s14], [sflag:$0x1], $0x80, s30, s17, $0xb8;
	[tilespmem:$0x18D00] =	vst v63  }
0x4e: {  	s30 =	simm.s32 $0x18280  }
0x4f: {  	[spmem:s2] =	stream.indirect.scatter.add.f32 [tilespmem:s14], [sflag:$0x1], $0x80, s30, s17, $0xb8;
	[tilespmem:$0x18D00] =	vst v63  }
0x50: {  	s30 =	simm.s32 $0x18300  }
0x51: {  	[spmem:s2] =	stream.indirect.scatter.add.f32 [tilespmem:s14], [sflag:$0x1], $0x80, s30, s17, $0xb8;
	[tilespmem:$0x18D00] =	vst v63  }
0x52: {  	s30 =	simm.s32 $0x18380  }
0x53: {  	[spmem:s2] =	stream.indirect.scatter.add.f32 [tilespmem:s14], [sflag:$0x1], $0x80, s30, s17, $0xb8;
	[tilespmem:$0x18D00] =	vst v63  }
0x54: {  	s30 =	simm.s32 $0x18400  }
0x55: {  	[spmem:s2] =	stream.indirect.scatter.add.f32 [tilespmem:s14], [sflag:$0x1], $0x80, s30, s17, $0xb8;
	[tilespmem:$0x18D00] =	vst v63  }
0x56: {  	s30 =	simm.s32 $0x18480  }
0x57: {  	[spmem:s2] =	stream.indirect.scatter.add.f32 [tilespmem:s14], [sflag:$0x1], $0x80, s30, s17, $0xb8;
	[tilespmem:$0x18D00] =	vst v63  }
0x58: {  	s30 =	simm.s32 $0x18500  }
0x59: {  	[spmem:s2] =	stream.indirect.scatter.add.f32 [tilespmem:s14], [sflag:$0x1], $0x80, s30, s17, $0xb8;
	[tilespmem:$0x18D00] =	vst v63  }
0x5a: {  	s30 =	simm.s32 $0x18580  }
0x5b: {  	[spmem:s2] =	stream.indirect.scatter.add.f32 [tilespmem:s14], [sflag:$0x1], $0x80, s30, s17, $0xb8;
	[tilespmem:$0x18D00] =	vst v63  }
0x5c: {  	s30 =	simm.s32 $0x18600  }
0x5d: {  	[spmem:s2] =	stream.indirect.scatter.add.f32 [tilespmem:s14], [sflag:$0x1], $0x80, s30, s17, $0xb8;
	[tilespmem:$0x18D00] =	vst v63  }
0x5e: {  	s30 =	simm.s32 $0x18680  }
0x5f: {  	[spmem:s2] =	stream.indirect.scatter.add.f32 [tilespmem:s14], [sflag:$0x1], $0x80, s30, s17, $0xb8;
	[tilespmem:$0x18D00] =	vst v63  }
0x60: {  	_ = 	snop  }
0x61: {  	[spmem:s2] =	stream.indirect.scatter.add.f32 [tilespmem:s14], [sflag:$0x1], $0x80, s31, s17, $0xb8;
	[tilespmem:$0x18D00] =	vst v63  }
0x62: {  	_ = 	snop  }
0x63: {  	[spmem:s2] =	stream.indirect.scatter.add.f32 [tilespmem:s14], [sflag:$0x1], $0x80, s0, s17, $0xb8;
	[tilespmem:$0x18D00] =	vst v63  }
0x64: {  	_ = 	snop  }
0x65: {  	[spmem:s2] =	stream.indirect.scatter.add.f32 [tilespmem:s14], [sflag:$0x1], $0x80, s1, s17, $0xb8;
	[tilespmem:$0x18D00] =	vst v63  }
0x66: {  	_ = 	snop  }
0x67: {  	[spmem:s2] =	stream.indirect.scatter.add.f32 [tilespmem:s14], [sflag:$0x1], $0x80, s18, s17, $0xb8;
	[tilespmem:$0x18D00] =	vst v63  }
0x68: {  	_ = 	snop  }
0x69: {  	[spmem:s2] =	stream.indirect.scatter.add.f32 [tilespmem:s14], [sflag:$0x1], $0x80, s19, s17, $0xb8;
	[tilespmem:$0x18D00] =	vst v63  }
0x6a: {  	_ = 	snop  }
0x6b: {  	[spmem:s2] =	stream.indirect.scatter.add.f32 [tilespmem:s14], [sflag:$0x1], $0x80, s20, s17, $0xb8;
	[tilespmem:$0x18D00] =	vst v63  }
0x6c: {  	_ = 	snop  }
0x6d: {  	[spmem:s2] =	stream.indirect.scatter.add.f32 [tilespmem:s14], [sflag:$0x1], $0x80, s21, s17, $0xb8;
	[tilespmem:$0x18D00] =	vst v63  }
0x6e: {  	_ = 	snop  }
0x6f: {  	[spmem:s2] =	stream.indirect.scatter.add.f32 [tilespmem:s14], [sflag:$0x1], $0x80, s22, s17, $0xb8;
	[tilespmem:$0x18D00] =	vst v63  }
0x70: {  	_ = 	snop  }
0x71: {  	[spmem:s2] =	stream.indirect.scatter.add.f32 [tilespmem:s14], [sflag:$0x1], $0x80, s23, s17, $0xb8;
	[tilespmem:$0x18D00] =	vst v63  }
0x72: {  	_ = 	snop  }
0x73: {  	[spmem:s2] =	stream.indirect.scatter.add.f32 [tilespmem:s14], [sflag:$0x1], $0x80, s24, s17, $0xb8;
	[tilespmem:$0x18D00] =	vst v63  }
0x74: {  	_ = 	snop  }
0x75: {  	[spmem:s2] =	stream.indirect.scatter.add.f32 [tilespmem:s14], [sflag:$0x1], $0x80, s25, s17, $0xb8;
	[tilespmem:$0x18D00] =	vst v63  }
0x76: {  	_ = 	snop  }
0x77: {  	[spmem:s2] =	stream.indirect.scatter.add.f32 [tilespmem:s14], [sflag:$0x1], $0x80, s26, s17, $0xb8;
	[tilespmem:$0x18D00] =	vst v63  }
0x78: {  	_ =	swait.ge [sflag:s28], $0x4000  }
0x79: {  	s30 =	simm.s32 $0x27;
	[sflag:s28] =	ssyncset.done $0x0  }
.LBB2_2:
0x7a: {  	p1 =	sne.s32 s30, $0x1;
	s30 =	sadd.s32 $0xFFFFFFFF, s30;
	[sflag:s28] =	ssyncadd.s32 $0xFFFFC000  }
.Ltmp0:
0x7b: {  	(pc) =	sbr.rel @p1 .LBB2_2-.Ltmp0, $3  }
0x7c: {  	_ =	sdelay $0x1  }
0x7d: {  	_ =	swait.ge [sflag:s28], $0x4000  }
0x7e: {  	[sflag:s28] =	ssyncset.done $0x0  }
0x7f: {  	[sflag:s28] =	ssyncadd.s32 $0xFFFFC000  }
0x80: {  	s30 =	simm.s32 @p0 $0x1FC2;
	[bflag:$0x0] =	sbarrier.arrive $0xFFFF  }
0x81: {  	[hbm:s9], [sflag:s30] =	dma.local @p0 [spmem:s11], $0x2080  }
0x82: {  	s30 =	simm.s32 @p0 $0x2  }
0x83: {  	s29 =	sadd.s32 $0x1, s29;
	_ =	swait.ge @p0 [sflag:s30], $0x2080  }
0x84: {  	p1 =	sne.s32 s29, s10;
	[sflag:s30] =	ssyncset.done @p0 $0x0  }
.Ltmp1:
0x85: {  	[sflag:s30] =	ssyncadd.s32 @p0 $0xFFFFDF80;
	s30 =	simm.s32 @!p0 $0x2;
	(pc) =	sbr.rel @p1 .LBB2_1-.Ltmp1, $4  }
0x86: {  	[hbm:s8], [sflag:s12] =	dma.local @!p0 [spmem:s13], $0x2780  }
0x87: {  	_ =	swait.ge @!p0 [sflag:s30], $0x2780  }
0x88: {  	[sflag:s30] =	ssyncset.done @!p0 $0x0  }
0x89: {  	[sflag:s30] =	ssyncadd.s32 @!p0 $0xFFFFD880  }
0x8a: {  	_ =	sfence.sel $0x180000  }
0x8b: {  	[bflag:$0x0] =	sbarrier.arrive $0xFFFF  }
0x8c: {  	_ =	strace $0x90000047  }
0x8d: {  	s0 =	stileid.u32;
	[bflag:$0x2] =	sbarrier.arrive $0xFFFF  }
0x8e: {  	p0 =	sne.s32 s0, $0x0;
	s0 =	rddreg [dreg:$0x3]  }
0x8f: {  	s0 =	sadd.s32 @!p0 $0x100000, s0  }
0x90: {  	[sflag:s0] =	ssyncadd.tile.s32 @!p0 $0x1;
	_ =	shalt  }
.Lfunc_end2:
_tile_overlayer_lowered:
.L_overlay_start_2:
0x91: {  	(tag) =	ssettag $0x2  }
0x92: {  	s0 =	rddreg [dreg:$0x0];
	s2 =	stileid.u32  }
0x93: {  	s1 =	rddreg [dreg:$0x1];
	p0 =	sne.s32 s2, $0x0  }
0x94: {  	s3 =	rddreg [dreg:$0x2];
	[bflag:$0x3] =	sbarrier.arrive $0xFFFF;
	s2 =	simm.s32 @!p0 $0x1C02  }
0x95: {  	[timem:s3], [sflag:s2] =	dma.local @!p0 [hbm:s0], s1  }
0x96: {  	s0 =	simm.s32 @!p0 $0x2  }
0x97: {  	_ =	swait.ge @!p0 [sflag:s0], s1  }
0x98: {  	s1 =	ssub.s32 @!p0 $0x0, s1;
	[sflag:s0] =	ssyncset.done @!p0 $0x0  }
0x99: {  	[sflag:s0] =	ssyncadd.s32 @!p0 s1  }
0x9a: {  	[bflag:$0x3] =	sbarrier.arrive $0xFFFF  }
0x9b: {  	_ =	shalt  }

</sc_bundles>
